<compile_context>
chip_gen: v7x
topology: tpu7x:2x2x1
jax: 0.10.2.dev20260603
libtpu: 0.0.44.dev20260713+nightly
codegen_flags: <defaults>
</compile_context>

<pallas_src>
import functools

import jax
import jax.numpy as jnp
import numpy as np
from jax import lax
from jax.experimental import pallas as pl
from jax.experimental.pallas import tpu as pltpu
from jax.experimental.pallas import tpu_sc as plsc

Fin = 128
Fqk = 128
H = 16
Fh = Fqk // H
N = 10000
E = 320000

NW = 32
NP = 10240
BN = NP // NW
SUB = 2
HB = BN // SUB
NSB = NP // HB
RW = 224
S_MAX = -(-NP // RW)
SP = 64
CH = 2048
EPAD = E + 2 * CH + 32
NG = EPAD // CH + 1
NGP = ((NG + 16 + 7) // 8) * 8
PR = 10752


def _proj_body(x_ref, w_ref, o_ref):
    o_ref[...] = lax.dot_general(
        x_ref[...], w_ref[...],
        dimension_numbers=(((1,), (1,)), ((), ())),
        preferred_element_type=jnp.float32,
    )


def _sc_body(proj_h, dst_h, tab_h, rs_h, out_h,
             q_blk, ost, win, d_ch, tab_v, rs_v, sem):
    wid = lax.axis_index("s") * 2 + lax.axis_index("c")
    n0 = wid * BN
    pltpu.sync_copy(rs_h.at[pl.ds(n0, BN + 16)], rs_v)
    pltpu.sync_copy(tab_h, tab_v)

    def _spl(i):
        return tab_v[pl.ds(i, 16)]

    def _ncs(i):
        return tab_v[pl.ds(SP + i, 16)]

    def _ncg(i):
        return tab_v[pl.ds(2 * SP + i, 16)]

    zero = jnp.zeros((16,), jnp.float32)

    def _rs0(i):
        return rs_v[pl.ds(i, 16)][0]

    for sb in range(SUB):
        nb = n0 + sb * HB
        pltpu.sync_copy(proj_h.at[pl.ds(nb, HB), pl.ds(0, Fqk)], q_blk)
        e_lo_b = _rs0(sb * HB)
        e_hi_b = _rs0(sb * HB + HB)

        def _zero(ln, _):
            for f in range(Fh):
                ost[ln, pl.ds(f * H, H)] = zero
            return _

        lax.fori_loop(0, HB, _zero, None)

        def _rs(ln):
            return rs_v[pl.ds(sb * HB + ln, 16)][0]

        def _edges(ln, base, wl, a_e, b_e, st):
            lnq = jnp.minimum(ln, HB - 1)
            qf = [q_blk[lnq, pl.ds(f * H, H)] for f in range(Fh)]

            def _edge(e, st2):
                es, a = st2
                j = e - base
                l = d_ch[pl.ds(j, 16)][0] - wl
                aw = qf[0] * win[l, pl.ds(0, H)]
                for f in range(1, Fh):
                    aw = aw + qf[f] * win[l, pl.ds(f * H, H)]
                ex = jnp.exp(aw)
                a = [a[f] + ex * win[l, pl.ds(Fqk + f * H, H)]
                     for f in range(Fh)]
                return (es + ex, a)

            return plsc.parallel_loop(a_e, b_e, unroll=4, carry=st)(_edge)

        def _flush(ln, es, a):
            inv = jnp.where(es > 0.0, 1.0 / es, 0.0)
            for f in range(Fh):
                ost[ln, pl.ds(f * H, H)] = a[f] * inv

        def _window(k, st):
            sp = _spl(k)
            lo = jnp.maximum(sp[0], e_lo_b)
            hi = jnp.minimum(sp[1], e_hi_b)
            wl = pl.multiple_of(k * RW, 8)

            @pl.when(hi > lo)
            def _():
                pltpu.async_copy(
                    proj_h.at[pl.ds(wl, RW), pl.ds(Fqk, 2 * Fqk)],
                    win, sem).wait()

            ca0 = lo // CH
            nch = jnp.where(hi > lo, (hi - 1) // CH - ca0 + 1, 0)
            nc_end = _ncs(k)[1]


            def _chunk(c, st2):
                ca = ca0 + c
                base = ca * CH
                pltpu.sync_copy(dst_h.at[pl.ds(base, CH + 16)], d_ch)
                elo_c = jnp.maximum(lo, base)
                grid_end = base + CH
                ehi_c = jnp.minimum(hi, grid_end)

                nc_grid = _ncg(ca + 1)[0]
                nc_abs = jnp.where(grid_end <= hi, nc_grid, nc_end)
                ln_exit = jnp.clip(nc_abs - nb, 0, HB)

                ln0, es, a = st2

                def _node(ln, st3):
                    es2, a2 = st3
                    a_e = jnp.maximum(_rs(ln), elo_c)
                    es2, a2 = _edges(ln, base, wl, a_e, _rs(ln + 1),
                                     (es2, a2))
                    _flush(ln, es2, a2)
                    return (zero, [zero] * Fh)

                es, a = lax.fori_loop(ln0, ln_exit, _node, (es, a))
                a_e = jnp.maximum(_rs(ln_exit), elo_c)
                es, a = _edges(ln_exit, base, wl, a_e, ehi_c, (es, a))
                return (ln_exit, es, a)

            return lax.fori_loop(0, nch, _chunk, st)

        lax.fori_loop(0, S_MAX, _window, (jnp.int32(0), zero, [zero] * Fh))

        pltpu.sync_copy(ost, out_h.at[pl.ds(nb, HB)])


@functools.lru_cache(maxsize=None)
def _sc_attn():
    return pl.kernel(
        _sc_body,
        out_type=jax.ShapeDtypeStruct((NP, Fqk), jnp.float32),
        mesh=plsc.VectorSubcoreMesh(core_axis_name="c", subcore_axis_name="s"),
        scratch_types=[
            pltpu.VMEM((HB, Fqk), jnp.float32),
            pltpu.VMEM((HB, Fqk), jnp.float32),
            pltpu.VMEM((RW, 2 * Fqk), jnp.float32),
            pltpu.VMEM((CH + 16,), jnp.int32),
            pltpu.VMEM((2 * SP + NGP,), jnp.int32),
            pltpu.VMEM((BN + 16,), jnp.int32),
            pltpu.SemaphoreType.DMA,
        ],
    )


_PERM = np.array([[h * Fh + f for h in range(H)] for f in range(Fh)]).reshape(-1)


def kernel(x, batch, ei, W):
    del batch
    src = ei[0].astype(jnp.int32)
    dst = ei[1].astype(jnp.int32)

    scaling = float(Fh) ** (-0.5)
    Wq = W[:Fqk][_PERM] * scaling
    Wk = W[Fqk:2 * Fqk][_PERM]
    Wv = W[2 * Fqk:][_PERM]
    Wp = jnp.concatenate([Wq, Wk, Wv], axis=0)

    x_pad = jnp.zeros((PR, Fin), jnp.float32).at[:N].set(x)

    RB = 512
    proj = pl.pallas_call(
        _proj_body,
        grid=(PR // RB,),
        in_specs=[
            pl.BlockSpec((RB, Fin), lambda i: (i, 0)),
            pl.BlockSpec((3 * Fqk, Fin), lambda i: (0, 0)),
        ],
        out_specs=pl.BlockSpec((RB, 3 * Fqk), lambda i: (i, 0)),
        out_shape=jax.ShapeDtypeStruct((PR, 3 * Fqk), jnp.float32),
    )(x_pad, Wp)

    cnts = jnp.bincount(jnp.concatenate([src, dst + NP]), length=2 * NP)
    row_start = jnp.concatenate([
        jnp.zeros((1,), jnp.int32),
        jnp.cumsum(cnts[:NP]).astype(jnp.int32)])
    rs_pad = jnp.concatenate(
        [row_start, jnp.full((15,), E, jnp.int32)])
    dd = jnp.concatenate([
        jnp.zeros((1,), jnp.int32),
        jnp.cumsum(cnts[NP:]).astype(jnp.int32),
        jnp.full((S_MAX * RW - NP,), E, jnp.int32)])
    splitg = dd[::RW]

    dst_p = jnp.zeros((EPAD,), jnp.int32).at[:E].set(dst)

    def _nc(x):
        return jnp.where(x >= E, NP,
                         src[jnp.minimum(x, E - 1)]).astype(jnp.int32)

    s_str = src[::CH].astype(jnp.int32)
    ncsg = _nc(splitg)
    zpad = jnp.zeros((SP - S_MAX - 1,), jnp.int32)
    tab = jnp.concatenate([
        splitg, zpad,
        ncsg, zpad,
        s_str, jnp.full((NGP - s_str.shape[0],), NP, jnp.int32)])

    out = _sc_attn()(proj, dst_p, tab, rs_pad)
    return out[:N].reshape(N, Fh, H).transpose(0, 2, 1).reshape(N, H * Fh)

# --- scband reference (transcript-rebuilt; emitter-appended) ---
"""Pipeline reference for scband-self-attention-layer-sparse-19842748907978 (READ-ONLY COPY).

The authoritative reference and input builder live on the scoring server;
editing this copy changes nothing except your own understanding.
"""

import jax, jax.numpy as jnp
import numpy as np

Fin = 128
Fqk = 128
Fv = 128
H = 16
N = 10000
E = 320000


def setup_inputs(seed: int = 0) -> dict:
    key = jax.random.key(seed)
    k1, k2, k3, k4 = jax.random.split(key, 4)
    x = jax.random.normal(k1, (N, Fin), dtype=jnp.float32)
    batch = jnp.sort(jax.random.randint(k2, (N,), 0, 4)).astype(jnp.int64)
    ei = jnp.sort(jax.random.randint(k3, (2, E), 0, N), axis=-1).astype(jnp.int64)
    Ftot = 2 * Fqk + Fv
    W = (jax.random.normal(k4, (Ftot, Fin), dtype=jnp.float32) / np.sqrt(Fin)).astype(jnp.float32)
    return {"x": x, "batch": batch, "ei": ei, "W": W}


def reference(x, batch, ei, W):
    src = ei[0]
    dest = ei[1]
    Fh = Fqk // H
    Fhv = Fv // H
    scaling = float(Fh) ** (-0.5)
    proj = x @ W.T
    q = proj[:, :Fqk] * scaling
    k = proj[:, Fqk:2 * Fqk]
    v = proj[:, 2 * Fqk:]
    q = q.reshape(-1, H, Fh)
    k = k.reshape(-1, H, Fh)
    v = v.reshape(-1, H, Fhv)
    qs = q[src]
    ks = k[dest]
    vs = v[dest]
    # (qs.view(-1,H,1,Fh) @ ks.view(-1,H,Fh,1)).squeeze() == per-head dot product
    aw = jnp.sum(qs * ks, axis=-1)  # [E, H]
    # scatter_softmax over edges grouped by src (global max subtraction, as in torch ref)
    xm = aw.max(axis=0)
    ex = jnp.exp(aw - xm)
    num_seg = x.shape[0]
    expsum = jax.ops.segment_sum(ex, src, num_segments=num_seg)
    aw = ex / expsum[src]
    out = aw[:, :, None] * vs  # [E, H, Fhv]
    out = jax.ops.segment_sum(out, src, num_segments=num_seg)
    return out.reshape(-1, H * Fhv)

if __name__ == "__main__":
    import jax
    _d = setup_inputs()
    print(jax.jit(kernel)(*tuple(_d.values())))

</pallas_src>

<mosaic_0001>
#map = affine_map<(d0, d1) -> (0, 0)>
#map1 = affine_map<(d0, d1) -> (0)>
module attributes {stable_mosaic.version = 14 : i64} {
  func.func @_sc_body(%arg0: i32, %arg1: i32, %arg2: memref<10752x384xf32, #tpu.memory_space<hbm>>, %arg3: memref<324128xi32, #tpu.memory_space<hbm>>, %arg4: memref<304xi32, #tpu.memory_space<hbm>>, %arg5: memref<10256xi32, #tpu.memory_space<hbm>>, %arg6: memref<10240x128xf32, #tpu.memory_space<hbm>>, %arg7: memref<160x128xf32, #tpu.memory_space<vmem>>, %arg8: memref<160x128xf32, #tpu.memory_space<vmem>>, %arg9: memref<224x256xf32, #tpu.memory_space<vmem>>, %arg10: memref<2064xi32, #tpu.memory_space<vmem>>, %arg11: memref<304xi32, #tpu.memory_space<vmem>>, %arg12: memref<336xi32, #tpu.memory_space<vmem>>, %arg13: memref<!tpu.dma_semaphore, #tpu.memory_space<semaphore_mem>>) attributes {dimension_semantics = [#tpu.dimension_semantics<core_parallel>, #tpu.dimension_semantics<subcore_parallel>], iteration_bounds = array<i64: 2, 16>, scalar_prefetch = 0 : i64, scratch_operands = 7 : i64, tpu.core_type = #tpu.core_type<sc_vector_subcore>, window_params = [{transform_indices = #map}, {transform_indices = #map1}, {transform_indices = #map1}, {transform_indices = #map1}, {transform_indices = #map}]} {
    %mul3A = arith.constant 2 : i32
    %mul3A_0 = arith.muli %arg1, %mul3A : i32
    %add3A = arith.addi %mul3A_0, %arg0 : i32
    %mul3A_1 = arith.constant 320 : i32
    %mul3A_2 = arith.muli %add3A, %mul3A_1 : i32
    "tpu.region"() ({
      %run_scoped3A = tpu.sem_alloc : memref<!tpu.dma_semaphore, #tpu.memory_space<semaphore_mem>>
      %dma_start3A = tpu.memref_slice %arg5[%mul3A_2] : memref<10256xi32, #tpu.memory_space<hbm>> -> memref<336xi32, #tpu.memory_space<hbm>>
      %dma_start3A_48 = tpu.memref_slice %arg5[%mul3A_2] : memref<10256xi32, #tpu.memory_space<hbm>> -> memref<336xi32, #tpu.memory_space<hbm>>
      tpu.enqueue_dma source(%dma_start3A_48 : memref<336xi32, #tpu.memory_space<hbm>>) target(%arg12 : memref<336xi32, #tpu.memory_space<vmem>>) target_semaphore(%run_scoped3A : memref<!tpu.dma_semaphore, #tpu.memory_space<semaphore_mem>>)
      %dma_wait3A = tpu.memref_slice %arg5[%mul3A_2] : memref<10256xi32, #tpu.memory_space<hbm>> -> memref<336xi32, #tpu.memory_space<hbm>>
      %dma_wait3A_49 = tpu.memref_slice %arg5[%mul3A_2] : memref<10256xi32, #tpu.memory_space<hbm>> -> memref<336xi32, #tpu.memory_space<hbm>>
      tpu.wait_dma2 semaphore(%run_scoped3A : memref<!tpu.dma_semaphore, #tpu.memory_space<semaphore_mem>>) src(%dma_wait3A_49 : memref<336xi32, #tpu.memory_space<hbm>>) dst(%arg12 : memref<336xi32, #tpu.memory_space<vmem>>)
      tpu.yield
    }) : () -> ()
    "tpu.region"() ({
      %run_scoped3A = tpu.sem_alloc : memref<!tpu.dma_semaphore, #tpu.memory_space<semaphore_mem>>
      tpu.enqueue_dma source(%arg4 : memref<304xi32, #tpu.memory_space<hbm>>) target(%arg11 : memref<304xi32, #tpu.memory_space<vmem>>) target_semaphore(%run_scoped3A : memref<!tpu.dma_semaphore, #tpu.memory_space<semaphore_mem>>)
      tpu.wait_dma2 semaphore(%run_scoped3A : memref<!tpu.dma_semaphore, #tpu.memory_space<semaphore_mem>>) src(%arg4 : memref<304xi32, #tpu.memory_space<hbm>>) dst(%arg11 : memref<304xi32, #tpu.memory_space<vmem>>)
      tpu.yield
    }) : () -> ()
    %broadcast_in_dim3A = arith.constant 0.000000e+00 : f32
    %broadcast_in_dim3A_3 = vector.broadcast %broadcast_in_dim3A : f32 to vector<16xf32>
    %add3A_4 = arith.constant 0 : i32
    %add3A_5 = arith.addi %mul3A_2, %add3A_4 : i32
    "tpu.region"() ({
      %run_scoped3A = tpu.sem_alloc : memref<!tpu.dma_semaphore, #tpu.memory_space<semaphore_mem>>
      %dma_start3A = arith.constant 0 : i32
      %dma_start3A_48 = tpu.memref_slice %arg2[%add3A_5, %dma_start3A] : memref<10752x384xf32, #tpu.memory_space<hbm>> -> memref<160x128xf32, #tpu.memory_space<hbm>>
      %dma_start3A_49 = arith.constant 0 : i32
      %dma_start3A_50 = tpu.memref_slice %arg2[%add3A_5, %dma_start3A_49] : memref<10752x384xf32, #tpu.memory_space<hbm>> -> memref<160x128xf32, #tpu.memory_space<hbm>>
      tpu.enqueue_dma source(%dma_start3A_50 : memref<160x128xf32, #tpu.memory_space<hbm>>) target(%arg7 : memref<160x128xf32, #tpu.memory_space<vmem>>) target_semaphore(%run_scoped3A : memref<!tpu.dma_semaphore, #tpu.memory_space<semaphore_mem>>)
      %dma_wait3A = arith.constant 0 : i32
      %dma_wait3A_51 = tpu.memref_slice %arg2[%add3A_5, %dma_wait3A] : memref<10752x384xf32, #tpu.memory_space<hbm>> -> memref<160x128xf32, #tpu.memory_space<hbm>>
      %dma_wait3A_52 = arith.constant 0 : i32
      %dma_wait3A_53 = tpu.memref_slice %arg2[%add3A_5, %dma_wait3A_52] : memref<10752x384xf32, #tpu.memory_space<hbm>> -> memref<160x128xf32, #tpu.memory_space<hbm>>
      tpu.wait_dma2 semaphore(%run_scoped3A : memref<!tpu.dma_semaphore, #tpu.memory_space<semaphore_mem>>) src(%dma_wait3A_53 : memref<160x128xf32, #tpu.memory_space<hbm>>) dst(%arg7 : memref<160x128xf32, #tpu.memory_space<vmem>>)
      tpu.yield
    }) : () -> ()
    %get3A = arith.constant 0 : index
    %get3A_6 = tpu.vector_load %arg12[%get3A] {strides = array<i32>} : memref<336xi32, #tpu.memory_space<vmem>>, vector<16xi32>,
    %get3A_7 = vector.shape_cast %get3A_6 : vector<16xi32> to vector<16xi32>
    %slice3A = vector.extract_strided_slice %get3A_7 {offsets = [0], sizes = [1], strides = [1]} : vector<16xi32> to vector<1xi32>
    %squeeze3A = vector.extract %slice3A[0] : i32 from vector<1xi32>
    %get3A_8 = arith.constant 160 : index
    %get3A_9 = tpu.vector_load %arg12[%get3A_8] {strides = array<i32>} : memref<336xi32, #tpu.memory_space<vmem>>, vector<16xi32>,
    %get3A_10 = vector.shape_cast %get3A_9 : vector<16xi32> to vector<16xi32>
    %slice3A_11 = vector.extract_strided_slice %get3A_10 {offsets = [0], sizes = [1], strides = [1]} : vector<16xi32> to vector<1xi32>
    %squeeze3A_12 = vector.extract %slice3A_11[0] : i32 from vector<1xi32>
    %scan3A = arith.constant 0 : i32
    %scan3A_13 = arith.constant 160 : i32
    %scan3A_14 = arith.addi %scan3A, %scan3A_13 : i32
    %scan3A_15 = arith.constant 1 : i32
    scf.for %scan3A_48 = %scan3A to %scan3A_14 step %scan3A_15  : i32 {
      %swap3A = arith.index_cast %scan3A_48 : i32 to index
      %swap3A_49 = arith.constant 0 : index
      %swap3A_50 = tpu.vector_load %arg8[%swap3A, %swap3A_49] {strides = array<i32>} : memref<160x128xf32, #tpu.memory_space<vmem>>, vector<1x16xf32>,
      %swap3A_51 = vector.shape_cast %swap3A_50 : vector<1x16xf32> to vector<16xf32>
      %swap3A_52 = vector.shape_cast %broadcast_in_dim3A_3 : vector<16xf32> to vector<1x16xf32>
      tpu.vector_store %arg8[%swap3A, %swap3A_49], %swap3A_52 {strides = array<i32>} : memref<160x128xf32, #tpu.memory_space<vmem>>, vector<1x16xf32>,
      %swap3A_53 = arith.index_cast %scan3A_48 : i32 to index
      %swap3A_54 = arith.constant 16 : index
      %swap3A_55 = tpu.vector_load %arg8[%swap3A_53, %swap3A_54] {strides = array<i32>} : memref<160x128xf32, #tpu.memory_space<vmem>>, vector<1x16xf32>,
      %swap3A_56 = vector.shape_cast %swap3A_55 : vector<1x16xf32> to vector<16xf32>
      %swap3A_57 = vector.shape_cast %broadcast_in_dim3A_3 : vector<16xf32> to vector<1x16xf32>
      tpu.vector_store %arg8[%swap3A_53, %swap3A_54], %swap3A_57 {strides = array<i32>} : memref<160x128xf32, #tpu.memory_space<vmem>>, vector<1x16xf32>,
      %swap3A_58 = arith.index_cast %scan3A_48 : i32 to index
      %swap3A_59 = arith.constant 32 : index
      %swap3A_60 = tpu.vector_load %arg8[%swap3A_58, %swap3A_59] {strides = array<i32>} : memref<160x128xf32, #tpu.memory_space<vmem>>, vector<1x16xf32>,
      %swap3A_61 = vector.shape_cast %swap3A_60 : vector<1x16xf32> to vector<16xf32>
      %swap3A_62 = vector.shape_cast %broadcast_in_dim3A_3 : vector<16xf32> to vector<1x16xf32>
      tpu.vector_store %arg8[%swap3A_58, %swap3A_59], %swap3A_62 {strides = array<i32>} : memref<160x128xf32, #tpu.memory_space<vmem>>, vector<1x16xf32>,
      %swap3A_63 = arith.index_cast %scan3A_48 : i32 to index
      %swap3A_64 = arith.constant 48 : index
      %swap3A_65 = tpu.vector_load %arg8[%swap3A_63, %swap3A_64] {strides = array<i32>} : memref<160x128xf32, #tpu.memory_space<vmem>>, vector<1x16xf32>,
      %swap3A_66 = vector.shape_cast %swap3A_65 : vector<1x16xf32> to vector<16xf32>
      %swap3A_67 = vector.shape_cast %broadcast_in_dim3A_3 : vector<16xf32> to vector<1x16xf32>
      tpu.vector_store %arg8[%swap3A_63, %swap3A_64], %swap3A_67 {strides = array<i32>} : memref<160x128xf32, #tpu.memory_space<vmem>>, vector<1x16xf32>,
      %swap3A_68 = arith.index_cast %scan3A_48 : i32 to index
      %swap3A_69 = arith.constant 64 : index
      %swap3A_70 = tpu.vector_load %arg8[%swap3A_68, %swap3A_69] {strides = array<i32>} : memref<160x128xf32, #tpu.memory_space<vmem>>, vector<1x16xf32>,
      %swap3A_71 = vector.shape_cast %swap3A_70 : vector<1x16xf32> to vector<16xf32>
      %swap3A_72 = vector.shape_cast %broadcast_in_dim3A_3 : vector<16xf32> to vector<1x16xf32>
      tpu.vector_store %arg8[%swap3A_68, %swap3A_69], %swap3A_72 {strides = array<i32>} : memref<160x128xf32, #tpu.memory_space<vmem>>, vector<1x16xf32>,
      %swap3A_73 = arith.index_cast %scan3A_48 : i32 to index
      %swap3A_74 = arith.constant 80 : index
      %swap3A_75 = tpu.vector_load %arg8[%swap3A_73, %swap3A_74] {strides = array<i32>} : memref<160x128xf32, #tpu.memory_space<vmem>>, vector<1x16xf32>,
      %swap3A_76 = vector.shape_cast %swap3A_75 : vector<1x16xf32> to vector<16xf32>
      %swap3A_77 = vector.shape_cast %broadcast_in_dim3A_3 : vector<16xf32> to vector<1x16xf32>
      tpu.vector_store %arg8[%swap3A_73, %swap3A_74], %swap3A_77 {strides = array<i32>} : memref<160x128xf32, #tpu.memory_space<vmem>>, vector<1x16xf32>,
      %swap3A_78 = arith.index_cast %scan3A_48 : i32 to index
      %swap3A_79 = arith.constant 96 : index
      %swap3A_80 = tpu.vector_load %arg8[%swap3A_78, %swap3A_79] {strides = array<i32>} : memref<160x128xf32, #tpu.memory_space<vmem>>, vector<1x16xf32>,
      %swap3A_81 = vector.shape_cast %swap3A_80 : vector<1x16xf32> to vector<16xf32>
      %swap3A_82 = vector.shape_cast %broadcast_in_dim3A_3 : vector<16xf32> to vector<1x16xf32>
      tpu.vector_store %arg8[%swap3A_78, %swap3A_79], %swap3A_82 {strides = array<i32>} : memref<160x128xf32, #tpu.memory_space<vmem>>, vector<1x16xf32>,
      %swap3A_83 = arith.index_cast %scan3A_48 : i32 to index
      %swap3A_84 = arith.constant 112 : index
      %swap3A_85 = tpu.vector_load %arg8[%swap3A_83, %swap3A_84] {strides = array<i32>} : memref<160x128xf32, #tpu.memory_space<vmem>>, vector<1x16xf32>,
      %swap3A_86 = vector.shape_cast %swap3A_85 : vector<1x16xf32> to vector<16xf32>
      %swap3A_87 = vector.shape_cast %broadcast_in_dim3A_3 : vector<16xf32> to vector<1x16xf32>
      tpu.vector_store %arg8[%swap3A_83, %swap3A_84], %swap3A_87 {strides = array<i32>} : memref<160x128xf32, #tpu.memory_space<vmem>>, vector<1x16xf32>,
    }
    %scan3A_16 = arith.constant 160 : i32
    %scan3A_17 = arith.constant 0 : i32
    %scan3A_18 = arith.constant 0 : i32
    %scan3A_19 = arith.constant 46 : i32
    %scan3A_20 = arith.addi %scan3A_18, %scan3A_19 : i32
    %scan3A_21 = arith.constant 1 : i32
    %scan3A_22:10 = scf.for %scan3A_48 = %scan3A_18 to %scan3A_20 step %scan3A_21 iter_args(%scan3A_49 = %scan3A_17, %scan3A_50 = %broadcast_in_dim3A_3, %scan3A_51 = %broadcast_in_dim3A_3, %scan3A_52 = %broadcast_in_dim3A_3, %scan3A_53 = %broadcast_in_dim3A_3, %scan3A_54 = %broadcast_in_dim3A_3, %scan3A_55 = %broadcast_in_dim3A_3, %scan3A_56 = %broadcast_in_dim3A_3, %scan3A_57 = %broadcast_in_dim3A_3, %scan3A_58 = %broadcast_in_dim3A_3) -> (i32, vector<16xf32>, vector<16xf32>, vector<16xf32>, vector<16xf32>, vector<16xf32>, vector<16xf32>, vector<16xf32>, vector<16xf32>, vector<16xf32>)  : i32 {
      %get3A_59 = arith.index_cast %scan3A_48 : i32 to index
      %get3A_60 = tpu.vector_load %arg11[%get3A_59] {strides = array<i32>} : memref<304xi32, #tpu.memory_space<vmem>>, vector<16xi32>,
      %get3A_61 = vector.shape_cast %get3A_60 : vector<16xi32> to vector<16xi32>
      %slice3A_62 = vector.extract_strided_slice %get3A_61 {offsets = [0], sizes = [1], strides = [1]} : vector<16xi32> to vector<1xi32>
      %squeeze3A_63 = vector.extract %slice3A_62[0] : i32 from vector<1xi32>
      %max3A = arith.maxsi %squeeze3A_63, %squeeze3A : i32
      %slice3A_64 = vector.extract_strided_slice %get3A_61 {offsets = [1], sizes = [1], strides = [1]} : vector<16xi32> to vector<1xi32>
      %squeeze3A_65 = vector.extract %slice3A_64[0] : i32 from vector<1xi32>
      %min3A = arith.minsi %squeeze3A_65, %squeeze3A_12 : i32
      %mul3A_66 = arith.constant 224 : i32
      %mul3A_67 = arith.muli %scan3A_48, %mul3A_66 : i32
      %multiple_of3A = tpu.assume_multiple %mul3A_67, 8 : i32
      %gt3A = arith.cmpi sgt, %min3A, %max3A : i32
      %convert_element_type3A = arith.extui %gt3A : i1 to i32
      %cond3A = arith.constant 0 : i32
      %cond3A_68 = arith.cmpi ne, %convert_element_type3A, %cond3A : i32
      scf.if %cond3A_68 {
        %dma_start3A = arith.constant 128 : i32
        %dma_start3A_134 = tpu.memref_slice %arg2[%multiple_of3A, %dma_start3A] : memref<10752x384xf32, #tpu.memory_space<hbm>> -> memref<224x256xf32, #tpu.memory_space<hbm>>
        %dma_start3A_135 = arith.constant 128 : i32
        %dma_start3A_136 = tpu.memref_slice %arg2[%multiple_of3A, %dma_start3A_135] : memref<10752x384xf32, #tpu.memory_space<hbm>> -> memref<224x256xf32, #tpu.memory_space<hbm>>
        tpu.enqueue_dma source(%dma_start3A_136 : memref<224x256xf32, #tpu.memory_space<hbm>>) target(%arg9 : memref<224x256xf32, #tpu.memory_space<vmem>>) target_semaphore(%arg13 : memref<!tpu.dma_semaphore, #tpu.memory_space<semaphore_mem>>)
        %dma_wait3A = arith.constant 128 : i32
        %dma_wait3A_137 = tpu.memref_slice %arg2[%multiple_of3A, %dma_wait3A] : memref<10752x384xf32, #tpu.memory_space<hbm>> -> memref<224x256xf32, #tpu.memory_space<hbm>>
        %dma_wait3A_138 = arith.constant 128 : i32
        %dma_wait3A_139 = tpu.memref_slice %arg2[%multiple_of3A, %dma_wait3A_138] : memref<10752x384xf32, #tpu.memory_space<hbm>> -> memref<224x256xf32, #tpu.memory_space<hbm>>
        tpu.wait_dma2 semaphore(%arg13 : memref<!tpu.dma_semaphore, #tpu.memory_space<semaphore_mem>>) src(%dma_wait3A_139 : memref<224x256xf32, #tpu.memory_space<hbm>>) dst(%arg9 : memref<224x256xf32, #tpu.memory_space<vmem>>)
      } else {
      }
      %jit3A = arith.constant 2048 : i32
      %div3A = arith.divsi %max3A, %jit3A : i32
      %sign3A = arith.constant 0 : i32
      %sign3A_69 = arith.cmpi sgt, %max3A, %sign3A : i32
      %sign3A_70 = arith.extui %sign3A_69 : i1 to i32
      %sign3A_71 = arith.constant 0 : i32
      %sign3A_72 = arith.cmpi slt, %max3A, %sign3A_71 : i32
      %sign3A_73 = arith.extui %sign3A_72 : i1 to i32
      %sign3A_74 = arith.subi %sign3A_70, %sign3A_73 : i32
      %sign3A_75 = arith.constant 0 : i32
      %sign3A_76 = arith.cmpi sgt, %jit3A, %sign3A_75 : i32
      %sign3A_77 = arith.extui %sign3A_76 : i1 to i32
      %sign3A_78 = arith.constant 0 : i32
      %sign3A_79 = arith.cmpi slt, %jit3A, %sign3A_78 : i32
      %sign3A_80 = arith.extui %sign3A_79 : i1 to i32
      %sign3A_81 = arith.subi %sign3A_77, %sign3A_80 : i32
      %ne3A = arith.cmpi ne, %sign3A_74, %sign3A_81 : i32
      %rem3A = arith.remsi %max3A, %jit3A : i32
      %ne3A_82 = arith.constant 0 : i32
      %ne3A_83 = arith.cmpi ne, %rem3A, %ne3A_82 : i32
      %and3A = arith.andi %ne3A, %ne3A_83 : i1
      %sub3A = arith.constant 1 : i32
      %sub3A_84 = arith.subi %div3A, %sub3A : i32
      %select_n3A = arith.select %and3A, %sub3A_84, %div3A : i32
      %gt3A_85 = arith.cmpi sgt, %min3A, %max3A : i32
      %sub3A_86 = arith.constant 1 : i32
      %sub3A_87 = arith.subi %min3A, %sub3A_86 : i32
      %jit3A_88 = arith.constant 2048 : i32
      %div3A_89 = arith.divsi %sub3A_87, %jit3A_88 : i32
      %sign3A_90 = arith.constant 0 : i32
      %sign3A_91 = arith.cmpi sgt, %sub3A_87, %sign3A_90 : i32
      %sign3A_92 = arith.extui %sign3A_91 : i1 to i32
      %sign3A_93 = arith.constant 0 : i32
      %sign3A_94 = arith.cmpi slt, %sub3A_87, %sign3A_93 : i32
      %sign3A_95 = arith.extui %sign3A_94 : i1 to i32
      %sign3A_96 = arith.subi %sign3A_92, %sign3A_95 : i32
      %sign3A_97 = arith.constant 0 : i32
      %sign3A_98 = arith.cmpi sgt, %jit3A_88, %sign3A_97 : i32
      %sign3A_99 = arith.extui %sign3A_98 : i1 to i32
      %sign3A_100 = arith.constant 0 : i32
      %sign3A_101 = arith.cmpi slt, %jit3A_88, %sign3A_100 : i32
      %sign3A_102 = arith.extui %sign3A_101 : i1 to i32
      %sign3A_103 = arith.subi %sign3A_99, %sign3A_102 : i32
      %ne3A_104 = arith.cmpi ne, %sign3A_96, %sign3A_103 : i32
      %rem3A_105 = arith.remsi %sub3A_87, %jit3A_88 : i32
      %ne3A_106 = arith.constant 0 : i32
      %ne3A_107 = arith.cmpi ne, %rem3A_105, %ne3A_106 : i32
      %and3A_108 = arith.andi %ne3A_104, %ne3A_107 : i1
      %sub3A_109 = arith.constant 1 : i32
      %sub3A_110 = arith.subi %div3A_89, %sub3A_109 : i32
      %select_n3A_111 = arith.select %and3A_108, %sub3A_110, %div3A_89 : i32
      %sub3A_112 = arith.subi %select_n3A_111, %select_n3A : i32
      %add3A_113 = arith.constant 1 : i32
      %add3A_114 = arith.addi %sub3A_112, %add3A_113 : i32
      %jit3A_115 = arith.constant 0 : i32
      %select_n3A_116 = arith.select %gt3A_85, %add3A_114, %jit3A_115 : i32
      %add3A_117 = arith.constant 64 : i32
      %add3A_118 = arith.addi %add3A_117, %scan3A_48 : i32
      %get3A_119 = arith.index_cast %add3A_118 : i32 to index
      %get3A_120 = tpu.vector_load %arg11[%get3A_119] {strides = array<i32>} : memref<304xi32, #tpu.memory_space<vmem>>, vector<16xi32>,
      %get3A_121 = vector.shape_cast %get3A_120 : vector<16xi32> to vector<16xi32>
      %slice3A_122 = vector.extract_strided_slice %get3A_121 {offsets = [1], sizes = [1], strides = [1]} : vector<16xi32> to vector<1xi32>
      %squeeze3A_123 = vector.extract %slice3A_122[0] : i32 from vector<1xi32>
      %while3A = arith.constant 0 : i32
      %while3A_124 = arith.subi %select_n3A_116, %while3A : i32
      %while3A_125 = arith.addi %while3A, %while3A_124 : i32
      %while3A_126 = arith.constant 1 : i32
      %while3A_127 = arith.divsi %while3A_124, %while3A_126 : i32
      %while3A_128 = arith.muli %while3A_127, %while3A_126 : i32
      %while3A_129 = arith.addi %while3A, %while3A_128 : i32
      %while3A_130 = arith.constant 1 : i32
      %while3A_131:10 = scf.for %while3A_134 = %while3A to %while3A_129 step %while3A_130 iter_args(%while3A_135 = %scan3A_49, %while3A_136 = %scan3A_50, %while3A_137 = %scan3A_51, %while3A_138 = %scan3A_52, %while3A_139 = %scan3A_53, %while3A_140 = %scan3A_54, %while3A_141 = %scan3A_55, %while3A_142 = %scan3A_56, %while3A_143 = %scan3A_57, %while3A_144 = %scan3A_58) -> (i32, vector<16xf32>, vector<16xf32>, vector<16xf32>, vector<16xf32>, vector<16xf32>, vector<16xf32>, vector<16xf32>, vector<16xf32>, vector<16xf32>)  : i32 {
        %add3A_145 = arith.addi %select_n3A, %while3A_134 : i32
        %mul3A_146 = arith.constant 2048 : i32
        %mul3A_147 = arith.muli %add3A_145, %mul3A_146 : i32
        "tpu.region"() ({
          %run_scoped3A = tpu.sem_alloc : memref<!tpu.dma_semaphore, #tpu.memory_space<semaphore_mem>>
          %dma_start3A = tpu.memref_slice %arg3[%mul3A_147] : memref<324128xi32, #tpu.memory_space<hbm>> -> memref<2064xi32, #tpu.memory_space<hbm>>
          %dma_start3A_220 = tpu.memref_slice %arg3[%mul3A_147] : memref<324128xi32, #tpu.memory_space<hbm>> -> memref<2064xi32, #tpu.memory_space<hbm>>
          tpu.enqueue_dma source(%dma_start3A_220 : memref<2064xi32, #tpu.memory_space<hbm>>) target(%arg10 : memref<2064xi32, #tpu.memory_space<vmem>>) target_semaphore(%run_scoped3A : memref<!tpu.dma_semaphore, #tpu.memory_space<semaphore_mem>>)
          %dma_wait3A = tpu.memref_slice %arg3[%mul3A_147] : memref<324128xi32, #tpu.memory_space<hbm>> -> memref<2064xi32, #tpu.memory_space<hbm>>
          %dma_wait3A_221 = tpu.memref_slice %arg3[%mul3A_147] : memref<324128xi32, #tpu.memory_space<hbm>> -> memref<2064xi32, #tpu.memory_space<hbm>>
          tpu.wait_dma2 semaphore(%run_scoped3A : memref<!tpu.dma_semaphore, #tpu.memory_space<semaphore_mem>>) src(%dma_wait3A_221 : memref<2064xi32, #tpu.memory_space<hbm>>) dst(%arg10 : memref<2064xi32, #tpu.memory_space<vmem>>)
          tpu.yield
        }) : () -> ()
        %max3A_148 = arith.maxsi %max3A, %mul3A_147 : i32
        %add3A_149 = arith.constant 2048 : i32
        %add3A_150 = arith.addi %mul3A_147, %add3A_149 : i32
        %min3A_151 = arith.minsi %min3A, %add3A_150 : i32
        %add3A_152 = arith.constant 1 : i32
        %add3A_153 = arith.addi %add3A_145, %add3A_152 : i32
        %add3A_154 = arith.constant 128 : i32
        %add3A_155 = arith.addi %add3A_154, %add3A_153 : i32
        %get3A_156 = arith.index_cast %add3A_155 : i32 to index
        %get3A_157 = tpu.vector_load %arg11[%get3A_156] {strides = array<i32>} : memref<304xi32, #tpu.memory_space<vmem>>, vector<16xi32>,
        %get3A_158 = vector.shape_cast %get3A_157 : vector<16xi32> to vector<16xi32>
        %slice3A_159 = vector.extract_strided_slice %get3A_158 {offsets = [0], sizes = [1], strides = [1]} : vector<16xi32> to vector<1xi32>
        %squeeze3A_160 = vector.extract %slice3A_159[0] : i32 from vector<1xi32>
        %le3A = arith.cmpi sle, %add3A_150, %min3A : i32
        %select_n3A_161 = arith.select %le3A, %squeeze3A_160, %squeeze3A_123 : i32
        %sub3A_162 = arith.subi %select_n3A_161, %add3A_5 : i32
        %jit3A_163 = arith.constant 0 : i32
        %jit3A_164 = arith.constant 160 : i32
        %max3A_165 = arith.maxsi %jit3A_163, %sub3A_162 : i32
        %min3A_166 = arith.minsi %jit3A_164, %max3A_165 : i32
        %while3A_167 = arith.subi %min3A_166, %while3A_135 : i32
        %while3A_168 = arith.addi %while3A_135, %while3A_167 : i32
        %while3A_169 = arith.constant 1 : i32
        %while3A_170 = arith.divsi %while3A_167, %while3A_169 : i32
        %while3A_171 = arith.muli %while3A_170, %while3A_169 : i32
        %while3A_172 = arith.addi %while3A_135, %while3A_171 : i32
        %while3A_173 = arith.constant 1 : i32
        %while3A_174:9 = scf.for %while3A_220 = %while3A_135 to %while3A_172 step %while3A_173 iter_args(%while3A_221 = %while3A_136, %while3A_222 = %while3A_137, %while3A_223 = %while3A_138, %while3A_224 = %while3A_139, %while3A_225 = %while3A_140, %while3A_226 = %while3A_141, %while3A_227 = %while3A_142, %while3A_228 = %while3A_143, %while3A_229 = %while3A_144) -> (vector<16xf32>, vector<16xf32>, vector<16xf32>, vector<16xf32>, vector<16xf32>, vector<16xf32>, vector<16xf32>, vector<16xf32>, vector<16xf32>)  : i32 {
          %add3A_230 = arith.constant 0 : i32
          %add3A_231 = arith.addi %add3A_230, %while3A_220 : i32
          %get3A_232 = arith.index_cast %add3A_231 : i32 to index
          %get3A_233 = tpu.vector_load %arg12[%get3A_232] {strides = array<i32>} : memref<336xi32, #tpu.memory_space<vmem>>, vector<16xi32>,
          %get3A_234 = vector.shape_cast %get3A_233 : vector<16xi32> to vector<16xi32>
          %slice3A_235 = vector.extract_strided_slice %get3A_234 {offsets = [0], sizes = [1], strides = [1]} : vector<16xi32> to vector<1xi32>
          %squeeze3A_236 = vector.extract %slice3A_235[0] : i32 from vector<1xi32>
          %max3A_237 = arith.maxsi %squeeze3A_236, %max3A_148 : i32
          %add3A_238 = arith.constant 1 : i32
          %add3A_239 = arith.addi %while3A_220, %add3A_238 : i32
          %add3A_240 = arith.constant 0 : i32
          %add3A_241 = arith.addi %add3A_240, %add3A_239 : i32
          %get3A_242 = arith.index_cast %add3A_241 : i32 to index
          %get3A_243 = tpu.vector_load %arg12[%get3A_242] {strides = array<i32>} : memref<336xi32, #tpu.memory_space<vmem>>, vector<16xi32>,
          %get3A_244 = vector.shape_cast %get3A_243 : vector<16xi32> to vector<16xi32>
          %slice3A_245 = vector.extract_strided_slice %get3A_244 {offsets = [0], sizes = [1], strides = [1]} : vector<16xi32> to vector<1xi32>
          %squeeze3A_246 = vector.extract %slice3A_245[0] : i32 from vector<1xi32>
          %min3A_247 = arith.constant 159 : i32
          %min3A_248 = arith.minsi %while3A_220, %min3A_247 : i32
          %get3A_249 = arith.index_cast %min3A_248 : i32 to index
          %get3A_250 = arith.constant 0 : index
          %get3A_251 = tpu.vector_load %arg7[%get3A_249, %get3A_250] {strides = array<i32>} : memref<160x128xf32, #tpu.memory_space<vmem>>, vector<1x16xf32>,
          %get3A_252 = vector.shape_cast %get3A_251 : vector<1x16xf32> to vector<16xf32>
          %get3A_253 = arith.index_cast %min3A_248 : i32 to index
          %get3A_254 = arith.constant 16 : index
          %get3A_255 = tpu.vector_load %arg7[%get3A_253, %get3A_254] {strides = array<i32>} : memref<160x128xf32, #tpu.memory_space<vmem>>, vector<1x16xf32>,
          %get3A_256 = vector.shape_cast %get3A_255 : vector<1x16xf32> to vector<16xf32>
          %get3A_257 = arith.index_cast %min3A_248 : i32 to index
          %get3A_258 = arith.constant 32 : index
          %get3A_259 = tpu.vector_load %arg7[%get3A_257, %get3A_258] {strides = array<i32>} : memref<160x128xf32, #tpu.memory_space<vmem>>, vector<1x16xf32>,
          %get3A_260 = vector.shape_cast %get3A_259 : vector<1x16xf32> to vector<16xf32>
          %get3A_261 = arith.index_cast %min3A_248 : i32 to index
          %get3A_262 = arith.constant 48 : index
          %get3A_263 = tpu.vector_load %arg7[%get3A_261, %get3A_262] {strides = array<i32>} : memref<160x128xf32, #tpu.memory_space<vmem>>, vector<1x16xf32>,
          %get3A_264 = vector.shape_cast %get3A_263 : vector<1x16xf32> to vector<16xf32>
          %get3A_265 = arith.index_cast %min3A_248 : i32 to index
          %get3A_266 = arith.constant 64 : index
          %get3A_267 = tpu.vector_load %arg7[%get3A_265, %get3A_266] {strides = array<i32>} : memref<160x128xf32, #tpu.memory_space<vmem>>, vector<1x16xf32>,
          %get3A_268 = vector.shape_cast %get3A_267 : vector<1x16xf32> to vector<16xf32>
          %get3A_269 = arith.index_cast %min3A_248 : i32 to index
          %get3A_270 = arith.constant 80 : index
          %get3A_271 = tpu.vector_load %arg7[%get3A_269, %get3A_270] {strides = array<i32>} : memref<160x128xf32, #tpu.memory_space<vmem>>, vector<1x16xf32>,
          %get3A_272 = vector.shape_cast %get3A_271 : vector<1x16xf32> to vector<16xf32>
          %get3A_273 = arith.index_cast %min3A_248 : i32 to index
          %get3A_274 = arith.constant 96 : index
          %get3A_275 = tpu.vector_load %arg7[%get3A_273, %get3A_274] {strides = array<i32>} : memref<160x128xf32, #tpu.memory_space<vmem>>, vector<1x16xf32>,
          %get3A_276 = vector.shape_cast %get3A_275 : vector<1x16xf32> to vector<16xf32>
          %get3A_277 = arith.index_cast %min3A_248 : i32 to index
          %get3A_278 = arith.constant 112 : index
          %get3A_279 = tpu.vector_load %arg7[%get3A_277, %get3A_278] {strides = array<i32>} : memref<160x128xf32, #tpu.memory_space<vmem>>, vector<1x16xf32>,
          %get3A_280 = vector.shape_cast %get3A_279 : vector<1x16xf32> to vector<16xf32>
          %parallel_loop3A_281 = arith.constant 1 : i32
          %parallel_loop3A_282:9 = scf.for %parallel_loop3A_339 = %max3A_237 to %squeeze3A_246 step %parallel_loop3A_281 iter_args(%parallel_loop3A_340 = %while3A_221, %parallel_loop3A_341 = %while3A_222, %parallel_loop3A_342 = %while3A_223, %parallel_loop3A_343 = %while3A_224, %parallel_loop3A_344 = %while3A_225, %parallel_loop3A_345 = %while3A_226, %parallel_loop3A_346 = %while3A_227, %parallel_loop3A_347 = %while3A_228, %parallel_loop3A_348 = %while3A_229) -> (vector<16xf32>, vector<16xf32>, vector<16xf32>, vector<16xf32>, vector<16xf32>, vector<16xf32>, vector<16xf32>, vector<16xf32>, vector<16xf32>)  : i32 {
            %parallel_loop3A_349 = arith.subi %parallel_loop3A_339, %mul3A_147 : i32
            %parallel_loop3A_350 = arith.index_cast %parallel_loop3A_349 : i32 to index
            %parallel_loop3A_351 = tpu.vector_load %arg10[%parallel_loop3A_350] {strides = array<i32>} : memref<2064xi32, #tpu.memory_space<vmem>>, vector<16xi32>,
            %parallel_loop3A_352 = vector.shape_cast %parallel_loop3A_351 : vector<16xi32> to vector<16xi32>
            %parallel_loop3A_353 = vector.extract_strided_slice %parallel_loop3A_352 {offsets = [0], sizes = [1], strides = [1]} : vector<16xi32> to vector<1xi32>
            %parallel_loop3A_354 = vector.extract %parallel_loop3A_353[0] : i32 from vector<1xi32>
            %parallel_loop3A_355 = arith.subi %parallel_loop3A_354, %multiple_of3A : i32
            %parallel_loop3A_356 = arith.index_cast %parallel_loop3A_355 : i32 to index
            %parallel_loop3A_357 = arith.constant 0 : index
            %parallel_loop3A_358 = tpu.vector_load %arg9[%parallel_loop3A_356, %parallel_loop3A_357] {strides = array<i32>} : memref<224x256xf32, #tpu.memory_space<vmem>>, vector<1x16xf32>,
            %parallel_loop3A_359 = vector.shape_cast %parallel_loop3A_358 : vector<1x16xf32> to vector<16xf32>
            %parallel_loop3A_360 = arith.mulf %get3A_252, %parallel_loop3A_359 : vector<16xf32>
            %parallel_loop3A_361 = arith.index_cast %parallel_loop3A_355 : i32 to index
            %parallel_loop3A_362 = arith.constant 16 : index
            %parallel_loop3A_363 = tpu.vector_load %arg9[%parallel_loop3A_361, %parallel_loop3A_362] {strides = array<i32>} : memref<224x256xf32, #tpu.memory_space<vmem>>, vector<1x16xf32>,
            %parallel_loop3A_364 = vector.shape_cast %parallel_loop3A_363 : vector<1x16xf32> to vector<16xf32>
            %parallel_loop3A_365 = arith.mulf %get3A_256, %parallel_loop3A_364 : vector<16xf32>
            %parallel_loop3A_366 = arith.addf %parallel_loop3A_360, %parallel_loop3A_365 : vector<16xf32>
            %parallel_loop3A_367 = arith.index_cast %parallel_loop3A_355 : i32 to index
            %parallel_loop3A_368 = arith.constant 32 : index
            %parallel_loop3A_369 = tpu.vector_load %arg9[%parallel_loop3A_367, %parallel_loop3A_368] {strides = array<i32>} : memref<224x256xf32, #tpu.memory_space<vmem>>, vector<1x16xf32>,
            %parallel_loop3A_370 = vector.shape_cast %parallel_loop3A_369 : vector<1x16xf32> to vector<16xf32>
            %parallel_loop3A_371 = arith.mulf %get3A_260, %parallel_loop3A_370 : vector<16xf32>
            %parallel_loop3A_372 = arith.addf %parallel_loop3A_366, %parallel_loop3A_371 : vector<16xf32>
            %parallel_loop3A_373 = arith.index_cast %parallel_loop3A_355 : i32 to index
            %parallel_loop3A_374 = arith.constant 48 : index
            %parallel_loop3A_375 = tpu.vector_load %arg9[%parallel_loop3A_373, %parallel_loop3A_374] {strides = array<i32>} : memref<224x256xf32, #tpu.memory_space<vmem>>, vector<1x16xf32>,
            %parallel_loop3A_376 = vector.shape_cast %parallel_loop3A_375 : vector<1x16xf32> to vector<16xf32>
            %parallel_loop3A_377 = arith.mulf %get3A_264, %parallel_loop3A_376 : vector<16xf32>
            %parallel_loop3A_378 = arith.addf %parallel_loop3A_372, %parallel_loop3A_377 : vector<16xf32>
            %parallel_loop3A_379 = arith.index_cast %parallel_loop3A_355 : i32 to index
            %parallel_loop3A_380 = arith.constant 64 : index
            %parallel_loop3A_381 = tpu.vector_load %arg9[%parallel_loop3A_379, %parallel_loop3A_380] {strides = array<i32>} : memref<224x256xf32, #tpu.memory_space<vmem>>, vector<1x16xf32>,
            %parallel_loop3A_382 = vector.shape_cast %parallel_loop3A_381 : vector<1x16xf32> to vector<16xf32>
            %parallel_loop3A_383 = arith.mulf %get3A_268, %parallel_loop3A_382 : vector<16xf32>
            %parallel_loop3A_384 = arith.addf %parallel_loop3A_378, %parallel_loop3A_383 : vector<16xf32>
            %parallel_loop3A_385 = arith.index_cast %parallel_loop3A_355 : i32 to index
            %parallel_loop3A_386 = arith.constant 80 : index
            %parallel_loop3A_387 = tpu.vector_load %arg9[%parallel_loop3A_385, %parallel_loop3A_386] {strides = array<i32>} : memref<224x256xf32, #tpu.memory_space<vmem>>, vector<1x16xf32>,
            %parallel_loop3A_388 = vector.shape_cast %parallel_loop3A_387 : vector<1x16xf32> to vector<16xf32>
            %parallel_loop3A_389 = arith.mulf %get3A_272, %parallel_loop3A_388 : vector<16xf32>
            %parallel_loop3A_390 = arith.addf %parallel_loop3A_384, %parallel_loop3A_389 : vector<16xf32>
            %parallel_loop3A_391 = arith.index_cast %parallel_loop3A_355 : i32 to index
            %parallel_loop3A_392 = arith.constant 96 : index
            %parallel_loop3A_393 = tpu.vector_load %arg9[%parallel_loop3A_391, %parallel_loop3A_392] {strides = array<i32>} : memref<224x256xf32, #tpu.memory_space<vmem>>, vector<1x16xf32>,
            %parallel_loop3A_394 = vector.shape_cast %parallel_loop3A_393 : vector<1x16xf32> to vector<16xf32>
            %parallel_loop3A_395 = arith.mulf %get3A_276, %parallel_loop3A_394 : vector<16xf32>
            %parallel_loop3A_396 = arith.addf %parallel_loop3A_390, %parallel_loop3A_395 : vector<16xf32>
            %parallel_loop3A_397 = arith.index_cast %parallel_loop3A_355 : i32 to index
            %parallel_loop3A_398 = arith.constant 112 : index
            %parallel_loop3A_399 = tpu.vector_load %arg9[%parallel_loop3A_397, %parallel_loop3A_398] {strides = array<i32>} : memref<224x256xf32, #tpu.memory_space<vmem>>, vector<1x16xf32>,
            %parallel_loop3A_400 = vector.shape_cast %parallel_loop3A_399 : vector<1x16xf32> to vector<16xf32>
            %parallel_loop3A_401 = arith.mulf %get3A_280, %parallel_loop3A_400 : vector<16xf32>
            %parallel_loop3A_402 = arith.addf %parallel_loop3A_396, %parallel_loop3A_401 : vector<16xf32>
            %parallel_loop3A_403 = math.exp %parallel_loop3A_402 : vector<16xf32>
            %parallel_loop3A_404 = arith.index_cast %parallel_loop3A_355 : i32 to index
            %parallel_loop3A_405 = arith.constant 128 : index
            %parallel_loop3A_406 = tpu.vector_load %arg9[%parallel_loop3A_404, %parallel_loop3A_405] {strides = array<i32>} : memref<224x256xf32, #tpu.memory_space<vmem>>, vector<1x16xf32>,
            %parallel_loop3A_407 = vector.shape_cast %parallel_loop3A_406 : vector<1x16xf32> to vector<16xf32>
            %parallel_loop3A_408 = arith.mulf %parallel_loop3A_403, %parallel_loop3A_407 : vector<16xf32>
            %parallel_loop3A_409 = arith.addf %parallel_loop3A_341, %parallel_loop3A_408 : vector<16xf32>
            %parallel_loop3A_410 = arith.index_cast %parallel_loop3A_355 : i32 to index
            %parallel_loop3A_411 = arith.constant 144 : index
            %parallel_loop3A_412 = tpu.vector_load %arg9[%parallel_loop3A_410, %parallel_loop3A_411] {strides = array<i32>} : memref<224x256xf32, #tpu.memory_space<vmem>>, vector<1x16xf32>,
            %parallel_loop3A_413 = vector.shape_cast %parallel_loop3A_412 : vector<1x16xf32> to vector<16xf32>
            %parallel_loop3A_414 = arith.mulf %parallel_loop3A_403, %parallel_loop3A_413 : vector<16xf32>
            %parallel_loop3A_415 = arith.addf %parallel_loop3A_342, %parallel_loop3A_414 : vector<16xf32>
            %parallel_loop3A_416 = arith.index_cast %parallel_loop3A_355 : i32 to index
            %parallel_loop3A_417 = arith.constant 160 : index
            %parallel_loop3A_418 = tpu.vector_load %arg9[%parallel_loop3A_416, %parallel_loop3A_417] {strides = array<i32>} : memref<224x256xf32, #tpu.memory_space<vmem>>, vector<1x16xf32>,
            %parallel_loop3A_419 = vector.shape_cast %parallel_loop3A_418 : vector<1x16xf32> to vector<16xf32>
            %parallel_loop3A_420 = arith.mulf %parallel_loop3A_403, %parallel_loop3A_419 : vector<16xf32>
            %parallel_loop3A_421 = arith.addf %parallel_loop3A_343, %parallel_loop3A_420 : vector<16xf32>
            %parallel_loop3A_422 = arith.index_cast %parallel_loop3A_355 : i32 to index
            %parallel_loop3A_423 = arith.constant 176 : index
            %parallel_loop3A_424 = tpu.vector_load %arg9[%parallel_loop3A_422, %parallel_loop3A_423] {strides = array<i32>} : memref<224x256xf32, #tpu.memory_space<vmem>>, vector<1x16xf32>,
            %parallel_loop3A_425 = vector.shape_cast %parallel_loop3A_424 : vector<1x16xf32> to vector<16xf32>
            %parallel_loop3A_426 = arith.mulf %parallel_loop3A_403, %parallel_loop3A_425 : vector<16xf32>
            %parallel_loop3A_427 = arith.addf %parallel_loop3A_344, %parallel_loop3A_426 : vector<16xf32>
            %parallel_loop3A_428 = arith.index_cast %parallel_loop3A_355 : i32 to index
            %parallel_loop3A_429 = arith.constant 192 : index
            %parallel_loop3A_430 = tpu.vector_load %arg9[%parallel_loop3A_428, %parallel_loop3A_429] {strides = array<i32>} : memref<224x256xf32, #tpu.memory_space<vmem>>, vector<1x16xf32>,
            %parallel_loop3A_431 = vector.shape_cast %parallel_loop3A_430 : vector<1x16xf32> to vector<16xf32>
            %parallel_loop3A_432 = arith.mulf %parallel_loop3A_403, %parallel_loop3A_431 : vector<16xf32>
            %parallel_loop3A_433 = arith.addf %parallel_loop3A_345, %parallel_loop3A_432 : vector<16xf32>
            %parallel_loop3A_434 = arith.index_cast %parallel_loop3A_355 : i32 to index
            %parallel_loop3A_435 = arith.constant 208 : index
            %parallel_loop3A_436 = tpu.vector_load %arg9[%parallel_loop3A_434, %parallel_loop3A_435] {strides = array<i32>} : memref<224x256xf32, #tpu.memory_space<vmem>>, vector<1x16xf32>,
            %parallel_loop3A_437 = vector.shape_cast %parallel_loop3A_436 : vector<1x16xf32> to vector<16xf32>
            %parallel_loop3A_438 = arith.mulf %parallel_loop3A_403, %parallel_loop3A_437 : vector<16xf32>
            %parallel_loop3A_439 = arith.addf %parallel_loop3A_346, %parallel_loop3A_438 : vector<16xf32>
            %parallel_loop3A_440 = arith.index_cast %parallel_loop3A_355 : i32 to index
            %parallel_loop3A_441 = arith.constant 224 : index
            %parallel_loop3A_442 = tpu.vector_load %arg9[%parallel_loop3A_440, %parallel_loop3A_441] {strides = array<i32>} : memref<224x256xf32, #tpu.memory_space<vmem>>, vector<1x16xf32>,
            %parallel_loop3A_443 = vector.shape_cast %parallel_loop3A_442 : vector<1x16xf32> to vector<16xf32>
            %parallel_loop3A_444 = arith.mulf %parallel_loop3A_403, %parallel_loop3A_443 : vector<16xf32>
            %parallel_loop3A_445 = arith.addf %parallel_loop3A_347, %parallel_loop3A_444 : vector<16xf32>
            %parallel_loop3A_446 = arith.index_cast %parallel_loop3A_355 : i32 to index
            %parallel_loop3A_447 = arith.constant 240 : index
            %parallel_loop3A_448 = tpu.vector_load %arg9[%parallel_loop3A_446, %parallel_loop3A_447] {strides = array<i32>} : memref<224x256xf32, #tpu.memory_space<vmem>>, vector<1x16xf32>,
            %parallel_loop3A_449 = vector.shape_cast %parallel_loop3A_448 : vector<1x16xf32> to vector<16xf32>
            %parallel_loop3A_450 = arith.mulf %parallel_loop3A_403, %parallel_loop3A_449 : vector<16xf32>
            %parallel_loop3A_451 = arith.addf %parallel_loop3A_348, %parallel_loop3A_450 : vector<16xf32>
            %parallel_loop3A_452 = arith.addf %parallel_loop3A_340, %parallel_loop3A_403 : vector<16xf32>
            scf.yield %parallel_loop3A_452, %parallel_loop3A_409, %parallel_loop3A_415, %parallel_loop3A_421, %parallel_loop3A_427, %parallel_loop3A_433, %parallel_loop3A_439, %parallel_loop3A_445, %parallel_loop3A_451 : vector<16xf32>, vector<16xf32>, vector<16xf32>, vector<16xf32>, vector<16xf32>, vector<16xf32>, vector<16xf32>, vector<16xf32>, vector<16xf32>
          } {sc.loop_unroll_factor = 4 : i64, sc.parallel_access}
          %gt3A_283 = arith.constant 0.000000e+00 : f32
          %gt3A_284 = vector.broadcast %gt3A_283 : f32 to vector<16xf32>
          %gt3A_285 = arith.cmpf ogt, %parallel_loop3A_282#0, %gt3A_284 : vector<16xf32>
          %div3A_286 = arith.constant 1.000000e+00 : f32
          %div3A_287 = vector.broadcast %div3A_286 : f32 to vector<16xf32>
          %div3A_288 = arith.divf %div3A_287, %parallel_loop3A_282#0 : vector<16xf32>
          %jit3A_289 = arith.constant 0.000000e+00 : f32
          %broadcast_in_dim3A_290 = vector.broadcast %jit3A_289 : f32 to vector<16xf32>
          %select_n3A_291 = arith.select %gt3A_285, %div3A_288, %broadcast_in_dim3A_290 : vector<16xi1>, vector<16xf32>
          %mul3A_292 = arith.mulf %parallel_loop3A_282#1, %select_n3A_291 : vector<16xf32>
          %swap3A = arith.index_cast %while3A_220 : i32 to index
          %swap3A_293 = arith.constant 0 : index
          %swap3A_294 = tpu.vector_load %arg8[%swap3A, %swap3A_293] {strides = array<i32>} : memref<160x128xf32, #tpu.memory_space<vmem>>, vector<1x16xf32>,
          %swap3A_295 = vector.shape_cast %swap3A_294 : vector<1x16xf32> to vector<16xf32>
          %swap3A_296 = vector.shape_cast %mul3A_292 : vector<16xf32> to vector<1x16xf32>
          tpu.vector_store %arg8[%swap3A, %swap3A_293], %swap3A_296 {strides = array<i32>} : memref<160x128xf32, #tpu.memory_space<vmem>>, vector<1x16xf32>,
          %mul3A_297 = arith.mulf %parallel_loop3A_282#2, %select_n3A_291 : vector<16xf32>
          %swap3A_298 = arith.index_cast %while3A_220 : i32 to index
          %swap3A_299 = arith.constant 16 : index
          %swap3A_300 = tpu.vector_load %arg8[%swap3A_298, %swap3A_299] {strides = array<i32>} : memref<160x128xf32, #tpu.memory_space<vmem>>, vector<1x16xf32>,
          %swap3A_301 = vector.shape_cast %swap3A_300 : vector<1x16xf32> to vector<16xf32>
          %swap3A_302 = vector.shape_cast %mul3A_297 : vector<16xf32> to vector<1x16xf32>
          tpu.vector_store %arg8[%swap3A_298, %swap3A_299], %swap3A_302 {strides = array<i32>} : memref<160x128xf32, #tpu.memory_space<vmem>>, vector<1x16xf32>,
          %mul3A_303 = arith.mulf %parallel_loop3A_282#3, %select_n3A_291 : vector<16xf32>
          %swap3A_304 = arith.index_cast %while3A_220 : i32 to index
          %swap3A_305 = arith.constant 32 : index
          %swap3A_306 = tpu.vector_load %arg8[%swap3A_304, %swap3A_305] {strides = array<i32>} : memref<160x128xf32, #tpu.memory_space<vmem>>, vector<1x16xf32>,
          %swap3A_307 = vector.shape_cast %swap3A_306 : vector<1x16xf32> to vector<16xf32>
          %swap3A_308 = vector.shape_cast %mul3A_303 : vector<16xf32> to vector<1x16xf32>
          tpu.vector_store %arg8[%swap3A_304, %swap3A_305], %swap3A_308 {strides = array<i32>} : memref<160x128xf32, #tpu.memory_space<vmem>>, vector<1x16xf32>,
          %mul3A_309 = arith.mulf %parallel_loop3A_282#4, %select_n3A_291 : vector<16xf32>
          %swap3A_310 = arith.index_cast %while3A_220 : i32 to index
          %swap3A_311 = arith.constant 48 : index
          %swap3A_312 = tpu.vector_load %arg8[%swap3A_310, %swap3A_311] {strides = array<i32>} : memref<160x128xf32, #tpu.memory_space<vmem>>, vector<1x16xf32>,
          %swap3A_313 = vector.shape_cast %swap3A_312 : vector<1x16xf32> to vector<16xf32>
          %swap3A_314 = vector.shape_cast %mul3A_309 : vector<16xf32> to vector<1x16xf32>
          tpu.vector_store %arg8[%swap3A_310, %swap3A_311], %swap3A_314 {strides = array<i32>} : memref<160x128xf32, #tpu.memory_space<vmem>>, vector<1x16xf32>,
          %mul3A_315 = arith.mulf %parallel_loop3A_282#5, %select_n3A_291 : vector<16xf32>
          %swap3A_316 = arith.index_cast %while3A_220 : i32 to index
          %swap3A_317 = arith.constant 64 : index
          %swap3A_318 = tpu.vector_load %arg8[%swap3A_316, %swap3A_317] {strides = array<i32>} : memref<160x128xf32, #tpu.memory_space<vmem>>, vector<1x16xf32>,
          %swap3A_319 = vector.shape_cast %swap3A_318 : vector<1x16xf32> to vector<16xf32>
          %swap3A_320 = vector.shape_cast %mul3A_315 : vector<16xf32> to vector<1x16xf32>
          tpu.vector_store %arg8[%swap3A_316, %swap3A_317], %swap3A_320 {strides = array<i32>} : memref<160x128xf32, #tpu.memory_space<vmem>>, vector<1x16xf32>,
          %mul3A_321 = arith.mulf %parallel_loop3A_282#6, %select_n3A_291 : vector<16xf32>
          %swap3A_322 = arith.index_cast %while3A_220 : i32 to index
          %swap3A_323 = arith.constant 80 : index
          %swap3A_324 = tpu.vector_load %arg8[%swap3A_322, %swap3A_323] {strides = array<i32>} : memref<160x128xf32, #tpu.memory_space<vmem>>, vector<1x16xf32>,
          %swap3A_325 = vector.shape_cast %swap3A_324 : vector<1x16xf32> to vector<16xf32>
          %swap3A_326 = vector.shape_cast %mul3A_321 : vector<16xf32> to vector<1x16xf32>
          tpu.vector_store %arg8[%swap3A_322, %swap3A_323], %swap3A_326 {strides = array<i32>} : memref<160x128xf32, #tpu.memory_space<vmem>>, vector<1x16xf32>,
          %mul3A_327 = arith.mulf %parallel_loop3A_282#7, %select_n3A_291 : vector<16xf32>
          %swap3A_328 = arith.index_cast %while3A_220 : i32 to index
          %swap3A_329 = arith.constant 96 : index
          %swap3A_330 = tpu.vector_load %arg8[%swap3A_328, %swap3A_329] {strides = array<i32>} : memref<160x128xf32, #tpu.memory_space<vmem>>, vector<1x16xf32>,
          %swap3A_331 = vector.shape_cast %swap3A_330 : vector<1x16xf32> to vector<16xf32>
          %swap3A_332 = vector.shape_cast %mul3A_327 : vector<16xf32> to vector<1x16xf32>
          tpu.vector_store %arg8[%swap3A_328, %swap3A_329], %swap3A_332 {strides = array<i32>} : memref<160x128xf32, #tpu.memory_space<vmem>>, vector<1x16xf32>,
          %mul3A_333 = arith.mulf %parallel_loop3A_282#8, %select_n3A_291 : vector<16xf32>
          %swap3A_334 = arith.index_cast %while3A_220 : i32 to index
          %swap3A_335 = arith.constant 112 : index
          %swap3A_336 = tpu.vector_load %arg8[%swap3A_334, %swap3A_335] {strides = array<i32>} : memref<160x128xf32, #tpu.memory_space<vmem>>, vector<1x16xf32>,
          %swap3A_337 = vector.shape_cast %swap3A_336 : vector<1x16xf32> to vector<16xf32>
          %swap3A_338 = vector.shape_cast %mul3A_333 : vector<16xf32> to vector<1x16xf32>
          tpu.vector_store %arg8[%swap3A_334, %swap3A_335], %swap3A_338 {strides = array<i32>} : memref<160x128xf32, #tpu.memory_space<vmem>>, vector<1x16xf32>,
          scf.yield %broadcast_in_dim3A_3, %broadcast_in_dim3A_3, %broadcast_in_dim3A_3, %broadcast_in_dim3A_3, %broadcast_in_dim3A_3, %broadcast_in_dim3A_3, %broadcast_in_dim3A_3, %broadcast_in_dim3A_3, %broadcast_in_dim3A_3 : vector<16xf32>, vector<16xf32>, vector<16xf32>, vector<16xf32>, vector<16xf32>, vector<16xf32>, vector<16xf32>, vector<16xf32>, vector<16xf32>
        }
        %while3A_175 = arith.constant 1 : i32
        %while3A_176:9 = scf.for %while3A_220 = %while3A_172 to %while3A_168 step %while3A_175 iter_args(%while3A_221 = %while3A_174#0, %while3A_222 = %while3A_174#1, %while3A_223 = %while3A_174#2, %while3A_224 = %while3A_174#3, %while3A_225 = %while3A_174#4, %while3A_226 = %while3A_174#5, %while3A_227 = %while3A_174#6, %while3A_228 = %while3A_174#7, %while3A_229 = %while3A_174#8) -> (vector<16xf32>, vector<16xf32>, vector<16xf32>, vector<16xf32>, vector<16xf32>, vector<16xf32>, vector<16xf32>, vector<16xf32>, vector<16xf32>)  : i32 {
          %add3A_230 = arith.constant 0 : i32
          %add3A_231 = arith.addi %add3A_230, %while3A_220 : i32
          %get3A_232 = arith.index_cast %add3A_231 : i32 to index
          %get3A_233 = tpu.vector_load %arg12[%get3A_232] {strides = array<i32>} : memref<336xi32, #tpu.memory_space<vmem>>, vector<16xi32>,
          %get3A_234 = vector.shape_cast %get3A_233 : vector<16xi32> to vector<16xi32>
          %slice3A_235 = vector.extract_strided_slice %get3A_234 {offsets = [0], sizes = [1], strides = [1]} : vector<16xi32> to vector<1xi32>
          %squeeze3A_236 = vector.extract %slice3A_235[0] : i32 from vector<1xi32>
          %max3A_237 = arith.maxsi %squeeze3A_236, %max3A_148 : i32
          %add3A_238 = arith.constant 1 : i32
          %add3A_239 = arith.addi %while3A_220, %add3A_238 : i32
          %add3A_240 = arith.constant 0 : i32
          %add3A_241 = arith.addi %add3A_240, %add3A_239 : i32
          %get3A_242 = arith.index_cast %add3A_241 : i32 to index
          %get3A_243 = tpu.vector_load %arg12[%get3A_242] {strides = array<i32>} : memref<336xi32, #tpu.memory_space<vmem>>, vector<16xi32>,
          %get3A_244 = vector.shape_cast %get3A_243 : vector<16xi32> to vector<16xi32>
          %slice3A_245 = vector.extract_strided_slice %get3A_244 {offsets = [0], sizes = [1], strides = [1]} : vector<16xi32> to vector<1xi32>
          %squeeze3A_246 = vector.extract %slice3A_245[0] : i32 from vector<1xi32>
          %min3A_247 = arith.constant 159 : i32
          %min3A_248 = arith.minsi %while3A_220, %min3A_247 : i32
          %get3A_249 = arith.index_cast %min3A_248 : i32 to index
          %get3A_250 = arith.constant 0 : index
          %get3A_251 = tpu.vector_load %arg7[%get3A_249, %get3A_250] {strides = array<i32>} : memref<160x128xf32, #tpu.memory_space<vmem>>, vector<1x16xf32>,
          %get3A_252 = vector.shape_cast %get3A_251 : vector<1x16xf32> to vector<16xf32>
          %get3A_253 = arith.index_cast %min3A_248 : i32 to index
          %get3A_254 = arith.constant 16 : index
          %get3A_255 = tpu.vector_load %arg7[%get3A_253, %get3A_254] {strides = array<i32>} : memref<160x128xf32, #tpu.memory_space<vmem>>, vector<1x16xf32>,
          %get3A_256 = vector.shape_cast %get3A_255 : vector<1x16xf32> to vector<16xf32>
          %get3A_257 = arith.index_cast %min3A_248 : i32 to index
          %get3A_258 = arith.constant 32 : index
          %get3A_259 = tpu.vector_load %arg7[%get3A_257, %get3A_258] {strides = array<i32>} : memref<160x128xf32, #tpu.memory_space<vmem>>, vector<1x16xf32>,
          %get3A_260 = vector.shape_cast %get3A_259 : vector<1x16xf32> to vector<16xf32>
          %get3A_261 = arith.index_cast %min3A_248 : i32 to index
          %get3A_262 = arith.constant 48 : index
          %get3A_263 = tpu.vector_load %arg7[%get3A_261, %get3A_262] {strides = array<i32>} : memref<160x128xf32, #tpu.memory_space<vmem>>, vector<1x16xf32>,
          %get3A_264 = vector.shape_cast %get3A_263 : vector<1x16xf32> to vector<16xf32>
          %get3A_265 = arith.index_cast %min3A_248 : i32 to index
          %get3A_266 = arith.constant 64 : index
          %get3A_267 = tpu.vector_load %arg7[%get3A_265, %get3A_266] {strides = array<i32>} : memref<160x128xf32, #tpu.memory_space<vmem>>, vector<1x16xf32>,
          %get3A_268 = vector.shape_cast %get3A_267 : vector<1x16xf32> to vector<16xf32>
          %get3A_269 = arith.index_cast %min3A_248 : i32 to index
          %get3A_270 = arith.constant 80 : index
          %get3A_271 = tpu.vector_load %arg7[%get3A_269, %get3A_270] {strides = array<i32>} : memref<160x128xf32, #tpu.memory_space<vmem>>, vector<1x16xf32>,
          %get3A_272 = vector.shape_cast %get3A_271 : vector<1x16xf32> to vector<16xf32>
          %get3A_273 = arith.index_cast %min3A_248 : i32 to index
          %get3A_274 = arith.constant 96 : index
          %get3A_275 = tpu.vector_load %arg7[%get3A_273, %get3A_274] {strides = array<i32>} : memref<160x128xf32, #tpu.memory_space<vmem>>, vector<1x16xf32>,
          %get3A_276 = vector.shape_cast %get3A_275 : vector<1x16xf32> to vector<16xf32>
          %get3A_277 = arith.index_cast %min3A_248 : i32 to index
          %get3A_278 = arith.constant 112 : index
          %get3A_279 = tpu.vector_load %arg7[%get3A_277, %get3A_278] {strides = array<i32>} : memref<160x128xf32, #tpu.memory_space<vmem>>, vector<1x16xf32>,
          %get3A_280 = vector.shape_cast %get3A_279 : vector<1x16xf32> to vector<16xf32>
          %parallel_loop3A_281 = arith.constant 1 : i32
          %parallel_loop3A_282:9 = scf.for %parallel_loop3A_339 = %max3A_237 to %squeeze3A_246 step %parallel_loop3A_281 iter_args(%parallel_loop3A_340 = %while3A_221, %parallel_loop3A_341 = %while3A_222, %parallel_loop3A_342 = %while3A_223, %parallel_loop3A_343 = %while3A_224, %parallel_loop3A_344 = %while3A_225, %parallel_loop3A_345 = %while3A_226, %parallel_loop3A_346 = %while3A_227, %parallel_loop3A_347 = %while3A_228, %parallel_loop3A_348 = %while3A_229) -> (vector<16xf32>, vector<16xf32>, vector<16xf32>, vector<16xf32>, vector<16xf32>, vector<16xf32>, vector<16xf32>, vector<16xf32>, vector<16xf32>)  : i32 {
            %parallel_loop3A_349 = arith.subi %parallel_loop3A_339, %mul3A_147 : i32
            %parallel_loop3A_350 = arith.index_cast %parallel_loop3A_349 : i32 to index
            %parallel_loop3A_351 = tpu.vector_load %arg10[%parallel_loop3A_350] {strides = array<i32>} : memref<2064xi32, #tpu.memory_space<vmem>>, vector<16xi32>,
            %parallel_loop3A_352 = vector.shape_cast %parallel_loop3A_351 : vector<16xi32> to vector<16xi32>
            %parallel_loop3A_353 = vector.extract_strided_slice %parallel_loop3A_352 {offsets = [0], sizes = [1], strides = [1]} : vector<16xi32> to vector<1xi32>
            %parallel_loop3A_354 = vector.extract %parallel_loop3A_353[0] : i32 from vector<1xi32>
            %parallel_loop3A_355 = arith.subi %parallel_loop3A_354, %multiple_of3A : i32
            %parallel_loop3A_356 = arith.index_cast %parallel_loop3A_355 : i32 to index
            %parallel_loop3A_357 = arith.constant 0 : index
            %parallel_loop3A_358 = tpu.vector_load %arg9[%parallel_loop3A_356, %parallel_loop3A_357] {strides = array<i32>} : memref<224x256xf32, #tpu.memory_space<vmem>>, vector<1x16xf32>,
            %parallel_loop3A_359 = vector.shape_cast %parallel_loop3A_358 : vector<1x16xf32> to vector<16xf32>
            %parallel_loop3A_360 = arith.mulf %get3A_252, %parallel_loop3A_359 : vector<16xf32>
            %parallel_loop3A_361 = arith.index_cast %parallel_loop3A_355 : i32 to index
            %parallel_loop3A_362 = arith.constant 16 : index
            %parallel_loop3A_363 = tpu.vector_load %arg9[%parallel_loop3A_361, %parallel_loop3A_362] {strides = array<i32>} : memref<224x256xf32, #tpu.memory_space<vmem>>, vector<1x16xf32>,
            %parallel_loop3A_364 = vector.shape_cast %parallel_loop3A_363 : vector<1x16xf32> to vector<16xf32>
            %parallel_loop3A_365 = arith.mulf %get3A_256, %parallel_loop3A_364 : vector<16xf32>
            %parallel_loop3A_366 = arith.addf %parallel_loop3A_360, %parallel_loop3A_365 : vector<16xf32>
            %parallel_loop3A_367 = arith.index_cast %parallel_loop3A_355 : i32 to index
            %parallel_loop3A_368 = arith.constant 32 : index
            %parallel_loop3A_369 = tpu.vector_load %arg9[%parallel_loop3A_367, %parallel_loop3A_368] {strides = array<i32>} : memref<224x256xf32, #tpu.memory_space<vmem>>, vector<1x16xf32>,
            %parallel_loop3A_370 = vector.shape_cast %parallel_loop3A_369 : vector<1x16xf32> to vector<16xf32>
            %parallel_loop3A_371 = arith.mulf %get3A_260, %parallel_loop3A_370 : vector<16xf32>
            %parallel_loop3A_372 = arith.addf %parallel_loop3A_366, %parallel_loop3A_371 : vector<16xf32>
            %parallel_loop3A_373 = arith.index_cast %parallel_loop3A_355 : i32 to index
            %parallel_loop3A_374 = arith.constant 48 : index
            %parallel_loop3A_375 = tpu.vector_load %arg9[%parallel_loop3A_373, %parallel_loop3A_374] {strides = array<i32>} : memref<224x256xf32, #tpu.memory_space<vmem>>, vector<1x16xf32>,
            %parallel_loop3A_376 = vector.shape_cast %parallel_loop3A_375 : vector<1x16xf32> to vector<16xf32>
            %parallel_loop3A_377 = arith.mulf %get3A_264, %parallel_loop3A_376 : vector<16xf32>
            %parallel_loop3A_378 = arith.addf %parallel_loop3A_372, %parallel_loop3A_377 : vector<16xf32>
            %parallel_loop3A_379 = arith.index_cast %parallel_loop3A_355 : i32 to index
            %parallel_loop3A_380 = arith.constant 64 : index
            %parallel_loop3A_381 = tpu.vector_load %arg9[%parallel_loop3A_379, %parallel_loop3A_380] {strides = array<i32>} : memref<224x256xf32, #tpu.memory_space<vmem>>, vector<1x16xf32>,
            %parallel_loop3A_382 = vector.shape_cast %parallel_loop3A_381 : vector<1x16xf32> to vector<16xf32>
            %parallel_loop3A_383 = arith.mulf %get3A_268, %parallel_loop3A_382 : vector<16xf32>
            %parallel_loop3A_384 = arith.addf %parallel_loop3A_378, %parallel_loop3A_383 : vector<16xf32>
            %parallel_loop3A_385 = arith.index_cast %parallel_loop3A_355 : i32 to index
            %parallel_loop3A_386 = arith.constant 80 : index
            %parallel_loop3A_387 = tpu.vector_load %arg9[%parallel_loop3A_385, %parallel_loop3A_386] {strides = array<i32>} : memref<224x256xf32, #tpu.memory_space<vmem>>, vector<1x16xf32>,
            %parallel_loop3A_388 = vector.shape_cast %parallel_loop3A_387 : vector<1x16xf32> to vector<16xf32>
            %parallel_loop3A_389 = arith.mulf %get3A_272, %parallel_loop3A_388 : vector<16xf32>
            %parallel_loop3A_390 = arith.addf %parallel_loop3A_384, %parallel_loop3A_389 : vector<16xf32>
            %parallel_loop3A_391 = arith.index_cast %parallel_loop3A_355 : i32 to index
            %parallel_loop3A_392 = arith.constant 96 : index
            %parallel_loop3A_393 = tpu.vector_load %arg9[%parallel_loop3A_391, %parallel_loop3A_392] {strides = array<i32>} : memref<224x256xf32, #tpu.memory_space<vmem>>, vector<1x16xf32>,
            %parallel_loop3A_394 = vector.shape_cast %parallel_loop3A_393 : vector<1x16xf32> to vector<16xf32>
            %parallel_loop3A_395 = arith.mulf %get3A_276, %parallel_loop3A_394 : vector<16xf32>
            %parallel_loop3A_396 = arith.addf %parallel_loop3A_390, %parallel_loop3A_395 : vector<16xf32>
            %parallel_loop3A_397 = arith.index_cast %parallel_loop3A_355 : i32 to index
            %parallel_loop3A_398 = arith.constant 112 : index
            %parallel_loop3A_399 = tpu.vector_load %arg9[%parallel_loop3A_397, %parallel_loop3A_398] {strides = array<i32>} : memref<224x256xf32, #tpu.memory_space<vmem>>, vector<1x16xf32>,
            %parallel_loop3A_400 = vector.shape_cast %parallel_loop3A_399 : vector<1x16xf32> to vector<16xf32>
            %parallel_loop3A_401 = arith.mulf %get3A_280, %parallel_loop3A_400 : vector<16xf32>
            %parallel_loop3A_402 = arith.addf %parallel_loop3A_396, %parallel_loop3A_401 : vector<16xf32>
            %parallel_loop3A_403 = math.exp %parallel_loop3A_402 : vector<16xf32>
            %parallel_loop3A_404 = arith.index_cast %parallel_loop3A_355 : i32 to index
            %parallel_loop3A_405 = arith.constant 128 : index
            %parallel_loop3A_406 = tpu.vector_load %arg9[%parallel_loop3A_404, %parallel_loop3A_405] {strides = array<i32>} : memref<224x256xf32, #tpu.memory_space<vmem>>, vector<1x16xf32>,
            %parallel_loop3A_407 = vector.shape_cast %parallel_loop3A_406 : vector<1x16xf32> to vector<16xf32>
            %parallel_loop3A_408 = arith.mulf %parallel_loop3A_403, %parallel_loop3A_407 : vector<16xf32>
            %parallel_loop3A_409 = arith.addf %parallel_loop3A_341, %parallel_loop3A_408 : vector<16xf32>
            %parallel_loop3A_410 = arith.index_cast %parallel_loop3A_355 : i32 to index
            %parallel_loop3A_411 = arith.constant 144 : index
            %parallel_loop3A_412 = tpu.vector_load %arg9[%parallel_loop3A_410, %parallel_loop3A_411] {strides = array<i32>} : memref<224x256xf32, #tpu.memory_space<vmem>>, vector<1x16xf32>,
            %parallel_loop3A_413 = vector.shape_cast %parallel_loop3A_412 : vector<1x16xf32> to vector<16xf32>
            %parallel_loop3A_414 = arith.mulf %parallel_loop3A_403, %parallel_loop3A_413 : vector<16xf32>
            %parallel_loop3A_415 = arith.addf %parallel_loop3A_342, %parallel_loop3A_414 : vector<16xf32>
            %parallel_loop3A_416 = arith.index_cast %parallel_loop3A_355 : i32 to index
            %parallel_loop3A_417 = arith.constant 160 : index
            %parallel_loop3A_418 = tpu.vector_load %arg9[%parallel_loop3A_416, %parallel_loop3A_417] {strides = array<i32>} : memref<224x256xf32, #tpu.memory_space<vmem>>, vector<1x16xf32>,
            %parallel_loop3A_419 = vector.shape_cast %parallel_loop3A_418 : vector<1x16xf32> to vector<16xf32>
            %parallel_loop3A_420 = arith.mulf %parallel_loop3A_403, %parallel_loop3A_419 : vector<16xf32>
            %parallel_loop3A_421 = arith.addf %parallel_loop3A_343, %parallel_loop3A_420 : vector<16xf32>
            %parallel_loop3A_422 = arith.index_cast %parallel_loop3A_355 : i32 to index
            %parallel_loop3A_423 = arith.constant 176 : index
            %parallel_loop3A_424 = tpu.vector_load %arg9[%parallel_loop3A_422, %parallel_loop3A_423] {strides = array<i32>} : memref<224x256xf32, #tpu.memory_space<vmem>>, vector<1x16xf32>,
            %parallel_loop3A_425 = vector.shape_cast %parallel_loop3A_424 : vector<1x16xf32> to vector<16xf32>
            %parallel_loop3A_426 = arith.mulf %parallel_loop3A_403, %parallel_loop3A_425 : vector<16xf32>
            %parallel_loop3A_427 = arith.addf %parallel_loop3A_344, %parallel_loop3A_426 : vector<16xf32>
            %parallel_loop3A_428 = arith.index_cast %parallel_loop3A_355 : i32 to index
            %parallel_loop3A_429 = arith.constant 192 : index
            %parallel_loop3A_430 = tpu.vector_load %arg9[%parallel_loop3A_428, %parallel_loop3A_429] {strides = array<i32>} : memref<224x256xf32, #tpu.memory_space<vmem>>, vector<1x16xf32>,
            %parallel_loop3A_431 = vector.shape_cast %parallel_loop3A_430 : vector<1x16xf32> to vector<16xf32>
            %parallel_loop3A_432 = arith.mulf %parallel_loop3A_403, %parallel_loop3A_431 : vector<16xf32>
            %parallel_loop3A_433 = arith.addf %parallel_loop3A_345, %parallel_loop3A_432 : vector<16xf32>
            %parallel_loop3A_434 = arith.index_cast %parallel_loop3A_355 : i32 to index
            %parallel_loop3A_435 = arith.constant 208 : index
            %parallel_loop3A_436 = tpu.vector_load %arg9[%parallel_loop3A_434, %parallel_loop3A_435] {strides = array<i32>} : memref<224x256xf32, #tpu.memory_space<vmem>>, vector<1x16xf32>,
            %parallel_loop3A_437 = vector.shape_cast %parallel_loop3A_436 : vector<1x16xf32> to vector<16xf32>
            %parallel_loop3A_438 = arith.mulf %parallel_loop3A_403, %parallel_loop3A_437 : vector<16xf32>
            %parallel_loop3A_439 = arith.addf %parallel_loop3A_346, %parallel_loop3A_438 : vector<16xf32>
            %parallel_loop3A_440 = arith.index_cast %parallel_loop3A_355 : i32 to index
            %parallel_loop3A_441 = arith.constant 224 : index
            %parallel_loop3A_442 = tpu.vector_load %arg9[%parallel_loop3A_440, %parallel_loop3A_441] {strides = array<i32>} : memref<224x256xf32, #tpu.memory_space<vmem>>, vector<1x16xf32>,
            %parallel_loop3A_443 = vector.shape_cast %parallel_loop3A_442 : vector<1x16xf32> to vector<16xf32>
            %parallel_loop3A_444 = arith.mulf %parallel_loop3A_403, %parallel_loop3A_443 : vector<16xf32>
            %parallel_loop3A_445 = arith.addf %parallel_loop3A_347, %parallel_loop3A_444 : vector<16xf32>
            %parallel_loop3A_446 = arith.index_cast %parallel_loop3A_355 : i32 to index
            %parallel_loop3A_447 = arith.constant 240 : index
            %parallel_loop3A_448 = tpu.vector_load %arg9[%parallel_loop3A_446, %parallel_loop3A_447] {strides = array<i32>} : memref<224x256xf32, #tpu.memory_space<vmem>>, vector<1x16xf32>,
            %parallel_loop3A_449 = vector.shape_cast %parallel_loop3A_448 : vector<1x16xf32> to vector<16xf32>
            %parallel_loop3A_450 = arith.mulf %parallel_loop3A_403, %parallel_loop3A_449 : vector<16xf32>
            %parallel_loop3A_451 = arith.addf %parallel_loop3A_348, %parallel_loop3A_450 : vector<16xf32>
            %parallel_loop3A_452 = arith.addf %parallel_loop3A_340, %parallel_loop3A_403 : vector<16xf32>
            scf.yield %parallel_loop3A_452, %parallel_loop3A_409, %parallel_loop3A_415, %parallel_loop3A_421, %parallel_loop3A_427, %parallel_loop3A_433, %parallel_loop3A_439, %parallel_loop3A_445, %parallel_loop3A_451 : vector<16xf32>, vector<16xf32>, vector<16xf32>, vector<16xf32>, vector<16xf32>, vector<16xf32>, vector<16xf32>, vector<16xf32>, vector<16xf32>
          } {sc.loop_unroll_factor = 4 : i64, sc.parallel_access}
          %gt3A_283 = arith.constant 0.000000e+00 : f32
          %gt3A_284 = vector.broadcast %gt3A_283 : f32 to vector<16xf32>
          %gt3A_285 = arith.cmpf ogt, %parallel_loop3A_282#0, %gt3A_284 : vector<16xf32>
          %div3A_286 = arith.constant 1.000000e+00 : f32
          %div3A_287 = vector.broadcast %div3A_286 : f32 to vector<16xf32>
          %div3A_288 = arith.divf %div3A_287, %parallel_loop3A_282#0 : vector<16xf32>
          %jit3A_289 = arith.constant 0.000000e+00 : f32
          %broadcast_in_dim3A_290 = vector.broadcast %jit3A_289 : f32 to vector<16xf32>
          %select_n3A_291 = arith.select %gt3A_285, %div3A_288, %broadcast_in_dim3A_290 : vector<16xi1>, vector<16xf32>
          %mul3A_292 = arith.mulf %parallel_loop3A_282#1, %select_n3A_291 : vector<16xf32>
          %swap3A = arith.index_cast %while3A_220 : i32 to index
          %swap3A_293 = arith.constant 0 : index
          %swap3A_294 = tpu.vector_load %arg8[%swap3A, %swap3A_293] {strides = array<i32>} : memref<160x128xf32, #tpu.memory_space<vmem>>, vector<1x16xf32>,
          %swap3A_295 = vector.shape_cast %swap3A_294 : vector<1x16xf32> to vector<16xf32>
          %swap3A_296 = vector.shape_cast %mul3A_292 : vector<16xf32> to vector<1x16xf32>
          tpu.vector_store %arg8[%swap3A, %swap3A_293], %swap3A_296 {strides = array<i32>} : memref<160x128xf32, #tpu.memory_space<vmem>>, vector<1x16xf32>,
          %mul3A_297 = arith.mulf %parallel_loop3A_282#2, %select_n3A_291 : vector<16xf32>
          %swap3A_298 = arith.index_cast %while3A_220 : i32 to index
          %swap3A_299 = arith.constant 16 : index
          %swap3A_300 = tpu.vector_load %arg8[%swap3A_298, %swap3A_299] {strides = array<i32>} : memref<160x128xf32, #tpu.memory_space<vmem>>, vector<1x16xf32>,
          %swap3A_301 = vector.shape_cast %swap3A_300 : vector<1x16xf32> to vector<16xf32>
          %swap3A_302 = vector.shape_cast %mul3A_297 : vector<16xf32> to vector<1x16xf32>
          tpu.vector_store %arg8[%swap3A_298, %swap3A_299], %swap3A_302 {strides = array<i32>} : memref<160x128xf32, #tpu.memory_space<vmem>>, vector<1x16xf32>,
          %mul3A_303 = arith.mulf %parallel_loop3A_282#3, %select_n3A_291 : vector<16xf32>
          %swap3A_304 = arith.index_cast %while3A_220 : i32 to index
          %swap3A_305 = arith.constant 32 : index
          %swap3A_306 = tpu.vector_load %arg8[%swap3A_304, %swap3A_305] {strides = array<i32>} : memref<160x128xf32, #tpu.memory_space<vmem>>, vector<1x16xf32>,
          %swap3A_307 = vector.shape_cast %swap3A_306 : vector<1x16xf32> to vector<16xf32>
          %swap3A_308 = vector.shape_cast %mul3A_303 : vector<16xf32> to vector<1x16xf32>
          tpu.vector_store %arg8[%swap3A_304, %swap3A_305], %swap3A_308 {strides = array<i32>} : memref<160x128xf32, #tpu.memory_space<vmem>>, vector<1x16xf32>,
          %mul3A_309 = arith.mulf %parallel_loop3A_282#4, %select_n3A_291 : vector<16xf32>
          %swap3A_310 = arith.index_cast %while3A_220 : i32 to index
          %swap3A_311 = arith.constant 48 : index
          %swap3A_312 = tpu.vector_load %arg8[%swap3A_310, %swap3A_311] {strides = array<i32>} : memref<160x128xf32, #tpu.memory_space<vmem>>, vector<1x16xf32>,
          %swap3A_313 = vector.shape_cast %swap3A_312 : vector<1x16xf32> to vector<16xf32>
          %swap3A_314 = vector.shape_cast %mul3A_309 : vector<16xf32> to vector<1x16xf32>
          tpu.vector_store %arg8[%swap3A_310, %swap3A_311], %swap3A_314 {strides = array<i32>} : memref<160x128xf32, #tpu.memory_space<vmem>>, vector<1x16xf32>,
          %mul3A_315 = arith.mulf %parallel_loop3A_282#5, %select_n3A_291 : vector<16xf32>
          %swap3A_316 = arith.index_cast %while3A_220 : i32 to index
          %swap3A_317 = arith.constant 64 : index
          %swap3A_318 = tpu.vector_load %arg8[%swap3A_316, %swap3A_317] {strides = array<i32>} : memref<160x128xf32, #tpu.memory_space<vmem>>, vector<1x16xf32>,
          %swap3A_319 = vector.shape_cast %swap3A_318 : vector<1x16xf32> to vector<16xf32>
          %swap3A_320 = vector.shape_cast %mul3A_315 : vector<16xf32> to vector<1x16xf32>
          tpu.vector_store %arg8[%swap3A_316, %swap3A_317], %swap3A_320 {strides = array<i32>} : memref<160x128xf32, #tpu.memory_space<vmem>>, vector<1x16xf32>,
          %mul3A_321 = arith.mulf %parallel_loop3A_282#6, %select_n3A_291 : vector<16xf32>
          %swap3A_322 = arith.index_cast %while3A_220 : i32 to index
          %swap3A_323 = arith.constant 80 : index
          %swap3A_324 = tpu.vector_load %arg8[%swap3A_322, %swap3A_323] {strides = array<i32>} : memref<160x128xf32, #tpu.memory_space<vmem>>, vector<1x16xf32>,
          %swap3A_325 = vector.shape_cast %swap3A_324 : vector<1x16xf32> to vector<16xf32>
          %swap3A_326 = vector.shape_cast %mul3A_321 : vector<16xf32> to vector<1x16xf32>
          tpu.vector_store %arg8[%swap3A_322, %swap3A_323], %swap3A_326 {strides = array<i32>} : memref<160x128xf32, #tpu.memory_space<vmem>>, vector<1x16xf32>,
          %mul3A_327 = arith.mulf %parallel_loop3A_282#7, %select_n3A_291 : vector<16xf32>
          %swap3A_328 = arith.index_cast %while3A_220 : i32 to index
          %swap3A_329 = arith.constant 96 : index
          %swap3A_330 = tpu.vector_load %arg8[%swap3A_328, %swap3A_329] {strides = array<i32>} : memref<160x128xf32, #tpu.memory_space<vmem>>, vector<1x16xf32>,
          %swap3A_331 = vector.shape_cast %swap3A_330 : vector<1x16xf32> to vector<16xf32>
          %swap3A_332 = vector.shape_cast %mul3A_327 : vector<16xf32> to vector<1x16xf32>
          tpu.vector_store %arg8[%swap3A_328, %swap3A_329], %swap3A_332 {strides = array<i32>} : memref<160x128xf32, #tpu.memory_space<vmem>>, vector<1x16xf32>,
          %mul3A_333 = arith.mulf %parallel_loop3A_282#8, %select_n3A_291 : vector<16xf32>
          %swap3A_334 = arith.index_cast %while3A_220 : i32 to index
          %swap3A_335 = arith.constant 112 : index
          %swap3A_336 = tpu.vector_load %arg8[%swap3A_334, %swap3A_335] {strides = array<i32>} : memref<160x128xf32, #tpu.memory_space<vmem>>, vector<1x16xf32>,
          %swap3A_337 = vector.shape_cast %swap3A_336 : vector<1x16xf32> to vector<16xf32>
          %swap3A_338 = vector.shape_cast %mul3A_333 : vector<16xf32> to vector<1x16xf32>
          tpu.vector_store %arg8[%swap3A_334, %swap3A_335], %swap3A_338 {strides = array<i32>} : memref<160x128xf32, #tpu.memory_space<vmem>>, vector<1x16xf32>,
          scf.yield %broadcast_in_dim3A_3, %broadcast_in_dim3A_3, %broadcast_in_dim3A_3, %broadcast_in_dim3A_3, %broadcast_in_dim3A_3, %broadcast_in_dim3A_3, %broadcast_in_dim3A_3, %broadcast_in_dim3A_3, %broadcast_in_dim3A_3 : vector<16xf32>, vector<16xf32>, vector<16xf32>, vector<16xf32>, vector<16xf32>, vector<16xf32>, vector<16xf32>, vector<16xf32>, vector<16xf32>
        }
        %add3A_177 = arith.constant 0 : i32
        %add3A_178 = arith.addi %add3A_177, %min3A_166 : i32
        %get3A_179 = arith.index_cast %add3A_178 : i32 to index
        %get3A_180 = tpu.vector_load %arg12[%get3A_179] {strides = array<i32>} : memref<336xi32, #tpu.memory_space<vmem>>, vector<16xi32>,
        %get3A_181 = vector.shape_cast %get3A_180 : vector<16xi32> to vector<16xi32>
        %slice3A_182 = vector.extract_strided_slice %get3A_181 {offsets = [0], sizes = [1], strides = [1]} : vector<16xi32> to vector<1xi32>
        %squeeze3A_183 = vector.extract %slice3A_182[0] : i32 from vector<1xi32>
        %max3A_184 = arith.maxsi %squeeze3A_183, %max3A_148 : i32
        %min3A_185 = arith.constant 159 : i32
        %min3A_186 = arith.minsi %min3A_166, %min3A_185 : i32
        %get3A_187 = arith.index_cast %min3A_186 : i32 to index
        %get3A_188 = arith.constant 0 : index
        %get3A_189 = tpu.vector_load %arg7[%get3A_187, %get3A_188] {strides = array<i32>} : memref<160x128xf32, #tpu.memory_space<vmem>>, vector<1x16xf32>,
        %get3A_190 = vector.shape_cast %get3A_189 : vector<1x16xf32> to vector<16xf32>
        %get3A_191 = arith.index_cast %min3A_186 : i32 to index
        %get3A_192 = arith.constant 16 : index
        %get3A_193 = tpu.vector_load %arg7[%get3A_191, %get3A_192] {strides = array<i32>} : memref<160x128xf32, #tpu.memory_space<vmem>>, vector<1x16xf32>,
        %get3A_194 = vector.shape_cast %get3A_193 : vector<1x16xf32> to vector<16xf32>
        %get3A_195 = arith.index_cast %min3A_186 : i32 to index
        %get3A_196 = arith.constant 32 : index
        %get3A_197 = tpu.vector_load %arg7[%get3A_195, %get3A_196] {strides = array<i32>} : memref<160x128xf32, #tpu.memory_space<vmem>>, vector<1x16xf32>,
        %get3A_198 = vector.shape_cast %get3A_197 : vector<1x16xf32> to vector<16xf32>
        %get3A_199 = arith.index_cast %min3A_186 : i32 to index
        %get3A_200 = arith.constant 48 : index
        %get3A_201 = tpu.vector_load %arg7[%get3A_199, %get3A_200] {strides = array<i32>} : memref<160x128xf32, #tpu.memory_space<vmem>>, vector<1x16xf32>,
        %get3A_202 = vector.shape_cast %get3A_201 : vector<1x16xf32> to vector<16xf32>
        %get3A_203 = arith.index_cast %min3A_186 : i32 to index
        %get3A_204 = arith.constant 64 : index
        %get3A_205 = tpu.vector_load %arg7[%get3A_203, %get3A_204] {strides = array<i32>} : memref<160x128xf32, #tpu.memory_space<vmem>>, vector<1x16xf32>,
        %get3A_206 = vector.shape_cast %get3A_205 : vector<1x16xf32> to vector<16xf32>
        %get3A_207 = arith.index_cast %min3A_186 : i32 to index
        %get3A_208 = arith.constant 80 : index
        %get3A_209 = tpu.vector_load %arg7[%get3A_207, %get3A_208] {strides = array<i32>} : memref<160x128xf32, #tpu.memory_space<vmem>>, vector<1x16xf32>,
        %get3A_210 = vector.shape_cast %get3A_209 : vector<1x16xf32> to vector<16xf32>
        %get3A_211 = arith.index_cast %min3A_186 : i32 to index
        %get3A_212 = arith.constant 96 : index
        %get3A_213 = tpu.vector_load %arg7[%get3A_211, %get3A_212] {strides = array<i32>} : memref<160x128xf32, #tpu.memory_space<vmem>>, vector<1x16xf32>,
        %get3A_214 = vector.shape_cast %get3A_213 : vector<1x16xf32> to vector<16xf32>
        %get3A_215 = arith.index_cast %min3A_186 : i32 to index
        %get3A_216 = arith.constant 112 : index
        %get3A_217 = tpu.vector_load %arg7[%get3A_215, %get3A_216] {strides = array<i32>} : memref<160x128xf32, #tpu.memory_space<vmem>>, vector<1x16xf32>,
        %get3A_218 = vector.shape_cast %get3A_217 : vector<1x16xf32> to vector<16xf32>
        %parallel_loop3A = arith.constant 1 : i32
        %parallel_loop3A_219:9 = scf.for %parallel_loop3A_220 = %max3A_184 to %min3A_151 step %parallel_loop3A iter_args(%parallel_loop3A_221 = %while3A_176#0, %parallel_loop3A_222 = %while3A_176#1, %parallel_loop3A_223 = %while3A_176#2, %parallel_loop3A_224 = %while3A_176#3, %parallel_loop3A_225 = %while3A_176#4, %parallel_loop3A_226 = %while3A_176#5, %parallel_loop3A_227 = %while3A_176#6, %parallel_loop3A_228 = %while3A_176#7, %parallel_loop3A_229 = %while3A_176#8) -> (vector<16xf32>, vector<16xf32>, vector<16xf32>, vector<16xf32>, vector<16xf32>, vector<16xf32>, vector<16xf32>, vector<16xf32>, vector<16xf32>)  : i32 {
          %parallel_loop3A_230 = arith.subi %parallel_loop3A_220, %mul3A_147 : i32
          %parallel_loop3A_231 = arith.index_cast %parallel_loop3A_230 : i32 to index
          %parallel_loop3A_232 = tpu.vector_load %arg10[%parallel_loop3A_231] {strides = array<i32>} : memref<2064xi32, #tpu.memory_space<vmem>>, vector<16xi32>,
          %parallel_loop3A_233 = vector.shape_cast %parallel_loop3A_232 : vector<16xi32> to vector<16xi32>
          %parallel_loop3A_234 = vector.extract_strided_slice %parallel_loop3A_233 {offsets = [0], sizes = [1], strides = [1]} : vector<16xi32> to vector<1xi32>
          %parallel_loop3A_235 = vector.extract %parallel_loop3A_234[0] : i32 from vector<1xi32>
          %parallel_loop3A_236 = arith.subi %parallel_loop3A_235, %multiple_of3A : i32
          %parallel_loop3A_237 = arith.index_cast %parallel_loop3A_236 : i32 to index
          %parallel_loop3A_238 = arith.constant 0 : index
          %parallel_loop3A_239 = tpu.vector_load %arg9[%parallel_loop3A_237, %parallel_loop3A_238] {strides = array<i32>} : memref<224x256xf32, #tpu.memory_space<vmem>>, vector<1x16xf32>,
          %parallel_loop3A_240 = vector.shape_cast %parallel_loop3A_239 : vector<1x16xf32> to vector<16xf32>
          %parallel_loop3A_241 = arith.mulf %get3A_190, %parallel_loop3A_240 : vector<16xf32>
          %parallel_loop3A_242 = arith.index_cast %parallel_loop3A_236 : i32 to index
          %parallel_loop3A_243 = arith.constant 16 : index
          %parallel_loop3A_244 = tpu.vector_load %arg9[%parallel_loop3A_242, %parallel_loop3A_243] {strides = array<i32>} : memref<224x256xf32, #tpu.memory_space<vmem>>, vector<1x16xf32>,
          %parallel_loop3A_245 = vector.shape_cast %parallel_loop3A_244 : vector<1x16xf32> to vector<16xf32>
          %parallel_loop3A_246 = arith.mulf %get3A_194, %parallel_loop3A_245 : vector<16xf32>
          %parallel_loop3A_247 = arith.addf %parallel_loop3A_241, %parallel_loop3A_246 : vector<16xf32>
          %parallel_loop3A_248 = arith.index_cast %parallel_loop3A_236 : i32 to index
          %parallel_loop3A_249 = arith.constant 32 : index
          %parallel_loop3A_250 = tpu.vector_load %arg9[%parallel_loop3A_248, %parallel_loop3A_249] {strides = array<i32>} : memref<224x256xf32, #tpu.memory_space<vmem>>, vector<1x16xf32>,
          %parallel_loop3A_251 = vector.shape_cast %parallel_loop3A_250 : vector<1x16xf32> to vector<16xf32>
          %parallel_loop3A_252 = arith.mulf %get3A_198, %parallel_loop3A_251 : vector<16xf32>
          %parallel_loop3A_253 = arith.addf %parallel_loop3A_247, %parallel_loop3A_252 : vector<16xf32>
          %parallel_loop3A_254 = arith.index_cast %parallel_loop3A_236 : i32 to index
          %parallel_loop3A_255 = arith.constant 48 : index
          %parallel_loop3A_256 = tpu.vector_load %arg9[%parallel_loop3A_254, %parallel_loop3A_255] {strides = array<i32>} : memref<224x256xf32, #tpu.memory_space<vmem>>, vector<1x16xf32>,
          %parallel_loop3A_257 = vector.shape_cast %parallel_loop3A_256 : vector<1x16xf32> to vector<16xf32>
          %parallel_loop3A_258 = arith.mulf %get3A_202, %parallel_loop3A_257 : vector<16xf32>
          %parallel_loop3A_259 = arith.addf %parallel_loop3A_253, %parallel_loop3A_258 : vector<16xf32>
          %parallel_loop3A_260 = arith.index_cast %parallel_loop3A_236 : i32 to index
          %parallel_loop3A_261 = arith.constant 64 : index
          %parallel_loop3A_262 = tpu.vector_load %arg9[%parallel_loop3A_260, %parallel_loop3A_261] {strides = array<i32>} : memref<224x256xf32, #tpu.memory_space<vmem>>, vector<1x16xf32>,
          %parallel_loop3A_263 = vector.shape_cast %parallel_loop3A_262 : vector<1x16xf32> to vector<16xf32>
          %parallel_loop3A_264 = arith.mulf %get3A_206, %parallel_loop3A_263 : vector<16xf32>
          %parallel_loop3A_265 = arith.addf %parallel_loop3A_259, %parallel_loop3A_264 : vector<16xf32>
          %parallel_loop3A_266 = arith.index_cast %parallel_loop3A_236 : i32 to index
          %parallel_loop3A_267 = arith.constant 80 : index
          %parallel_loop3A_268 = tpu.vector_load %arg9[%parallel_loop3A_266, %parallel_loop3A_267] {strides = array<i32>} : memref<224x256xf32, #tpu.memory_space<vmem>>, vector<1x16xf32>,
          %parallel_loop3A_269 = vector.shape_cast %parallel_loop3A_268 : vector<1x16xf32> to vector<16xf32>
          %parallel_loop3A_270 = arith.mulf %get3A_210, %parallel_loop3A_269 : vector<16xf32>
          %parallel_loop3A_271 = arith.addf %parallel_loop3A_265, %parallel_loop3A_270 : vector<16xf32>
          %parallel_loop3A_272 = arith.index_cast %parallel_loop3A_236 : i32 to index
          %parallel_loop3A_273 = arith.constant 96 : index
          %parallel_loop3A_274 = tpu.vector_load %arg9[%parallel_loop3A_272, %parallel_loop3A_273] {strides = array<i32>} : memref<224x256xf32, #tpu.memory_space<vmem>>, vector<1x16xf32>,
          %parallel_loop3A_275 = vector.shape_cast %parallel_loop3A_274 : vector<1x16xf32> to vector<16xf32>
          %parallel_loop3A_276 = arith.mulf %get3A_214, %parallel_loop3A_275 : vector<16xf32>
          %parallel_loop3A_277 = arith.addf %parallel_loop3A_271, %parallel_loop3A_276 : vector<16xf32>
          %parallel_loop3A_278 = arith.index_cast %parallel_loop3A_236 : i32 to index
          %parallel_loop3A_279 = arith.constant 112 : index
          %parallel_loop3A_280 = tpu.vector_load %arg9[%parallel_loop3A_278, %parallel_loop3A_279] {strides = array<i32>} : memref<224x256xf32, #tpu.memory_space<vmem>>, vector<1x16xf32>,
          %parallel_loop3A_281 = vector.shape_cast %parallel_loop3A_280 : vector<1x16xf32> to vector<16xf32>
          %parallel_loop3A_282 = arith.mulf %get3A_218, %parallel_loop3A_281 : vector<16xf32>
          %parallel_loop3A_283 = arith.addf %parallel_loop3A_277, %parallel_loop3A_282 : vector<16xf32>
          %parallel_loop3A_284 = math.exp %parallel_loop3A_283 : vector<16xf32>
          %parallel_loop3A_285 = arith.index_cast %parallel_loop3A_236 : i32 to index
          %parallel_loop3A_286 = arith.constant 128 : index
          %parallel_loop3A_287 = tpu.vector_load %arg9[%parallel_loop3A_285, %parallel_loop3A_286] {strides = array<i32>} : memref<224x256xf32, #tpu.memory_space<vmem>>, vector<1x16xf32>,
          %parallel_loop3A_288 = vector.shape_cast %parallel_loop3A_287 : vector<1x16xf32> to vector<16xf32>
          %parallel_loop3A_289 = arith.mulf %parallel_loop3A_284, %parallel_loop3A_288 : vector<16xf32>
          %parallel_loop3A_290 = arith.addf %parallel_loop3A_222, %parallel_loop3A_289 : vector<16xf32>
          %parallel_loop3A_291 = arith.index_cast %parallel_loop3A_236 : i32 to index
          %parallel_loop3A_292 = arith.constant 144 : index
          %parallel_loop3A_293 = tpu.vector_load %arg9[%parallel_loop3A_291, %parallel_loop3A_292] {strides = array<i32>} : memref<224x256xf32, #tpu.memory_space<vmem>>, vector<1x16xf32>,
          %parallel_loop3A_294 = vector.shape_cast %parallel_loop3A_293 : vector<1x16xf32> to vector<16xf32>
          %parallel_loop3A_295 = arith.mulf %parallel_loop3A_284, %parallel_loop3A_294 : vector<16xf32>
          %parallel_loop3A_296 = arith.addf %parallel_loop3A_223, %parallel_loop3A_295 : vector<16xf32>
          %parallel_loop3A_297 = arith.index_cast %parallel_loop3A_236 : i32 to index
          %parallel_loop3A_298 = arith.constant 160 : index
          %parallel_loop3A_299 = tpu.vector_load %arg9[%parallel_loop3A_297, %parallel_loop3A_298] {strides = array<i32>} : memref<224x256xf32, #tpu.memory_space<vmem>>, vector<1x16xf32>,
          %parallel_loop3A_300 = vector.shape_cast %parallel_loop3A_299 : vector<1x16xf32> to vector<16xf32>
          %parallel_loop3A_301 = arith.mulf %parallel_loop3A_284, %parallel_loop3A_300 : vector<16xf32>
          %parallel_loop3A_302 = arith.addf %parallel_loop3A_224, %parallel_loop3A_301 : vector<16xf32>
          %parallel_loop3A_303 = arith.index_cast %parallel_loop3A_236 : i32 to index
          %parallel_loop3A_304 = arith.constant 176 : index
          %parallel_loop3A_305 = tpu.vector_load %arg9[%parallel_loop3A_303, %parallel_loop3A_304] {strides = array<i32>} : memref<224x256xf32, #tpu.memory_space<vmem>>, vector<1x16xf32>,
          %parallel_loop3A_306 = vector.shape_cast %parallel_loop3A_305 : vector<1x16xf32> to vector<16xf32>
          %parallel_loop3A_307 = arith.mulf %parallel_loop3A_284, %parallel_loop3A_306 : vector<16xf32>
          %parallel_loop3A_308 = arith.addf %parallel_loop3A_225, %parallel_loop3A_307 : vector<16xf32>
          %parallel_loop3A_309 = arith.index_cast %parallel_loop3A_236 : i32 to index
          %parallel_loop3A_310 = arith.constant 192 : index
          %parallel_loop3A_311 = tpu.vector_load %arg9[%parallel_loop3A_309, %parallel_loop3A_310] {strides = array<i32>} : memref<224x256xf32, #tpu.memory_space<vmem>>, vector<1x16xf32>,
          %parallel_loop3A_312 = vector.shape_cast %parallel_loop3A_311 : vector<1x16xf32> to vector<16xf32>
          %parallel_loop3A_313 = arith.mulf %parallel_loop3A_284, %parallel_loop3A_312 : vector<16xf32>
          %parallel_loop3A_314 = arith.addf %parallel_loop3A_226, %parallel_loop3A_313 : vector<16xf32>
          %parallel_loop3A_315 = arith.index_cast %parallel_loop3A_236 : i32 to index
          %parallel_loop3A_316 = arith.constant 208 : index
          %parallel_loop3A_317 = tpu.vector_load %arg9[%parallel_loop3A_315, %parallel_loop3A_316] {strides = array<i32>} : memref<224x256xf32, #tpu.memory_space<vmem>>, vector<1x16xf32>,
          %parallel_loop3A_318 = vector.shape_cast %parallel_loop3A_317 : vector<1x16xf32> to vector<16xf32>
          %parallel_loop3A_319 = arith.mulf %parallel_loop3A_284, %parallel_loop3A_318 : vector<16xf32>
          %parallel_loop3A_320 = arith.addf %parallel_loop3A_227, %parallel_loop3A_319 : vector<16xf32>
          %parallel_loop3A_321 = arith.index_cast %parallel_loop3A_236 : i32 to index
          %parallel_loop3A_322 = arith.constant 224 : index
          %parallel_loop3A_323 = tpu.vector_load %arg9[%parallel_loop3A_321, %parallel_loop3A_322] {strides = array<i32>} : memref<224x256xf32, #tpu.memory_space<vmem>>, vector<1x16xf32>,
          %parallel_loop3A_324 = vector.shape_cast %parallel_loop3A_323 : vector<1x16xf32> to vector<16xf32>
          %parallel_loop3A_325 = arith.mulf %parallel_loop3A_284, %parallel_loop3A_324 : vector<16xf32>
          %parallel_loop3A_326 = arith.addf %parallel_loop3A_228, %parallel_loop3A_325 : vector<16xf32>
          %parallel_loop3A_327 = arith.index_cast %parallel_loop3A_236 : i32 to index
          %parallel_loop3A_328 = arith.constant 240 : index
          %parallel_loop3A_329 = tpu.vector_load %arg9[%parallel_loop3A_327, %parallel_loop3A_328] {strides = array<i32>} : memref<224x256xf32, #tpu.memory_space<vmem>>, vector<1x16xf32>,
          %parallel_loop3A_330 = vector.shape_cast %parallel_loop3A_329 : vector<1x16xf32> to vector<16xf32>
          %parallel_loop3A_331 = arith.mulf %parallel_loop3A_284, %parallel_loop3A_330 : vector<16xf32>
          %parallel_loop3A_332 = arith.addf %parallel_loop3A_229, %parallel_loop3A_331 : vector<16xf32>
          %parallel_loop3A_333 = arith.addf %parallel_loop3A_221, %parallel_loop3A_284 : vector<16xf32>
          scf.yield %parallel_loop3A_333, %parallel_loop3A_290, %parallel_loop3A_296, %parallel_loop3A_302, %parallel_loop3A_308, %parallel_loop3A_314, %parallel_loop3A_320, %parallel_loop3A_326, %parallel_loop3A_332 : vector<16xf32>, vector<16xf32>, vector<16xf32>, vector<16xf32>, vector<16xf32>, vector<16xf32>, vector<16xf32>, vector<16xf32>, vector<16xf32>
        } {sc.loop_unroll_factor = 4 : i64, sc.parallel_access}
        scf.yield %min3A_166, %parallel_loop3A_219#0, %parallel_loop3A_219#1, %parallel_loop3A_219#2, %parallel_loop3A_219#3, %parallel_loop3A_219#4, %parallel_loop3A_219#5, %parallel_loop3A_219#6, %parallel_loop3A_219#7, %parallel_loop3A_219#8 : i32, vector<16xf32>, vector<16xf32>, vector<16xf32>, vector<16xf32>, vector<16xf32>, vector<16xf32>, vector<16xf32>, vector<16xf32>, vector<16xf32>
      }
      %while3A_132 = arith.constant 1 : i32
      %while3A_133:10 = scf.for %while3A_134 = %while3A_129 to %while3A_125 step %while3A_132 iter_args(%while3A_135 = %while3A_131#0, %while3A_136 = %while3A_131#1, %while3A_137 = %while3A_131#2, %while3A_138 = %while3A_131#3, %while3A_139 = %while3A_131#4, %while3A_140 = %while3A_131#5, %while3A_141 = %while3A_131#6, %while3A_142 = %while3A_131#7, %while3A_143 = %while3A_131#8, %while3A_144 = %while3A_131#9) -> (i32, vector<16xf32>, vector<16xf32>, vector<16xf32>, vector<16xf32>, vector<16xf32>, vector<16xf32>, vector<16xf32>, vector<16xf32>, vector<16xf32>)  : i32 {
        %add3A_145 = arith.addi %select_n3A, %while3A_134 : i32
        %mul3A_146 = arith.constant 2048 : i32
        %mul3A_147 = arith.muli %add3A_145, %mul3A_146 : i32
        "tpu.region"() ({
          %run_scoped3A = tpu.sem_alloc : memref<!tpu.dma_semaphore, #tpu.memory_space<semaphore_mem>>
          %dma_start3A = tpu.memref_slice %arg3[%mul3A_147] : memref<324128xi32, #tpu.memory_space<hbm>> -> memref<2064xi32, #tpu.memory_space<hbm>>
          %dma_start3A_220 = tpu.memref_slice %arg3[%mul3A_147] : memref<324128xi32, #tpu.memory_space<hbm>> -> memref<2064xi32, #tpu.memory_space<hbm>>
          tpu.enqueue_dma source(%dma_start3A_220 : memref<2064xi32, #tpu.memory_space<hbm>>) target(%arg10 : memref<2064xi32, #tpu.memory_space<vmem>>) target_semaphore(%run_scoped3A : memref<!tpu.dma_semaphore, #tpu.memory_space<semaphore_mem>>)
          %dma_wait3A = tpu.memref_slice %arg3[%mul3A_147] : memref<324128xi32, #tpu.memory_space<hbm>> -> memref<2064xi32, #tpu.memory_space<hbm>>
          %dma_wait3A_221 = tpu.memref_slice %arg3[%mul3A_147] : memref<324128xi32, #tpu.memory_space<hbm>> -> memref<2064xi32, #tpu.memory_space<hbm>>
          tpu.wait_dma2 semaphore(%run_scoped3A : memref<!tpu.dma_semaphore, #tpu.memory_space<semaphore_mem>>) src(%dma_wait3A_221 : memref<2064xi32, #tpu.memory_space<hbm>>) dst(%arg10 : memref<2064xi32, #tpu.memory_space<vmem>>)
          tpu.yield
        }) : () -> ()
        %max3A_148 = arith.maxsi %max3A, %mul3A_147 : i32
        %add3A_149 = arith.constant 2048 : i32
        %add3A_150 = arith.addi %mul3A_147, %add3A_149 : i32
        %min3A_151 = arith.minsi %min3A, %add3A_150 : i32
        %add3A_152 = arith.constant 1 : i32
        %add3A_153 = arith.addi %add3A_145, %add3A_152 : i32
        %add3A_154 = arith.constant 128 : i32
        %add3A_155 = arith.addi %add3A_154, %add3A_153 : i32
        %get3A_156 = arith.index_cast %add3A_155 : i32 to index
        %get3A_157 = tpu.vector_load %arg11[%get3A_156] {strides = array<i32>} : memref<304xi32, #tpu.memory_space<vmem>>, vector<16xi32>,
        %get3A_158 = vector.shape_cast %get3A_157 : vector<16xi32> to vector<16xi32>
        %slice3A_159 = vector.extract_strided_slice %get3A_158 {offsets = [0], sizes = [1], strides = [1]} : vector<16xi32> to vector<1xi32>
        %squeeze3A_160 = vector.extract %slice3A_159[0] : i32 from vector<1xi32>
        %le3A = arith.cmpi sle, %add3A_150, %min3A : i32
        %select_n3A_161 = arith.select %le3A, %squeeze3A_160, %squeeze3A_123 : i32
        %sub3A_162 = arith.subi %select_n3A_161, %add3A_5 : i32
        %jit3A_163 = arith.constant 0 : i32
        %jit3A_164 = arith.constant 160 : i32
        %max3A_165 = arith.maxsi %jit3A_163, %sub3A_162 : i32
        %min3A_166 = arith.minsi %jit3A_164, %max3A_165 : i32
        %while3A_167 = arith.subi %min3A_166, %while3A_135 : i32
        %while3A_168 = arith.addi %while3A_135, %while3A_167 : i32
        %while3A_169 = arith.constant 1 : i32
        %while3A_170 = arith.divsi %while3A_167, %while3A_169 : i32
        %while3A_171 = arith.muli %while3A_170, %while3A_169 : i32
        %while3A_172 = arith.addi %while3A_135, %while3A_171 : i32
        %while3A_173 = arith.constant 1 : i32
        %while3A_174:9 = scf.for %while3A_220 = %while3A_135 to %while3A_172 step %while3A_173 iter_args(%while3A_221 = %while3A_136, %while3A_222 = %while3A_137, %while3A_223 = %while3A_138, %while3A_224 = %while3A_139, %while3A_225 = %while3A_140, %while3A_226 = %while3A_141, %while3A_227 = %while3A_142, %while3A_228 = %while3A_143, %while3A_229 = %while3A_144) -> (vector<16xf32>, vector<16xf32>, vector<16xf32>, vector<16xf32>, vector<16xf32>, vector<16xf32>, vector<16xf32>, vector<16xf32>, vector<16xf32>)  : i32 {
          %add3A_230 = arith.constant 0 : i32
          %add3A_231 = arith.addi %add3A_230, %while3A_220 : i32
          %get3A_232 = arith.index_cast %add3A_231 : i32 to index
          %get3A_233 = tpu.vector_load %arg12[%get3A_232] {strides = array<i32>} : memref<336xi32, #tpu.memory_space<vmem>>, vector<16xi32>,
          %get3A_234 = vector.shape_cast %get3A_233 : vector<16xi32> to vector<16xi32>
          %slice3A_235 = vector.extract_strided_slice %get3A_234 {offsets = [0], sizes = [1], strides = [1]} : vector<16xi32> to vector<1xi32>
          %squeeze3A_236 = vector.extract %slice3A_235[0] : i32 from vector<1xi32>
          %max3A_237 = arith.maxsi %squeeze3A_236, %max3A_148 : i32
          %add3A_238 = arith.constant 1 : i32
          %add3A_239 = arith.addi %while3A_220, %add3A_238 : i32
          %add3A_240 = arith.constant 0 : i32
          %add3A_241 = arith.addi %add3A_240, %add3A_239 : i32
          %get3A_242 = arith.index_cast %add3A_241 : i32 to index
          %get3A_243 = tpu.vector_load %arg12[%get3A_242] {strides = array<i32>} : memref<336xi32, #tpu.memory_space<vmem>>, vector<16xi32>,
          %get3A_244 = vector.shape_cast %get3A_243 : vector<16xi32> to vector<16xi32>
          %slice3A_245 = vector.extract_strided_slice %get3A_244 {offsets = [0], sizes = [1], strides = [1]} : vector<16xi32> to vector<1xi32>
          %squeeze3A_246 = vector.extract %slice3A_245[0] : i32 from vector<1xi32>
          %min3A_247 = arith.constant 159 : i32
          %min3A_248 = arith.minsi %while3A_220, %min3A_247 : i32
          %get3A_249 = arith.index_cast %min3A_248 : i32 to index
          %get3A_250 = arith.constant 0 : index
          %get3A_251 = tpu.vector_load %arg7[%get3A_249, %get3A_250] {strides = array<i32>} : memref<160x128xf32, #tpu.memory_space<vmem>>, vector<1x16xf32>,
          %get3A_252 = vector.shape_cast %get3A_251 : vector<1x16xf32> to vector<16xf32>
          %get3A_253 = arith.index_cast %min3A_248 : i32 to index
          %get3A_254 = arith.constant 16 : index
          %get3A_255 = tpu.vector_load %arg7[%get3A_253, %get3A_254] {strides = array<i32>} : memref<160x128xf32, #tpu.memory_space<vmem>>, vector<1x16xf32>,
          %get3A_256 = vector.shape_cast %get3A_255 : vector<1x16xf32> to vector<16xf32>
          %get3A_257 = arith.index_cast %min3A_248 : i32 to index
          %get3A_258 = arith.constant 32 : index
          %get3A_259 = tpu.vector_load %arg7[%get3A_257, %get3A_258] {strides = array<i32>} : memref<160x128xf32, #tpu.memory_space<vmem>>, vector<1x16xf32>,
          %get3A_260 = vector.shape_cast %get3A_259 : vector<1x16xf32> to vector<16xf32>
          %get3A_261 = arith.index_cast %min3A_248 : i32 to index
          %get3A_262 = arith.constant 48 : index
          %get3A_263 = tpu.vector_load %arg7[%get3A_261, %get3A_262] {strides = array<i32>} : memref<160x128xf32, #tpu.memory_space<vmem>>, vector<1x16xf32>,
          %get3A_264 = vector.shape_cast %get3A_263 : vector<1x16xf32> to vector<16xf32>
          %get3A_265 = arith.index_cast %min3A_248 : i32 to index
          %get3A_266 = arith.constant 64 : index
          %get3A_267 = tpu.vector_load %arg7[%get3A_265, %get3A_266] {strides = array<i32>} : memref<160x128xf32, #tpu.memory_space<vmem>>, vector<1x16xf32>,
          %get3A_268 = vector.shape_cast %get3A_267 : vector<1x16xf32> to vector<16xf32>
          %get3A_269 = arith.index_cast %min3A_248 : i32 to index
          %get3A_270 = arith.constant 80 : index
          %get3A_271 = tpu.vector_load %arg7[%get3A_269, %get3A_270] {strides = array<i32>} : memref<160x128xf32, #tpu.memory_space<vmem>>, vector<1x16xf32>,
          %get3A_272 = vector.shape_cast %get3A_271 : vector<1x16xf32> to vector<16xf32>
          %get3A_273 = arith.index_cast %min3A_248 : i32 to index
          %get3A_274 = arith.constant 96 : index
          %get3A_275 = tpu.vector_load %arg7[%get3A_273, %get3A_274] {strides = array<i32>} : memref<160x128xf32, #tpu.memory_space<vmem>>, vector<1x16xf32>,
          %get3A_276 = vector.shape_cast %get3A_275 : vector<1x16xf32> to vector<16xf32>
          %get3A_277 = arith.index_cast %min3A_248 : i32 to index
          %get3A_278 = arith.constant 112 : index
          %get3A_279 = tpu.vector_load %arg7[%get3A_277, %get3A_278] {strides = array<i32>} : memref<160x128xf32, #tpu.memory_space<vmem>>, vector<1x16xf32>,
          %get3A_280 = vector.shape_cast %get3A_279 : vector<1x16xf32> to vector<16xf32>
          %parallel_loop3A_281 = arith.constant 1 : i32
          %parallel_loop3A_282:9 = scf.for %parallel_loop3A_339 = %max3A_237 to %squeeze3A_246 step %parallel_loop3A_281 iter_args(%parallel_loop3A_340 = %while3A_221, %parallel_loop3A_341 = %while3A_222, %parallel_loop3A_342 = %while3A_223, %parallel_loop3A_343 = %while3A_224, %parallel_loop3A_344 = %while3A_225, %parallel_loop3A_345 = %while3A_226, %parallel_loop3A_346 = %while3A_227, %parallel_loop3A_347 = %while3A_228, %parallel_loop3A_348 = %while3A_229) -> (vector<16xf32>, vector<16xf32>, vector<16xf32>, vector<16xf32>, vector<16xf32>, vector<16xf32>, vector<16xf32>, vector<16xf32>, vector<16xf32>)  : i32 {
            %parallel_loop3A_349 = arith.subi %parallel_loop3A_339, %mul3A_147 : i32
            %parallel_loop3A_350 = arith.index_cast %parallel_loop3A_349 : i32 to index
            %parallel_loop3A_351 = tpu.vector_load %arg10[%parallel_loop3A_350] {strides = array<i32>} : memref<2064xi32, #tpu.memory_space<vmem>>, vector<16xi32>,
            %parallel_loop3A_352 = vector.shape_cast %parallel_loop3A_351 : vector<16xi32> to vector<16xi32>
            %parallel_loop3A_353 = vector.extract_strided_slice %parallel_loop3A_352 {offsets = [0], sizes = [1], strides = [1]} : vector<16xi32> to vector<1xi32>
            %parallel_loop3A_354 = vector.extract %parallel_loop3A_353[0] : i32 from vector<1xi32>
            %parallel_loop3A_355 = arith.subi %parallel_loop3A_354, %multiple_of3A : i32
            %parallel_loop3A_356 = arith.index_cast %parallel_loop3A_355 : i32 to index
            %parallel_loop3A_357 = arith.constant 0 : index
            %parallel_loop3A_358 = tpu.vector_load %arg9[%parallel_loop3A_356, %parallel_loop3A_357] {strides = array<i32>} : memref<224x256xf32, #tpu.memory_space<vmem>>, vector<1x16xf32>,
            %parallel_loop3A_359 = vector.shape_cast %parallel_loop3A_358 : vector<1x16xf32> to vector<16xf32>
            %parallel_loop3A_360 = arith.mulf %get3A_252, %parallel_loop3A_359 : vector<16xf32>
            %parallel_loop3A_361 = arith.index_cast %parallel_loop3A_355 : i32 to index
            %parallel_loop3A_362 = arith.constant 16 : index
            %parallel_loop3A_363 = tpu.vector_load %arg9[%parallel_loop3A_361, %parallel_loop3A_362] {strides = array<i32>} : memref<224x256xf32, #tpu.memory_space<vmem>>, vector<1x16xf32>,
            %parallel_loop3A_364 = vector.shape_cast %parallel_loop3A_363 : vector<1x16xf32> to vector<16xf32>
            %parallel_loop3A_365 = arith.mulf %get3A_256, %parallel_loop3A_364 : vector<16xf32>
            %parallel_loop3A_366 = arith.addf %parallel_loop3A_360, %parallel_loop3A_365 : vector<16xf32>
            %parallel_loop3A_367 = arith.index_cast %parallel_loop3A_355 : i32 to index
            %parallel_loop3A_368 = arith.constant 32 : index
            %parallel_loop3A_369 = tpu.vector_load %arg9[%parallel_loop3A_367, %parallel_loop3A_368] {strides = array<i32>} : memref<224x256xf32, #tpu.memory_space<vmem>>, vector<1x16xf32>,
            %parallel_loop3A_370 = vector.shape_cast %parallel_loop3A_369 : vector<1x16xf32> to vector<16xf32>
            %parallel_loop3A_371 = arith.mulf %get3A_260, %parallel_loop3A_370 : vector<16xf32>
            %parallel_loop3A_372 = arith.addf %parallel_loop3A_366, %parallel_loop3A_371 : vector<16xf32>
            %parallel_loop3A_373 = arith.index_cast %parallel_loop3A_355 : i32 to index
            %parallel_loop3A_374 = arith.constant 48 : index
            %parallel_loop3A_375 = tpu.vector_load %arg9[%parallel_loop3A_373, %parallel_loop3A_374] {strides = array<i32>} : memref<224x256xf32, #tpu.memory_space<vmem>>, vector<1x16xf32>,
            %parallel_loop3A_376 = vector.shape_cast %parallel_loop3A_375 : vector<1x16xf32> to vector<16xf32>
            %parallel_loop3A_377 = arith.mulf %get3A_264, %parallel_loop3A_376 : vector<16xf32>
            %parallel_loop3A_378 = arith.addf %parallel_loop3A_372, %parallel_loop3A_377 : vector<16xf32>
            %parallel_loop3A_379 = arith.index_cast %parallel_loop3A_355 : i32 to index
            %parallel_loop3A_380 = arith.constant 64 : index
            %parallel_loop3A_381 = tpu.vector_load %arg9[%parallel_loop3A_379, %parallel_loop3A_380] {strides = array<i32>} : memref<224x256xf32, #tpu.memory_space<vmem>>, vector<1x16xf32>,
            %parallel_loop3A_382 = vector.shape_cast %parallel_loop3A_381 : vector<1x16xf32> to vector<16xf32>
            %parallel_loop3A_383 = arith.mulf %get3A_268, %parallel_loop3A_382 : vector<16xf32>
            %parallel_loop3A_384 = arith.addf %parallel_loop3A_378, %parallel_loop3A_383 : vector<16xf32>
            %parallel_loop3A_385 = arith.index_cast %parallel_loop3A_355 : i32 to index
            %parallel_loop3A_386 = arith.constant 80 : index
            %parallel_loop3A_387 = tpu.vector_load %arg9[%parallel_loop3A_385, %parallel_loop3A_386] {strides = array<i32>} : memref<224x256xf32, #tpu.memory_space<vmem>>, vector<1x16xf32>,
            %parallel_loop3A_388 = vector.shape_cast %parallel_loop3A_387 : vector<1x16xf32> to vector<16xf32>
            %parallel_loop3A_389 = arith.mulf %get3A_272, %parallel_loop3A_388 : vector<16xf32>
            %parallel_loop3A_390 = arith.addf %parallel_loop3A_384, %parallel_loop3A_389 : vector<16xf32>
            %parallel_loop3A_391 = arith.index_cast %parallel_loop3A_355 : i32 to index
            %parallel_loop3A_392 = arith.constant 96 : index
            %parallel_loop3A_393 = tpu.vector_load %arg9[%parallel_loop3A_391, %parallel_loop3A_392] {strides = array<i32>} : memref<224x256xf32, #tpu.memory_space<vmem>>, vector<1x16xf32>,
            %parallel_loop3A_394 = vector.shape_cast %parallel_loop3A_393 : vector<1x16xf32> to vector<16xf32>
            %parallel_loop3A_395 = arith.mulf %get3A_276, %parallel_loop3A_394 : vector<16xf32>
            %parallel_loop3A_396 = arith.addf %parallel_loop3A_390, %parallel_loop3A_395 : vector<16xf32>
            %parallel_loop3A_397 = arith.index_cast %parallel_loop3A_355 : i32 to index
            %parallel_loop3A_398 = arith.constant 112 : index
            %parallel_loop3A_399 = tpu.vector_load %arg9[%parallel_loop3A_397, %parallel_loop3A_398] {strides = array<i32>} : memref<224x256xf32, #tpu.memory_space<vmem>>, vector<1x16xf32>,
            %parallel_loop3A_400 = vector.shape_cast %parallel_loop3A_399 : vector<1x16xf32> to vector<16xf32>
            %parallel_loop3A_401 = arith.mulf %get3A_280, %parallel_loop3A_400 : vector<16xf32>
            %parallel_loop3A_402 = arith.addf %parallel_loop3A_396, %parallel_loop3A_401 : vector<16xf32>
            %parallel_loop3A_403 = math.exp %parallel_loop3A_402 : vector<16xf32>
            %parallel_loop3A_404 = arith.index_cast %parallel_loop3A_355 : i32 to index
            %parallel_loop3A_405 = arith.constant 128 : index
            %parallel_loop3A_406 = tpu.vector_load %arg9[%parallel_loop3A_404, %parallel_loop3A_405] {strides = array<i32>} : memref<224x256xf32, #tpu.memory_space<vmem>>, vector<1x16xf32>,
            %parallel_loop3A_407 = vector.shape_cast %parallel_loop3A_406 : vector<1x16xf32> to vector<16xf32>
            %parallel_loop3A_408 = arith.mulf %parallel_loop3A_403, %parallel_loop3A_407 : vector<16xf32>
            %parallel_loop3A_409 = arith.addf %parallel_loop3A_341, %parallel_loop3A_408 : vector<16xf32>
            %parallel_loop3A_410 = arith.index_cast %parallel_loop3A_355 : i32 to index
            %parallel_loop3A_411 = arith.constant 144 : index
            %parallel_loop3A_412 = tpu.vector_load %arg9[%parallel_loop3A_410, %parallel_loop3A_411] {strides = array<i32>} : memref<224x256xf32, #tpu.memory_space<vmem>>, vector<1x16xf32>,
            %parallel_loop3A_413 = vector.shape_cast %parallel_loop3A_412 : vector<1x16xf32> to vector<16xf32>
            %parallel_loop3A_414 = arith.mulf %parallel_loop3A_403, %parallel_loop3A_413 : vector<16xf32>
            %parallel_loop3A_415 = arith.addf %parallel_loop3A_342, %parallel_loop3A_414 : vector<16xf32>
            %parallel_loop3A_416 = arith.index_cast %parallel_loop3A_355 : i32 to index
            %parallel_loop3A_417 = arith.constant 160 : index
            %parallel_loop3A_418 = tpu.vector_load %arg9[%parallel_loop3A_416, %parallel_loop3A_417] {strides = array<i32>} : memref<224x256xf32, #tpu.memory_space<vmem>>, vector<1x16xf32>,
            %parallel_loop3A_419 = vector.shape_cast %parallel_loop3A_418 : vector<1x16xf32> to vector<16xf32>
            %parallel_loop3A_420 = arith.mulf %parallel_loop3A_403, %parallel_loop3A_419 : vector<16xf32>
            %parallel_loop3A_421 = arith.addf %parallel_loop3A_343, %parallel_loop3A_420 : vector<16xf32>
            %parallel_loop3A_422 = arith.index_cast %parallel_loop3A_355 : i32 to index
            %parallel_loop3A_423 = arith.constant 176 : index
            %parallel_loop3A_424 = tpu.vector_load %arg9[%parallel_loop3A_422, %parallel_loop3A_423] {strides = array<i32>} : memref<224x256xf32, #tpu.memory_space<vmem>>, vector<1x16xf32>,
            %parallel_loop3A_425 = vector.shape_cast %parallel_loop3A_424 : vector<1x16xf32> to vector<16xf32>
            %parallel_loop3A_426 = arith.mulf %parallel_loop3A_403, %parallel_loop3A_425 : vector<16xf32>
            %parallel_loop3A_427 = arith.addf %parallel_loop3A_344, %parallel_loop3A_426 : vector<16xf32>
            %parallel_loop3A_428 = arith.index_cast %parallel_loop3A_355 : i32 to index
            %parallel_loop3A_429 = arith.constant 192 : index
            %parallel_loop3A_430 = tpu.vector_load %arg9[%parallel_loop3A_428, %parallel_loop3A_429] {strides = array<i32>} : memref<224x256xf32, #tpu.memory_space<vmem>>, vector<1x16xf32>,
            %parallel_loop3A_431 = vector.shape_cast %parallel_loop3A_430 : vector<1x16xf32> to vector<16xf32>
            %parallel_loop3A_432 = arith.mulf %parallel_loop3A_403, %parallel_loop3A_431 : vector<16xf32>
            %parallel_loop3A_433 = arith.addf %parallel_loop3A_345, %parallel_loop3A_432 : vector<16xf32>
            %parallel_loop3A_434 = arith.index_cast %parallel_loop3A_355 : i32 to index
            %parallel_loop3A_435 = arith.constant 208 : index
            %parallel_loop3A_436 = tpu.vector_load %arg9[%parallel_loop3A_434, %parallel_loop3A_435] {strides = array<i32>} : memref<224x256xf32, #tpu.memory_space<vmem>>, vector<1x16xf32>,
            %parallel_loop3A_437 = vector.shape_cast %parallel_loop3A_436 : vector<1x16xf32> to vector<16xf32>
            %parallel_loop3A_438 = arith.mulf %parallel_loop3A_403, %parallel_loop3A_437 : vector<16xf32>
            %parallel_loop3A_439 = arith.addf %parallel_loop3A_346, %parallel_loop3A_438 : vector<16xf32>
            %parallel_loop3A_440 = arith.index_cast %parallel_loop3A_355 : i32 to index
            %parallel_loop3A_441 = arith.constant 224 : index
            %parallel_loop3A_442 = tpu.vector_load %arg9[%parallel_loop3A_440, %parallel_loop3A_441] {strides = array<i32>} : memref<224x256xf32, #tpu.memory_space<vmem>>, vector<1x16xf32>,
            %parallel_loop3A_443 = vector.shape_cast %parallel_loop3A_442 : vector<1x16xf32> to vector<16xf32>
            %parallel_loop3A_444 = arith.mulf %parallel_loop3A_403, %parallel_loop3A_443 : vector<16xf32>
            %parallel_loop3A_445 = arith.addf %parallel_loop3A_347, %parallel_loop3A_444 : vector<16xf32>
            %parallel_loop3A_446 = arith.index_cast %parallel_loop3A_355 : i32 to index
            %parallel_loop3A_447 = arith.constant 240 : index
            %parallel_loop3A_448 = tpu.vector_load %arg9[%parallel_loop3A_446, %parallel_loop3A_447] {strides = array<i32>} : memref<224x256xf32, #tpu.memory_space<vmem>>, vector<1x16xf32>,
            %parallel_loop3A_449 = vector.shape_cast %parallel_loop3A_448 : vector<1x16xf32> to vector<16xf32>
            %parallel_loop3A_450 = arith.mulf %parallel_loop3A_403, %parallel_loop3A_449 : vector<16xf32>
            %parallel_loop3A_451 = arith.addf %parallel_loop3A_348, %parallel_loop3A_450 : vector<16xf32>
            %parallel_loop3A_452 = arith.addf %parallel_loop3A_340, %parallel_loop3A_403 : vector<16xf32>
            scf.yield %parallel_loop3A_452, %parallel_loop3A_409, %parallel_loop3A_415, %parallel_loop3A_421, %parallel_loop3A_427, %parallel_loop3A_433, %parallel_loop3A_439, %parallel_loop3A_445, %parallel_loop3A_451 : vector<16xf32>, vector<16xf32>, vector<16xf32>, vector<16xf32>, vector<16xf32>, vector<16xf32>, vector<16xf32>, vector<16xf32>, vector<16xf32>
          } {sc.loop_unroll_factor = 4 : i64, sc.parallel_access}
          %gt3A_283 = arith.constant 0.000000e+00 : f32
          %gt3A_284 = vector.broadcast %gt3A_283 : f32 to vector<16xf32>
          %gt3A_285 = arith.cmpf ogt, %parallel_loop3A_282#0, %gt3A_284 : vector<16xf32>
          %div3A_286 = arith.constant 1.000000e+00 : f32
          %div3A_287 = vector.broadcast %div3A_286 : f32 to vector<16xf32>
          %div3A_288 = arith.divf %div3A_287, %parallel_loop3A_282#0 : vector<16xf32>
          %jit3A_289 = arith.constant 0.000000e+00 : f32
          %broadcast_in_dim3A_290 = vector.broadcast %jit3A_289 : f32 to vector<16xf32>
          %select_n3A_291 = arith.select %gt3A_285, %div3A_288, %broadcast_in_dim3A_290 : vector<16xi1>, vector<16xf32>
          %mul3A_292 = arith.mulf %parallel_loop3A_282#1, %select_n3A_291 : vector<16xf32>
          %swap3A = arith.index_cast %while3A_220 : i32 to index
          %swap3A_293 = arith.constant 0 : index
          %swap3A_294 = tpu.vector_load %arg8[%swap3A, %swap3A_293] {strides = array<i32>} : memref<160x128xf32, #tpu.memory_space<vmem>>, vector<1x16xf32>,
          %swap3A_295 = vector.shape_cast %swap3A_294 : vector<1x16xf32> to vector<16xf32>
          %swap3A_296 = vector.shape_cast %mul3A_292 : vector<16xf32> to vector<1x16xf32>
          tpu.vector_store %arg8[%swap3A, %swap3A_293], %swap3A_296 {strides = array<i32>} : memref<160x128xf32, #tpu.memory_space<vmem>>, vector<1x16xf32>,
          %mul3A_297 = arith.mulf %parallel_loop3A_282#2, %select_n3A_291 : vector<16xf32>
          %swap3A_298 = arith.index_cast %while3A_220 : i32 to index
          %swap3A_299 = arith.constant 16 : index
          %swap3A_300 = tpu.vector_load %arg8[%swap3A_298, %swap3A_299] {strides = array<i32>} : memref<160x128xf32, #tpu.memory_space<vmem>>, vector<1x16xf32>,
          %swap3A_301 = vector.shape_cast %swap3A_300 : vector<1x16xf32> to vector<16xf32>
          %swap3A_302 = vector.shape_cast %mul3A_297 : vector<16xf32> to vector<1x16xf32>
          tpu.vector_store %arg8[%swap3A_298, %swap3A_299], %swap3A_302 {strides = array<i32>} : memref<160x128xf32, #tpu.memory_space<vmem>>, vector<1x16xf32>,
          %mul3A_303 = arith.mulf %parallel_loop3A_282#3, %select_n3A_291 : vector<16xf32>
          %swap3A_304 = arith.index_cast %while3A_220 : i32 to index
          %swap3A_305 = arith.constant 32 : index
          %swap3A_306 = tpu.vector_load %arg8[%swap3A_304, %swap3A_305] {strides = array<i32>} : memref<160x128xf32, #tpu.memory_space<vmem>>, vector<1x16xf32>,
          %swap3A_307 = vector.shape_cast %swap3A_306 : vector<1x16xf32> to vector<16xf32>
          %swap3A_308 = vector.shape_cast %mul3A_303 : vector<16xf32> to vector<1x16xf32>
          tpu.vector_store %arg8[%swap3A_304, %swap3A_305], %swap3A_308 {strides = array<i32>} : memref<160x128xf32, #tpu.memory_space<vmem>>, vector<1x16xf32>,
          %mul3A_309 = arith.mulf %parallel_loop3A_282#4, %select_n3A_291 : vector<16xf32>
          %swap3A_310 = arith.index_cast %while3A_220 : i32 to index
          %swap3A_311 = arith.constant 48 : index
          %swap3A_312 = tpu.vector_load %arg8[%swap3A_310, %swap3A_311] {strides = array<i32>} : memref<160x128xf32, #tpu.memory_space<vmem>>, vector<1x16xf32>,
          %swap3A_313 = vector.shape_cast %swap3A_312 : vector<1x16xf32> to vector<16xf32>
          %swap3A_314 = vector.shape_cast %mul3A_309 : vector<16xf32> to vector<1x16xf32>
          tpu.vector_store %arg8[%swap3A_310, %swap3A_311], %swap3A_314 {strides = array<i32>} : memref<160x128xf32, #tpu.memory_space<vmem>>, vector<1x16xf32>,
          %mul3A_315 = arith.mulf %parallel_loop3A_282#5, %select_n3A_291 : vector<16xf32>
          %swap3A_316 = arith.index_cast %while3A_220 : i32 to index
          %swap3A_317 = arith.constant 64 : index
          %swap3A_318 = tpu.vector_load %arg8[%swap3A_316, %swap3A_317] {strides = array<i32>} : memref<160x128xf32, #tpu.memory_space<vmem>>, vector<1x16xf32>,
          %swap3A_319 = vector.shape_cast %swap3A_318 : vector<1x16xf32> to vector<16xf32>
          %swap3A_320 = vector.shape_cast %mul3A_315 : vector<16xf32> to vector<1x16xf32>
          tpu.vector_store %arg8[%swap3A_316, %swap3A_317], %swap3A_320 {strides = array<i32>} : memref<160x128xf32, #tpu.memory_space<vmem>>, vector<1x16xf32>,
          %mul3A_321 = arith.mulf %parallel_loop3A_282#6, %select_n3A_291 : vector<16xf32>
          %swap3A_322 = arith.index_cast %while3A_220 : i32 to index
          %swap3A_323 = arith.constant 80 : index
          %swap3A_324 = tpu.vector_load %arg8[%swap3A_322, %swap3A_323] {strides = array<i32>} : memref<160x128xf32, #tpu.memory_space<vmem>>, vector<1x16xf32>,
          %swap3A_325 = vector.shape_cast %swap3A_324 : vector<1x16xf32> to vector<16xf32>
          %swap3A_326 = vector.shape_cast %mul3A_321 : vector<16xf32> to vector<1x16xf32>
          tpu.vector_store %arg8[%swap3A_322, %swap3A_323], %swap3A_326 {strides = array<i32>} : memref<160x128xf32, #tpu.memory_space<vmem>>, vector<1x16xf32>,
          %mul3A_327 = arith.mulf %parallel_loop3A_282#7, %select_n3A_291 : vector<16xf32>
          %swap3A_328 = arith.index_cast %while3A_220 : i32 to index
          %swap3A_329 = arith.constant 96 : index
          %swap3A_330 = tpu.vector_load %arg8[%swap3A_328, %swap3A_329] {strides = array<i32>} : memref<160x128xf32, #tpu.memory_space<vmem>>, vector<1x16xf32>,
          %swap3A_331 = vector.shape_cast %swap3A_330 : vector<1x16xf32> to vector<16xf32>
          %swap3A_332 = vector.shape_cast %mul3A_327 : vector<16xf32> to vector<1x16xf32>
          tpu.vector_store %arg8[%swap3A_328, %swap3A_329], %swap3A_332 {strides = array<i32>} : memref<160x128xf32, #tpu.memory_space<vmem>>, vector<1x16xf32>,
          %mul3A_333 = arith.mulf %parallel_loop3A_282#8, %select_n3A_291 : vector<16xf32>
          %swap3A_334 = arith.index_cast %while3A_220 : i32 to index
          %swap3A_335 = arith.constant 112 : index
          %swap3A_336 = tpu.vector_load %arg8[%swap3A_334, %swap3A_335] {strides = array<i32>} : memref<160x128xf32, #tpu.memory_space<vmem>>, vector<1x16xf32>,
          %swap3A_337 = vector.shape_cast %swap3A_336 : vector<1x16xf32> to vector<16xf32>
          %swap3A_338 = vector.shape_cast %mul3A_333 : vector<16xf32> to vector<1x16xf32>
          tpu.vector_store %arg8[%swap3A_334, %swap3A_335], %swap3A_338 {strides = array<i32>} : memref<160x128xf32, #tpu.memory_space<vmem>>, vector<1x16xf32>,
          scf.yield %broadcast_in_dim3A_3, %broadcast_in_dim3A_3, %broadcast_in_dim3A_3, %broadcast_in_dim3A_3, %broadcast_in_dim3A_3, %broadcast_in_dim3A_3, %broadcast_in_dim3A_3, %broadcast_in_dim3A_3, %broadcast_in_dim3A_3 : vector<16xf32>, vector<16xf32>, vector<16xf32>, vector<16xf32>, vector<16xf32>, vector<16xf32>, vector<16xf32>, vector<16xf32>, vector<16xf32>
        }
        %while3A_175 = arith.constant 1 : i32
        %while3A_176:9 = scf.for %while3A_220 = %while3A_172 to %while3A_168 step %while3A_175 iter_args(%while3A_221 = %while3A_174#0, %while3A_222 = %while3A_174#1, %while3A_223 = %while3A_174#2, %while3A_224 = %while3A_174#3, %while3A_225 = %while3A_174#4, %while3A_226 = %while3A_174#5, %while3A_227 = %while3A_174#6, %while3A_228 = %while3A_174#7, %while3A_229 = %while3A_174#8) -> (vector<16xf32>, vector<16xf32>, vector<16xf32>, vector<16xf32>, vector<16xf32>, vector<16xf32>, vector<16xf32>, vector<16xf32>, vector<16xf32>)  : i32 {
          %add3A_230 = arith.constant 0 : i32
          %add3A_231 = arith.addi %add3A_230, %while3A_220 : i32
          %get3A_232 = arith.index_cast %add3A_231 : i32 to index
          %get3A_233 = tpu.vector_load %arg12[%get3A_232] {strides = array<i32>} : memref<336xi32, #tpu.memory_space<vmem>>, vector<16xi32>,
          %get3A_234 = vector.shape_cast %get3A_233 : vector<16xi32> to vector<16xi32>
          %slice3A_235 = vector.extract_strided_slice %get3A_234 {offsets = [0], sizes = [1], strides = [1]} : vector<16xi32> to vector<1xi32>
          %squeeze3A_236 = vector.extract %slice3A_235[0] : i32 from vector<1xi32>
          %max3A_237 = arith.maxsi %squeeze3A_236, %max3A_148 : i32
          %add3A_238 = arith.constant 1 : i32
          %add3A_239 = arith.addi %while3A_220, %add3A_238 : i32
          %add3A_240 = arith.constant 0 : i32
          %add3A_241 = arith.addi %add3A_240, %add3A_239 : i32
          %get3A_242 = arith.index_cast %add3A_241 : i32 to index
          %get3A_243 = tpu.vector_load %arg12[%get3A_242] {strides = array<i32>} : memref<336xi32, #tpu.memory_space<vmem>>, vector<16xi32>,
          %get3A_244 = vector.shape_cast %get3A_243 : vector<16xi32> to vector<16xi32>
          %slice3A_245 = vector.extract_strided_slice %get3A_244 {offsets = [0], sizes = [1], strides = [1]} : vector<16xi32> to vector<1xi32>
          %squeeze3A_246 = vector.extract %slice3A_245[0] : i32 from vector<1xi32>
          %min3A_247 = arith.constant 159 : i32
          %min3A_248 = arith.minsi %while3A_220, %min3A_247 : i32
          %get3A_249 = arith.index_cast %min3A_248 : i32 to index
          %get3A_250 = arith.constant 0 : index
          %get3A_251 = tpu.vector_load %arg7[%get3A_249, %get3A_250] {strides = array<i32>} : memref<160x128xf32, #tpu.memory_space<vmem>>, vector<1x16xf32>,
          %get3A_252 = vector.shape_cast %get3A_251 : vector<1x16xf32> to vector<16xf32>
          %get3A_253 = arith.index_cast %min3A_248 : i32 to index
          %get3A_254 = arith.constant 16 : index
          %get3A_255 = tpu.vector_load %arg7[%get3A_253, %get3A_254] {strides = array<i32>} : memref<160x128xf32, #tpu.memory_space<vmem>>, vector<1x16xf32>,
          %get3A_256 = vector.shape_cast %get3A_255 : vector<1x16xf32> to vector<16xf32>
          %get3A_257 = arith.index_cast %min3A_248 : i32 to index
          %get3A_258 = arith.constant 32 : index
          %get3A_259 = tpu.vector_load %arg7[%get3A_257, %get3A_258] {strides = array<i32>} : memref<160x128xf32, #tpu.memory_space<vmem>>, vector<1x16xf32>,
          %get3A_260 = vector.shape_cast %get3A_259 : vector<1x16xf32> to vector<16xf32>
          %get3A_261 = arith.index_cast %min3A_248 : i32 to index
          %get3A_262 = arith.constant 48 : index
          %get3A_263 = tpu.vector_load %arg7[%get3A_261, %get3A_262] {strides = array<i32>} : memref<160x128xf32, #tpu.memory_space<vmem>>, vector<1x16xf32>,
          %get3A_264 = vector.shape_cast %get3A_263 : vector<1x16xf32> to vector<16xf32>
          %get3A_265 = arith.index_cast %min3A_248 : i32 to index
          %get3A_266 = arith.constant 64 : index
          %get3A_267 = tpu.vector_load %arg7[%get3A_265, %get3A_266] {strides = array<i32>} : memref<160x128xf32, #tpu.memory_space<vmem>>, vector<1x16xf32>,
          %get3A_268 = vector.shape_cast %get3A_267 : vector<1x16xf32> to vector<16xf32>
          %get3A_269 = arith.index_cast %min3A_248 : i32 to index
          %get3A_270 = arith.constant 80 : index
          %get3A_271 = tpu.vector_load %arg7[%get3A_269, %get3A_270] {strides = array<i32>} : memref<160x128xf32, #tpu.memory_space<vmem>>, vector<1x16xf32>,
          %get3A_272 = vector.shape_cast %get3A_271 : vector<1x16xf32> to vector<16xf32>
          %get3A_273 = arith.index_cast %min3A_248 : i32 to index
          %get3A_274 = arith.constant 96 : index
          %get3A_275 = tpu.vector_load %arg7[%get3A_273, %get3A_274] {strides = array<i32>} : memref<160x128xf32, #tpu.memory_space<vmem>>, vector<1x16xf32>,
          %get3A_276 = vector.shape_cast %get3A_275 : vector<1x16xf32> to vector<16xf32>
          %get3A_277 = arith.index_cast %min3A_248 : i32 to index
          %get3A_278 = arith.constant 112 : index
          %get3A_279 = tpu.vector_load %arg7[%get3A_277, %get3A_278] {strides = array<i32>} : memref<160x128xf32, #tpu.memory_space<vmem>>, vector<1x16xf32>,
          %get3A_280 = vector.shape_cast %get3A_279 : vector<1x16xf32> to vector<16xf32>
          %parallel_loop3A_281 = arith.constant 1 : i32
          %parallel_loop3A_282:9 = scf.for %parallel_loop3A_339 = %max3A_237 to %squeeze3A_246 step %parallel_loop3A_281 iter_args(%parallel_loop3A_340 = %while3A_221, %parallel_loop3A_341 = %while3A_222, %parallel_loop3A_342 = %while3A_223, %parallel_loop3A_343 = %while3A_224, %parallel_loop3A_344 = %while3A_225, %parallel_loop3A_345 = %while3A_226, %parallel_loop3A_346 = %while3A_227, %parallel_loop3A_347 = %while3A_228, %parallel_loop3A_348 = %while3A_229) -> (vector<16xf32>, vector<16xf32>, vector<16xf32>, vector<16xf32>, vector<16xf32>, vector<16xf32>, vector<16xf32>, vector<16xf32>, vector<16xf32>)  : i32 {
            %parallel_loop3A_349 = arith.subi %parallel_loop3A_339, %mul3A_147 : i32
            %parallel_loop3A_350 = arith.index_cast %parallel_loop3A_349 : i32 to index
            %parallel_loop3A_351 = tpu.vector_load %arg10[%parallel_loop3A_350] {strides = array<i32>} : memref<2064xi32, #tpu.memory_space<vmem>>, vector<16xi32>,
            %parallel_loop3A_352 = vector.shape_cast %parallel_loop3A_351 : vector<16xi32> to vector<16xi32>
            %parallel_loop3A_353 = vector.extract_strided_slice %parallel_loop3A_352 {offsets = [0], sizes = [1], strides = [1]} : vector<16xi32> to vector<1xi32>
            %parallel_loop3A_354 = vector.extract %parallel_loop3A_353[0] : i32 from vector<1xi32>
            %parallel_loop3A_355 = arith.subi %parallel_loop3A_354, %multiple_of3A : i32
            %parallel_loop3A_356 = arith.index_cast %parallel_loop3A_355 : i32 to index
            %parallel_loop3A_357 = arith.constant 0 : index
            %parallel_loop3A_358 = tpu.vector_load %arg9[%parallel_loop3A_356, %parallel_loop3A_357] {strides = array<i32>} : memref<224x256xf32, #tpu.memory_space<vmem>>, vector<1x16xf32>,
            %parallel_loop3A_359 = vector.shape_cast %parallel_loop3A_358 : vector<1x16xf32> to vector<16xf32>
            %parallel_loop3A_360 = arith.mulf %get3A_252, %parallel_loop3A_359 : vector<16xf32>
            %parallel_loop3A_361 = arith.index_cast %parallel_loop3A_355 : i32 to index
            %parallel_loop3A_362 = arith.constant 16 : index
            %parallel_loop3A_363 = tpu.vector_load %arg9[%parallel_loop3A_361, %parallel_loop3A_362] {strides = array<i32>} : memref<224x256xf32, #tpu.memory_space<vmem>>, vector<1x16xf32>,
            %parallel_loop3A_364 = vector.shape_cast %parallel_loop3A_363 : vector<1x16xf32> to vector<16xf32>
            %parallel_loop3A_365 = arith.mulf %get3A_256, %parallel_loop3A_364 : vector<16xf32>
            %parallel_loop3A_366 = arith.addf %parallel_loop3A_360, %parallel_loop3A_365 : vector<16xf32>
            %parallel_loop3A_367 = arith.index_cast %parallel_loop3A_355 : i32 to index
            %parallel_loop3A_368 = arith.constant 32 : index
            %parallel_loop3A_369 = tpu.vector_load %arg9[%parallel_loop3A_367, %parallel_loop3A_368] {strides = array<i32>} : memref<224x256xf32, #tpu.memory_space<vmem>>, vector<1x16xf32>,
            %parallel_loop3A_370 = vector.shape_cast %parallel_loop3A_369 : vector<1x16xf32> to vector<16xf32>
            %parallel_loop3A_371 = arith.mulf %get3A_260, %parallel_loop3A_370 : vector<16xf32>
            %parallel_loop3A_372 = arith.addf %parallel_loop3A_366, %parallel_loop3A_371 : vector<16xf32>
            %parallel_loop3A_373 = arith.index_cast %parallel_loop3A_355 : i32 to index
            %parallel_loop3A_374 = arith.constant 48 : index
            %parallel_loop3A_375 = tpu.vector_load %arg9[%parallel_loop3A_373, %parallel_loop3A_374] {strides = array<i32>} : memref<224x256xf32, #tpu.memory_space<vmem>>, vector<1x16xf32>,
            %parallel_loop3A_376 = vector.shape_cast %parallel_loop3A_375 : vector<1x16xf32> to vector<16xf32>
            %parallel_loop3A_377 = arith.mulf %get3A_264, %parallel_loop3A_376 : vector<16xf32>
            %parallel_loop3A_378 = arith.addf %parallel_loop3A_372, %parallel_loop3A_377 : vector<16xf32>
            %parallel_loop3A_379 = arith.index_cast %parallel_loop3A_355 : i32 to index
            %parallel_loop3A_380 = arith.constant 64 : index
            %parallel_loop3A_381 = tpu.vector_load %arg9[%parallel_loop3A_379, %parallel_loop3A_380] {strides = array<i32>} : memref<224x256xf32, #tpu.memory_space<vmem>>, vector<1x16xf32>,
            %parallel_loop3A_382 = vector.shape_cast %parallel_loop3A_381 : vector<1x16xf32> to vector<16xf32>
            %parallel_loop3A_383 = arith.mulf %get3A_268, %parallel_loop3A_382 : vector<16xf32>
            %parallel_loop3A_384 = arith.addf %parallel_loop3A_378, %parallel_loop3A_383 : vector<16xf32>
            %parallel_loop3A_385 = arith.index_cast %parallel_loop3A_355 : i32 to index
            %parallel_loop3A_386 = arith.constant 80 : index
            %parallel_loop3A_387 = tpu.vector_load %arg9[%parallel_loop3A_385, %parallel_loop3A_386] {strides = array<i32>} : memref<224x256xf32, #tpu.memory_space<vmem>>, vector<1x16xf32>,
            %parallel_loop3A_388 = vector.shape_cast %parallel_loop3A_387 : vector<1x16xf32> to vector<16xf32>
            %parallel_loop3A_389 = arith.mulf %get3A_272, %parallel_loop3A_388 : vector<16xf32>
            %parallel_loop3A_390 = arith.addf %parallel_loop3A_384, %parallel_loop3A_389 : vector<16xf32>
            %parallel_loop3A_391 = arith.index_cast %parallel_loop3A_355 : i32 to index
            %parallel_loop3A_392 = arith.constant 96 : index
            %parallel_loop3A_393 = tpu.vector_load %arg9[%parallel_loop3A_391, %parallel_loop3A_392] {strides = array<i32>} : memref<224x256xf32, #tpu.memory_space<vmem>>, vector<1x16xf32>,
            %parallel_loop3A_394 = vector.shape_cast %parallel_loop3A_393 : vector<1x16xf32> to vector<16xf32>
            %parallel_loop3A_395 = arith.mulf %get3A_276, %parallel_loop3A_394 : vector<16xf32>
            %parallel_loop3A_396 = arith.addf %parallel_loop3A_390, %parallel_loop3A_395 : vector<16xf32>
            %parallel_loop3A_397 = arith.index_cast %parallel_loop3A_355 : i32 to index
            %parallel_loop3A_398 = arith.constant 112 : index
            %parallel_loop3A_399 = tpu.vector_load %arg9[%parallel_loop3A_397, %parallel_loop3A_398] {strides = array<i32>} : memref<224x256xf32, #tpu.memory_space<vmem>>, vector<1x16xf32>,
            %parallel_loop3A_400 = vector.shape_cast %parallel_loop3A_399 : vector<1x16xf32> to vector<16xf32>
            %parallel_loop3A_401 = arith.mulf %get3A_280, %parallel_loop3A_400 : vector<16xf32>
            %parallel_loop3A_402 = arith.addf %parallel_loop3A_396, %parallel_loop3A_401 : vector<16xf32>
            %parallel_loop3A_403 = math.exp %parallel_loop3A_402 : vector<16xf32>
            %parallel_loop3A_404 = arith.index_cast %parallel_loop3A_355 : i32 to index
            %parallel_loop3A_405 = arith.constant 128 : index
            %parallel_loop3A_406 = tpu.vector_load %arg9[%parallel_loop3A_404, %parallel_loop3A_405] {strides = array<i32>} : memref<224x256xf32, #tpu.memory_space<vmem>>, vector<1x16xf32>,
            %parallel_loop3A_407 = vector.shape_cast %parallel_loop3A_406 : vector<1x16xf32> to vector<16xf32>
            %parallel_loop3A_408 = arith.mulf %parallel_loop3A_403, %parallel_loop3A_407 : vector<16xf32>
            %parallel_loop3A_409 = arith.addf %parallel_loop3A_341, %parallel_loop3A_408 : vector<16xf32>
            %parallel_loop3A_410 = arith.index_cast %parallel_loop3A_355 : i32 to index
            %parallel_loop3A_411 = arith.constant 144 : index
            %parallel_loop3A_412 = tpu.vector_load %arg9[%parallel_loop3A_410, %parallel_loop3A_411] {strides = array<i32>} : memref<224x256xf32, #tpu.memory_space<vmem>>, vector<1x16xf32>,
            %parallel_loop3A_413 = vector.shape_cast %parallel_loop3A_412 : vector<1x16xf32> to vector<16xf32>
            %parallel_loop3A_414 = arith.mulf %parallel_loop3A_403, %parallel_loop3A_413 : vector<16xf32>
            %parallel_loop3A_415 = arith.addf %parallel_loop3A_342, %parallel_loop3A_414 : vector<16xf32>
            %parallel_loop3A_416 = arith.index_cast %parallel_loop3A_355 : i32 to index
            %parallel_loop3A_417 = arith.constant 160 : index
            %parallel_loop3A_418 = tpu.vector_load %arg9[%parallel_loop3A_416, %parallel_loop3A_417] {strides = array<i32>} : memref<224x256xf32, #tpu.memory_space<vmem>>, vector<1x16xf32>,
            %parallel_loop3A_419 = vector.shape_cast %parallel_loop3A_418 : vector<1x16xf32> to vector<16xf32>
            %parallel_loop3A_420 = arith.mulf %parallel_loop3A_403, %parallel_loop3A_419 : vector<16xf32>
            %parallel_loop3A_421 = arith.addf %parallel_loop3A_343, %parallel_loop3A_420 : vector<16xf32>
            %parallel_loop3A_422 = arith.index_cast %parallel_loop3A_355 : i32 to index
            %parallel_loop3A_423 = arith.constant 176 : index
            %parallel_loop3A_424 = tpu.vector_load %arg9[%parallel_loop3A_422, %parallel_loop3A_423] {strides = array<i32>} : memref<224x256xf32, #tpu.memory_space<vmem>>, vector<1x16xf32>,
            %parallel_loop3A_425 = vector.shape_cast %parallel_loop3A_424 : vector<1x16xf32> to vector<16xf32>
            %parallel_loop3A_426 = arith.mulf %parallel_loop3A_403, %parallel_loop3A_425 : vector<16xf32>
            %parallel_loop3A_427 = arith.addf %parallel_loop3A_344, %parallel_loop3A_426 : vector<16xf32>
            %parallel_loop3A_428 = arith.index_cast %parallel_loop3A_355 : i32 to index
            %parallel_loop3A_429 = arith.constant 192 : index
            %parallel_loop3A_430 = tpu.vector_load %arg9[%parallel_loop3A_428, %parallel_loop3A_429] {strides = array<i32>} : memref<224x256xf32, #tpu.memory_space<vmem>>, vector<1x16xf32>,
            %parallel_loop3A_431 = vector.shape_cast %parallel_loop3A_430 : vector<1x16xf32> to vector<16xf32>
            %parallel_loop3A_432 = arith.mulf %parallel_loop3A_403, %parallel_loop3A_431 : vector<16xf32>
            %parallel_loop3A_433 = arith.addf %parallel_loop3A_345, %parallel_loop3A_432 : vector<16xf32>
            %parallel_loop3A_434 = arith.index_cast %parallel_loop3A_355 : i32 to index
            %parallel_loop3A_435 = arith.constant 208 : index
            %parallel_loop3A_436 = tpu.vector_load %arg9[%parallel_loop3A_434, %parallel_loop3A_435] {strides = array<i32>} : memref<224x256xf32, #tpu.memory_space<vmem>>, vector<1x16xf32>,
            %parallel_loop3A_437 = vector.shape_cast %parallel_loop3A_436 : vector<1x16xf32> to vector<16xf32>
            %parallel_loop3A_438 = arith.mulf %parallel_loop3A_403, %parallel_loop3A_437 : vector<16xf32>
            %parallel_loop3A_439 = arith.addf %parallel_loop3A_346, %parallel_loop3A_438 : vector<16xf32>
            %parallel_loop3A_440 = arith.index_cast %parallel_loop3A_355 : i32 to index
            %parallel_loop3A_441 = arith.constant 224 : index
            %parallel_loop3A_442 = tpu.vector_load %arg9[%parallel_loop3A_440, %parallel_loop3A_441] {strides = array<i32>} : memref<224x256xf32, #tpu.memory_space<vmem>>, vector<1x16xf32>,
            %parallel_loop3A_443 = vector.shape_cast %parallel_loop3A_442 : vector<1x16xf32> to vector<16xf32>
            %parallel_loop3A_444 = arith.mulf %parallel_loop3A_403, %parallel_loop3A_443 : vector<16xf32>
            %parallel_loop3A_445 = arith.addf %parallel_loop3A_347, %parallel_loop3A_444 : vector<16xf32>
            %parallel_loop3A_446 = arith.index_cast %parallel_loop3A_355 : i32 to index
            %parallel_loop3A_447 = arith.constant 240 : index
            %parallel_loop3A_448 = tpu.vector_load %arg9[%parallel_loop3A_446, %parallel_loop3A_447] {strides = array<i32>} : memref<224x256xf32, #tpu.memory_space<vmem>>, vector<1x16xf32>,
            %parallel_loop3A_449 = vector.shape_cast %parallel_loop3A_448 : vector<1x16xf32> to vector<16xf32>
            %parallel_loop3A_450 = arith.mulf %parallel_loop3A_403, %parallel_loop3A_449 : vector<16xf32>
            %parallel_loop3A_451 = arith.addf %parallel_loop3A_348, %parallel_loop3A_450 : vector<16xf32>
            %parallel_loop3A_452 = arith.addf %parallel_loop3A_340, %parallel_loop3A_403 : vector<16xf32>
            scf.yield %parallel_loop3A_452, %parallel_loop3A_409, %parallel_loop3A_415, %parallel_loop3A_421, %parallel_loop3A_427, %parallel_loop3A_433, %parallel_loop3A_439, %parallel_loop3A_445, %parallel_loop3A_451 : vector<16xf32>, vector<16xf32>, vector<16xf32>, vector<16xf32>, vector<16xf32>, vector<16xf32>, vector<16xf32>, vector<16xf32>, vector<16xf32>
          } {sc.loop_unroll_factor = 4 : i64, sc.parallel_access}
          %gt3A_283 = arith.constant 0.000000e+00 : f32
          %gt3A_284 = vector.broadcast %gt3A_283 : f32 to vector<16xf32>
          %gt3A_285 = arith.cmpf ogt, %parallel_loop3A_282#0, %gt3A_284 : vector<16xf32>
          %div3A_286 = arith.constant 1.000000e+00 : f32
          %div3A_287 = vector.broadcast %div3A_286 : f32 to vector<16xf32>
          %div3A_288 = arith.divf %div3A_287, %parallel_loop3A_282#0 : vector<16xf32>
          %jit3A_289 = arith.constant 0.000000e+00 : f32
          %broadcast_in_dim3A_290 = vector.broadcast %jit3A_289 : f32 to vector<16xf32>
          %select_n3A_291 = arith.select %gt3A_285, %div3A_288, %broadcast_in_dim3A_290 : vector<16xi1>, vector<16xf32>
          %mul3A_292 = arith.mulf %parallel_loop3A_282#1, %select_n3A_291 : vector<16xf32>
          %swap3A = arith.index_cast %while3A_220 : i32 to index
          %swap3A_293 = arith.constant 0 : index
          %swap3A_294 = tpu.vector_load %arg8[%swap3A, %swap3A_293] {strides = array<i32>} : memref<160x128xf32, #tpu.memory_space<vmem>>, vector<1x16xf32>,
          %swap3A_295 = vector.shape_cast %swap3A_294 : vector<1x16xf32> to vector<16xf32>
          %swap3A_296 = vector.shape_cast %mul3A_292 : vector<16xf32> to vector<1x16xf32>
          tpu.vector_store %arg8[%swap3A, %swap3A_293], %swap3A_296 {strides = array<i32>} : memref<160x128xf32, #tpu.memory_space<vmem>>, vector<1x16xf32>,
          %mul3A_297 = arith.mulf %parallel_loop3A_282#2, %select_n3A_291 : vector<16xf32>
          %swap3A_298 = arith.index_cast %while3A_220 : i32 to index
          %swap3A_299 = arith.constant 16 : index
          %swap3A_300 = tpu.vector_load %arg8[%swap3A_298, %swap3A_299] {strides = array<i32>} : memref<160x128xf32, #tpu.memory_space<vmem>>, vector<1x16xf32>,
          %swap3A_301 = vector.shape_cast %swap3A_300 : vector<1x16xf32> to vector<16xf32>
          %swap3A_302 = vector.shape_cast %mul3A_297 : vector<16xf32> to vector<1x16xf32>
          tpu.vector_store %arg8[%swap3A_298, %swap3A_299], %swap3A_302 {strides = array<i32>} : memref<160x128xf32, #tpu.memory_space<vmem>>, vector<1x16xf32>,
          %mul3A_303 = arith.mulf %parallel_loop3A_282#3, %select_n3A_291 : vector<16xf32>
          %swap3A_304 = arith.index_cast %while3A_220 : i32 to index
          %swap3A_305 = arith.constant 32 : index
          %swap3A_306 = tpu.vector_load %arg8[%swap3A_304, %swap3A_305] {strides = array<i32>} : memref<160x128xf32, #tpu.memory_space<vmem>>, vector<1x16xf32>,
          %swap3A_307 = vector.shape_cast %swap3A_306 : vector<1x16xf32> to vector<16xf32>
          %swap3A_308 = vector.shape_cast %mul3A_303 : vector<16xf32> to vector<1x16xf32>
          tpu.vector_store %arg8[%swap3A_304, %swap3A_305], %swap3A_308 {strides = array<i32>} : memref<160x128xf32, #tpu.memory_space<vmem>>, vector<1x16xf32>,
          %mul3A_309 = arith.mulf %parallel_loop3A_282#4, %select_n3A_291 : vector<16xf32>
          %swap3A_310 = arith.index_cast %while3A_220 : i32 to index
          %swap3A_311 = arith.constant 48 : index
          %swap3A_312 = tpu.vector_load %arg8[%swap3A_310, %swap3A_311] {strides = array<i32>} : memref<160x128xf32, #tpu.memory_space<vmem>>, vector<1x16xf32>,
          %swap3A_313 = vector.shape_cast %swap3A_312 : vector<1x16xf32> to vector<16xf32>
          %swap3A_314 = vector.shape_cast %mul3A_309 : vector<16xf32> to vector<1x16xf32>
          tpu.vector_store %arg8[%swap3A_310, %swap3A_311], %swap3A_314 {strides = array<i32>} : memref<160x128xf32, #tpu.memory_space<vmem>>, vector<1x16xf32>,
          %mul3A_315 = arith.mulf %parallel_loop3A_282#5, %select_n3A_291 : vector<16xf32>
          %swap3A_316 = arith.index_cast %while3A_220 : i32 to index
          %swap3A_317 = arith.constant 64 : index
          %swap3A_318 = tpu.vector_load %arg8[%swap3A_316, %swap3A_317] {strides = array<i32>} : memref<160x128xf32, #tpu.memory_space<vmem>>, vector<1x16xf32>,
          %swap3A_319 = vector.shape_cast %swap3A_318 : vector<1x16xf32> to vector<16xf32>
          %swap3A_320 = vector.shape_cast %mul3A_315 : vector<16xf32> to vector<1x16xf32>
          tpu.vector_store %arg8[%swap3A_316, %swap3A_317], %swap3A_320 {strides = array<i32>} : memref<160x128xf32, #tpu.memory_space<vmem>>, vector<1x16xf32>,
          %mul3A_321 = arith.mulf %parallel_loop3A_282#6, %select_n3A_291 : vector<16xf32>
          %swap3A_322 = arith.index_cast %while3A_220 : i32 to index
          %swap3A_323 = arith.constant 80 : index
          %swap3A_324 = tpu.vector_load %arg8[%swap3A_322, %swap3A_323] {strides = array<i32>} : memref<160x128xf32, #tpu.memory_space<vmem>>, vector<1x16xf32>,
          %swap3A_325 = vector.shape_cast %swap3A_324 : vector<1x16xf32> to vector<16xf32>
          %swap3A_326 = vector.shape_cast %mul3A_321 : vector<16xf32> to vector<1x16xf32>
          tpu.vector_store %arg8[%swap3A_322, %swap3A_323], %swap3A_326 {strides = array<i32>} : memref<160x128xf32, #tpu.memory_space<vmem>>, vector<1x16xf32>,
          %mul3A_327 = arith.mulf %parallel_loop3A_282#7, %select_n3A_291 : vector<16xf32>
          %swap3A_328 = arith.index_cast %while3A_220 : i32 to index
          %swap3A_329 = arith.constant 96 : index
          %swap3A_330 = tpu.vector_load %arg8[%swap3A_328, %swap3A_329] {strides = array<i32>} : memref<160x128xf32, #tpu.memory_space<vmem>>, vector<1x16xf32>,
          %swap3A_331 = vector.shape_cast %swap3A_330 : vector<1x16xf32> to vector<16xf32>
          %swap3A_332 = vector.shape_cast %mul3A_327 : vector<16xf32> to vector<1x16xf32>
          tpu.vector_store %arg8[%swap3A_328, %swap3A_329], %swap3A_332 {strides = array<i32>} : memref<160x128xf32, #tpu.memory_space<vmem>>, vector<1x16xf32>,
          %mul3A_333 = arith.mulf %parallel_loop3A_282#8, %select_n3A_291 : vector<16xf32>
          %swap3A_334 = arith.index_cast %while3A_220 : i32 to index
          %swap3A_335 = arith.constant 112 : index
          %swap3A_336 = tpu.vector_load %arg8[%swap3A_334, %swap3A_335] {strides = array<i32>} : memref<160x128xf32, #tpu.memory_space<vmem>>, vector<1x16xf32>,
          %swap3A_337 = vector.shape_cast %swap3A_336 : vector<1x16xf32> to vector<16xf32>
          %swap3A_338 = vector.shape_cast %mul3A_333 : vector<16xf32> to vector<1x16xf32>
          tpu.vector_store %arg8[%swap3A_334, %swap3A_335], %swap3A_338 {strides = array<i32>} : memref<160x128xf32, #tpu.memory_space<vmem>>, vector<1x16xf32>,
          scf.yield %broadcast_in_dim3A_3, %broadcast_in_dim3A_3, %broadcast_in_dim3A_3, %broadcast_in_dim3A_3, %broadcast_in_dim3A_3, %broadcast_in_dim3A_3, %broadcast_in_dim3A_3, %broadcast_in_dim3A_3, %broadcast_in_dim3A_3 : vector<16xf32>, vector<16xf32>, vector<16xf32>, vector<16xf32>, vector<16xf32>, vector<16xf32>, vector<16xf32>, vector<16xf32>, vector<16xf32>
        }
        %add3A_177 = arith.constant 0 : i32
        %add3A_178 = arith.addi %add3A_177, %min3A_166 : i32
        %get3A_179 = arith.index_cast %add3A_178 : i32 to index
        %get3A_180 = tpu.vector_load %arg12[%get3A_179] {strides = array<i32>} : memref<336xi32, #tpu.memory_space<vmem>>, vector<16xi32>,
        %get3A_181 = vector.shape_cast %get3A_180 : vector<16xi32> to vector<16xi32>
        %slice3A_182 = vector.extract_strided_slice %get3A_181 {offsets = [0], sizes = [1], strides = [1]} : vector<16xi32> to vector<1xi32>
        %squeeze3A_183 = vector.extract %slice3A_182[0] : i32 from vector<1xi32>
        %max3A_184 = arith.maxsi %squeeze3A_183, %max3A_148 : i32
        %min3A_185 = arith.constant 159 : i32
        %min3A_186 = arith.minsi %min3A_166, %min3A_185 : i32
        %get3A_187 = arith.index_cast %min3A_186 : i32 to index
        %get3A_188 = arith.constant 0 : index
        %get3A_189 = tpu.vector_load %arg7[%get3A_187, %get3A_188] {strides = array<i32>} : memref<160x128xf32, #tpu.memory_space<vmem>>, vector<1x16xf32>,
        %get3A_190 = vector.shape_cast %get3A_189 : vector<1x16xf32> to vector<16xf32>
        %get3A_191 = arith.index_cast %min3A_186 : i32 to index
        %get3A_192 = arith.constant 16 : index
        %get3A_193 = tpu.vector_load %arg7[%get3A_191, %get3A_192] {strides = array<i32>} : memref<160x128xf32, #tpu.memory_space<vmem>>, vector<1x16xf32>,
        %get3A_194 = vector.shape_cast %get3A_193 : vector<1x16xf32> to vector<16xf32>
        %get3A_195 = arith.index_cast %min3A_186 : i32 to index
        %get3A_196 = arith.constant 32 : index
        %get3A_197 = tpu.vector_load %arg7[%get3A_195, %get3A_196] {strides = array<i32>} : memref<160x128xf32, #tpu.memory_space<vmem>>, vector<1x16xf32>,
        %get3A_198 = vector.shape_cast %get3A_197 : vector<1x16xf32> to vector<16xf32>
        %get3A_199 = arith.index_cast %min3A_186 : i32 to index
        %get3A_200 = arith.constant 48 : index
        %get3A_201 = tpu.vector_load %arg7[%get3A_199, %get3A_200] {strides = array<i32>} : memref<160x128xf32, #tpu.memory_space<vmem>>, vector<1x16xf32>,
        %get3A_202 = vector.shape_cast %get3A_201 : vector<1x16xf32> to vector<16xf32>
        %get3A_203 = arith.index_cast %min3A_186 : i32 to index
        %get3A_204 = arith.constant 64 : index
        %get3A_205 = tpu.vector_load %arg7[%get3A_203, %get3A_204] {strides = array<i32>} : memref<160x128xf32, #tpu.memory_space<vmem>>, vector<1x16xf32>,
        %get3A_206 = vector.shape_cast %get3A_205 : vector<1x16xf32> to vector<16xf32>
        %get3A_207 = arith.index_cast %min3A_186 : i32 to index
        %get3A_208 = arith.constant 80 : index
        %get3A_209 = tpu.vector_load %arg7[%get3A_207, %get3A_208] {strides = array<i32>} : memref<160x128xf32, #tpu.memory_space<vmem>>, vector<1x16xf32>,
        %get3A_210 = vector.shape_cast %get3A_209 : vector<1x16xf32> to vector<16xf32>
        %get3A_211 = arith.index_cast %min3A_186 : i32 to index
        %get3A_212 = arith.constant 96 : index
        %get3A_213 = tpu.vector_load %arg7[%get3A_211, %get3A_212] {strides = array<i32>} : memref<160x128xf32, #tpu.memory_space<vmem>>, vector<1x16xf32>,
        %get3A_214 = vector.shape_cast %get3A_213 : vector<1x16xf32> to vector<16xf32>
        %get3A_215 = arith.index_cast %min3A_186 : i32 to index
        %get3A_216 = arith.constant 112 : index
        %get3A_217 = tpu.vector_load %arg7[%get3A_215, %get3A_216] {strides = array<i32>} : memref<160x128xf32, #tpu.memory_space<vmem>>, vector<1x16xf32>,
        %get3A_218 = vector.shape_cast %get3A_217 : vector<1x16xf32> to vector<16xf32>
        %parallel_loop3A = arith.constant 1 : i32
        %parallel_loop3A_219:9 = scf.for %parallel_loop3A_220 = %max3A_184 to %min3A_151 step %parallel_loop3A iter_args(%parallel_loop3A_221 = %while3A_176#0, %parallel_loop3A_222 = %while3A_176#1, %parallel_loop3A_223 = %while3A_176#2, %parallel_loop3A_224 = %while3A_176#3, %parallel_loop3A_225 = %while3A_176#4, %parallel_loop3A_226 = %while3A_176#5, %parallel_loop3A_227 = %while3A_176#6, %parallel_loop3A_228 = %while3A_176#7, %parallel_loop3A_229 = %while3A_176#8) -> (vector<16xf32>, vector<16xf32>, vector<16xf32>, vector<16xf32>, vector<16xf32>, vector<16xf32>, vector<16xf32>, vector<16xf32>, vector<16xf32>)  : i32 {
          %parallel_loop3A_230 = arith.subi %parallel_loop3A_220, %mul3A_147 : i32
          %parallel_loop3A_231 = arith.index_cast %parallel_loop3A_230 : i32 to index
          %parallel_loop3A_232 = tpu.vector_load %arg10[%parallel_loop3A_231] {strides = array<i32>} : memref<2064xi32, #tpu.memory_space<vmem>>, vector<16xi32>,
          %parallel_loop3A_233 = vector.shape_cast %parallel_loop3A_232 : vector<16xi32> to vector<16xi32>
          %parallel_loop3A_234 = vector.extract_strided_slice %parallel_loop3A_233 {offsets = [0], sizes = [1], strides = [1]} : vector<16xi32> to vector<1xi32>
          %parallel_loop3A_235 = vector.extract %parallel_loop3A_234[0] : i32 from vector<1xi32>
          %parallel_loop3A_236 = arith.subi %parallel_loop3A_235, %multiple_of3A : i32
          %parallel_loop3A_237 = arith.index_cast %parallel_loop3A_236 : i32 to index
          %parallel_loop3A_238 = arith.constant 0 : index
          %parallel_loop3A_239 = tpu.vector_load %arg9[%parallel_loop3A_237, %parallel_loop3A_238] {strides = array<i32>} : memref<224x256xf32, #tpu.memory_space<vmem>>, vector<1x16xf32>,
          %parallel_loop3A_240 = vector.shape_cast %parallel_loop3A_239 : vector<1x16xf32> to vector<16xf32>
          %parallel_loop3A_241 = arith.mulf %get3A_190, %parallel_loop3A_240 : vector<16xf32>
          %parallel_loop3A_242 = arith.index_cast %parallel_loop3A_236 : i32 to index
          %parallel_loop3A_243 = arith.constant 16 : index
          %parallel_loop3A_244 = tpu.vector_load %arg9[%parallel_loop3A_242, %parallel_loop3A_243] {strides = array<i32>} : memref<224x256xf32, #tpu.memory_space<vmem>>, vector<1x16xf32>,
          %parallel_loop3A_245 = vector.shape_cast %parallel_loop3A_244 : vector<1x16xf32> to vector<16xf32>
          %parallel_loop3A_246 = arith.mulf %get3A_194, %parallel_loop3A_245 : vector<16xf32>
          %parallel_loop3A_247 = arith.addf %parallel_loop3A_241, %parallel_loop3A_246 : vector<16xf32>
          %parallel_loop3A_248 = arith.index_cast %parallel_loop3A_236 : i32 to index
          %parallel_loop3A_249 = arith.constant 32 : index
          %parallel_loop3A_250 = tpu.vector_load %arg9[%parallel_loop3A_248, %parallel_loop3A_249] {strides = array<i32>} : memref<224x256xf32, #tpu.memory_space<vmem>>, vector<1x16xf32>,
          %parallel_loop3A_251 = vector.shape_cast %parallel_loop3A_250 : vector<1x16xf32> to vector<16xf32>
          %parallel_loop3A_252 = arith.mulf %get3A_198, %parallel_loop3A_251 : vector<16xf32>
          %parallel_loop3A_253 = arith.addf %parallel_loop3A_247, %parallel_loop3A_252 : vector<16xf32>
          %parallel_loop3A_254 = arith.index_cast %parallel_loop3A_236 : i32 to index
          %parallel_loop3A_255 = arith.constant 48 : index
          %parallel_loop3A_256 = tpu.vector_load %arg9[%parallel_loop3A_254, %parallel_loop3A_255] {strides = array<i32>} : memref<224x256xf32, #tpu.memory_space<vmem>>, vector<1x16xf32>,
          %parallel_loop3A_257 = vector.shape_cast %parallel_loop3A_256 : vector<1x16xf32> to vector<16xf32>
          %parallel_loop3A_258 = arith.mulf %get3A_202, %parallel_loop3A_257 : vector<16xf32>
          %parallel_loop3A_259 = arith.addf %parallel_loop3A_253, %parallel_loop3A_258 : vector<16xf32>
          %parallel_loop3A_260 = arith.index_cast %parallel_loop3A_236 : i32 to index
          %parallel_loop3A_261 = arith.constant 64 : index
          %parallel_loop3A_262 = tpu.vector_load %arg9[%parallel_loop3A_260, %parallel_loop3A_261] {strides = array<i32>} : memref<224x256xf32, #tpu.memory_space<vmem>>, vector<1x16xf32>,
          %parallel_loop3A_263 = vector.shape_cast %parallel_loop3A_262 : vector<1x16xf32> to vector<16xf32>
          %parallel_loop3A_264 = arith.mulf %get3A_206, %parallel_loop3A_263 : vector<16xf32>
          %parallel_loop3A_265 = arith.addf %parallel_loop3A_259, %parallel_loop3A_264 : vector<16xf32>
          %parallel_loop3A_266 = arith.index_cast %parallel_loop3A_236 : i32 to index
          %parallel_loop3A_267 = arith.constant 80 : index
          %parallel_loop3A_268 = tpu.vector_load %arg9[%parallel_loop3A_266, %parallel_loop3A_267] {strides = array<i32>} : memref<224x256xf32, #tpu.memory_space<vmem>>, vector<1x16xf32>,
          %parallel_loop3A_269 = vector.shape_cast %parallel_loop3A_268 : vector<1x16xf32> to vector<16xf32>
          %parallel_loop3A_270 = arith.mulf %get3A_210, %parallel_loop3A_269 : vector<16xf32>
          %parallel_loop3A_271 = arith.addf %parallel_loop3A_265, %parallel_loop3A_270 : vector<16xf32>
          %parallel_loop3A_272 = arith.index_cast %parallel_loop3A_236 : i32 to index
          %parallel_loop3A_273 = arith.constant 96 : index
          %parallel_loop3A_274 = tpu.vector_load %arg9[%parallel_loop3A_272, %parallel_loop3A_273] {strides = array<i32>} : memref<224x256xf32, #tpu.memory_space<vmem>>, vector<1x16xf32>,
          %parallel_loop3A_275 = vector.shape_cast %parallel_loop3A_274 : vector<1x16xf32> to vector<16xf32>
          %parallel_loop3A_276 = arith.mulf %get3A_214, %parallel_loop3A_275 : vector<16xf32>
          %parallel_loop3A_277 = arith.addf %parallel_loop3A_271, %parallel_loop3A_276 : vector<16xf32>
          %parallel_loop3A_278 = arith.index_cast %parallel_loop3A_236 : i32 to index
          %parallel_loop3A_279 = arith.constant 112 : index
          %parallel_loop3A_280 = tpu.vector_load %arg9[%parallel_loop3A_278, %parallel_loop3A_279] {strides = array<i32>} : memref<224x256xf32, #tpu.memory_space<vmem>>, vector<1x16xf32>,
          %parallel_loop3A_281 = vector.shape_cast %parallel_loop3A_280 : vector<1x16xf32> to vector<16xf32>
          %parallel_loop3A_282 = arith.mulf %get3A_218, %parallel_loop3A_281 : vector<16xf32>
          %parallel_loop3A_283 = arith.addf %parallel_loop3A_277, %parallel_loop3A_282 : vector<16xf32>
          %parallel_loop3A_284 = math.exp %parallel_loop3A_283 : vector<16xf32>
          %parallel_loop3A_285 = arith.index_cast %parallel_loop3A_236 : i32 to index
          %parallel_loop3A_286 = arith.constant 128 : index
          %parallel_loop3A_287 = tpu.vector_load %arg9[%parallel_loop3A_285, %parallel_loop3A_286] {strides = array<i32>} : memref<224x256xf32, #tpu.memory_space<vmem>>, vector<1x16xf32>,
          %parallel_loop3A_288 = vector.shape_cast %parallel_loop3A_287 : vector<1x16xf32> to vector<16xf32>
          %parallel_loop3A_289 = arith.mulf %parallel_loop3A_284, %parallel_loop3A_288 : vector<16xf32>
          %parallel_loop3A_290 = arith.addf %parallel_loop3A_222, %parallel_loop3A_289 : vector<16xf32>
          %parallel_loop3A_291 = arith.index_cast %parallel_loop3A_236 : i32 to index
          %parallel_loop3A_292 = arith.constant 144 : index
          %parallel_loop3A_293 = tpu.vector_load %arg9[%parallel_loop3A_291, %parallel_loop3A_292] {strides = array<i32>} : memref<224x256xf32, #tpu.memory_space<vmem>>, vector<1x16xf32>,
          %parallel_loop3A_294 = vector.shape_cast %parallel_loop3A_293 : vector<1x16xf32> to vector<16xf32>
          %parallel_loop3A_295 = arith.mulf %parallel_loop3A_284, %parallel_loop3A_294 : vector<16xf32>
          %parallel_loop3A_296 = arith.addf %parallel_loop3A_223, %parallel_loop3A_295 : vector<16xf32>
          %parallel_loop3A_297 = arith.index_cast %parallel_loop3A_236 : i32 to index
          %parallel_loop3A_298 = arith.constant 160 : index
          %parallel_loop3A_299 = tpu.vector_load %arg9[%parallel_loop3A_297, %parallel_loop3A_298] {strides = array<i32>} : memref<224x256xf32, #tpu.memory_space<vmem>>, vector<1x16xf32>,
          %parallel_loop3A_300 = vector.shape_cast %parallel_loop3A_299 : vector<1x16xf32> to vector<16xf32>
          %parallel_loop3A_301 = arith.mulf %parallel_loop3A_284, %parallel_loop3A_300 : vector<16xf32>
          %parallel_loop3A_302 = arith.addf %parallel_loop3A_224, %parallel_loop3A_301 : vector<16xf32>
          %parallel_loop3A_303 = arith.index_cast %parallel_loop3A_236 : i32 to index
          %parallel_loop3A_304 = arith.constant 176 : index
          %parallel_loop3A_305 = tpu.vector_load %arg9[%parallel_loop3A_303, %parallel_loop3A_304] {strides = array<i32>} : memref<224x256xf32, #tpu.memory_space<vmem>>, vector<1x16xf32>,
          %parallel_loop3A_306 = vector.shape_cast %parallel_loop3A_305 : vector<1x16xf32> to vector<16xf32>
          %parallel_loop3A_307 = arith.mulf %parallel_loop3A_284, %parallel_loop3A_306 : vector<16xf32>
          %parallel_loop3A_308 = arith.addf %parallel_loop3A_225, %parallel_loop3A_307 : vector<16xf32>
          %parallel_loop3A_309 = arith.index_cast %parallel_loop3A_236 : i32 to index
          %parallel_loop3A_310 = arith.constant 192 : index
          %parallel_loop3A_311 = tpu.vector_load %arg9[%parallel_loop3A_309, %parallel_loop3A_310] {strides = array<i32>} : memref<224x256xf32, #tpu.memory_space<vmem>>, vector<1x16xf32>,
          %parallel_loop3A_312 = vector.shape_cast %parallel_loop3A_311 : vector<1x16xf32> to vector<16xf32>
          %parallel_loop3A_313 = arith.mulf %parallel_loop3A_284, %parallel_loop3A_312 : vector<16xf32>
          %parallel_loop3A_314 = arith.addf %parallel_loop3A_226, %parallel_loop3A_313 : vector<16xf32>
          %parallel_loop3A_315 = arith.index_cast %parallel_loop3A_236 : i32 to index
          %parallel_loop3A_316 = arith.constant 208 : index
          %parallel_loop3A_317 = tpu.vector_load %arg9[%parallel_loop3A_315, %parallel_loop3A_316] {strides = array<i32>} : memref<224x256xf32, #tpu.memory_space<vmem>>, vector<1x16xf32>,
          %parallel_loop3A_318 = vector.shape_cast %parallel_loop3A_317 : vector<1x16xf32> to vector<16xf32>
          %parallel_loop3A_319 = arith.mulf %parallel_loop3A_284, %parallel_loop3A_318 : vector<16xf32>
          %parallel_loop3A_320 = arith.addf %parallel_loop3A_227, %parallel_loop3A_319 : vector<16xf32>
          %parallel_loop3A_321 = arith.index_cast %parallel_loop3A_236 : i32 to index
          %parallel_loop3A_322 = arith.constant 224 : index
          %parallel_loop3A_323 = tpu.vector_load %arg9[%parallel_loop3A_321, %parallel_loop3A_322] {strides = array<i32>} : memref<224x256xf32, #tpu.memory_space<vmem>>, vector<1x16xf32>,
          %parallel_loop3A_324 = vector.shape_cast %parallel_loop3A_323 : vector<1x16xf32> to vector<16xf32>
          %parallel_loop3A_325 = arith.mulf %parallel_loop3A_284, %parallel_loop3A_324 : vector<16xf32>
          %parallel_loop3A_326 = arith.addf %parallel_loop3A_228, %parallel_loop3A_325 : vector<16xf32>
          %parallel_loop3A_327 = arith.index_cast %parallel_loop3A_236 : i32 to index
          %parallel_loop3A_328 = arith.constant 240 : index
          %parallel_loop3A_329 = tpu.vector_load %arg9[%parallel_loop3A_327, %parallel_loop3A_328] {strides = array<i32>} : memref<224x256xf32, #tpu.memory_space<vmem>>, vector<1x16xf32>,
          %parallel_loop3A_330 = vector.shape_cast %parallel_loop3A_329 : vector<1x16xf32> to vector<16xf32>
          %parallel_loop3A_331 = arith.mulf %parallel_loop3A_284, %parallel_loop3A_330 : vector<16xf32>
          %parallel_loop3A_332 = arith.addf %parallel_loop3A_229, %parallel_loop3A_331 : vector<16xf32>
          %parallel_loop3A_333 = arith.addf %parallel_loop3A_221, %parallel_loop3A_284 : vector<16xf32>
          scf.yield %parallel_loop3A_333, %parallel_loop3A_290, %parallel_loop3A_296, %parallel_loop3A_302, %parallel_loop3A_308, %parallel_loop3A_314, %parallel_loop3A_320, %parallel_loop3A_326, %parallel_loop3A_332 : vector<16xf32>, vector<16xf32>, vector<16xf32>, vector<16xf32>, vector<16xf32>, vector<16xf32>, vector<16xf32>, vector<16xf32>, vector<16xf32>
        } {sc.loop_unroll_factor = 4 : i64, sc.parallel_access}
        scf.yield %min3A_166, %parallel_loop3A_219#0, %parallel_loop3A_219#1, %parallel_loop3A_219#2, %parallel_loop3A_219#3, %parallel_loop3A_219#4, %parallel_loop3A_219#5, %parallel_loop3A_219#6, %parallel_loop3A_219#7, %parallel_loop3A_219#8 : i32, vector<16xf32>, vector<16xf32>, vector<16xf32>, vector<16xf32>, vector<16xf32>, vector<16xf32>, vector<16xf32>, vector<16xf32>, vector<16xf32>
      }
      scf.yield %while3A_133#0, %while3A_133#1, %while3A_133#2, %while3A_133#3, %while3A_133#4, %while3A_133#5, %while3A_133#6, %while3A_133#7, %while3A_133#8, %while3A_133#9 : i32, vector<16xf32>, vector<16xf32>, vector<16xf32>, vector<16xf32>, vector<16xf32>, vector<16xf32>, vector<16xf32>, vector<16xf32>, vector<16xf32>
    }
    %scan3A_23 = arith.constant 46 : i32
    "tpu.region"() ({
      %run_scoped3A = tpu.sem_alloc : memref<!tpu.dma_semaphore, #tpu.memory_space<semaphore_mem>>
      %dma_start3A = arith.constant 0 : i32
      %dma_start3A_48 = tpu.memref_slice %arg6[%add3A_5, %dma_start3A] : memref<10240x128xf32, #tpu.memory_space<hbm>> -> memref<160x128xf32, #tpu.memory_space<hbm>>
      %dma_start3A_49 = arith.constant 0 : i32
      %dma_start3A_50 = tpu.memref_slice %arg6[%add3A_5, %dma_start3A_49] : memref<10240x128xf32, #tpu.memory_space<hbm>> -> memref<160x128xf32, #tpu.memory_space<hbm>>
      tpu.enqueue_dma source(%arg8 : memref<160x128xf32, #tpu.memory_space<vmem>>) target(%dma_start3A_50 : memref<160x128xf32, #tpu.memory_space<hbm>>) target_semaphore(%run_scoped3A : memref<!tpu.dma_semaphore, #tpu.memory_space<semaphore_mem>>)
      %dma_wait3A = arith.constant 0 : i32
      %dma_wait3A_51 = tpu.memref_slice %arg6[%add3A_5, %dma_wait3A] : memref<10240x128xf32, #tpu.memory_space<hbm>> -> memref<160x128xf32, #tpu.memory_space<hbm>>
      %dma_wait3A_52 = arith.constant 0 : i32
      %dma_wait3A_53 = tpu.memref_slice %arg6[%add3A_5, %dma_wait3A_52] : memref<10240x128xf32, #tpu.memory_space<hbm>> -> memref<160x128xf32, #tpu.memory_space<hbm>>
      tpu.wait_dma2 semaphore(%run_scoped3A : memref<!tpu.dma_semaphore, #tpu.memory_space<semaphore_mem>>) src(%arg8 : memref<160x128xf32, #tpu.memory_space<vmem>>) dst(%dma_wait3A_53 : memref<160x128xf32, #tpu.memory_space<hbm>>)
      tpu.yield
    }) : () -> ()
    %add3A_24 = arith.constant 160 : i32
    %add3A_25 = arith.addi %mul3A_2, %add3A_24 : i32
    "tpu.region"() ({
      %run_scoped3A = tpu.sem_alloc : memref<!tpu.dma_semaphore, #tpu.memory_space<semaphore_mem>>
      %dma_start3A = arith.constant 0 : i32
      %dma_start3A_48 = tpu.memref_slice %arg2[%add3A_25, %dma_start3A] : memref<10752x384xf32, #tpu.memory_space<hbm>> -> memref<160x128xf32, #tpu.memory_space<hbm>>
      %dma_start3A_49 = arith.constant 0 : i32
      %dma_start3A_50 = tpu.memref_slice %arg2[%add3A_25, %dma_start3A_49] : memref<10752x384xf32, #tpu.memory_space<hbm>> -> memref<160x128xf32, #tpu.memory_space<hbm>>
      tpu.enqueue_dma source(%dma_start3A_50 : memref<160x128xf32, #tpu.memory_space<hbm>>) target(%arg7 : memref<160x128xf32, #tpu.memory_space<vmem>>) target_semaphore(%run_scoped3A : memref<!tpu.dma_semaphore, #tpu.memory_space<semaphore_mem>>)
      %dma_wait3A = arith.constant 0 : i32
      %dma_wait3A_51 = tpu.memref_slice %arg2[%add3A_25, %dma_wait3A] : memref<10752x384xf32, #tpu.memory_space<hbm>> -> memref<160x128xf32, #tpu.memory_space<hbm>>
      %dma_wait3A_52 = arith.constant 0 : i32
      %dma_wait3A_53 = tpu.memref_slice %arg2[%add3A_25, %dma_wait3A_52] : memref<10752x384xf32, #tpu.memory_space<hbm>> -> memref<160x128xf32, #tpu.memory_space<hbm>>
      tpu.wait_dma2 semaphore(%run_scoped3A : memref<!tpu.dma_semaphore, #tpu.memory_space<semaphore_mem>>) src(%dma_wait3A_53 : memref<160x128xf32, #tpu.memory_space<hbm>>) dst(%arg7 : memref<160x128xf32, #tpu.memory_space<vmem>>)
      tpu.yield
    }) : () -> ()
    %get3A_26 = arith.constant 160 : index
    %get3A_27 = tpu.vector_load %arg12[%get3A_26] {strides = array<i32>} : memref<336xi32, #tpu.memory_space<vmem>>, vector<16xi32>,
    %get3A_28 = vector.shape_cast %get3A_27 : vector<16xi32> to vector<16xi32>
    %slice3A_29 = vector.extract_strided_slice %get3A_28 {offsets = [0], sizes = [1], strides = [1]} : vector<16xi32> to vector<1xi32>
    %squeeze3A_30 = vector.extract %slice3A_29[0] : i32 from vector<1xi32>
    %get3A_31 = arith.constant 320 : index
    %get3A_32 = tpu.vector_load %arg12[%get3A_31] {strides = array<i32>} : memref<336xi32, #tpu.memory_space<vmem>>, vector<16xi32>,
    %get3A_33 = vector.shape_cast %get3A_32 : vector<16xi32> to vector<16xi32>
    %slice3A_34 = vector.extract_strided_slice %get3A_33 {offsets = [0], sizes = [1], strides = [1]} : vector<16xi32> to vector<1xi32>
    %squeeze3A_35 = vector.extract %slice3A_34[0] : i32 from vector<1xi32>
    %scan3A_36 = arith.constant 0 : i32
    %scan3A_37 = arith.constant 160 : i32
    %scan3A_38 = arith.addi %scan3A_36, %scan3A_37 : i32
    %scan3A_39 = arith.constant 1 : i32
    scf.for %scan3A_48 = %scan3A_36 to %scan3A_38 step %scan3A_39  : i32 {
      %swap3A = arith.index_cast %scan3A_48 : i32 to index
      %swap3A_49 = arith.constant 0 : index
      %swap3A_50 = tpu.vector_load %arg8[%swap3A, %swap3A_49] {strides = array<i32>} : memref<160x128xf32, #tpu.memory_space<vmem>>, vector<1x16xf32>,
      %swap3A_51 = vector.shape_cast %swap3A_50 : vector<1x16xf32> to vector<16xf32>
      %swap3A_52 = vector.shape_cast %broadcast_in_dim3A_3 : vector<16xf32> to vector<1x16xf32>
      tpu.vector_store %arg8[%swap3A, %swap3A_49], %swap3A_52 {strides = array<i32>} : memref<160x128xf32, #tpu.memory_space<vmem>>, vector<1x16xf32>,
      %swap3A_53 = arith.index_cast %scan3A_48 : i32 to index
      %swap3A_54 = arith.constant 16 : index
      %swap3A_55 = tpu.vector_load %arg8[%swap3A_53, %swap3A_54] {strides = array<i32>} : memref<160x128xf32, #tpu.memory_space<vmem>>, vector<1x16xf32>,
      %swap3A_56 = vector.shape_cast %swap3A_55 : vector<1x16xf32> to vector<16xf32>
      %swap3A_57 = vector.shape_cast %broadcast_in_dim3A_3 : vector<16xf32> to vector<1x16xf32>
      tpu.vector_store %arg8[%swap3A_53, %swap3A_54], %swap3A_57 {strides = array<i32>} : memref<160x128xf32, #tpu.memory_space<vmem>>, vector<1x16xf32>,
      %swap3A_58 = arith.index_cast %scan3A_48 : i32 to index
      %swap3A_59 = arith.constant 32 : index
      %swap3A_60 = tpu.vector_load %arg8[%swap3A_58, %swap3A_59] {strides = array<i32>} : memref<160x128xf32, #tpu.memory_space<vmem>>, vector<1x16xf32>,
      %swap3A_61 = vector.shape_cast %swap3A_60 : vector<1x16xf32> to vector<16xf32>
      %swap3A_62 = vector.shape_cast %broadcast_in_dim3A_3 : vector<16xf32> to vector<1x16xf32>
      tpu.vector_store %arg8[%swap3A_58, %swap3A_59], %swap3A_62 {strides = array<i32>} : memref<160x128xf32, #tpu.memory_space<vmem>>, vector<1x16xf32>,
      %swap3A_63 = arith.index_cast %scan3A_48 : i32 to index
      %swap3A_64 = arith.constant 48 : index
      %swap3A_65 = tpu.vector_load %arg8[%swap3A_63, %swap3A_64] {strides = array<i32>} : memref<160x128xf32, #tpu.memory_space<vmem>>, vector<1x16xf32>,
      %swap3A_66 = vector.shape_cast %swap3A_65 : vector<1x16xf32> to vector<16xf32>
      %swap3A_67 = vector.shape_cast %broadcast_in_dim3A_3 : vector<16xf32> to vector<1x16xf32>
      tpu.vector_store %arg8[%swap3A_63, %swap3A_64], %swap3A_67 {strides = array<i32>} : memref<160x128xf32, #tpu.memory_space<vmem>>, vector<1x16xf32>,
      %swap3A_68 = arith.index_cast %scan3A_48 : i32 to index
      %swap3A_69 = arith.constant 64 : index
      %swap3A_70 = tpu.vector_load %arg8[%swap3A_68, %swap3A_69] {strides = array<i32>} : memref<160x128xf32, #tpu.memory_space<vmem>>, vector<1x16xf32>,
      %swap3A_71 = vector.shape_cast %swap3A_70 : vector<1x16xf32> to vector<16xf32>
      %swap3A_72 = vector.shape_cast %broadcast_in_dim3A_3 : vector<16xf32> to vector<1x16xf32>
      tpu.vector_store %arg8[%swap3A_68, %swap3A_69], %swap3A_72 {strides = array<i32>} : memref<160x128xf32, #tpu.memory_space<vmem>>, vector<1x16xf32>,
      %swap3A_73 = arith.index_cast %scan3A_48 : i32 to index
      %swap3A_74 = arith.constant 80 : index
      %swap3A_75 = tpu.vector_load %arg8[%swap3A_73, %swap3A_74] {strides = array<i32>} : memref<160x128xf32, #tpu.memory_space<vmem>>, vector<1x16xf32>,
      %swap3A_76 = vector.shape_cast %swap3A_75 : vector<1x16xf32> to vector<16xf32>
      %swap3A_77 = vector.shape_cast %broadcast_in_dim3A_3 : vector<16xf32> to vector<1x16xf32>
      tpu.vector_store %arg8[%swap3A_73, %swap3A_74], %swap3A_77 {strides = array<i32>} : memref<160x128xf32, #tpu.memory_space<vmem>>, vector<1x16xf32>,
      %swap3A_78 = arith.index_cast %scan3A_48 : i32 to index
      %swap3A_79 = arith.constant 96 : index
      %swap3A_80 = tpu.vector_load %arg8[%swap3A_78, %swap3A_79] {strides = array<i32>} : memref<160x128xf32, #tpu.memory_space<vmem>>, vector<1x16xf32>,
      %swap3A_81 = vector.shape_cast %swap3A_80 : vector<1x16xf32> to vector<16xf32>
      %swap3A_82 = vector.shape_cast %broadcast_in_dim3A_3 : vector<16xf32> to vector<1x16xf32>
      tpu.vector_store %arg8[%swap3A_78, %swap3A_79], %swap3A_82 {strides = array<i32>} : memref<160x128xf32, #tpu.memory_space<vmem>>, vector<1x16xf32>,
      %swap3A_83 = arith.index_cast %scan3A_48 : i32 to index
      %swap3A_84 = arith.constant 112 : index
      %swap3A_85 = tpu.vector_load %arg8[%swap3A_83, %swap3A_84] {strides = array<i32>} : memref<160x128xf32, #tpu.memory_space<vmem>>, vector<1x16xf32>,
      %swap3A_86 = vector.shape_cast %swap3A_85 : vector<1x16xf32> to vector<16xf32>
      %swap3A_87 = vector.shape_cast %broadcast_in_dim3A_3 : vector<16xf32> to vector<1x16xf32>
      tpu.vector_store %arg8[%swap3A_83, %swap3A_84], %swap3A_87 {strides = array<i32>} : memref<160x128xf32, #tpu.memory_space<vmem>>, vector<1x16xf32>,
    }
    %scan3A_40 = arith.constant 160 : i32
    %scan3A_41 = arith.constant 0 : i32
    %scan3A_42 = arith.constant 0 : i32
    %scan3A_43 = arith.constant 46 : i32
    %scan3A_44 = arith.addi %scan3A_42, %scan3A_43 : i32
    %scan3A_45 = arith.constant 1 : i32
    %scan3A_46:10 = scf.for %scan3A_48 = %scan3A_42 to %scan3A_44 step %scan3A_45 iter_args(%scan3A_49 = %scan3A_41, %scan3A_50 = %broadcast_in_dim3A_3, %scan3A_51 = %broadcast_in_dim3A_3, %scan3A_52 = %broadcast_in_dim3A_3, %scan3A_53 = %broadcast_in_dim3A_3, %scan3A_54 = %broadcast_in_dim3A_3, %scan3A_55 = %broadcast_in_dim3A_3, %scan3A_56 = %broadcast_in_dim3A_3, %scan3A_57 = %broadcast_in_dim3A_3, %scan3A_58 = %broadcast_in_dim3A_3) -> (i32, vector<16xf32>, vector<16xf32>, vector<16xf32>, vector<16xf32>, vector<16xf32>, vector<16xf32>, vector<16xf32>, vector<16xf32>, vector<16xf32>)  : i32 {
      %get3A_59 = arith.index_cast %scan3A_48 : i32 to index
      %get3A_60 = tpu.vector_load %arg11[%get3A_59] {strides = array<i32>} : memref<304xi32, #tpu.memory_space<vmem>>, vector<16xi32>,
      %get3A_61 = vector.shape_cast %get3A_60 : vector<16xi32> to vector<16xi32>
      %slice3A_62 = vector.extract_strided_slice %get3A_61 {offsets = [0], sizes = [1], strides = [1]} : vector<16xi32> to vector<1xi32>
      %squeeze3A_63 = vector.extract %slice3A_62[0] : i32 from vector<1xi32>
      %max3A = arith.maxsi %squeeze3A_63, %squeeze3A_30 : i32
      %slice3A_64 = vector.extract_strided_slice %get3A_61 {offsets = [1], sizes = [1], strides = [1]} : vector<16xi32> to vector<1xi32>
      %squeeze3A_65 = vector.extract %slice3A_64[0] : i32 from vector<1xi32>
      %min3A = arith.minsi %squeeze3A_65, %squeeze3A_35 : i32
      %mul3A_66 = arith.constant 224 : i32
      %mul3A_67 = arith.muli %scan3A_48, %mul3A_66 : i32
      %multiple_of3A = tpu.assume_multiple %mul3A_67, 8 : i32
      %gt3A = arith.cmpi sgt, %min3A, %max3A : i32
      %convert_element_type3A = arith.extui %gt3A : i1 to i32
      %cond3A = arith.constant 0 : i32
      %cond3A_68 = arith.cmpi ne, %convert_element_type3A, %cond3A : i32
      scf.if %cond3A_68 {
        %dma_start3A = arith.constant 128 : i32
        %dma_start3A_134 = tpu.memref_slice %arg2[%multiple_of3A, %dma_start3A] : memref<10752x384xf32, #tpu.memory_space<hbm>> -> memref<224x256xf32, #tpu.memory_space<hbm>>
        %dma_start3A_135 = arith.constant 128 : i32
        %dma_start3A_136 = tpu.memref_slice %arg2[%multiple_of3A, %dma_start3A_135] : memref<10752x384xf32, #tpu.memory_space<hbm>> -> memref<224x256xf32, #tpu.memory_space<hbm>>
        tpu.enqueue_dma source(%dma_start3A_136 : memref<224x256xf32, #tpu.memory_space<hbm>>) target(%arg9 : memref<224x256xf32, #tpu.memory_space<vmem>>) target_semaphore(%arg13 : memref<!tpu.dma_semaphore, #tpu.memory_space<semaphore_mem>>)
        %dma_wait3A = arith.constant 128 : i32
        %dma_wait3A_137 = tpu.memref_slice %arg2[%multiple_of3A, %dma_wait3A] : memref<10752x384xf32, #tpu.memory_space<hbm>> -> memref<224x256xf32, #tpu.memory_space<hbm>>
        %dma_wait3A_138 = arith.constant 128 : i32
        %dma_wait3A_139 = tpu.memref_slice %arg2[%multiple_of3A, %dma_wait3A_138] : memref<10752x384xf32, #tpu.memory_space<hbm>> -> memref<224x256xf32, #tpu.memory_space<hbm>>
        tpu.wait_dma2 semaphore(%arg13 : memref<!tpu.dma_semaphore, #tpu.memory_space<semaphore_mem>>) src(%dma_wait3A_139 : memref<224x256xf32, #tpu.memory_space<hbm>>) dst(%arg9 : memref<224x256xf32, #tpu.memory_space<vmem>>)
      } else {
      }
      %jit3A = arith.constant 2048 : i32
      %div3A = arith.divsi %max3A, %jit3A : i32
      %sign3A = arith.constant 0 : i32
      %sign3A_69 = arith.cmpi sgt, %max3A, %sign3A : i32
      %sign3A_70 = arith.extui %sign3A_69 : i1 to i32
      %sign3A_71 = arith.constant 0 : i32
      %sign3A_72 = arith.cmpi slt, %max3A, %sign3A_71 : i32
      %sign3A_73 = arith.extui %sign3A_72 : i1 to i32
      %sign3A_74 = arith.subi %sign3A_70, %sign3A_73 : i32
      %sign3A_75 = arith.constant 0 : i32
      %sign3A_76 = arith.cmpi sgt, %jit3A, %sign3A_75 : i32
      %sign3A_77 = arith.extui %sign3A_76 : i1 to i32
      %sign3A_78 = arith.constant 0 : i32
      %sign3A_79 = arith.cmpi slt, %jit3A, %sign3A_78 : i32
      %sign3A_80 = arith.extui %sign3A_79 : i1 to i32
      %sign3A_81 = arith.subi %sign3A_77, %sign3A_80 : i32
      %ne3A = arith.cmpi ne, %sign3A_74, %sign3A_81 : i32
      %rem3A = arith.remsi %max3A, %jit3A : i32
      %ne3A_82 = arith.constant 0 : i32
      %ne3A_83 = arith.cmpi ne, %rem3A, %ne3A_82 : i32
      %and3A = arith.andi %ne3A, %ne3A_83 : i1
      %sub3A = arith.constant 1 : i32
      %sub3A_84 = arith.subi %div3A, %sub3A : i32
      %select_n3A = arith.select %and3A, %sub3A_84, %div3A : i32
      %gt3A_85 = arith.cmpi sgt, %min3A, %max3A : i32
      %sub3A_86 = arith.constant 1 : i32
      %sub3A_87 = arith.subi %min3A, %sub3A_86 : i32
      %jit3A_88 = arith.constant 2048 : i32
      %div3A_89 = arith.divsi %sub3A_87, %jit3A_88 : i32
      %sign3A_90 = arith.constant 0 : i32
      %sign3A_91 = arith.cmpi sgt, %sub3A_87, %sign3A_90 : i32
      %sign3A_92 = arith.extui %sign3A_91 : i1 to i32
      %sign3A_93 = arith.constant 0 : i32
      %sign3A_94 = arith.cmpi slt, %sub3A_87, %sign3A_93 : i32
      %sign3A_95 = arith.extui %sign3A_94 : i1 to i32
      %sign3A_96 = arith.subi %sign3A_92, %sign3A_95 : i32
      %sign3A_97 = arith.constant 0 : i32
      %sign3A_98 = arith.cmpi sgt, %jit3A_88, %sign3A_97 : i32
      %sign3A_99 = arith.extui %sign3A_98 : i1 to i32
      %sign3A_100 = arith.constant 0 : i32
      %sign3A_101 = arith.cmpi slt, %jit3A_88, %sign3A_100 : i32
      %sign3A_102 = arith.extui %sign3A_101 : i1 to i32
      %sign3A_103 = arith.subi %sign3A_99, %sign3A_102 : i32
      %ne3A_104 = arith.cmpi ne, %sign3A_96, %sign3A_103 : i32
      %rem3A_105 = arith.remsi %sub3A_87, %jit3A_88 : i32
      %ne3A_106 = arith.constant 0 : i32
      %ne3A_107 = arith.cmpi ne, %rem3A_105, %ne3A_106 : i32
      %and3A_108 = arith.andi %ne3A_104, %ne3A_107 : i1
      %sub3A_109 = arith.constant 1 : i32
      %sub3A_110 = arith.subi %div3A_89, %sub3A_109 : i32
      %select_n3A_111 = arith.select %and3A_108, %sub3A_110, %div3A_89 : i32
      %sub3A_112 = arith.subi %select_n3A_111, %select_n3A : i32
      %add3A_113 = arith.constant 1 : i32
      %add3A_114 = arith.addi %sub3A_112, %add3A_113 : i32
      %jit3A_115 = arith.constant 0 : i32
      %select_n3A_116 = arith.select %gt3A_85, %add3A_114, %jit3A_115 : i32
      %add3A_117 = arith.constant 64 : i32
      %add3A_118 = arith.addi %add3A_117, %scan3A_48 : i32
      %get3A_119 = arith.index_cast %add3A_118 : i32 to index
      %get3A_120 = tpu.vector_load %arg11[%get3A_119] {strides = array<i32>} : memref<304xi32, #tpu.memory_space<vmem>>, vector<16xi32>,
      %get3A_121 = vector.shape_cast %get3A_120 : vector<16xi32> to vector<16xi32>
      %slice3A_122 = vector.extract_strided_slice %get3A_121 {offsets = [1], sizes = [1], strides = [1]} : vector<16xi32> to vector<1xi32>
      %squeeze3A_123 = vector.extract %slice3A_122[0] : i32 from vector<1xi32>
      %while3A = arith.constant 0 : i32
      %while3A_124 = arith.subi %select_n3A_116, %while3A : i32
      %while3A_125 = arith.addi %while3A, %while3A_124 : i32
      %while3A_126 = arith.constant 1 : i32
      %while3A_127 = arith.divsi %while3A_124, %while3A_126 : i32
      %while3A_128 = arith.muli %while3A_127, %while3A_126 : i32
      %while3A_129 = arith.addi %while3A, %while3A_128 : i32
      %while3A_130 = arith.constant 1 : i32
      %while3A_131:10 = scf.for %while3A_134 = %while3A to %while3A_129 step %while3A_130 iter_args(%while3A_135 = %scan3A_49, %while3A_136 = %scan3A_50, %while3A_137 = %scan3A_51, %while3A_138 = %scan3A_52, %while3A_139 = %scan3A_53, %while3A_140 = %scan3A_54, %while3A_141 = %scan3A_55, %while3A_142 = %scan3A_56, %while3A_143 = %scan3A_57, %while3A_144 = %scan3A_58) -> (i32, vector<16xf32>, vector<16xf32>, vector<16xf32>, vector<16xf32>, vector<16xf32>, vector<16xf32>, vector<16xf32>, vector<16xf32>, vector<16xf32>)  : i32 {
        %add3A_145 = arith.addi %select_n3A, %while3A_134 : i32
        %mul3A_146 = arith.constant 2048 : i32
        %mul3A_147 = arith.muli %add3A_145, %mul3A_146 : i32
        "tpu.region"() ({
          %run_scoped3A = tpu.sem_alloc : memref<!tpu.dma_semaphore, #tpu.memory_space<semaphore_mem>>
          %dma_start3A = tpu.memref_slice %arg3[%mul3A_147] : memref<324128xi32, #tpu.memory_space<hbm>> -> memref<2064xi32, #tpu.memory_space<hbm>>
          %dma_start3A_220 = tpu.memref_slice %arg3[%mul3A_147] : memref<324128xi32, #tpu.memory_space<hbm>> -> memref<2064xi32, #tpu.memory_space<hbm>>
          tpu.enqueue_dma source(%dma_start3A_220 : memref<2064xi32, #tpu.memory_space<hbm>>) target(%arg10 : memref<2064xi32, #tpu.memory_space<vmem>>) target_semaphore(%run_scoped3A : memref<!tpu.dma_semaphore, #tpu.memory_space<semaphore_mem>>)
          %dma_wait3A = tpu.memref_slice %arg3[%mul3A_147] : memref<324128xi32, #tpu.memory_space<hbm>> -> memref<2064xi32, #tpu.memory_space<hbm>>
          %dma_wait3A_221 = tpu.memref_slice %arg3[%mul3A_147] : memref<324128xi32, #tpu.memory_space<hbm>> -> memref<2064xi32, #tpu.memory_space<hbm>>
          tpu.wait_dma2 semaphore(%run_scoped3A : memref<!tpu.dma_semaphore, #tpu.memory_space<semaphore_mem>>) src(%dma_wait3A_221 : memref<2064xi32, #tpu.memory_space<hbm>>) dst(%arg10 : memref<2064xi32, #tpu.memory_space<vmem>>)
          tpu.yield
        }) : () -> ()
        %max3A_148 = arith.maxsi %max3A, %mul3A_147 : i32
        %add3A_149 = arith.constant 2048 : i32
        %add3A_150 = arith.addi %mul3A_147, %add3A_149 : i32
        %min3A_151 = arith.minsi %min3A, %add3A_150 : i32
        %add3A_152 = arith.constant 1 : i32
        %add3A_153 = arith.addi %add3A_145, %add3A_152 : i32
        %add3A_154 = arith.constant 128 : i32
        %add3A_155 = arith.addi %add3A_154, %add3A_153 : i32
        %get3A_156 = arith.index_cast %add3A_155 : i32 to index
        %get3A_157 = tpu.vector_load %arg11[%get3A_156] {strides = array<i32>} : memref<304xi32, #tpu.memory_space<vmem>>, vector<16xi32>,
        %get3A_158 = vector.shape_cast %get3A_157 : vector<16xi32> to vector<16xi32>
        %slice3A_159 = vector.extract_strided_slice %get3A_158 {offsets = [0], sizes = [1], strides = [1]} : vector<16xi32> to vector<1xi32>
        %squeeze3A_160 = vector.extract %slice3A_159[0] : i32 from vector<1xi32>
        %le3A = arith.cmpi sle, %add3A_150, %min3A : i32
        %select_n3A_161 = arith.select %le3A, %squeeze3A_160, %squeeze3A_123 : i32
        %sub3A_162 = arith.subi %select_n3A_161, %add3A_25 : i32
        %jit3A_163 = arith.constant 0 : i32
        %jit3A_164 = arith.constant 160 : i32
        %max3A_165 = arith.maxsi %jit3A_163, %sub3A_162 : i32
        %min3A_166 = arith.minsi %jit3A_164, %max3A_165 : i32
        %while3A_167 = arith.subi %min3A_166, %while3A_135 : i32
        %while3A_168 = arith.addi %while3A_135, %while3A_167 : i32
        %while3A_169 = arith.constant 1 : i32
        %while3A_170 = arith.divsi %while3A_167, %while3A_169 : i32
        %while3A_171 = arith.muli %while3A_170, %while3A_169 : i32
        %while3A_172 = arith.addi %while3A_135, %while3A_171 : i32
        %while3A_173 = arith.constant 1 : i32
        %while3A_174:9 = scf.for %while3A_220 = %while3A_135 to %while3A_172 step %while3A_173 iter_args(%while3A_221 = %while3A_136, %while3A_222 = %while3A_137, %while3A_223 = %while3A_138, %while3A_224 = %while3A_139, %while3A_225 = %while3A_140, %while3A_226 = %while3A_141, %while3A_227 = %while3A_142, %while3A_228 = %while3A_143, %while3A_229 = %while3A_144) -> (vector<16xf32>, vector<16xf32>, vector<16xf32>, vector<16xf32>, vector<16xf32>, vector<16xf32>, vector<16xf32>, vector<16xf32>, vector<16xf32>)  : i32 {
          %add3A_230 = arith.constant 160 : i32
          %add3A_231 = arith.addi %add3A_230, %while3A_220 : i32
          %get3A_232 = arith.index_cast %add3A_231 : i32 to index
          %get3A_233 = tpu.vector_load %arg12[%get3A_232] {strides = array<i32>} : memref<336xi32, #tpu.memory_space<vmem>>, vector<16xi32>,
          %get3A_234 = vector.shape_cast %get3A_233 : vector<16xi32> to vector<16xi32>
          %slice3A_235 = vector.extract_strided_slice %get3A_234 {offsets = [0], sizes = [1], strides = [1]} : vector<16xi32> to vector<1xi32>
          %squeeze3A_236 = vector.extract %slice3A_235[0] : i32 from vector<1xi32>
          %max3A_237 = arith.maxsi %squeeze3A_236, %max3A_148 : i32
          %add3A_238 = arith.constant 1 : i32
          %add3A_239 = arith.addi %while3A_220, %add3A_238 : i32
          %add3A_240 = arith.constant 160 : i32
          %add3A_241 = arith.addi %add3A_240, %add3A_239 : i32
          %get3A_242 = arith.index_cast %add3A_241 : i32 to index
          %get3A_243 = tpu.vector_load %arg12[%get3A_242] {strides = array<i32>} : memref<336xi32, #tpu.memory_space<vmem>>, vector<16xi32>,
          %get3A_244 = vector.shape_cast %get3A_243 : vector<16xi32> to vector<16xi32>
          %slice3A_245 = vector.extract_strided_slice %get3A_244 {offsets = [0], sizes = [1], strides = [1]} : vector<16xi32> to vector<1xi32>
          %squeeze3A_246 = vector.extract %slice3A_245[0] : i32 from vector<1xi32>
          %min3A_247 = arith.constant 159 : i32
          %min3A_248 = arith.minsi %while3A_220, %min3A_247 : i32
          %get3A_249 = arith.index_cast %min3A_248 : i32 to index
          %get3A_250 = arith.constant 0 : index
          %get3A_251 = tpu.vector_load %arg7[%get3A_249, %get3A_250] {strides = array<i32>} : memref<160x128xf32, #tpu.memory_space<vmem>>, vector<1x16xf32>,
          %get3A_252 = vector.shape_cast %get3A_251 : vector<1x16xf32> to vector<16xf32>
          %get3A_253 = arith.index_cast %min3A_248 : i32 to index
          %get3A_254 = arith.constant 16 : index
          %get3A_255 = tpu.vector_load %arg7[%get3A_253, %get3A_254] {strides = array<i32>} : memref<160x128xf32, #tpu.memory_space<vmem>>, vector<1x16xf32>,
          %get3A_256 = vector.shape_cast %get3A_255 : vector<1x16xf32> to vector<16xf32>
          %get3A_257 = arith.index_cast %min3A_248 : i32 to index
          %get3A_258 = arith.constant 32 : index
          %get3A_259 = tpu.vector_load %arg7[%get3A_257, %get3A_258] {strides = array<i32>} : memref<160x128xf32, #tpu.memory_space<vmem>>, vector<1x16xf32>,
          %get3A_260 = vector.shape_cast %get3A_259 : vector<1x16xf32> to vector<16xf32>
          %get3A_261 = arith.index_cast %min3A_248 : i32 to index
          %get3A_262 = arith.constant 48 : index
          %get3A_263 = tpu.vector_load %arg7[%get3A_261, %get3A_262] {strides = array<i32>} : memref<160x128xf32, #tpu.memory_space<vmem>>, vector<1x16xf32>,
          %get3A_264 = vector.shape_cast %get3A_263 : vector<1x16xf32> to vector<16xf32>
          %get3A_265 = arith.index_cast %min3A_248 : i32 to index
          %get3A_266 = arith.constant 64 : index
          %get3A_267 = tpu.vector_load %arg7[%get3A_265, %get3A_266] {strides = array<i32>} : memref<160x128xf32, #tpu.memory_space<vmem>>, vector<1x16xf32>,
          %get3A_268 = vector.shape_cast %get3A_267 : vector<1x16xf32> to vector<16xf32>
          %get3A_269 = arith.index_cast %min3A_248 : i32 to index
          %get3A_270 = arith.constant 80 : index
          %get3A_271 = tpu.vector_load %arg7[%get3A_269, %get3A_270] {strides = array<i32>} : memref<160x128xf32, #tpu.memory_space<vmem>>, vector<1x16xf32>,
          %get3A_272 = vector.shape_cast %get3A_271 : vector<1x16xf32> to vector<16xf32>
          %get3A_273 = arith.index_cast %min3A_248 : i32 to index
          %get3A_274 = arith.constant 96 : index
          %get3A_275 = tpu.vector_load %arg7[%get3A_273, %get3A_274] {strides = array<i32>} : memref<160x128xf32, #tpu.memory_space<vmem>>, vector<1x16xf32>,
          %get3A_276 = vector.shape_cast %get3A_275 : vector<1x16xf32> to vector<16xf32>
          %get3A_277 = arith.index_cast %min3A_248 : i32 to index
          %get3A_278 = arith.constant 112 : index
          %get3A_279 = tpu.vector_load %arg7[%get3A_277, %get3A_278] {strides = array<i32>} : memref<160x128xf32, #tpu.memory_space<vmem>>, vector<1x16xf32>,
          %get3A_280 = vector.shape_cast %get3A_279 : vector<1x16xf32> to vector<16xf32>
          %parallel_loop3A_281 = arith.constant 1 : i32
          %parallel_loop3A_282:9 = scf.for %parallel_loop3A_339 = %max3A_237 to %squeeze3A_246 step %parallel_loop3A_281 iter_args(%parallel_loop3A_340 = %while3A_221, %parallel_loop3A_341 = %while3A_222, %parallel_loop3A_342 = %while3A_223, %parallel_loop3A_343 = %while3A_224, %parallel_loop3A_344 = %while3A_225, %parallel_loop3A_345 = %while3A_226, %parallel_loop3A_346 = %while3A_227, %parallel_loop3A_347 = %while3A_228, %parallel_loop3A_348 = %while3A_229) -> (vector<16xf32>, vector<16xf32>, vector<16xf32>, vector<16xf32>, vector<16xf32>, vector<16xf32>, vector<16xf32>, vector<16xf32>, vector<16xf32>)  : i32 {
            %parallel_loop3A_349 = arith.subi %parallel_loop3A_339, %mul3A_147 : i32
            %parallel_loop3A_350 = arith.index_cast %parallel_loop3A_349 : i32 to index
            %parallel_loop3A_351 = tpu.vector_load %arg10[%parallel_loop3A_350] {strides = array<i32>} : memref<2064xi32, #tpu.memory_space<vmem>>, vector<16xi32>,
            %parallel_loop3A_352 = vector.shape_cast %parallel_loop3A_351 : vector<16xi32> to vector<16xi32>
            %parallel_loop3A_353 = vector.extract_strided_slice %parallel_loop3A_352 {offsets = [0], sizes = [1], strides = [1]} : vector<16xi32> to vector<1xi32>
            %parallel_loop3A_354 = vector.extract %parallel_loop3A_353[0] : i32 from vector<1xi32>
            %parallel_loop3A_355 = arith.subi %parallel_loop3A_354, %multiple_of3A : i32
            %parallel_loop3A_356 = arith.index_cast %parallel_loop3A_355 : i32 to index
            %parallel_loop3A_357 = arith.constant 0 : index
            %parallel_loop3A_358 = tpu.vector_load %arg9[%parallel_loop3A_356, %parallel_loop3A_357] {strides = array<i32>} : memref<224x256xf32, #tpu.memory_space<vmem>>, vector<1x16xf32>,
            %parallel_loop3A_359 = vector.shape_cast %parallel_loop3A_358 : vector<1x16xf32> to vector<16xf32>
            %parallel_loop3A_360 = arith.mulf %get3A_252, %parallel_loop3A_359 : vector<16xf32>
            %parallel_loop3A_361 = arith.index_cast %parallel_loop3A_355 : i32 to index
            %parallel_loop3A_362 = arith.constant 16 : index
            %parallel_loop3A_363 = tpu.vector_load %arg9[%parallel_loop3A_361, %parallel_loop3A_362] {strides = array<i32>} : memref<224x256xf32, #tpu.memory_space<vmem>>, vector<1x16xf32>,
            %parallel_loop3A_364 = vector.shape_cast %parallel_loop3A_363 : vector<1x16xf32> to vector<16xf32>
            %parallel_loop3A_365 = arith.mulf %get3A_256, %parallel_loop3A_364 : vector<16xf32>
            %parallel_loop3A_366 = arith.addf %parallel_loop3A_360, %parallel_loop3A_365 : vector<16xf32>
            %parallel_loop3A_367 = arith.index_cast %parallel_loop3A_355 : i32 to index
            %parallel_loop3A_368 = arith.constant 32 : index
            %parallel_loop3A_369 = tpu.vector_load %arg9[%parallel_loop3A_367, %parallel_loop3A_368] {strides = array<i32>} : memref<224x256xf32, #tpu.memory_space<vmem>>, vector<1x16xf32>,
            %parallel_loop3A_370 = vector.shape_cast %parallel_loop3A_369 : vector<1x16xf32> to vector<16xf32>
            %parallel_loop3A_371 = arith.mulf %get3A_260, %parallel_loop3A_370 : vector<16xf32>
            %parallel_loop3A_372 = arith.addf %parallel_loop3A_366, %parallel_loop3A_371 : vector<16xf32>
            %parallel_loop3A_373 = arith.index_cast %parallel_loop3A_355 : i32 to index
            %parallel_loop3A_374 = arith.constant 48 : index
            %parallel_loop3A_375 = tpu.vector_load %arg9[%parallel_loop3A_373, %parallel_loop3A_374] {strides = array<i32>} : memref<224x256xf32, #tpu.memory_space<vmem>>, vector<1x16xf32>,
            %parallel_loop3A_376 = vector.shape_cast %parallel_loop3A_375 : vector<1x16xf32> to vector<16xf32>
            %parallel_loop3A_377 = arith.mulf %get3A_264, %parallel_loop3A_376 : vector<16xf32>
            %parallel_loop3A_378 = arith.addf %parallel_loop3A_372, %parallel_loop3A_377 : vector<16xf32>
            %parallel_loop3A_379 = arith.index_cast %parallel_loop3A_355 : i32 to index
            %parallel_loop3A_380 = arith.constant 64 : index
            %parallel_loop3A_381 = tpu.vector_load %arg9[%parallel_loop3A_379, %parallel_loop3A_380] {strides = array<i32>} : memref<224x256xf32, #tpu.memory_space<vmem>>, vector<1x16xf32>,
            %parallel_loop3A_382 = vector.shape_cast %parallel_loop3A_381 : vector<1x16xf32> to vector<16xf32>
            %parallel_loop3A_383 = arith.mulf %get3A_268, %parallel_loop3A_382 : vector<16xf32>
            %parallel_loop3A_384 = arith.addf %parallel_loop3A_378, %parallel_loop3A_383 : vector<16xf32>
            %parallel_loop3A_385 = arith.index_cast %parallel_loop3A_355 : i32 to index
            %parallel_loop3A_386 = arith.constant 80 : index
            %parallel_loop3A_387 = tpu.vector_load %arg9[%parallel_loop3A_385, %parallel_loop3A_386] {strides = array<i32>} : memref<224x256xf32, #tpu.memory_space<vmem>>, vector<1x16xf32>,
            %parallel_loop3A_388 = vector.shape_cast %parallel_loop3A_387 : vector<1x16xf32> to vector<16xf32>
            %parallel_loop3A_389 = arith.mulf %get3A_272, %parallel_loop3A_388 : vector<16xf32>
            %parallel_loop3A_390 = arith.addf %parallel_loop3A_384, %parallel_loop3A_389 : vector<16xf32>
            %parallel_loop3A_391 = arith.index_cast %parallel_loop3A_355 : i32 to index
            %parallel_loop3A_392 = arith.constant 96 : index
            %parallel_loop3A_393 = tpu.vector_load %arg9[%parallel_loop3A_391, %parallel_loop3A_392] {strides = array<i32>} : memref<224x256xf32, #tpu.memory_space<vmem>>, vector<1x16xf32>,
            %parallel_loop3A_394 = vector.shape_cast %parallel_loop3A_393 : vector<1x16xf32> to vector<16xf32>
            %parallel_loop3A_395 = arith.mulf %get3A_276, %parallel_loop3A_394 : vector<16xf32>
            %parallel_loop3A_396 = arith.addf %parallel_loop3A_390, %parallel_loop3A_395 : vector<16xf32>
            %parallel_loop3A_397 = arith.index_cast %parallel_loop3A_355 : i32 to index
            %parallel_loop3A_398 = arith.constant 112 : index
            %parallel_loop3A_399 = tpu.vector_load %arg9[%parallel_loop3A_397, %parallel_loop3A_398] {strides = array<i32>} : memref<224x256xf32, #tpu.memory_space<vmem>>, vector<1x16xf32>,
            %parallel_loop3A_400 = vector.shape_cast %parallel_loop3A_399 : vector<1x16xf32> to vector<16xf32>
            %parallel_loop3A_401 = arith.mulf %get3A_280, %parallel_loop3A_400 : vector<16xf32>
            %parallel_loop3A_402 = arith.addf %parallel_loop3A_396, %parallel_loop3A_401 : vector<16xf32>
            %parallel_loop3A_403 = math.exp %parallel_loop3A_402 : vector<16xf32>
            %parallel_loop3A_404 = arith.index_cast %parallel_loop3A_355 : i32 to index
            %parallel_loop3A_405 = arith.constant 128 : index
            %parallel_loop3A_406 = tpu.vector_load %arg9[%parallel_loop3A_404, %parallel_loop3A_405] {strides = array<i32>} : memref<224x256xf32, #tpu.memory_space<vmem>>, vector<1x16xf32>,
            %parallel_loop3A_407 = vector.shape_cast %parallel_loop3A_406 : vector<1x16xf32> to vector<16xf32>
            %parallel_loop3A_408 = arith.mulf %parallel_loop3A_403, %parallel_loop3A_407 : vector<16xf32>
            %parallel_loop3A_409 = arith.addf %parallel_loop3A_341, %parallel_loop3A_408 : vector<16xf32>
            %parallel_loop3A_410 = arith.index_cast %parallel_loop3A_355 : i32 to index
            %parallel_loop3A_411 = arith.constant 144 : index
            %parallel_loop3A_412 = tpu.vector_load %arg9[%parallel_loop3A_410, %parallel_loop3A_411] {strides = array<i32>} : memref<224x256xf32, #tpu.memory_space<vmem>>, vector<1x16xf32>,
            %parallel_loop3A_413 = vector.shape_cast %parallel_loop3A_412 : vector<1x16xf32> to vector<16xf32>
            %parallel_loop3A_414 = arith.mulf %parallel_loop3A_403, %parallel_loop3A_413 : vector<16xf32>
            %parallel_loop3A_415 = arith.addf %parallel_loop3A_342, %parallel_loop3A_414 : vector<16xf32>
            %parallel_loop3A_416 = arith.index_cast %parallel_loop3A_355 : i32 to index
            %parallel_loop3A_417 = arith.constant 160 : index
            %parallel_loop3A_418 = tpu.vector_load %arg9[%parallel_loop3A_416, %parallel_loop3A_417] {strides = array<i32>} : memref<224x256xf32, #tpu.memory_space<vmem>>, vector<1x16xf32>,
            %parallel_loop3A_419 = vector.shape_cast %parallel_loop3A_418 : vector<1x16xf32> to vector<16xf32>
            %parallel_loop3A_420 = arith.mulf %parallel_loop3A_403, %parallel_loop3A_419 : vector<16xf32>
            %parallel_loop3A_421 = arith.addf %parallel_loop3A_343, %parallel_loop3A_420 : vector<16xf32>
            %parallel_loop3A_422 = arith.index_cast %parallel_loop3A_355 : i32 to index
            %parallel_loop3A_423 = arith.constant 176 : index
            %parallel_loop3A_424 = tpu.vector_load %arg9[%parallel_loop3A_422, %parallel_loop3A_423] {strides = array<i32>} : memref<224x256xf32, #tpu.memory_space<vmem>>, vector<1x16xf32>,
            %parallel_loop3A_425 = vector.shape_cast %parallel_loop3A_424 : vector<1x16xf32> to vector<16xf32>
            %parallel_loop3A_426 = arith.mulf %parallel_loop3A_403, %parallel_loop3A_425 : vector<16xf32>
            %parallel_loop3A_427 = arith.addf %parallel_loop3A_344, %parallel_loop3A_426 : vector<16xf32>
            %parallel_loop3A_428 = arith.index_cast %parallel_loop3A_355 : i32 to index
            %parallel_loop3A_429 = arith.constant 192 : index
            %parallel_loop3A_430 = tpu.vector_load %arg9[%parallel_loop3A_428, %parallel_loop3A_429] {strides = array<i32>} : memref<224x256xf32, #tpu.memory_space<vmem>>, vector<1x16xf32>,
            %parallel_loop3A_431 = vector.shape_cast %parallel_loop3A_430 : vector<1x16xf32> to vector<16xf32>
            %parallel_loop3A_432 = arith.mulf %parallel_loop3A_403, %parallel_loop3A_431 : vector<16xf32>
            %parallel_loop3A_433 = arith.addf %parallel_loop3A_345, %parallel_loop3A_432 : vector<16xf32>
            %parallel_loop3A_434 = arith.index_cast %parallel_loop3A_355 : i32 to index
            %parallel_loop3A_435 = arith.constant 208 : index
            %parallel_loop3A_436 = tpu.vector_load %arg9[%parallel_loop3A_434, %parallel_loop3A_435] {strides = array<i32>} : memref<224x256xf32, #tpu.memory_space<vmem>>, vector<1x16xf32>,
            %parallel_loop3A_437 = vector.shape_cast %parallel_loop3A_436 : vector<1x16xf32> to vector<16xf32>
            %parallel_loop3A_438 = arith.mulf %parallel_loop3A_403, %parallel_loop3A_437 : vector<16xf32>
            %parallel_loop3A_439 = arith.addf %parallel_loop3A_346, %parallel_loop3A_438 : vector<16xf32>
            %parallel_loop3A_440 = arith.index_cast %parallel_loop3A_355 : i32 to index
            %parallel_loop3A_441 = arith.constant 224 : index
            %parallel_loop3A_442 = tpu.vector_load %arg9[%parallel_loop3A_440, %parallel_loop3A_441] {strides = array<i32>} : memref<224x256xf32, #tpu.memory_space<vmem>>, vector<1x16xf32>,
            %parallel_loop3A_443 = vector.shape_cast %parallel_loop3A_442 : vector<1x16xf32> to vector<16xf32>
            %parallel_loop3A_444 = arith.mulf %parallel_loop3A_403, %parallel_loop3A_443 : vector<16xf32>
            %parallel_loop3A_445 = arith.addf %parallel_loop3A_347, %parallel_loop3A_444 : vector<16xf32>
            %parallel_loop3A_446 = arith.index_cast %parallel_loop3A_355 : i32 to index
            %parallel_loop3A_447 = arith.constant 240 : index
            %parallel_loop3A_448 = tpu.vector_load %arg9[%parallel_loop3A_446, %parallel_loop3A_447] {strides = array<i32>} : memref<224x256xf32, #tpu.memory_space<vmem>>, vector<1x16xf32>,
            %parallel_loop3A_449 = vector.shape_cast %parallel_loop3A_448 : vector<1x16xf32> to vector<16xf32>
            %parallel_loop3A_450 = arith.mulf %parallel_loop3A_403, %parallel_loop3A_449 : vector<16xf32>
            %parallel_loop3A_451 = arith.addf %parallel_loop3A_348, %parallel_loop3A_450 : vector<16xf32>
            %parallel_loop3A_452 = arith.addf %parallel_loop3A_340, %parallel_loop3A_403 : vector<16xf32>
            scf.yield %parallel_loop3A_452, %parallel_loop3A_409, %parallel_loop3A_415, %parallel_loop3A_421, %parallel_loop3A_427, %parallel_loop3A_433, %parallel_loop3A_439, %parallel_loop3A_445, %parallel_loop3A_451 : vector<16xf32>, vector<16xf32>, vector<16xf32>, vector<16xf32>, vector<16xf32>, vector<16xf32>, vector<16xf32>, vector<16xf32>, vector<16xf32>
          } {sc.loop_unroll_factor = 4 : i64, sc.parallel_access}
          %gt3A_283 = arith.constant 0.000000e+00 : f32
          %gt3A_284 = vector.broadcast %gt3A_283 : f32 to vector<16xf32>
          %gt3A_285 = arith.cmpf ogt, %parallel_loop3A_282#0, %gt3A_284 : vector<16xf32>
          %div3A_286 = arith.constant 1.000000e+00 : f32
          %div3A_287 = vector.broadcast %div3A_286 : f32 to vector<16xf32>
          %div3A_288 = arith.divf %div3A_287, %parallel_loop3A_282#0 : vector<16xf32>
          %jit3A_289 = arith.constant 0.000000e+00 : f32
          %broadcast_in_dim3A_290 = vector.broadcast %jit3A_289 : f32 to vector<16xf32>
          %select_n3A_291 = arith.select %gt3A_285, %div3A_288, %broadcast_in_dim3A_290 : vector<16xi1>, vector<16xf32>
          %mul3A_292 = arith.mulf %parallel_loop3A_282#1, %select_n3A_291 : vector<16xf32>
          %swap3A = arith.index_cast %while3A_220 : i32 to index
          %swap3A_293 = arith.constant 0 : index
          %swap3A_294 = tpu.vector_load %arg8[%swap3A, %swap3A_293] {strides = array<i32>} : memref<160x128xf32, #tpu.memory_space<vmem>>, vector<1x16xf32>,
          %swap3A_295 = vector.shape_cast %swap3A_294 : vector<1x16xf32> to vector<16xf32>
          %swap3A_296 = vector.shape_cast %mul3A_292 : vector<16xf32> to vector<1x16xf32>
          tpu.vector_store %arg8[%swap3A, %swap3A_293], %swap3A_296 {strides = array<i32>} : memref<160x128xf32, #tpu.memory_space<vmem>>, vector<1x16xf32>,
          %mul3A_297 = arith.mulf %parallel_loop3A_282#2, %select_n3A_291 : vector<16xf32>
          %swap3A_298 = arith.index_cast %while3A_220 : i32 to index
          %swap3A_299 = arith.constant 16 : index
          %swap3A_300 = tpu.vector_load %arg8[%swap3A_298, %swap3A_299] {strides = array<i32>} : memref<160x128xf32, #tpu.memory_space<vmem>>, vector<1x16xf32>,
          %swap3A_301 = vector.shape_cast %swap3A_300 : vector<1x16xf32> to vector<16xf32>
          %swap3A_302 = vector.shape_cast %mul3A_297 : vector<16xf32> to vector<1x16xf32>
          tpu.vector_store %arg8[%swap3A_298, %swap3A_299], %swap3A_302 {strides = array<i32>} : memref<160x128xf32, #tpu.memory_space<vmem>>, vector<1x16xf32>,
          %mul3A_303 = arith.mulf %parallel_loop3A_282#3, %select_n3A_291 : vector<16xf32>
          %swap3A_304 = arith.index_cast %while3A_220 : i32 to index
          %swap3A_305 = arith.constant 32 : index
          %swap3A_306 = tpu.vector_load %arg8[%swap3A_304, %swap3A_305] {strides = array<i32>} : memref<160x128xf32, #tpu.memory_space<vmem>>, vector<1x16xf32>,
          %swap3A_307 = vector.shape_cast %swap3A_306 : vector<1x16xf32> to vector<16xf32>
          %swap3A_308 = vector.shape_cast %mul3A_303 : vector<16xf32> to vector<1x16xf32>
          tpu.vector_store %arg8[%swap3A_304, %swap3A_305], %swap3A_308 {strides = array<i32>} : memref<160x128xf32, #tpu.memory_space<vmem>>, vector<1x16xf32>,
          %mul3A_309 = arith.mulf %parallel_loop3A_282#4, %select_n3A_291 : vector<16xf32>
          %swap3A_310 = arith.index_cast %while3A_220 : i32 to index
          %swap3A_311 = arith.constant 48 : index
          %swap3A_312 = tpu.vector_load %arg8[%swap3A_310, %swap3A_311] {strides = array<i32>} : memref<160x128xf32, #tpu.memory_space<vmem>>, vector<1x16xf32>,
          %swap3A_313 = vector.shape_cast %swap3A_312 : vector<1x16xf32> to vector<16xf32>
          %swap3A_314 = vector.shape_cast %mul3A_309 : vector<16xf32> to vector<1x16xf32>
          tpu.vector_store %arg8[%swap3A_310, %swap3A_311], %swap3A_314 {strides = array<i32>} : memref<160x128xf32, #tpu.memory_space<vmem>>, vector<1x16xf32>,
          %mul3A_315 = arith.mulf %parallel_loop3A_282#5, %select_n3A_291 : vector<16xf32>
          %swap3A_316 = arith.index_cast %while3A_220 : i32 to index
          %swap3A_317 = arith.constant 64 : index
          %swap3A_318 = tpu.vector_load %arg8[%swap3A_316, %swap3A_317] {strides = array<i32>} : memref<160x128xf32, #tpu.memory_space<vmem>>, vector<1x16xf32>,
          %swap3A_319 = vector.shape_cast %swap3A_318 : vector<1x16xf32> to vector<16xf32>
          %swap3A_320 = vector.shape_cast %mul3A_315 : vector<16xf32> to vector<1x16xf32>
          tpu.vector_store %arg8[%swap3A_316, %swap3A_317], %swap3A_320 {strides = array<i32>} : memref<160x128xf32, #tpu.memory_space<vmem>>, vector<1x16xf32>,
          %mul3A_321 = arith.mulf %parallel_loop3A_282#6, %select_n3A_291 : vector<16xf32>
          %swap3A_322 = arith.index_cast %while3A_220 : i32 to index
          %swap3A_323 = arith.constant 80 : index
          %swap3A_324 = tpu.vector_load %arg8[%swap3A_322, %swap3A_323] {strides = array<i32>} : memref<160x128xf32, #tpu.memory_space<vmem>>, vector<1x16xf32>,
          %swap3A_325 = vector.shape_cast %swap3A_324 : vector<1x16xf32> to vector<16xf32>
          %swap3A_326 = vector.shape_cast %mul3A_321 : vector<16xf32> to vector<1x16xf32>
          tpu.vector_store %arg8[%swap3A_322, %swap3A_323], %swap3A_326 {strides = array<i32>} : memref<160x128xf32, #tpu.memory_space<vmem>>, vector<1x16xf32>,
          %mul3A_327 = arith.mulf %parallel_loop3A_282#7, %select_n3A_291 : vector<16xf32>
          %swap3A_328 = arith.index_cast %while3A_220 : i32 to index
          %swap3A_329 = arith.constant 96 : index
          %swap3A_330 = tpu.vector_load %arg8[%swap3A_328, %swap3A_329] {strides = array<i32>} : memref<160x128xf32, #tpu.memory_space<vmem>>, vector<1x16xf32>,
          %swap3A_331 = vector.shape_cast %swap3A_330 : vector<1x16xf32> to vector<16xf32>
          %swap3A_332 = vector.shape_cast %mul3A_327 : vector<16xf32> to vector<1x16xf32>
          tpu.vector_store %arg8[%swap3A_328, %swap3A_329], %swap3A_332 {strides = array<i32>} : memref<160x128xf32, #tpu.memory_space<vmem>>, vector<1x16xf32>,
          %mul3A_333 = arith.mulf %parallel_loop3A_282#8, %select_n3A_291 : vector<16xf32>
          %swap3A_334 = arith.index_cast %while3A_220 : i32 to index
          %swap3A_335 = arith.constant 112 : index
          %swap3A_336 = tpu.vector_load %arg8[%swap3A_334, %swap3A_335] {strides = array<i32>} : memref<160x128xf32, #tpu.memory_space<vmem>>, vector<1x16xf32>,
          %swap3A_337 = vector.shape_cast %swap3A_336 : vector<1x16xf32> to vector<16xf32>
          %swap3A_338 = vector.shape_cast %mul3A_333 : vector<16xf32> to vector<1x16xf32>
          tpu.vector_store %arg8[%swap3A_334, %swap3A_335], %swap3A_338 {strides = array<i32>} : memref<160x128xf32, #tpu.memory_space<vmem>>, vector<1x16xf32>,
          scf.yield %broadcast_in_dim3A_3, %broadcast_in_dim3A_3, %broadcast_in_dim3A_3, %broadcast_in_dim3A_3, %broadcast_in_dim3A_3, %broadcast_in_dim3A_3, %broadcast_in_dim3A_3, %broadcast_in_dim3A_3, %broadcast_in_dim3A_3 : vector<16xf32>, vector<16xf32>, vector<16xf32>, vector<16xf32>, vector<16xf32>, vector<16xf32>, vector<16xf32>, vector<16xf32>, vector<16xf32>
        }
        %while3A_175 = arith.constant 1 : i32
        %while3A_176:9 = scf.for %while3A_220 = %while3A_172 to %while3A_168 step %while3A_175 iter_args(%while3A_221 = %while3A_174#0, %while3A_222 = %while3A_174#1, %while3A_223 = %while3A_174#2, %while3A_224 = %while3A_174#3, %while3A_225 = %while3A_174#4, %while3A_226 = %while3A_174#5, %while3A_227 = %while3A_174#6, %while3A_228 = %while3A_174#7, %while3A_229 = %while3A_174#8) -> (vector<16xf32>, vector<16xf32>, vector<16xf32>, vector<16xf32>, vector<16xf32>, vector<16xf32>, vector<16xf32>, vector<16xf32>, vector<16xf32>)  : i32 {
          %add3A_230 = arith.constant 160 : i32
          %add3A_231 = arith.addi %add3A_230, %while3A_220 : i32
          %get3A_232 = arith.index_cast %add3A_231 : i32 to index
          %get3A_233 = tpu.vector_load %arg12[%get3A_232] {strides = array<i32>} : memref<336xi32, #tpu.memory_space<vmem>>, vector<16xi32>,
          %get3A_234 = vector.shape_cast %get3A_233 : vector<16xi32> to vector<16xi32>
          %slice3A_235 = vector.extract_strided_slice %get3A_234 {offsets = [0], sizes = [1], strides = [1]} : vector<16xi32> to vector<1xi32>
          %squeeze3A_236 = vector.extract %slice3A_235[0] : i32 from vector<1xi32>
          %max3A_237 = arith.maxsi %squeeze3A_236, %max3A_148 : i32
          %add3A_238 = arith.constant 1 : i32
          %add3A_239 = arith.addi %while3A_220, %add3A_238 : i32
          %add3A_240 = arith.constant 160 : i32
          %add3A_241 = arith.addi %add3A_240, %add3A_239 : i32
          %get3A_242 = arith.index_cast %add3A_241 : i32 to index
          %get3A_243 = tpu.vector_load %arg12[%get3A_242] {strides = array<i32>} : memref<336xi32, #tpu.memory_space<vmem>>, vector<16xi32>,
          %get3A_244 = vector.shape_cast %get3A_243 : vector<16xi32> to vector<16xi32>
          %slice3A_245 = vector.extract_strided_slice %get3A_244 {offsets = [0], sizes = [1], strides = [1]} : vector<16xi32> to vector<1xi32>
          %squeeze3A_246 = vector.extract %slice3A_245[0] : i32 from vector<1xi32>
          %min3A_247 = arith.constant 159 : i32
          %min3A_248 = arith.minsi %while3A_220, %min3A_247 : i32
          %get3A_249 = arith.index_cast %min3A_248 : i32 to index
          %get3A_250 = arith.constant 0 : index
          %get3A_251 = tpu.vector_load %arg7[%get3A_249, %get3A_250] {strides = array<i32>} : memref<160x128xf32, #tpu.memory_space<vmem>>, vector<1x16xf32>,
          %get3A_252 = vector.shape_cast %get3A_251 : vector<1x16xf32> to vector<16xf32>
          %get3A_253 = arith.index_cast %min3A_248 : i32 to index
          %get3A_254 = arith.constant 16 : index
          %get3A_255 = tpu.vector_load %arg7[%get3A_253, %get3A_254] {strides = array<i32>} : memref<160x128xf32, #tpu.memory_space<vmem>>, vector<1x16xf32>,
          %get3A_256 = vector.shape_cast %get3A_255 : vector<1x16xf32> to vector<16xf32>
          %get3A_257 = arith.index_cast %min3A_248 : i32 to index
          %get3A_258 = arith.constant 32 : index
          %get3A_259 = tpu.vector_load %arg7[%get3A_257, %get3A_258] {strides = array<i32>} : memref<160x128xf32, #tpu.memory_space<vmem>>, vector<1x16xf32>,
          %get3A_260 = vector.shape_cast %get3A_259 : vector<1x16xf32> to vector<16xf32>
          %get3A_261 = arith.index_cast %min3A_248 : i32 to index
          %get3A_262 = arith.constant 48 : index
          %get3A_263 = tpu.vector_load %arg7[%get3A_261, %get3A_262] {strides = array<i32>} : memref<160x128xf32, #tpu.memory_space<vmem>>, vector<1x16xf32>,
          %get3A_264 = vector.shape_cast %get3A_263 : vector<1x16xf32> to vector<16xf32>
          %get3A_265 = arith.index_cast %min3A_248 : i32 to index
          %get3A_266 = arith.constant 64 : index
          %get3A_267 = tpu.vector_load %arg7[%get3A_265, %get3A_266] {strides = array<i32>} : memref<160x128xf32, #tpu.memory_space<vmem>>, vector<1x16xf32>,
          %get3A_268 = vector.shape_cast %get3A_267 : vector<1x16xf32> to vector<16xf32>
          %get3A_269 = arith.index_cast %min3A_248 : i32 to index
          %get3A_270 = arith.constant 80 : index
          %get3A_271 = tpu.vector_load %arg7[%get3A_269, %get3A_270] {strides = array<i32>} : memref<160x128xf32, #tpu.memory_space<vmem>>, vector<1x16xf32>,
          %get3A_272 = vector.shape_cast %get3A_271 : vector<1x16xf32> to vector<16xf32>
          %get3A_273 = arith.index_cast %min3A_248 : i32 to index
          %get3A_274 = arith.constant 96 : index
          %get3A_275 = tpu.vector_load %arg7[%get3A_273, %get3A_274] {strides = array<i32>} : memref<160x128xf32, #tpu.memory_space<vmem>>, vector<1x16xf32>,
          %get3A_276 = vector.shape_cast %get3A_275 : vector<1x16xf32> to vector<16xf32>
          %get3A_277 = arith.index_cast %min3A_248 : i32 to index
          %get3A_278 = arith.constant 112 : index
          %get3A_279 = tpu.vector_load %arg7[%get3A_277, %get3A_278] {strides = array<i32>} : memref<160x128xf32, #tpu.memory_space<vmem>>, vector<1x16xf32>,
          %get3A_280 = vector.shape_cast %get3A_279 : vector<1x16xf32> to vector<16xf32>
          %parallel_loop3A_281 = arith.constant 1 : i32
          %parallel_loop3A_282:9 = scf.for %parallel_loop3A_339 = %max3A_237 to %squeeze3A_246 step %parallel_loop3A_281 iter_args(%parallel_loop3A_340 = %while3A_221, %parallel_loop3A_341 = %while3A_222, %parallel_loop3A_342 = %while3A_223, %parallel_loop3A_343 = %while3A_224, %parallel_loop3A_344 = %while3A_225, %parallel_loop3A_345 = %while3A_226, %parallel_loop3A_346 = %while3A_227, %parallel_loop3A_347 = %while3A_228, %parallel_loop3A_348 = %while3A_229) -> (vector<16xf32>, vector<16xf32>, vector<16xf32>, vector<16xf32>, vector<16xf32>, vector<16xf32>, vector<16xf32>, vector<16xf32>, vector<16xf32>)  : i32 {
            %parallel_loop3A_349 = arith.subi %parallel_loop3A_339, %mul3A_147 : i32
            %parallel_loop3A_350 = arith.index_cast %parallel_loop3A_349 : i32 to index
            %parallel_loop3A_351 = tpu.vector_load %arg10[%parallel_loop3A_350] {strides = array<i32>} : memref<2064xi32, #tpu.memory_space<vmem>>, vector<16xi32>,
            %parallel_loop3A_352 = vector.shape_cast %parallel_loop3A_351 : vector<16xi32> to vector<16xi32>
            %parallel_loop3A_353 = vector.extract_strided_slice %parallel_loop3A_352 {offsets = [0], sizes = [1], strides = [1]} : vector<16xi32> to vector<1xi32>
            %parallel_loop3A_354 = vector.extract %parallel_loop3A_353[0] : i32 from vector<1xi32>
            %parallel_loop3A_355 = arith.subi %parallel_loop3A_354, %multiple_of3A : i32
            %parallel_loop3A_356 = arith.index_cast %parallel_loop3A_355 : i32 to index
            %parallel_loop3A_357 = arith.constant 0 : index
            %parallel_loop3A_358 = tpu.vector_load %arg9[%parallel_loop3A_356, %parallel_loop3A_357] {strides = array<i32>} : memref<224x256xf32, #tpu.memory_space<vmem>>, vector<1x16xf32>,
            %parallel_loop3A_359 = vector.shape_cast %parallel_loop3A_358 : vector<1x16xf32> to vector<16xf32>
            %parallel_loop3A_360 = arith.mulf %get3A_252, %parallel_loop3A_359 : vector<16xf32>
            %parallel_loop3A_361 = arith.index_cast %parallel_loop3A_355 : i32 to index
            %parallel_loop3A_362 = arith.constant 16 : index
            %parallel_loop3A_363 = tpu.vector_load %arg9[%parallel_loop3A_361, %parallel_loop3A_362] {strides = array<i32>} : memref<224x256xf32, #tpu.memory_space<vmem>>, vector<1x16xf32>,
            %parallel_loop3A_364 = vector.shape_cast %parallel_loop3A_363 : vector<1x16xf32> to vector<16xf32>
            %parallel_loop3A_365 = arith.mulf %get3A_256, %parallel_loop3A_364 : vector<16xf32>
            %parallel_loop3A_366 = arith.addf %parallel_loop3A_360, %parallel_loop3A_365 : vector<16xf32>
            %parallel_loop3A_367 = arith.index_cast %parallel_loop3A_355 : i32 to index
            %parallel_loop3A_368 = arith.constant 32 : index
            %parallel_loop3A_369 = tpu.vector_load %arg9[%parallel_loop3A_367, %parallel_loop3A_368] {strides = array<i32>} : memref<224x256xf32, #tpu.memory_space<vmem>>, vector<1x16xf32>,
            %parallel_loop3A_370 = vector.shape_cast %parallel_loop3A_369 : vector<1x16xf32> to vector<16xf32>
            %parallel_loop3A_371 = arith.mulf %get3A_260, %parallel_loop3A_370 : vector<16xf32>
            %parallel_loop3A_372 = arith.addf %parallel_loop3A_366, %parallel_loop3A_371 : vector<16xf32>
            %parallel_loop3A_373 = arith.index_cast %parallel_loop3A_355 : i32 to index
            %parallel_loop3A_374 = arith.constant 48 : index
            %parallel_loop3A_375 = tpu.vector_load %arg9[%parallel_loop3A_373, %parallel_loop3A_374] {strides = array<i32>} : memref<224x256xf32, #tpu.memory_space<vmem>>, vector<1x16xf32>,
            %parallel_loop3A_376 = vector.shape_cast %parallel_loop3A_375 : vector<1x16xf32> to vector<16xf32>
            %parallel_loop3A_377 = arith.mulf %get3A_264, %parallel_loop3A_376 : vector<16xf32>
            %parallel_loop3A_378 = arith.addf %parallel_loop3A_372, %parallel_loop3A_377 : vector<16xf32>
            %parallel_loop3A_379 = arith.index_cast %parallel_loop3A_355 : i32 to index
            %parallel_loop3A_380 = arith.constant 64 : index
            %parallel_loop3A_381 = tpu.vector_load %arg9[%parallel_loop3A_379, %parallel_loop3A_380] {strides = array<i32>} : memref<224x256xf32, #tpu.memory_space<vmem>>, vector<1x16xf32>,
            %parallel_loop3A_382 = vector.shape_cast %parallel_loop3A_381 : vector<1x16xf32> to vector<16xf32>
            %parallel_loop3A_383 = arith.mulf %get3A_268, %parallel_loop3A_382 : vector<16xf32>
            %parallel_loop3A_384 = arith.addf %parallel_loop3A_378, %parallel_loop3A_383 : vector<16xf32>
            %parallel_loop3A_385 = arith.index_cast %parallel_loop3A_355 : i32 to index
            %parallel_loop3A_386 = arith.constant 80 : index
            %parallel_loop3A_387 = tpu.vector_load %arg9[%parallel_loop3A_385, %parallel_loop3A_386] {strides = array<i32>} : memref<224x256xf32, #tpu.memory_space<vmem>>, vector<1x16xf32>,
            %parallel_loop3A_388 = vector.shape_cast %parallel_loop3A_387 : vector<1x16xf32> to vector<16xf32>
            %parallel_loop3A_389 = arith.mulf %get3A_272, %parallel_loop3A_388 : vector<16xf32>
            %parallel_loop3A_390 = arith.addf %parallel_loop3A_384, %parallel_loop3A_389 : vector<16xf32>
            %parallel_loop3A_391 = arith.index_cast %parallel_loop3A_355 : i32 to index
            %parallel_loop3A_392 = arith.constant 96 : index
            %parallel_loop3A_393 = tpu.vector_load %arg9[%parallel_loop3A_391, %parallel_loop3A_392] {strides = array<i32>} : memref<224x256xf32, #tpu.memory_space<vmem>>, vector<1x16xf32>,
            %parallel_loop3A_394 = vector.shape_cast %parallel_loop3A_393 : vector<1x16xf32> to vector<16xf32>
            %parallel_loop3A_395 = arith.mulf %get3A_276, %parallel_loop3A_394 : vector<16xf32>
            %parallel_loop3A_396 = arith.addf %parallel_loop3A_390, %parallel_loop3A_395 : vector<16xf32>
            %parallel_loop3A_397 = arith.index_cast %parallel_loop3A_355 : i32 to index
            %parallel_loop3A_398 = arith.constant 112 : index
            %parallel_loop3A_399 = tpu.vector_load %arg9[%parallel_loop3A_397, %parallel_loop3A_398] {strides = array<i32>} : memref<224x256xf32, #tpu.memory_space<vmem>>, vector<1x16xf32>,
            %parallel_loop3A_400 = vector.shape_cast %parallel_loop3A_399 : vector<1x16xf32> to vector<16xf32>
            %parallel_loop3A_401 = arith.mulf %get3A_280, %parallel_loop3A_400 : vector<16xf32>
            %parallel_loop3A_402 = arith.addf %parallel_loop3A_396, %parallel_loop3A_401 : vector<16xf32>
            %parallel_loop3A_403 = math.exp %parallel_loop3A_402 : vector<16xf32>
            %parallel_loop3A_404 = arith.index_cast %parallel_loop3A_355 : i32 to index
            %parallel_loop3A_405 = arith.constant 128 : index
            %parallel_loop3A_406 = tpu.vector_load %arg9[%parallel_loop3A_404, %parallel_loop3A_405] {strides = array<i32>} : memref<224x256xf32, #tpu.memory_space<vmem>>, vector<1x16xf32>,
            %parallel_loop3A_407 = vector.shape_cast %parallel_loop3A_406 : vector<1x16xf32> to vector<16xf32>
            %parallel_loop3A_408 = arith.mulf %parallel_loop3A_403, %parallel_loop3A_407 : vector<16xf32>
            %parallel_loop3A_409 = arith.addf %parallel_loop3A_341, %parallel_loop3A_408 : vector<16xf32>
            %parallel_loop3A_410 = arith.index_cast %parallel_loop3A_355 : i32 to index
            %parallel_loop3A_411 = arith.constant 144 : index
            %parallel_loop3A_412 = tpu.vector_load %arg9[%parallel_loop3A_410, %parallel_loop3A_411] {strides = array<i32>} : memref<224x256xf32, #tpu.memory_space<vmem>>, vector<1x16xf32>,
            %parallel_loop3A_413 = vector.shape_cast %parallel_loop3A_412 : vector<1x16xf32> to vector<16xf32>
            %parallel_loop3A_414 = arith.mulf %parallel_loop3A_403, %parallel_loop3A_413 : vector<16xf32>
            %parallel_loop3A_415 = arith.addf %parallel_loop3A_342, %parallel_loop3A_414 : vector<16xf32>
            %parallel_loop3A_416 = arith.index_cast %parallel_loop3A_355 : i32 to index
            %parallel_loop3A_417 = arith.constant 160 : index
            %parallel_loop3A_418 = tpu.vector_load %arg9[%parallel_loop3A_416, %parallel_loop3A_417] {strides = array<i32>} : memref<224x256xf32, #tpu.memory_space<vmem>>, vector<1x16xf32>,
            %parallel_loop3A_419 = vector.shape_cast %parallel_loop3A_418 : vector<1x16xf32> to vector<16xf32>
            %parallel_loop3A_420 = arith.mulf %parallel_loop3A_403, %parallel_loop3A_419 : vector<16xf32>
            %parallel_loop3A_421 = arith.addf %parallel_loop3A_343, %parallel_loop3A_420 : vector<16xf32>
            %parallel_loop3A_422 = arith.index_cast %parallel_loop3A_355 : i32 to index
            %parallel_loop3A_423 = arith.constant 176 : index
            %parallel_loop3A_424 = tpu.vector_load %arg9[%parallel_loop3A_422, %parallel_loop3A_423] {strides = array<i32>} : memref<224x256xf32, #tpu.memory_space<vmem>>, vector<1x16xf32>,
            %parallel_loop3A_425 = vector.shape_cast %parallel_loop3A_424 : vector<1x16xf32> to vector<16xf32>
            %parallel_loop3A_426 = arith.mulf %parallel_loop3A_403, %parallel_loop3A_425 : vector<16xf32>
            %parallel_loop3A_427 = arith.addf %parallel_loop3A_344, %parallel_loop3A_426 : vector<16xf32>
            %parallel_loop3A_428 = arith.index_cast %parallel_loop3A_355 : i32 to index
            %parallel_loop3A_429 = arith.constant 192 : index
            %parallel_loop3A_430 = tpu.vector_load %arg9[%parallel_loop3A_428, %parallel_loop3A_429] {strides = array<i32>} : memref<224x256xf32, #tpu.memory_space<vmem>>, vector<1x16xf32>,
            %parallel_loop3A_431 = vector.shape_cast %parallel_loop3A_430 : vector<1x16xf32> to vector<16xf32>
            %parallel_loop3A_432 = arith.mulf %parallel_loop3A_403, %parallel_loop3A_431 : vector<16xf32>
            %parallel_loop3A_433 = arith.addf %parallel_loop3A_345, %parallel_loop3A_432 : vector<16xf32>
            %parallel_loop3A_434 = arith.index_cast %parallel_loop3A_355 : i32 to index
            %parallel_loop3A_435 = arith.constant 208 : index
            %parallel_loop3A_436 = tpu.vector_load %arg9[%parallel_loop3A_434, %parallel_loop3A_435] {strides = array<i32>} : memref<224x256xf32, #tpu.memory_space<vmem>>, vector<1x16xf32>,
            %parallel_loop3A_437 = vector.shape_cast %parallel_loop3A_436 : vector<1x16xf32> to vector<16xf32>
            %parallel_loop3A_438 = arith.mulf %parallel_loop3A_403, %parallel_loop3A_437 : vector<16xf32>
            %parallel_loop3A_439 = arith.addf %parallel_loop3A_346, %parallel_loop3A_438 : vector<16xf32>
            %parallel_loop3A_440 = arith.index_cast %parallel_loop3A_355 : i32 to index
            %parallel_loop3A_441 = arith.constant 224 : index
            %parallel_loop3A_442 = tpu.vector_load %arg9[%parallel_loop3A_440, %parallel_loop3A_441] {strides = array<i32>} : memref<224x256xf32, #tpu.memory_space<vmem>>, vector<1x16xf32>,
            %parallel_loop3A_443 = vector.shape_cast %parallel_loop3A_442 : vector<1x16xf32> to vector<16xf32>
            %parallel_loop3A_444 = arith.mulf %parallel_loop3A_403, %parallel_loop3A_443 : vector<16xf32>
            %parallel_loop3A_445 = arith.addf %parallel_loop3A_347, %parallel_loop3A_444 : vector<16xf32>
            %parallel_loop3A_446 = arith.index_cast %parallel_loop3A_355 : i32 to index
            %parallel_loop3A_447 = arith.constant 240 : index
            %parallel_loop3A_448 = tpu.vector_load %arg9[%parallel_loop3A_446, %parallel_loop3A_447] {strides = array<i32>} : memref<224x256xf32, #tpu.memory_space<vmem>>, vector<1x16xf32>,
            %parallel_loop3A_449 = vector.shape_cast %parallel_loop3A_448 : vector<1x16xf32> to vector<16xf32>
            %parallel_loop3A_450 = arith.mulf %parallel_loop3A_403, %parallel_loop3A_449 : vector<16xf32>
            %parallel_loop3A_451 = arith.addf %parallel_loop3A_348, %parallel_loop3A_450 : vector<16xf32>
            %parallel_loop3A_452 = arith.addf %parallel_loop3A_340, %parallel_loop3A_403 : vector<16xf32>
            scf.yield %parallel_loop3A_452, %parallel_loop3A_409, %parallel_loop3A_415, %parallel_loop3A_421, %parallel_loop3A_427, %parallel_loop3A_433, %parallel_loop3A_439, %parallel_loop3A_445, %parallel_loop3A_451 : vector<16xf32>, vector<16xf32>, vector<16xf32>, vector<16xf32>, vector<16xf32>, vector<16xf32>, vector<16xf32>, vector<16xf32>, vector<16xf32>
          } {sc.loop_unroll_factor = 4 : i64, sc.parallel_access}
          %gt3A_283 = arith.constant 0.000000e+00 : f32
          %gt3A_284 = vector.broadcast %gt3A_283 : f32 to vector<16xf32>
          %gt3A_285 = arith.cmpf ogt, %parallel_loop3A_282#0, %gt3A_284 : vector<16xf32>
          %div3A_286 = arith.constant 1.000000e+00 : f32
          %div3A_287 = vector.broadcast %div3A_286 : f32 to vector<16xf32>
          %div3A_288 = arith.divf %div3A_287, %parallel_loop3A_282#0 : vector<16xf32>
          %jit3A_289 = arith.constant 0.000000e+00 : f32
          %broadcast_in_dim3A_290 = vector.broadcast %jit3A_289 : f32 to vector<16xf32>
          %select_n3A_291 = arith.select %gt3A_285, %div3A_288, %broadcast_in_dim3A_290 : vector<16xi1>, vector<16xf32>
          %mul3A_292 = arith.mulf %parallel_loop3A_282#1, %select_n3A_291 : vector<16xf32>
          %swap3A = arith.index_cast %while3A_220 : i32 to index
          %swap3A_293 = arith.constant 0 : index
          %swap3A_294 = tpu.vector_load %arg8[%swap3A, %swap3A_293] {strides = array<i32>} : memref<160x128xf32, #tpu.memory_space<vmem>>, vector<1x16xf32>,
          %swap3A_295 = vector.shape_cast %swap3A_294 : vector<1x16xf32> to vector<16xf32>
          %swap3A_296 = vector.shape_cast %mul3A_292 : vector<16xf32> to vector<1x16xf32>
          tpu.vector_store %arg8[%swap3A, %swap3A_293], %swap3A_296 {strides = array<i32>} : memref<160x128xf32, #tpu.memory_space<vmem>>, vector<1x16xf32>,
          %mul3A_297 = arith.mulf %parallel_loop3A_282#2, %select_n3A_291 : vector<16xf32>
          %swap3A_298 = arith.index_cast %while3A_220 : i32 to index
          %swap3A_299 = arith.constant 16 : index
          %swap3A_300 = tpu.vector_load %arg8[%swap3A_298, %swap3A_299] {strides = array<i32>} : memref<160x128xf32, #tpu.memory_space<vmem>>, vector<1x16xf32>,
          %swap3A_301 = vector.shape_cast %swap3A_300 : vector<1x16xf32> to vector<16xf32>
          %swap3A_302 = vector.shape_cast %mul3A_297 : vector<16xf32> to vector<1x16xf32>
          tpu.vector_store %arg8[%swap3A_298, %swap3A_299], %swap3A_302 {strides = array<i32>} : memref<160x128xf32, #tpu.memory_space<vmem>>, vector<1x16xf32>,
          %mul3A_303 = arith.mulf %parallel_loop3A_282#3, %select_n3A_291 : vector<16xf32>
          %swap3A_304 = arith.index_cast %while3A_220 : i32 to index
          %swap3A_305 = arith.constant 32 : index
          %swap3A_306 = tpu.vector_load %arg8[%swap3A_304, %swap3A_305] {strides = array<i32>} : memref<160x128xf32, #tpu.memory_space<vmem>>, vector<1x16xf32>,
          %swap3A_307 = vector.shape_cast %swap3A_306 : vector<1x16xf32> to vector<16xf32>
          %swap3A_308 = vector.shape_cast %mul3A_303 : vector<16xf32> to vector<1x16xf32>
          tpu.vector_store %arg8[%swap3A_304, %swap3A_305], %swap3A_308 {strides = array<i32>} : memref<160x128xf32, #tpu.memory_space<vmem>>, vector<1x16xf32>,
          %mul3A_309 = arith.mulf %parallel_loop3A_282#4, %select_n3A_291 : vector<16xf32>
          %swap3A_310 = arith.index_cast %while3A_220 : i32 to index
          %swap3A_311 = arith.constant 48 : index
          %swap3A_312 = tpu.vector_load %arg8[%swap3A_310, %swap3A_311] {strides = array<i32>} : memref<160x128xf32, #tpu.memory_space<vmem>>, vector<1x16xf32>,
          %swap3A_313 = vector.shape_cast %swap3A_312 : vector<1x16xf32> to vector<16xf32>
          %swap3A_314 = vector.shape_cast %mul3A_309 : vector<16xf32> to vector<1x16xf32>
          tpu.vector_store %arg8[%swap3A_310, %swap3A_311], %swap3A_314 {strides = array<i32>} : memref<160x128xf32, #tpu.memory_space<vmem>>, vector<1x16xf32>,
          %mul3A_315 = arith.mulf %parallel_loop3A_282#5, %select_n3A_291 : vector<16xf32>
          %swap3A_316 = arith.index_cast %while3A_220 : i32 to index
          %swap3A_317 = arith.constant 64 : index
          %swap3A_318 = tpu.vector_load %arg8[%swap3A_316, %swap3A_317] {strides = array<i32>} : memref<160x128xf32, #tpu.memory_space<vmem>>, vector<1x16xf32>,
          %swap3A_319 = vector.shape_cast %swap3A_318 : vector<1x16xf32> to vector<16xf32>
          %swap3A_320 = vector.shape_cast %mul3A_315 : vector<16xf32> to vector<1x16xf32>
          tpu.vector_store %arg8[%swap3A_316, %swap3A_317], %swap3A_320 {strides = array<i32>} : memref<160x128xf32, #tpu.memory_space<vmem>>, vector<1x16xf32>,
          %mul3A_321 = arith.mulf %parallel_loop3A_282#6, %select_n3A_291 : vector<16xf32>
          %swap3A_322 = arith.index_cast %while3A_220 : i32 to index
          %swap3A_323 = arith.constant 80 : index
          %swap3A_324 = tpu.vector_load %arg8[%swap3A_322, %swap3A_323] {strides = array<i32>} : memref<160x128xf32, #tpu.memory_space<vmem>>, vector<1x16xf32>,
          %swap3A_325 = vector.shape_cast %swap3A_324 : vector<1x16xf32> to vector<16xf32>
          %swap3A_326 = vector.shape_cast %mul3A_321 : vector<16xf32> to vector<1x16xf32>
          tpu.vector_store %arg8[%swap3A_322, %swap3A_323], %swap3A_326 {strides = array<i32>} : memref<160x128xf32, #tpu.memory_space<vmem>>, vector<1x16xf32>,
          %mul3A_327 = arith.mulf %parallel_loop3A_282#7, %select_n3A_291 : vector<16xf32>
          %swap3A_328 = arith.index_cast %while3A_220 : i32 to index
          %swap3A_329 = arith.constant 96 : index
          %swap3A_330 = tpu.vector_load %arg8[%swap3A_328, %swap3A_329] {strides = array<i32>} : memref<160x128xf32, #tpu.memory_space<vmem>>, vector<1x16xf32>,
          %swap3A_331 = vector.shape_cast %swap3A_330 : vector<1x16xf32> to vector<16xf32>
          %swap3A_332 = vector.shape_cast %mul3A_327 : vector<16xf32> to vector<1x16xf32>
          tpu.vector_store %arg8[%swap3A_328, %swap3A_329], %swap3A_332 {strides = array<i32>} : memref<160x128xf32, #tpu.memory_space<vmem>>, vector<1x16xf32>,
          %mul3A_333 = arith.mulf %parallel_loop3A_282#8, %select_n3A_291 : vector<16xf32>
          %swap3A_334 = arith.index_cast %while3A_220 : i32 to index
          %swap3A_335 = arith.constant 112 : index
          %swap3A_336 = tpu.vector_load %arg8[%swap3A_334, %swap3A_335] {strides = array<i32>} : memref<160x128xf32, #tpu.memory_space<vmem>>, vector<1x16xf32>,
          %swap3A_337 = vector.shape_cast %swap3A_336 : vector<1x16xf32> to vector<16xf32>
          %swap3A_338 = vector.shape_cast %mul3A_333 : vector<16xf32> to vector<1x16xf32>
          tpu.vector_store %arg8[%swap3A_334, %swap3A_335], %swap3A_338 {strides = array<i32>} : memref<160x128xf32, #tpu.memory_space<vmem>>, vector<1x16xf32>,
          scf.yield %broadcast_in_dim3A_3, %broadcast_in_dim3A_3, %broadcast_in_dim3A_3, %broadcast_in_dim3A_3, %broadcast_in_dim3A_3, %broadcast_in_dim3A_3, %broadcast_in_dim3A_3, %broadcast_in_dim3A_3, %broadcast_in_dim3A_3 : vector<16xf32>, vector<16xf32>, vector<16xf32>, vector<16xf32>, vector<16xf32>, vector<16xf32>, vector<16xf32>, vector<16xf32>, vector<16xf32>
        }
        %add3A_177 = arith.constant 160 : i32
        %add3A_178 = arith.addi %add3A_177, %min3A_166 : i32
        %get3A_179 = arith.index_cast %add3A_178 : i32 to index
        %get3A_180 = tpu.vector_load %arg12[%get3A_179] {strides = array<i32>} : memref<336xi32, #tpu.memory_space<vmem>>, vector<16xi32>,
        %get3A_181 = vector.shape_cast %get3A_180 : vector<16xi32> to vector<16xi32>
        %slice3A_182 = vector.extract_strided_slice %get3A_181 {offsets = [0], sizes = [1], strides = [1]} : vector<16xi32> to vector<1xi32>
        %squeeze3A_183 = vector.extract %slice3A_182[0] : i32 from vector<1xi32>
        %max3A_184 = arith.maxsi %squeeze3A_183, %max3A_148 : i32
        %min3A_185 = arith.constant 159 : i32
        %min3A_186 = arith.minsi %min3A_166, %min3A_185 : i32
        %get3A_187 = arith.index_cast %min3A_186 : i32 to index
        %get3A_188 = arith.constant 0 : index
        %get3A_189 = tpu.vector_load %arg7[%get3A_187, %get3A_188] {strides = array<i32>} : memref<160x128xf32, #tpu.memory_space<vmem>>, vector<1x16xf32>,
        %get3A_190 = vector.shape_cast %get3A_189 : vector<1x16xf32> to vector<16xf32>
        %get3A_191 = arith.index_cast %min3A_186 : i32 to index
        %get3A_192 = arith.constant 16 : index
        %get3A_193 = tpu.vector_load %arg7[%get3A_191, %get3A_192] {strides = array<i32>} : memref<160x128xf32, #tpu.memory_space<vmem>>, vector<1x16xf32>,
        %get3A_194 = vector.shape_cast %get3A_193 : vector<1x16xf32> to vector<16xf32>
        %get3A_195 = arith.index_cast %min3A_186 : i32 to index
        %get3A_196 = arith.constant 32 : index
        %get3A_197 = tpu.vector_load %arg7[%get3A_195, %get3A_196] {strides = array<i32>} : memref<160x128xf32, #tpu.memory_space<vmem>>, vector<1x16xf32>,
        %get3A_198 = vector.shape_cast %get3A_197 : vector<1x16xf32> to vector<16xf32>
        %get3A_199 = arith.index_cast %min3A_186 : i32 to index
        %get3A_200 = arith.constant 48 : index
        %get3A_201 = tpu.vector_load %arg7[%get3A_199, %get3A_200] {strides = array<i32>} : memref<160x128xf32, #tpu.memory_space<vmem>>, vector<1x16xf32>,
        %get3A_202 = vector.shape_cast %get3A_201 : vector<1x16xf32> to vector<16xf32>
        %get3A_203 = arith.index_cast %min3A_186 : i32 to index
        %get3A_204 = arith.constant 64 : index
        %get3A_205 = tpu.vector_load %arg7[%get3A_203, %get3A_204] {strides = array<i32>} : memref<160x128xf32, #tpu.memory_space<vmem>>, vector<1x16xf32>,
        %get3A_206 = vector.shape_cast %get3A_205 : vector<1x16xf32> to vector<16xf32>
        %get3A_207 = arith.index_cast %min3A_186 : i32 to index
        %get3A_208 = arith.constant 80 : index
        %get3A_209 = tpu.vector_load %arg7[%get3A_207, %get3A_208] {strides = array<i32>} : memref<160x128xf32, #tpu.memory_space<vmem>>, vector<1x16xf32>,
        %get3A_210 = vector.shape_cast %get3A_209 : vector<1x16xf32> to vector<16xf32>
        %get3A_211 = arith.index_cast %min3A_186 : i32 to index
        %get3A_212 = arith.constant 96 : index
        %get3A_213 = tpu.vector_load %arg7[%get3A_211, %get3A_212] {strides = array<i32>} : memref<160x128xf32, #tpu.memory_space<vmem>>, vector<1x16xf32>,
        %get3A_214 = vector.shape_cast %get3A_213 : vector<1x16xf32> to vector<16xf32>
        %get3A_215 = arith.index_cast %min3A_186 : i32 to index
        %get3A_216 = arith.constant 112 : index
        %get3A_217 = tpu.vector_load %arg7[%get3A_215, %get3A_216] {strides = array<i32>} : memref<160x128xf32, #tpu.memory_space<vmem>>, vector<1x16xf32>,
        %get3A_218 = vector.shape_cast %get3A_217 : vector<1x16xf32> to vector<16xf32>
        %parallel_loop3A = arith.constant 1 : i32
        %parallel_loop3A_219:9 = scf.for %parallel_loop3A_220 = %max3A_184 to %min3A_151 step %parallel_loop3A iter_args(%parallel_loop3A_221 = %while3A_176#0, %parallel_loop3A_222 = %while3A_176#1, %parallel_loop3A_223 = %while3A_176#2, %parallel_loop3A_224 = %while3A_176#3, %parallel_loop3A_225 = %while3A_176#4, %parallel_loop3A_226 = %while3A_176#5, %parallel_loop3A_227 = %while3A_176#6, %parallel_loop3A_228 = %while3A_176#7, %parallel_loop3A_229 = %while3A_176#8) -> (vector<16xf32>, vector<16xf32>, vector<16xf32>, vector<16xf32>, vector<16xf32>, vector<16xf32>, vector<16xf32>, vector<16xf32>, vector<16xf32>)  : i32 {
          %parallel_loop3A_230 = arith.subi %parallel_loop3A_220, %mul3A_147 : i32
          %parallel_loop3A_231 = arith.index_cast %parallel_loop3A_230 : i32 to index
          %parallel_loop3A_232 = tpu.vector_load %arg10[%parallel_loop3A_231] {strides = array<i32>} : memref<2064xi32, #tpu.memory_space<vmem>>, vector<16xi32>,
          %parallel_loop3A_233 = vector.shape_cast %parallel_loop3A_232 : vector<16xi32> to vector<16xi32>
          %parallel_loop3A_234 = vector.extract_strided_slice %parallel_loop3A_233 {offsets = [0], sizes = [1], strides = [1]} : vector<16xi32> to vector<1xi32>
          %parallel_loop3A_235 = vector.extract %parallel_loop3A_234[0] : i32 from vector<1xi32>
          %parallel_loop3A_236 = arith.subi %parallel_loop3A_235, %multiple_of3A : i32
          %parallel_loop3A_237 = arith.index_cast %parallel_loop3A_236 : i32 to index
          %parallel_loop3A_238 = arith.constant 0 : index
          %parallel_loop3A_239 = tpu.vector_load %arg9[%parallel_loop3A_237, %parallel_loop3A_238] {strides = array<i32>} : memref<224x256xf32, #tpu.memory_space<vmem>>, vector<1x16xf32>,
          %parallel_loop3A_240 = vector.shape_cast %parallel_loop3A_239 : vector<1x16xf32> to vector<16xf32>
          %parallel_loop3A_241 = arith.mulf %get3A_190, %parallel_loop3A_240 : vector<16xf32>
          %parallel_loop3A_242 = arith.index_cast %parallel_loop3A_236 : i32 to index
          %parallel_loop3A_243 = arith.constant 16 : index
          %parallel_loop3A_244 = tpu.vector_load %arg9[%parallel_loop3A_242, %parallel_loop3A_243] {strides = array<i32>} : memref<224x256xf32, #tpu.memory_space<vmem>>, vector<1x16xf32>,
          %parallel_loop3A_245 = vector.shape_cast %parallel_loop3A_244 : vector<1x16xf32> to vector<16xf32>
          %parallel_loop3A_246 = arith.mulf %get3A_194, %parallel_loop3A_245 : vector<16xf32>
          %parallel_loop3A_247 = arith.addf %parallel_loop3A_241, %parallel_loop3A_246 : vector<16xf32>
          %parallel_loop3A_248 = arith.index_cast %parallel_loop3A_236 : i32 to index
          %parallel_loop3A_249 = arith.constant 32 : index
          %parallel_loop3A_250 = tpu.vector_load %arg9[%parallel_loop3A_248, %parallel_loop3A_249] {strides = array<i32>} : memref<224x256xf32, #tpu.memory_space<vmem>>, vector<1x16xf32>,
          %parallel_loop3A_251 = vector.shape_cast %parallel_loop3A_250 : vector<1x16xf32> to vector<16xf32>
          %parallel_loop3A_252 = arith.mulf %get3A_198, %parallel_loop3A_251 : vector<16xf32>
          %parallel_loop3A_253 = arith.addf %parallel_loop3A_247, %parallel_loop3A_252 : vector<16xf32>
          %parallel_loop3A_254 = arith.index_cast %parallel_loop3A_236 : i32 to index
          %parallel_loop3A_255 = arith.constant 48 : index
          %parallel_loop3A_256 = tpu.vector_load %arg9[%parallel_loop3A_254, %parallel_loop3A_255] {strides = array<i32>} : memref<224x256xf32, #tpu.memory_space<vmem>>, vector<1x16xf32>,
          %parallel_loop3A_257 = vector.shape_cast %parallel_loop3A_256 : vector<1x16xf32> to vector<16xf32>
          %parallel_loop3A_258 = arith.mulf %get3A_202, %parallel_loop3A_257 : vector<16xf32>
          %parallel_loop3A_259 = arith.addf %parallel_loop3A_253, %parallel_loop3A_258 : vector<16xf32>
          %parallel_loop3A_260 = arith.index_cast %parallel_loop3A_236 : i32 to index
          %parallel_loop3A_261 = arith.constant 64 : index
          %parallel_loop3A_262 = tpu.vector_load %arg9[%parallel_loop3A_260, %parallel_loop3A_261] {strides = array<i32>} : memref<224x256xf32, #tpu.memory_space<vmem>>, vector<1x16xf32>,
          %parallel_loop3A_263 = vector.shape_cast %parallel_loop3A_262 : vector<1x16xf32> to vector<16xf32>
          %parallel_loop3A_264 = arith.mulf %get3A_206, %parallel_loop3A_263 : vector<16xf32>
          %parallel_loop3A_265 = arith.addf %parallel_loop3A_259, %parallel_loop3A_264 : vector<16xf32>
          %parallel_loop3A_266 = arith.index_cast %parallel_loop3A_236 : i32 to index
          %parallel_loop3A_267 = arith.constant 80 : index
          %parallel_loop3A_268 = tpu.vector_load %arg9[%parallel_loop3A_266, %parallel_loop3A_267] {strides = array<i32>} : memref<224x256xf32, #tpu.memory_space<vmem>>, vector<1x16xf32>,
          %parallel_loop3A_269 = vector.shape_cast %parallel_loop3A_268 : vector<1x16xf32> to vector<16xf32>
          %parallel_loop3A_270 = arith.mulf %get3A_210, %parallel_loop3A_269 : vector<16xf32>
          %parallel_loop3A_271 = arith.addf %parallel_loop3A_265, %parallel_loop3A_270 : vector<16xf32>
          %parallel_loop3A_272 = arith.index_cast %parallel_loop3A_236 : i32 to index
          %parallel_loop3A_273 = arith.constant 96 : index
          %parallel_loop3A_274 = tpu.vector_load %arg9[%parallel_loop3A_272, %parallel_loop3A_273] {strides = array<i32>} : memref<224x256xf32, #tpu.memory_space<vmem>>, vector<1x16xf32>,
          %parallel_loop3A_275 = vector.shape_cast %parallel_loop3A_274 : vector<1x16xf32> to vector<16xf32>
          %parallel_loop3A_276 = arith.mulf %get3A_214, %parallel_loop3A_275 : vector<16xf32>
          %parallel_loop3A_277 = arith.addf %parallel_loop3A_271, %parallel_loop3A_276 : vector<16xf32>
          %parallel_loop3A_278 = arith.index_cast %parallel_loop3A_236 : i32 to index
          %parallel_loop3A_279 = arith.constant 112 : index
          %parallel_loop3A_280 = tpu.vector_load %arg9[%parallel_loop3A_278, %parallel_loop3A_279] {strides = array<i32>} : memref<224x256xf32, #tpu.memory_space<vmem>>, vector<1x16xf32>,
          %parallel_loop3A_281 = vector.shape_cast %parallel_loop3A_280 : vector<1x16xf32> to vector<16xf32>
          %parallel_loop3A_282 = arith.mulf %get3A_218, %parallel_loop3A_281 : vector<16xf32>
          %parallel_loop3A_283 = arith.addf %parallel_loop3A_277, %parallel_loop3A_282 : vector<16xf32>
          %parallel_loop3A_284 = math.exp %parallel_loop3A_283 : vector<16xf32>
          %parallel_loop3A_285 = arith.index_cast %parallel_loop3A_236 : i32 to index
          %parallel_loop3A_286 = arith.constant 128 : index
          %parallel_loop3A_287 = tpu.vector_load %arg9[%parallel_loop3A_285, %parallel_loop3A_286] {strides = array<i32>} : memref<224x256xf32, #tpu.memory_space<vmem>>, vector<1x16xf32>,
          %parallel_loop3A_288 = vector.shape_cast %parallel_loop3A_287 : vector<1x16xf32> to vector<16xf32>
          %parallel_loop3A_289 = arith.mulf %parallel_loop3A_284, %parallel_loop3A_288 : vector<16xf32>
          %parallel_loop3A_290 = arith.addf %parallel_loop3A_222, %parallel_loop3A_289 : vector<16xf32>
          %parallel_loop3A_291 = arith.index_cast %parallel_loop3A_236 : i32 to index
          %parallel_loop3A_292 = arith.constant 144 : index
          %parallel_loop3A_293 = tpu.vector_load %arg9[%parallel_loop3A_291, %parallel_loop3A_292] {strides = array<i32>} : memref<224x256xf32, #tpu.memory_space<vmem>>, vector<1x16xf32>,
          %parallel_loop3A_294 = vector.shape_cast %parallel_loop3A_293 : vector<1x16xf32> to vector<16xf32>
          %parallel_loop3A_295 = arith.mulf %parallel_loop3A_284, %parallel_loop3A_294 : vector<16xf32>
          %parallel_loop3A_296 = arith.addf %parallel_loop3A_223, %parallel_loop3A_295 : vector<16xf32>
          %parallel_loop3A_297 = arith.index_cast %parallel_loop3A_236 : i32 to index
          %parallel_loop3A_298 = arith.constant 160 : index
          %parallel_loop3A_299 = tpu.vector_load %arg9[%parallel_loop3A_297, %parallel_loop3A_298] {strides = array<i32>} : memref<224x256xf32, #tpu.memory_space<vmem>>, vector<1x16xf32>,
          %parallel_loop3A_300 = vector.shape_cast %parallel_loop3A_299 : vector<1x16xf32> to vector<16xf32>
          %parallel_loop3A_301 = arith.mulf %parallel_loop3A_284, %parallel_loop3A_300 : vector<16xf32>
          %parallel_loop3A_302 = arith.addf %parallel_loop3A_224, %parallel_loop3A_301 : vector<16xf32>
          %parallel_loop3A_303 = arith.index_cast %parallel_loop3A_236 : i32 to index
          %parallel_loop3A_304 = arith.constant 176 : index
          %parallel_loop3A_305 = tpu.vector_load %arg9[%parallel_loop3A_303, %parallel_loop3A_304] {strides = array<i32>} : memref<224x256xf32, #tpu.memory_space<vmem>>, vector<1x16xf32>,
          %parallel_loop3A_306 = vector.shape_cast %parallel_loop3A_305 : vector<1x16xf32> to vector<16xf32>
          %parallel_loop3A_307 = arith.mulf %parallel_loop3A_284, %parallel_loop3A_306 : vector<16xf32>
          %parallel_loop3A_308 = arith.addf %parallel_loop3A_225, %parallel_loop3A_307 : vector<16xf32>
          %parallel_loop3A_309 = arith.index_cast %parallel_loop3A_236 : i32 to index
          %parallel_loop3A_310 = arith.constant 192 : index
          %parallel_loop3A_311 = tpu.vector_load %arg9[%parallel_loop3A_309, %parallel_loop3A_310] {strides = array<i32>} : memref<224x256xf32, #tpu.memory_space<vmem>>, vector<1x16xf32>,
          %parallel_loop3A_312 = vector.shape_cast %parallel_loop3A_311 : vector<1x16xf32> to vector<16xf32>
          %parallel_loop3A_313 = arith.mulf %parallel_loop3A_284, %parallel_loop3A_312 : vector<16xf32>
          %parallel_loop3A_314 = arith.addf %parallel_loop3A_226, %parallel_loop3A_313 : vector<16xf32>
          %parallel_loop3A_315 = arith.index_cast %parallel_loop3A_236 : i32 to index
          %parallel_loop3A_316 = arith.constant 208 : index
          %parallel_loop3A_317 = tpu.vector_load %arg9[%parallel_loop3A_315, %parallel_loop3A_316] {strides = array<i32>} : memref<224x256xf32, #tpu.memory_space<vmem>>, vector<1x16xf32>,
          %parallel_loop3A_318 = vector.shape_cast %parallel_loop3A_317 : vector<1x16xf32> to vector<16xf32>
          %parallel_loop3A_319 = arith.mulf %parallel_loop3A_284, %parallel_loop3A_318 : vector<16xf32>
          %parallel_loop3A_320 = arith.addf %parallel_loop3A_227, %parallel_loop3A_319 : vector<16xf32>
          %parallel_loop3A_321 = arith.index_cast %parallel_loop3A_236 : i32 to index
          %parallel_loop3A_322 = arith.constant 224 : index
          %parallel_loop3A_323 = tpu.vector_load %arg9[%parallel_loop3A_321, %parallel_loop3A_322] {strides = array<i32>} : memref<224x256xf32, #tpu.memory_space<vmem>>, vector<1x16xf32>,
          %parallel_loop3A_324 = vector.shape_cast %parallel_loop3A_323 : vector<1x16xf32> to vector<16xf32>
          %parallel_loop3A_325 = arith.mulf %parallel_loop3A_284, %parallel_loop3A_324 : vector<16xf32>
          %parallel_loop3A_326 = arith.addf %parallel_loop3A_228, %parallel_loop3A_325 : vector<16xf32>
          %parallel_loop3A_327 = arith.index_cast %parallel_loop3A_236 : i32 to index
          %parallel_loop3A_328 = arith.constant 240 : index
          %parallel_loop3A_329 = tpu.vector_load %arg9[%parallel_loop3A_327, %parallel_loop3A_328] {strides = array<i32>} : memref<224x256xf32, #tpu.memory_space<vmem>>, vector<1x16xf32>,
          %parallel_loop3A_330 = vector.shape_cast %parallel_loop3A_329 : vector<1x16xf32> to vector<16xf32>
          %parallel_loop3A_331 = arith.mulf %parallel_loop3A_284, %parallel_loop3A_330 : vector<16xf32>
          %parallel_loop3A_332 = arith.addf %parallel_loop3A_229, %parallel_loop3A_331 : vector<16xf32>
          %parallel_loop3A_333 = arith.addf %parallel_loop3A_221, %parallel_loop3A_284 : vector<16xf32>
          scf.yield %parallel_loop3A_333, %parallel_loop3A_290, %parallel_loop3A_296, %parallel_loop3A_302, %parallel_loop3A_308, %parallel_loop3A_314, %parallel_loop3A_320, %parallel_loop3A_326, %parallel_loop3A_332 : vector<16xf32>, vector<16xf32>, vector<16xf32>, vector<16xf32>, vector<16xf32>, vector<16xf32>, vector<16xf32>, vector<16xf32>, vector<16xf32>
        } {sc.loop_unroll_factor = 4 : i64, sc.parallel_access}
        scf.yield %min3A_166, %parallel_loop3A_219#0, %parallel_loop3A_219#1, %parallel_loop3A_219#2, %parallel_loop3A_219#3, %parallel_loop3A_219#4, %parallel_loop3A_219#5, %parallel_loop3A_219#6, %parallel_loop3A_219#7, %parallel_loop3A_219#8 : i32, vector<16xf32>, vector<16xf32>, vector<16xf32>, vector<16xf32>, vector<16xf32>, vector<16xf32>, vector<16xf32>, vector<16xf32>, vector<16xf32>
      }
      %while3A_132 = arith.constant 1 : i32
      %while3A_133:10 = scf.for %while3A_134 = %while3A_129 to %while3A_125 step %while3A_132 iter_args(%while3A_135 = %while3A_131#0, %while3A_136 = %while3A_131#1, %while3A_137 = %while3A_131#2, %while3A_138 = %while3A_131#3, %while3A_139 = %while3A_131#4, %while3A_140 = %while3A_131#5, %while3A_141 = %while3A_131#6, %while3A_142 = %while3A_131#7, %while3A_143 = %while3A_131#8, %while3A_144 = %while3A_131#9) -> (i32, vector<16xf32>, vector<16xf32>, vector<16xf32>, vector<16xf32>, vector<16xf32>, vector<16xf32>, vector<16xf32>, vector<16xf32>, vector<16xf32>)  : i32 {
        %add3A_145 = arith.addi %select_n3A, %while3A_134 : i32
        %mul3A_146 = arith.constant 2048 : i32
        %mul3A_147 = arith.muli %add3A_145, %mul3A_146 : i32
        "tpu.region"() ({
          %run_scoped3A = tpu.sem_alloc : memref<!tpu.dma_semaphore, #tpu.memory_space<semaphore_mem>>
          %dma_start3A = tpu.memref_slice %arg3[%mul3A_147] : memref<324128xi32, #tpu.memory_space<hbm>> -> memref<2064xi32, #tpu.memory_space<hbm>>
          %dma_start3A_220 = tpu.memref_slice %arg3[%mul3A_147] : memref<324128xi32, #tpu.memory_space<hbm>> -> memref<2064xi32, #tpu.memory_space<hbm>>
          tpu.enqueue_dma source(%dma_start3A_220 : memref<2064xi32, #tpu.memory_space<hbm>>) target(%arg10 : memref<2064xi32, #tpu.memory_space<vmem>>) target_semaphore(%run_scoped3A : memref<!tpu.dma_semaphore, #tpu.memory_space<semaphore_mem>>)
          %dma_wait3A = tpu.memref_slice %arg3[%mul3A_147] : memref<324128xi32, #tpu.memory_space<hbm>> -> memref<2064xi32, #tpu.memory_space<hbm>>
          %dma_wait3A_221 = tpu.memref_slice %arg3[%mul3A_147] : memref<324128xi32, #tpu.memory_space<hbm>> -> memref<2064xi32, #tpu.memory_space<hbm>>
          tpu.wait_dma2 semaphore(%run_scoped3A : memref<!tpu.dma_semaphore, #tpu.memory_space<semaphore_mem>>) src(%dma_wait3A_221 : memref<2064xi32, #tpu.memory_space<hbm>>) dst(%arg10 : memref<2064xi32, #tpu.memory_space<vmem>>)
          tpu.yield
        }) : () -> ()
        %max3A_148 = arith.maxsi %max3A, %mul3A_147 : i32
        %add3A_149 = arith.constant 2048 : i32
        %add3A_150 = arith.addi %mul3A_147, %add3A_149 : i32
        %min3A_151 = arith.minsi %min3A, %add3A_150 : i32
        %add3A_152 = arith.constant 1 : i32
        %add3A_153 = arith.addi %add3A_145, %add3A_152 : i32
        %add3A_154 = arith.constant 128 : i32
        %add3A_155 = arith.addi %add3A_154, %add3A_153 : i32
        %get3A_156 = arith.index_cast %add3A_155 : i32 to index
        %get3A_157 = tpu.vector_load %arg11[%get3A_156] {strides = array<i32>} : memref<304xi32, #tpu.memory_space<vmem>>, vector<16xi32>,
        %get3A_158 = vector.shape_cast %get3A_157 : vector<16xi32> to vector<16xi32>
        %slice3A_159 = vector.extract_strided_slice %get3A_158 {offsets = [0], sizes = [1], strides = [1]} : vector<16xi32> to vector<1xi32>
        %squeeze3A_160 = vector.extract %slice3A_159[0] : i32 from vector<1xi32>
        %le3A = arith.cmpi sle, %add3A_150, %min3A : i32
        %select_n3A_161 = arith.select %le3A, %squeeze3A_160, %squeeze3A_123 : i32
        %sub3A_162 = arith.subi %select_n3A_161, %add3A_25 : i32
        %jit3A_163 = arith.constant 0 : i32
        %jit3A_164 = arith.constant 160 : i32
        %max3A_165 = arith.maxsi %jit3A_163, %sub3A_162 : i32
        %min3A_166 = arith.minsi %jit3A_164, %max3A_165 : i32
        %while3A_167 = arith.subi %min3A_166, %while3A_135 : i32
        %while3A_168 = arith.addi %while3A_135, %while3A_167 : i32
        %while3A_169 = arith.constant 1 : i32
        %while3A_170 = arith.divsi %while3A_167, %while3A_169 : i32
        %while3A_171 = arith.muli %while3A_170, %while3A_169 : i32
        %while3A_172 = arith.addi %while3A_135, %while3A_171 : i32
        %while3A_173 = arith.constant 1 : i32
        %while3A_174:9 = scf.for %while3A_220 = %while3A_135 to %while3A_172 step %while3A_173 iter_args(%while3A_221 = %while3A_136, %while3A_222 = %while3A_137, %while3A_223 = %while3A_138, %while3A_224 = %while3A_139, %while3A_225 = %while3A_140, %while3A_226 = %while3A_141, %while3A_227 = %while3A_142, %while3A_228 = %while3A_143, %while3A_229 = %while3A_144) -> (vector<16xf32>, vector<16xf32>, vector<16xf32>, vector<16xf32>, vector<16xf32>, vector<16xf32>, vector<16xf32>, vector<16xf32>, vector<16xf32>)  : i32 {
          %add3A_230 = arith.constant 160 : i32
          %add3A_231 = arith.addi %add3A_230, %while3A_220 : i32
          %get3A_232 = arith.index_cast %add3A_231 : i32 to index
          %get3A_233 = tpu.vector_load %arg12[%get3A_232] {strides = array<i32>} : memref<336xi32, #tpu.memory_space<vmem>>, vector<16xi32>,
          %get3A_234 = vector.shape_cast %get3A_233 : vector<16xi32> to vector<16xi32>
          %slice3A_235 = vector.extract_strided_slice %get3A_234 {offsets = [0], sizes = [1], strides = [1]} : vector<16xi32> to vector<1xi32>
          %squeeze3A_236 = vector.extract %slice3A_235[0] : i32 from vector<1xi32>
          %max3A_237 = arith.maxsi %squeeze3A_236, %max3A_148 : i32
          %add3A_238 = arith.constant 1 : i32
          %add3A_239 = arith.addi %while3A_220, %add3A_238 : i32
          %add3A_240 = arith.constant 160 : i32
          %add3A_241 = arith.addi %add3A_240, %add3A_239 : i32
          %get3A_242 = arith.index_cast %add3A_241 : i32 to index
          %get3A_243 = tpu.vector_load %arg12[%get3A_242] {strides = array<i32>} : memref<336xi32, #tpu.memory_space<vmem>>, vector<16xi32>,
          %get3A_244 = vector.shape_cast %get3A_243 : vector<16xi32> to vector<16xi32>
          %slice3A_245 = vector.extract_strided_slice %get3A_244 {offsets = [0], sizes = [1], strides = [1]} : vector<16xi32> to vector<1xi32>
          %squeeze3A_246 = vector.extract %slice3A_245[0] : i32 from vector<1xi32>
          %min3A_247 = arith.constant 159 : i32
          %min3A_248 = arith.minsi %while3A_220, %min3A_247 : i32
          %get3A_249 = arith.index_cast %min3A_248 : i32 to index
          %get3A_250 = arith.constant 0 : index
          %get3A_251 = tpu.vector_load %arg7[%get3A_249, %get3A_250] {strides = array<i32>} : memref<160x128xf32, #tpu.memory_space<vmem>>, vector<1x16xf32>,
          %get3A_252 = vector.shape_cast %get3A_251 : vector<1x16xf32> to vector<16xf32>
          %get3A_253 = arith.index_cast %min3A_248 : i32 to index
          %get3A_254 = arith.constant 16 : index
          %get3A_255 = tpu.vector_load %arg7[%get3A_253, %get3A_254] {strides = array<i32>} : memref<160x128xf32, #tpu.memory_space<vmem>>, vector<1x16xf32>,
          %get3A_256 = vector.shape_cast %get3A_255 : vector<1x16xf32> to vector<16xf32>
          %get3A_257 = arith.index_cast %min3A_248 : i32 to index
          %get3A_258 = arith.constant 32 : index
          %get3A_259 = tpu.vector_load %arg7[%get3A_257, %get3A_258] {strides = array<i32>} : memref<160x128xf32, #tpu.memory_space<vmem>>, vector<1x16xf32>,
          %get3A_260 = vector.shape_cast %get3A_259 : vector<1x16xf32> to vector<16xf32>
          %get3A_261 = arith.index_cast %min3A_248 : i32 to index
          %get3A_262 = arith.constant 48 : index
          %get3A_263 = tpu.vector_load %arg7[%get3A_261, %get3A_262] {strides = array<i32>} : memref<160x128xf32, #tpu.memory_space<vmem>>, vector<1x16xf32>,
          %get3A_264 = vector.shape_cast %get3A_263 : vector<1x16xf32> to vector<16xf32>
          %get3A_265 = arith.index_cast %min3A_248 : i32 to index
          %get3A_266 = arith.constant 64 : index
          %get3A_267 = tpu.vector_load %arg7[%get3A_265, %get3A_266] {strides = array<i32>} : memref<160x128xf32, #tpu.memory_space<vmem>>, vector<1x16xf32>,
          %get3A_268 = vector.shape_cast %get3A_267 : vector<1x16xf32> to vector<16xf32>
          %get3A_269 = arith.index_cast %min3A_248 : i32 to index
          %get3A_270 = arith.constant 80 : index
          %get3A_271 = tpu.vector_load %arg7[%get3A_269, %get3A_270] {strides = array<i32>} : memref<160x128xf32, #tpu.memory_space<vmem>>, vector<1x16xf32>,
          %get3A_272 = vector.shape_cast %get3A_271 : vector<1x16xf32> to vector<16xf32>
          %get3A_273 = arith.index_cast %min3A_248 : i32 to index
          %get3A_274 = arith.constant 96 : index
          %get3A_275 = tpu.vector_load %arg7[%get3A_273, %get3A_274] {strides = array<i32>} : memref<160x128xf32, #tpu.memory_space<vmem>>, vector<1x16xf32>,
          %get3A_276 = vector.shape_cast %get3A_275 : vector<1x16xf32> to vector<16xf32>
          %get3A_277 = arith.index_cast %min3A_248 : i32 to index
          %get3A_278 = arith.constant 112 : index
          %get3A_279 = tpu.vector_load %arg7[%get3A_277, %get3A_278] {strides = array<i32>} : memref<160x128xf32, #tpu.memory_space<vmem>>, vector<1x16xf32>,
          %get3A_280 = vector.shape_cast %get3A_279 : vector<1x16xf32> to vector<16xf32>
          %parallel_loop3A_281 = arith.constant 1 : i32
          %parallel_loop3A_282:9 = scf.for %parallel_loop3A_339 = %max3A_237 to %squeeze3A_246 step %parallel_loop3A_281 iter_args(%parallel_loop3A_340 = %while3A_221, %parallel_loop3A_341 = %while3A_222, %parallel_loop3A_342 = %while3A_223, %parallel_loop3A_343 = %while3A_224, %parallel_loop3A_344 = %while3A_225, %parallel_loop3A_345 = %while3A_226, %parallel_loop3A_346 = %while3A_227, %parallel_loop3A_347 = %while3A_228, %parallel_loop3A_348 = %while3A_229) -> (vector<16xf32>, vector<16xf32>, vector<16xf32>, vector<16xf32>, vector<16xf32>, vector<16xf32>, vector<16xf32>, vector<16xf32>, vector<16xf32>)  : i32 {
            %parallel_loop3A_349 = arith.subi %parallel_loop3A_339, %mul3A_147 : i32
            %parallel_loop3A_350 = arith.index_cast %parallel_loop3A_349 : i32 to index
            %parallel_loop3A_351 = tpu.vector_load %arg10[%parallel_loop3A_350] {strides = array<i32>} : memref<2064xi32, #tpu.memory_space<vmem>>, vector<16xi32>,
            %parallel_loop3A_352 = vector.shape_cast %parallel_loop3A_351 : vector<16xi32> to vector<16xi32>
            %parallel_loop3A_353 = vector.extract_strided_slice %parallel_loop3A_352 {offsets = [0], sizes = [1], strides = [1]} : vector<16xi32> to vector<1xi32>
            %parallel_loop3A_354 = vector.extract %parallel_loop3A_353[0] : i32 from vector<1xi32>
            %parallel_loop3A_355 = arith.subi %parallel_loop3A_354, %multiple_of3A : i32
            %parallel_loop3A_356 = arith.index_cast %parallel_loop3A_355 : i32 to index
            %parallel_loop3A_357 = arith.constant 0 : index
            %parallel_loop3A_358 = tpu.vector_load %arg9[%parallel_loop3A_356, %parallel_loop3A_357] {strides = array<i32>} : memref<224x256xf32, #tpu.memory_space<vmem>>, vector<1x16xf32>,
            %parallel_loop3A_359 = vector.shape_cast %parallel_loop3A_358 : vector<1x16xf32> to vector<16xf32>
            %parallel_loop3A_360 = arith.mulf %get3A_252, %parallel_loop3A_359 : vector<16xf32>
            %parallel_loop3A_361 = arith.index_cast %parallel_loop3A_355 : i32 to index
            %parallel_loop3A_362 = arith.constant 16 : index
            %parallel_loop3A_363 = tpu.vector_load %arg9[%parallel_loop3A_361, %parallel_loop3A_362] {strides = array<i32>} : memref<224x256xf32, #tpu.memory_space<vmem>>, vector<1x16xf32>,
            %parallel_loop3A_364 = vector.shape_cast %parallel_loop3A_363 : vector<1x16xf32> to vector<16xf32>
            %parallel_loop3A_365 = arith.mulf %get3A_256, %parallel_loop3A_364 : vector<16xf32>
            %parallel_loop3A_366 = arith.addf %parallel_loop3A_360, %parallel_loop3A_365 : vector<16xf32>
            %parallel_loop3A_367 = arith.index_cast %parallel_loop3A_355 : i32 to index
            %parallel_loop3A_368 = arith.constant 32 : index
            %parallel_loop3A_369 = tpu.vector_load %arg9[%parallel_loop3A_367, %parallel_loop3A_368] {strides = array<i32>} : memref<224x256xf32, #tpu.memory_space<vmem>>, vector<1x16xf32>,
            %parallel_loop3A_370 = vector.shape_cast %parallel_loop3A_369 : vector<1x16xf32> to vector<16xf32>
            %parallel_loop3A_371 = arith.mulf %get3A_260, %parallel_loop3A_370 : vector<16xf32>
            %parallel_loop3A_372 = arith.addf %parallel_loop3A_366, %parallel_loop3A_371 : vector<16xf32>
            %parallel_loop3A_373 = arith.index_cast %parallel_loop3A_355 : i32 to index
            %parallel_loop3A_374 = arith.constant 48 : index
            %parallel_loop3A_375 = tpu.vector_load %arg9[%parallel_loop3A_373, %parallel_loop3A_374] {strides = array<i32>} : memref<224x256xf32, #tpu.memory_space<vmem>>, vector<1x16xf32>,
            %parallel_loop3A_376 = vector.shape_cast %parallel_loop3A_375 : vector<1x16xf32> to vector<16xf32>
            %parallel_loop3A_377 = arith.mulf %get3A_264, %parallel_loop3A_376 : vector<16xf32>
            %parallel_loop3A_378 = arith.addf %parallel_loop3A_372, %parallel_loop3A_377 : vector<16xf32>
            %parallel_loop3A_379 = arith.index_cast %parallel_loop3A_355 : i32 to index
            %parallel_loop3A_380 = arith.constant 64 : index
            %parallel_loop3A_381 = tpu.vector_load %arg9[%parallel_loop3A_379, %parallel_loop3A_380] {strides = array<i32>} : memref<224x256xf32, #tpu.memory_space<vmem>>, vector<1x16xf32>,
            %parallel_loop3A_382 = vector.shape_cast %parallel_loop3A_381 : vector<1x16xf32> to vector<16xf32>
            %parallel_loop3A_383 = arith.mulf %get3A_268, %parallel_loop3A_382 : vector<16xf32>
            %parallel_loop3A_384 = arith.addf %parallel_loop3A_378, %parallel_loop3A_383 : vector<16xf32>
            %parallel_loop3A_385 = arith.index_cast %parallel_loop3A_355 : i32 to index
            %parallel_loop3A_386 = arith.constant 80 : index
            %parallel_loop3A_387 = tpu.vector_load %arg9[%parallel_loop3A_385, %parallel_loop3A_386] {strides = array<i32>} : memref<224x256xf32, #tpu.memory_space<vmem>>, vector<1x16xf32>,
            %parallel_loop3A_388 = vector.shape_cast %parallel_loop3A_387 : vector<1x16xf32> to vector<16xf32>
            %parallel_loop3A_389 = arith.mulf %get3A_272, %parallel_loop3A_388 : vector<16xf32>
            %parallel_loop3A_390 = arith.addf %parallel_loop3A_384, %parallel_loop3A_389 : vector<16xf32>
            %parallel_loop3A_391 = arith.index_cast %parallel_loop3A_355 : i32 to index
            %parallel_loop3A_392 = arith.constant 96 : index
            %parallel_loop3A_393 = tpu.vector_load %arg9[%parallel_loop3A_391, %parallel_loop3A_392] {strides = array<i32>} : memref<224x256xf32, #tpu.memory_space<vmem>>, vector<1x16xf32>,
            %parallel_loop3A_394 = vector.shape_cast %parallel_loop3A_393 : vector<1x16xf32> to vector<16xf32>
            %parallel_loop3A_395 = arith.mulf %get3A_276, %parallel_loop3A_394 : vector<16xf32>
            %parallel_loop3A_396 = arith.addf %parallel_loop3A_390, %parallel_loop3A_395 : vector<16xf32>
            %parallel_loop3A_397 = arith.index_cast %parallel_loop3A_355 : i32 to index
            %parallel_loop3A_398 = arith.constant 112 : index
            %parallel_loop3A_399 = tpu.vector_load %arg9[%parallel_loop3A_397, %parallel_loop3A_398] {strides = array<i32>} : memref<224x256xf32, #tpu.memory_space<vmem>>, vector<1x16xf32>,
            %parallel_loop3A_400 = vector.shape_cast %parallel_loop3A_399 : vector<1x16xf32> to vector<16xf32>
            %parallel_loop3A_401 = arith.mulf %get3A_280, %parallel_loop3A_400 : vector<16xf32>
            %parallel_loop3A_402 = arith.addf %parallel_loop3A_396, %parallel_loop3A_401 : vector<16xf32>
            %parallel_loop3A_403 = math.exp %parallel_loop3A_402 : vector<16xf32>
            %parallel_loop3A_404 = arith.index_cast %parallel_loop3A_355 : i32 to index
            %parallel_loop3A_405 = arith.constant 128 : index
            %parallel_loop3A_406 = tpu.vector_load %arg9[%parallel_loop3A_404, %parallel_loop3A_405] {strides = array<i32>} : memref<224x256xf32, #tpu.memory_space<vmem>>, vector<1x16xf32>,
            %parallel_loop3A_407 = vector.shape_cast %parallel_loop3A_406 : vector<1x16xf32> to vector<16xf32>
            %parallel_loop3A_408 = arith.mulf %parallel_loop3A_403, %parallel_loop3A_407 : vector<16xf32>
            %parallel_loop3A_409 = arith.addf %parallel_loop3A_341, %parallel_loop3A_408 : vector<16xf32>
            %parallel_loop3A_410 = arith.index_cast %parallel_loop3A_355 : i32 to index
            %parallel_loop3A_411 = arith.constant 144 : index
            %parallel_loop3A_412 = tpu.vector_load %arg9[%parallel_loop3A_410, %parallel_loop3A_411] {strides = array<i32>} : memref<224x256xf32, #tpu.memory_space<vmem>>, vector<1x16xf32>,
            %parallel_loop3A_413 = vector.shape_cast %parallel_loop3A_412 : vector<1x16xf32> to vector<16xf32>
            %parallel_loop3A_414 = arith.mulf %parallel_loop3A_403, %parallel_loop3A_413 : vector<16xf32>
            %parallel_loop3A_415 = arith.addf %parallel_loop3A_342, %parallel_loop3A_414 : vector<16xf32>
            %parallel_loop3A_416 = arith.index_cast %parallel_loop3A_355 : i32 to index
            %parallel_loop3A_417 = arith.constant 160 : index
            %parallel_loop3A_418 = tpu.vector_load %arg9[%parallel_loop3A_416, %parallel_loop3A_417] {strides = array<i32>} : memref<224x256xf32, #tpu.memory_space<vmem>>, vector<1x16xf32>,
            %parallel_loop3A_419 = vector.shape_cast %parallel_loop3A_418 : vector<1x16xf32> to vector<16xf32>
            %parallel_loop3A_420 = arith.mulf %parallel_loop3A_403, %parallel_loop3A_419 : vector<16xf32>
            %parallel_loop3A_421 = arith.addf %parallel_loop3A_343, %parallel_loop3A_420 : vector<16xf32>
            %parallel_loop3A_422 = arith.index_cast %parallel_loop3A_355 : i32 to index
            %parallel_loop3A_423 = arith.constant 176 : index
            %parallel_loop3A_424 = tpu.vector_load %arg9[%parallel_loop3A_422, %parallel_loop3A_423] {strides = array<i32>} : memref<224x256xf32, #tpu.memory_space<vmem>>, vector<1x16xf32>,
            %parallel_loop3A_425 = vector.shape_cast %parallel_loop3A_424 : vector<1x16xf32> to vector<16xf32>
            %parallel_loop3A_426 = arith.mulf %parallel_loop3A_403, %parallel_loop3A_425 : vector<16xf32>
            %parallel_loop3A_427 = arith.addf %parallel_loop3A_344, %parallel_loop3A_426 : vector<16xf32>
            %parallel_loop3A_428 = arith.index_cast %parallel_loop3A_355 : i32 to index
            %parallel_loop3A_429 = arith.constant 192 : index
            %parallel_loop3A_430 = tpu.vector_load %arg9[%parallel_loop3A_428, %parallel_loop3A_429] {strides = array<i32>} : memref<224x256xf32, #tpu.memory_space<vmem>>, vector<1x16xf32>,
            %parallel_loop3A_431 = vector.shape_cast %parallel_loop3A_430 : vector<1x16xf32> to vector<16xf32>
            %parallel_loop3A_432 = arith.mulf %parallel_loop3A_403, %parallel_loop3A_431 : vector<16xf32>
            %parallel_loop3A_433 = arith.addf %parallel_loop3A_345, %parallel_loop3A_432 : vector<16xf32>
            %parallel_loop3A_434 = arith.index_cast %parallel_loop3A_355 : i32 to index
            %parallel_loop3A_435 = arith.constant 208 : index
            %parallel_loop3A_436 = tpu.vector_load %arg9[%parallel_loop3A_434, %parallel_loop3A_435] {strides = array<i32>} : memref<224x256xf32, #tpu.memory_space<vmem>>, vector<1x16xf32>,
            %parallel_loop3A_437 = vector.shape_cast %parallel_loop3A_436 : vector<1x16xf32> to vector<16xf32>
            %parallel_loop3A_438 = arith.mulf %parallel_loop3A_403, %parallel_loop3A_437 : vector<16xf32>
            %parallel_loop3A_439 = arith.addf %parallel_loop3A_346, %parallel_loop3A_438 : vector<16xf32>
            %parallel_loop3A_440 = arith.index_cast %parallel_loop3A_355 : i32 to index
            %parallel_loop3A_441 = arith.constant 224 : index
            %parallel_loop3A_442 = tpu.vector_load %arg9[%parallel_loop3A_440, %parallel_loop3A_441] {strides = array<i32>} : memref<224x256xf32, #tpu.memory_space<vmem>>, vector<1x16xf32>,
            %parallel_loop3A_443 = vector.shape_cast %parallel_loop3A_442 : vector<1x16xf32> to vector<16xf32>
            %parallel_loop3A_444 = arith.mulf %parallel_loop3A_403, %parallel_loop3A_443 : vector<16xf32>
            %parallel_loop3A_445 = arith.addf %parallel_loop3A_347, %parallel_loop3A_444 : vector<16xf32>
            %parallel_loop3A_446 = arith.index_cast %parallel_loop3A_355 : i32 to index
            %parallel_loop3A_447 = arith.constant 240 : index
            %parallel_loop3A_448 = tpu.vector_load %arg9[%parallel_loop3A_446, %parallel_loop3A_447] {strides = array<i32>} : memref<224x256xf32, #tpu.memory_space<vmem>>, vector<1x16xf32>,
            %parallel_loop3A_449 = vector.shape_cast %parallel_loop3A_448 : vector<1x16xf32> to vector<16xf32>
            %parallel_loop3A_450 = arith.mulf %parallel_loop3A_403, %parallel_loop3A_449 : vector<16xf32>
            %parallel_loop3A_451 = arith.addf %parallel_loop3A_348, %parallel_loop3A_450 : vector<16xf32>
            %parallel_loop3A_452 = arith.addf %parallel_loop3A_340, %parallel_loop3A_403 : vector<16xf32>
            scf.yield %parallel_loop3A_452, %parallel_loop3A_409, %parallel_loop3A_415, %parallel_loop3A_421, %parallel_loop3A_427, %parallel_loop3A_433, %parallel_loop3A_439, %parallel_loop3A_445, %parallel_loop3A_451 : vector<16xf32>, vector<16xf32>, vector<16xf32>, vector<16xf32>, vector<16xf32>, vector<16xf32>, vector<16xf32>, vector<16xf32>, vector<16xf32>
          } {sc.loop_unroll_factor = 4 : i64, sc.parallel_access}
          %gt3A_283 = arith.constant 0.000000e+00 : f32
          %gt3A_284 = vector.broadcast %gt3A_283 : f32 to vector<16xf32>
          %gt3A_285 = arith.cmpf ogt, %parallel_loop3A_282#0, %gt3A_284 : vector<16xf32>
          %div3A_286 = arith.constant 1.000000e+00 : f32
          %div3A_287 = vector.broadcast %div3A_286 : f32 to vector<16xf32>
          %div3A_288 = arith.divf %div3A_287, %parallel_loop3A_282#0 : vector<16xf32>
          %jit3A_289 = arith.constant 0.000000e+00 : f32
          %broadcast_in_dim3A_290 = vector.broadcast %jit3A_289 : f32 to vector<16xf32>
          %select_n3A_291 = arith.select %gt3A_285, %div3A_288, %broadcast_in_dim3A_290 : vector<16xi1>, vector<16xf32>
          %mul3A_292 = arith.mulf %parallel_loop3A_282#1, %select_n3A_291 : vector<16xf32>
          %swap3A = arith.index_cast %while3A_220 : i32 to index
          %swap3A_293 = arith.constant 0 : index
          %swap3A_294 = tpu.vector_load %arg8[%swap3A, %swap3A_293] {strides = array<i32>} : memref<160x128xf32, #tpu.memory_space<vmem>>, vector<1x16xf32>,
          %swap3A_295 = vector.shape_cast %swap3A_294 : vector<1x16xf32> to vector<16xf32>
          %swap3A_296 = vector.shape_cast %mul3A_292 : vector<16xf32> to vector<1x16xf32>
          tpu.vector_store %arg8[%swap3A, %swap3A_293], %swap3A_296 {strides = array<i32>} : memref<160x128xf32, #tpu.memory_space<vmem>>, vector<1x16xf32>,
          %mul3A_297 = arith.mulf %parallel_loop3A_282#2, %select_n3A_291 : vector<16xf32>
          %swap3A_298 = arith.index_cast %while3A_220 : i32 to index
          %swap3A_299 = arith.constant 16 : index
          %swap3A_300 = tpu.vector_load %arg8[%swap3A_298, %swap3A_299] {strides = array<i32>} : memref<160x128xf32, #tpu.memory_space<vmem>>, vector<1x16xf32>,
          %swap3A_301 = vector.shape_cast %swap3A_300 : vector<1x16xf32> to vector<16xf32>
          %swap3A_302 = vector.shape_cast %mul3A_297 : vector<16xf32> to vector<1x16xf32>
          tpu.vector_store %arg8[%swap3A_298, %swap3A_299], %swap3A_302 {strides = array<i32>} : memref<160x128xf32, #tpu.memory_space<vmem>>, vector<1x16xf32>,
          %mul3A_303 = arith.mulf %parallel_loop3A_282#3, %select_n3A_291 : vector<16xf32>
          %swap3A_304 = arith.index_cast %while3A_220 : i32 to index
          %swap3A_305 = arith.constant 32 : index
          %swap3A_306 = tpu.vector_load %arg8[%swap3A_304, %swap3A_305] {strides = array<i32>} : memref<160x128xf32, #tpu.memory_space<vmem>>, vector<1x16xf32>,
          %swap3A_307 = vector.shape_cast %swap3A_306 : vector<1x16xf32> to vector<16xf32>
          %swap3A_308 = vector.shape_cast %mul3A_303 : vector<16xf32> to vector<1x16xf32>
          tpu.vector_store %arg8[%swap3A_304, %swap3A_305], %swap3A_308 {strides = array<i32>} : memref<160x128xf32, #tpu.memory_space<vmem>>, vector<1x16xf32>,
          %mul3A_309 = arith.mulf %parallel_loop3A_282#4, %select_n3A_291 : vector<16xf32>
          %swap3A_310 = arith.index_cast %while3A_220 : i32 to index
          %swap3A_311 = arith.constant 48 : index
          %swap3A_312 = tpu.vector_load %arg8[%swap3A_310, %swap3A_311] {strides = array<i32>} : memref<160x128xf32, #tpu.memory_space<vmem>>, vector<1x16xf32>,
          %swap3A_313 = vector.shape_cast %swap3A_312 : vector<1x16xf32> to vector<16xf32>
          %swap3A_314 = vector.shape_cast %mul3A_309 : vector<16xf32> to vector<1x16xf32>
          tpu.vector_store %arg8[%swap3A_310, %swap3A_311], %swap3A_314 {strides = array<i32>} : memref<160x128xf32, #tpu.memory_space<vmem>>, vector<1x16xf32>,
          %mul3A_315 = arith.mulf %parallel_loop3A_282#5, %select_n3A_291 : vector<16xf32>
          %swap3A_316 = arith.index_cast %while3A_220 : i32 to index
          %swap3A_317 = arith.constant 64 : index
          %swap3A_318 = tpu.vector_load %arg8[%swap3A_316, %swap3A_317] {strides = array<i32>} : memref<160x128xf32, #tpu.memory_space<vmem>>, vector<1x16xf32>,
          %swap3A_319 = vector.shape_cast %swap3A_318 : vector<1x16xf32> to vector<16xf32>
          %swap3A_320 = vector.shape_cast %mul3A_315 : vector<16xf32> to vector<1x16xf32>
          tpu.vector_store %arg8[%swap3A_316, %swap3A_317], %swap3A_320 {strides = array<i32>} : memref<160x128xf32, #tpu.memory_space<vmem>>, vector<1x16xf32>,
          %mul3A_321 = arith.mulf %parallel_loop3A_282#6, %select_n3A_291 : vector<16xf32>
          %swap3A_322 = arith.index_cast %while3A_220 : i32 to index
          %swap3A_323 = arith.constant 80 : index
          %swap3A_324 = tpu.vector_load %arg8[%swap3A_322, %swap3A_323] {strides = array<i32>} : memref<160x128xf32, #tpu.memory_space<vmem>>, vector<1x16xf32>,
          %swap3A_325 = vector.shape_cast %swap3A_324 : vector<1x16xf32> to vector<16xf32>
          %swap3A_326 = vector.shape_cast %mul3A_321 : vector<16xf32> to vector<1x16xf32>
          tpu.vector_store %arg8[%swap3A_322, %swap3A_323], %swap3A_326 {strides = array<i32>} : memref<160x128xf32, #tpu.memory_space<vmem>>, vector<1x16xf32>,
          %mul3A_327 = arith.mulf %parallel_loop3A_282#7, %select_n3A_291 : vector<16xf32>
          %swap3A_328 = arith.index_cast %while3A_220 : i32 to index
          %swap3A_329 = arith.constant 96 : index
          %swap3A_330 = tpu.vector_load %arg8[%swap3A_328, %swap3A_329] {strides = array<i32>} : memref<160x128xf32, #tpu.memory_space<vmem>>, vector<1x16xf32>,
          %swap3A_331 = vector.shape_cast %swap3A_330 : vector<1x16xf32> to vector<16xf32>
          %swap3A_332 = vector.shape_cast %mul3A_327 : vector<16xf32> to vector<1x16xf32>
          tpu.vector_store %arg8[%swap3A_328, %swap3A_329], %swap3A_332 {strides = array<i32>} : memref<160x128xf32, #tpu.memory_space<vmem>>, vector<1x16xf32>,
          %mul3A_333 = arith.mulf %parallel_loop3A_282#8, %select_n3A_291 : vector<16xf32>
          %swap3A_334 = arith.index_cast %while3A_220 : i32 to index
          %swap3A_335 = arith.constant 112 : index
          %swap3A_336 = tpu.vector_load %arg8[%swap3A_334, %swap3A_335] {strides = array<i32>} : memref<160x128xf32, #tpu.memory_space<vmem>>, vector<1x16xf32>,
          %swap3A_337 = vector.shape_cast %swap3A_336 : vector<1x16xf32> to vector<16xf32>
          %swap3A_338 = vector.shape_cast %mul3A_333 : vector<16xf32> to vector<1x16xf32>
          tpu.vector_store %arg8[%swap3A_334, %swap3A_335], %swap3A_338 {strides = array<i32>} : memref<160x128xf32, #tpu.memory_space<vmem>>, vector<1x16xf32>,
          scf.yield %broadcast_in_dim3A_3, %broadcast_in_dim3A_3, %broadcast_in_dim3A_3, %broadcast_in_dim3A_3, %broadcast_in_dim3A_3, %broadcast_in_dim3A_3, %broadcast_in_dim3A_3, %broadcast_in_dim3A_3, %broadcast_in_dim3A_3 : vector<16xf32>, vector<16xf32>, vector<16xf32>, vector<16xf32>, vector<16xf32>, vector<16xf32>, vector<16xf32>, vector<16xf32>, vector<16xf32>
        }
        %while3A_175 = arith.constant 1 : i32
        %while3A_176:9 = scf.for %while3A_220 = %while3A_172 to %while3A_168 step %while3A_175 iter_args(%while3A_221 = %while3A_174#0, %while3A_222 = %while3A_174#1, %while3A_223 = %while3A_174#2, %while3A_224 = %while3A_174#3, %while3A_225 = %while3A_174#4, %while3A_226 = %while3A_174#5, %while3A_227 = %while3A_174#6, %while3A_228 = %while3A_174#7, %while3A_229 = %while3A_174#8) -> (vector<16xf32>, vector<16xf32>, vector<16xf32>, vector<16xf32>, vector<16xf32>, vector<16xf32>, vector<16xf32>, vector<16xf32>, vector<16xf32>)  : i32 {
          %add3A_230 = arith.constant 160 : i32
          %add3A_231 = arith.addi %add3A_230, %while3A_220 : i32
          %get3A_232 = arith.index_cast %add3A_231 : i32 to index
          %get3A_233 = tpu.vector_load %arg12[%get3A_232] {strides = array<i32>} : memref<336xi32, #tpu.memory_space<vmem>>, vector<16xi32>,
          %get3A_234 = vector.shape_cast %get3A_233 : vector<16xi32> to vector<16xi32>
          %slice3A_235 = vector.extract_strided_slice %get3A_234 {offsets = [0], sizes = [1], strides = [1]} : vector<16xi32> to vector<1xi32>
          %squeeze3A_236 = vector.extract %slice3A_235[0] : i32 from vector<1xi32>
          %max3A_237 = arith.maxsi %squeeze3A_236, %max3A_148 : i32
          %add3A_238 = arith.constant 1 : i32
          %add3A_239 = arith.addi %while3A_220, %add3A_238 : i32
          %add3A_240 = arith.constant 160 : i32
          %add3A_241 = arith.addi %add3A_240, %add3A_239 : i32
          %get3A_242 = arith.index_cast %add3A_241 : i32 to index
          %get3A_243 = tpu.vector_load %arg12[%get3A_242] {strides = array<i32>} : memref<336xi32, #tpu.memory_space<vmem>>, vector<16xi32>,
          %get3A_244 = vector.shape_cast %get3A_243 : vector<16xi32> to vector<16xi32>
          %slice3A_245 = vector.extract_strided_slice %get3A_244 {offsets = [0], sizes = [1], strides = [1]} : vector<16xi32> to vector<1xi32>
          %squeeze3A_246 = vector.extract %slice3A_245[0] : i32 from vector<1xi32>
          %min3A_247 = arith.constant 159 : i32
          %min3A_248 = arith.minsi %while3A_220, %min3A_247 : i32
          %get3A_249 = arith.index_cast %min3A_248 : i32 to index
          %get3A_250 = arith.constant 0 : index
          %get3A_251 = tpu.vector_load %arg7[%get3A_249, %get3A_250] {strides = array<i32>} : memref<160x128xf32, #tpu.memory_space<vmem>>, vector<1x16xf32>,
          %get3A_252 = vector.shape_cast %get3A_251 : vector<1x16xf32> to vector<16xf32>
          %get3A_253 = arith.index_cast %min3A_248 : i32 to index
          %get3A_254 = arith.constant 16 : index
          %get3A_255 = tpu.vector_load %arg7[%get3A_253, %get3A_254] {strides = array<i32>} : memref<160x128xf32, #tpu.memory_space<vmem>>, vector<1x16xf32>,
          %get3A_256 = vector.shape_cast %get3A_255 : vector<1x16xf32> to vector<16xf32>
          %get3A_257 = arith.index_cast %min3A_248 : i32 to index
          %get3A_258 = arith.constant 32 : index
          %get3A_259 = tpu.vector_load %arg7[%get3A_257, %get3A_258] {strides = array<i32>} : memref<160x128xf32, #tpu.memory_space<vmem>>, vector<1x16xf32>,
          %get3A_260 = vector.shape_cast %get3A_259 : vector<1x16xf32> to vector<16xf32>
          %get3A_261 = arith.index_cast %min3A_248 : i32 to index
          %get3A_262 = arith.constant 48 : index
          %get3A_263 = tpu.vector_load %arg7[%get3A_261, %get3A_262] {strides = array<i32>} : memref<160x128xf32, #tpu.memory_space<vmem>>, vector<1x16xf32>,
          %get3A_264 = vector.shape_cast %get3A_263 : vector<1x16xf32> to vector<16xf32>
          %get3A_265 = arith.index_cast %min3A_248 : i32 to index
          %get3A_266 = arith.constant 64 : index
          %get3A_267 = tpu.vector_load %arg7[%get3A_265, %get3A_266] {strides = array<i32>} : memref<160x128xf32, #tpu.memory_space<vmem>>, vector<1x16xf32>,
          %get3A_268 = vector.shape_cast %get3A_267 : vector<1x16xf32> to vector<16xf32>
          %get3A_269 = arith.index_cast %min3A_248 : i32 to index
          %get3A_270 = arith.constant 80 : index
          %get3A_271 = tpu.vector_load %arg7[%get3A_269, %get3A_270] {strides = array<i32>} : memref<160x128xf32, #tpu.memory_space<vmem>>, vector<1x16xf32>,
          %get3A_272 = vector.shape_cast %get3A_271 : vector<1x16xf32> to vector<16xf32>
          %get3A_273 = arith.index_cast %min3A_248 : i32 to index
          %get3A_274 = arith.constant 96 : index
          %get3A_275 = tpu.vector_load %arg7[%get3A_273, %get3A_274] {strides = array<i32>} : memref<160x128xf32, #tpu.memory_space<vmem>>, vector<1x16xf32>,
          %get3A_276 = vector.shape_cast %get3A_275 : vector<1x16xf32> to vector<16xf32>
          %get3A_277 = arith.index_cast %min3A_248 : i32 to index
          %get3A_278 = arith.constant 112 : index
          %get3A_279 = tpu.vector_load %arg7[%get3A_277, %get3A_278] {strides = array<i32>} : memref<160x128xf32, #tpu.memory_space<vmem>>, vector<1x16xf32>,
          %get3A_280 = vector.shape_cast %get3A_279 : vector<1x16xf32> to vector<16xf32>
          %parallel_loop3A_281 = arith.constant 1 : i32
          %parallel_loop3A_282:9 = scf.for %parallel_loop3A_339 = %max3A_237 to %squeeze3A_246 step %parallel_loop3A_281 iter_args(%parallel_loop3A_340 = %while3A_221, %parallel_loop3A_341 = %while3A_222, %parallel_loop3A_342 = %while3A_223, %parallel_loop3A_343 = %while3A_224, %parallel_loop3A_344 = %while3A_225, %parallel_loop3A_345 = %while3A_226, %parallel_loop3A_346 = %while3A_227, %parallel_loop3A_347 = %while3A_228, %parallel_loop3A_348 = %while3A_229) -> (vector<16xf32>, vector<16xf32>, vector<16xf32>, vector<16xf32>, vector<16xf32>, vector<16xf32>, vector<16xf32>, vector<16xf32>, vector<16xf32>)  : i32 {
            %parallel_loop3A_349 = arith.subi %parallel_loop3A_339, %mul3A_147 : i32
            %parallel_loop3A_350 = arith.index_cast %parallel_loop3A_349 : i32 to index
            %parallel_loop3A_351 = tpu.vector_load %arg10[%parallel_loop3A_350] {strides = array<i32>} : memref<2064xi32, #tpu.memory_space<vmem>>, vector<16xi32>,
            %parallel_loop3A_352 = vector.shape_cast %parallel_loop3A_351 : vector<16xi32> to vector<16xi32>
            %parallel_loop3A_353 = vector.extract_strided_slice %parallel_loop3A_352 {offsets = [0], sizes = [1], strides = [1]} : vector<16xi32> to vector<1xi32>
            %parallel_loop3A_354 = vector.extract %parallel_loop3A_353[0] : i32 from vector<1xi32>
            %parallel_loop3A_355 = arith.subi %parallel_loop3A_354, %multiple_of3A : i32
            %parallel_loop3A_356 = arith.index_cast %parallel_loop3A_355 : i32 to index
            %parallel_loop3A_357 = arith.constant 0 : index
            %parallel_loop3A_358 = tpu.vector_load %arg9[%parallel_loop3A_356, %parallel_loop3A_357] {strides = array<i32>} : memref<224x256xf32, #tpu.memory_space<vmem>>, vector<1x16xf32>,
            %parallel_loop3A_359 = vector.shape_cast %parallel_loop3A_358 : vector<1x16xf32> to vector<16xf32>
            %parallel_loop3A_360 = arith.mulf %get3A_252, %parallel_loop3A_359 : vector<16xf32>
            %parallel_loop3A_361 = arith.index_cast %parallel_loop3A_355 : i32 to index
            %parallel_loop3A_362 = arith.constant 16 : index
            %parallel_loop3A_363 = tpu.vector_load %arg9[%parallel_loop3A_361, %parallel_loop3A_362] {strides = array<i32>} : memref<224x256xf32, #tpu.memory_space<vmem>>, vector<1x16xf32>,
            %parallel_loop3A_364 = vector.shape_cast %parallel_loop3A_363 : vector<1x16xf32> to vector<16xf32>
            %parallel_loop3A_365 = arith.mulf %get3A_256, %parallel_loop3A_364 : vector<16xf32>
            %parallel_loop3A_366 = arith.addf %parallel_loop3A_360, %parallel_loop3A_365 : vector<16xf32>
            %parallel_loop3A_367 = arith.index_cast %parallel_loop3A_355 : i32 to index
            %parallel_loop3A_368 = arith.constant 32 : index
            %parallel_loop3A_369 = tpu.vector_load %arg9[%parallel_loop3A_367, %parallel_loop3A_368] {strides = array<i32>} : memref<224x256xf32, #tpu.memory_space<vmem>>, vector<1x16xf32>,
            %parallel_loop3A_370 = vector.shape_cast %parallel_loop3A_369 : vector<1x16xf32> to vector<16xf32>
            %parallel_loop3A_371 = arith.mulf %get3A_260, %parallel_loop3A_370 : vector<16xf32>
            %parallel_loop3A_372 = arith.addf %parallel_loop3A_366, %parallel_loop3A_371 : vector<16xf32>
            %parallel_loop3A_373 = arith.index_cast %parallel_loop3A_355 : i32 to index
            %parallel_loop3A_374 = arith.constant 48 : index
            %parallel_loop3A_375 = tpu.vector_load %arg9[%parallel_loop3A_373, %parallel_loop3A_374] {strides = array<i32>} : memref<224x256xf32, #tpu.memory_space<vmem>>, vector<1x16xf32>,
            %parallel_loop3A_376 = vector.shape_cast %parallel_loop3A_375 : vector<1x16xf32> to vector<16xf32>
            %parallel_loop3A_377 = arith.mulf %get3A_264, %parallel_loop3A_376 : vector<16xf32>
            %parallel_loop3A_378 = arith.addf %parallel_loop3A_372, %parallel_loop3A_377 : vector<16xf32>
            %parallel_loop3A_379 = arith.index_cast %parallel_loop3A_355 : i32 to index
            %parallel_loop3A_380 = arith.constant 64 : index
            %parallel_loop3A_381 = tpu.vector_load %arg9[%parallel_loop3A_379, %parallel_loop3A_380] {strides = array<i32>} : memref<224x256xf32, #tpu.memory_space<vmem>>, vector<1x16xf32>,
            %parallel_loop3A_382 = vector.shape_cast %parallel_loop3A_381 : vector<1x16xf32> to vector<16xf32>
            %parallel_loop3A_383 = arith.mulf %get3A_268, %parallel_loop3A_382 : vector<16xf32>
            %parallel_loop3A_384 = arith.addf %parallel_loop3A_378, %parallel_loop3A_383 : vector<16xf32>
            %parallel_loop3A_385 = arith.index_cast %parallel_loop3A_355 : i32 to index
            %parallel_loop3A_386 = arith.constant 80 : index
            %parallel_loop3A_387 = tpu.vector_load %arg9[%parallel_loop3A_385, %parallel_loop3A_386] {strides = array<i32>} : memref<224x256xf32, #tpu.memory_space<vmem>>, vector<1x16xf32>,
            %parallel_loop3A_388 = vector.shape_cast %parallel_loop3A_387 : vector<1x16xf32> to vector<16xf32>
            %parallel_loop3A_389 = arith.mulf %get3A_272, %parallel_loop3A_388 : vector<16xf32>
            %parallel_loop3A_390 = arith.addf %parallel_loop3A_384, %parallel_loop3A_389 : vector<16xf32>
            %parallel_loop3A_391 = arith.index_cast %parallel_loop3A_355 : i32 to index
            %parallel_loop3A_392 = arith.constant 96 : index
            %parallel_loop3A_393 = tpu.vector_load %arg9[%parallel_loop3A_391, %parallel_loop3A_392] {strides = array<i32>} : memref<224x256xf32, #tpu.memory_space<vmem>>, vector<1x16xf32>,
            %parallel_loop3A_394 = vector.shape_cast %parallel_loop3A_393 : vector<1x16xf32> to vector<16xf32>
            %parallel_loop3A_395 = arith.mulf %get3A_276, %parallel_loop3A_394 : vector<16xf32>
            %parallel_loop3A_396 = arith.addf %parallel_loop3A_390, %parallel_loop3A_395 : vector<16xf32>
            %parallel_loop3A_397 = arith.index_cast %parallel_loop3A_355 : i32 to index
            %parallel_loop3A_398 = arith.constant 112 : index
            %parallel_loop3A_399 = tpu.vector_load %arg9[%parallel_loop3A_397, %parallel_loop3A_398] {strides = array<i32>} : memref<224x256xf32, #tpu.memory_space<vmem>>, vector<1x16xf32>,
            %parallel_loop3A_400 = vector.shape_cast %parallel_loop3A_399 : vector<1x16xf32> to vector<16xf32>
            %parallel_loop3A_401 = arith.mulf %get3A_280, %parallel_loop3A_400 : vector<16xf32>
            %parallel_loop3A_402 = arith.addf %parallel_loop3A_396, %parallel_loop3A_401 : vector<16xf32>
            %parallel_loop3A_403 = math.exp %parallel_loop3A_402 : vector<16xf32>
            %parallel_loop3A_404 = arith.index_cast %parallel_loop3A_355 : i32 to index
            %parallel_loop3A_405 = arith.constant 128 : index
            %parallel_loop3A_406 = tpu.vector_load %arg9[%parallel_loop3A_404, %parallel_loop3A_405] {strides = array<i32>} : memref<224x256xf32, #tpu.memory_space<vmem>>, vector<1x16xf32>,
            %parallel_loop3A_407 = vector.shape_cast %parallel_loop3A_406 : vector<1x16xf32> to vector<16xf32>
            %parallel_loop3A_408 = arith.mulf %parallel_loop3A_403, %parallel_loop3A_407 : vector<16xf32>
            %parallel_loop3A_409 = arith.addf %parallel_loop3A_341, %parallel_loop3A_408 : vector<16xf32>
            %parallel_loop3A_410 = arith.index_cast %parallel_loop3A_355 : i32 to index
            %parallel_loop3A_411 = arith.constant 144 : index
            %parallel_loop3A_412 = tpu.vector_load %arg9[%parallel_loop3A_410, %parallel_loop3A_411] {strides = array<i32>} : memref<224x256xf32, #tpu.memory_space<vmem>>, vector<1x16xf32>,
            %parallel_loop3A_413 = vector.shape_cast %parallel_loop3A_412 : vector<1x16xf32> to vector<16xf32>
            %parallel_loop3A_414 = arith.mulf %parallel_loop3A_403, %parallel_loop3A_413 : vector<16xf32>
            %parallel_loop3A_415 = arith.addf %parallel_loop3A_342, %parallel_loop3A_414 : vector<16xf32>
            %parallel_loop3A_416 = arith.index_cast %parallel_loop3A_355 : i32 to index
            %parallel_loop3A_417 = arith.constant 160 : index
            %parallel_loop3A_418 = tpu.vector_load %arg9[%parallel_loop3A_416, %parallel_loop3A_417] {strides = array<i32>} : memref<224x256xf32, #tpu.memory_space<vmem>>, vector<1x16xf32>,
            %parallel_loop3A_419 = vector.shape_cast %parallel_loop3A_418 : vector<1x16xf32> to vector<16xf32>
            %parallel_loop3A_420 = arith.mulf %parallel_loop3A_403, %parallel_loop3A_419 : vector<16xf32>
            %parallel_loop3A_421 = arith.addf %parallel_loop3A_343, %parallel_loop3A_420 : vector<16xf32>
            %parallel_loop3A_422 = arith.index_cast %parallel_loop3A_355 : i32 to index
            %parallel_loop3A_423 = arith.constant 176 : index
            %parallel_loop3A_424 = tpu.vector_load %arg9[%parallel_loop3A_422, %parallel_loop3A_423] {strides = array<i32>} : memref<224x256xf32, #tpu.memory_space<vmem>>, vector<1x16xf32>,
            %parallel_loop3A_425 = vector.shape_cast %parallel_loop3A_424 : vector<1x16xf32> to vector<16xf32>
            %parallel_loop3A_426 = arith.mulf %parallel_loop3A_403, %parallel_loop3A_425 : vector<16xf32>
            %parallel_loop3A_427 = arith.addf %parallel_loop3A_344, %parallel_loop3A_426 : vector<16xf32>
            %parallel_loop3A_428 = arith.index_cast %parallel_loop3A_355 : i32 to index
            %parallel_loop3A_429 = arith.constant 192 : index
            %parallel_loop3A_430 = tpu.vector_load %arg9[%parallel_loop3A_428, %parallel_loop3A_429] {strides = array<i32>} : memref<224x256xf32, #tpu.memory_space<vmem>>, vector<1x16xf32>,
            %parallel_loop3A_431 = vector.shape_cast %parallel_loop3A_430 : vector<1x16xf32> to vector<16xf32>
            %parallel_loop3A_432 = arith.mulf %parallel_loop3A_403, %parallel_loop3A_431 : vector<16xf32>
            %parallel_loop3A_433 = arith.addf %parallel_loop3A_345, %parallel_loop3A_432 : vector<16xf32>
            %parallel_loop3A_434 = arith.index_cast %parallel_loop3A_355 : i32 to index
            %parallel_loop3A_435 = arith.constant 208 : index
            %parallel_loop3A_436 = tpu.vector_load %arg9[%parallel_loop3A_434, %parallel_loop3A_435] {strides = array<i32>} : memref<224x256xf32, #tpu.memory_space<vmem>>, vector<1x16xf32>,
            %parallel_loop3A_437 = vector.shape_cast %parallel_loop3A_436 : vector<1x16xf32> to vector<16xf32>
            %parallel_loop3A_438 = arith.mulf %parallel_loop3A_403, %parallel_loop3A_437 : vector<16xf32>
            %parallel_loop3A_439 = arith.addf %parallel_loop3A_346, %parallel_loop3A_438 : vector<16xf32>
            %parallel_loop3A_440 = arith.index_cast %parallel_loop3A_355 : i32 to index
            %parallel_loop3A_441 = arith.constant 224 : index
            %parallel_loop3A_442 = tpu.vector_load %arg9[%parallel_loop3A_440, %parallel_loop3A_441] {strides = array<i32>} : memref<224x256xf32, #tpu.memory_space<vmem>>, vector<1x16xf32>,
            %parallel_loop3A_443 = vector.shape_cast %parallel_loop3A_442 : vector<1x16xf32> to vector<16xf32>
            %parallel_loop3A_444 = arith.mulf %parallel_loop3A_403, %parallel_loop3A_443 : vector<16xf32>
            %parallel_loop3A_445 = arith.addf %parallel_loop3A_347, %parallel_loop3A_444 : vector<16xf32>
            %parallel_loop3A_446 = arith.index_cast %parallel_loop3A_355 : i32 to index
            %parallel_loop3A_447 = arith.constant 240 : index
            %parallel_loop3A_448 = tpu.vector_load %arg9[%parallel_loop3A_446, %parallel_loop3A_447] {strides = array<i32>} : memref<224x256xf32, #tpu.memory_space<vmem>>, vector<1x16xf32>,
            %parallel_loop3A_449 = vector.shape_cast %parallel_loop3A_448 : vector<1x16xf32> to vector<16xf32>
            %parallel_loop3A_450 = arith.mulf %parallel_loop3A_403, %parallel_loop3A_449 : vector<16xf32>
            %parallel_loop3A_451 = arith.addf %parallel_loop3A_348, %parallel_loop3A_450 : vector<16xf32>
            %parallel_loop3A_452 = arith.addf %parallel_loop3A_340, %parallel_loop3A_403 : vector<16xf32>
            scf.yield %parallel_loop3A_452, %parallel_loop3A_409, %parallel_loop3A_415, %parallel_loop3A_421, %parallel_loop3A_427, %parallel_loop3A_433, %parallel_loop3A_439, %parallel_loop3A_445, %parallel_loop3A_451 : vector<16xf32>, vector<16xf32>, vector<16xf32>, vector<16xf32>, vector<16xf32>, vector<16xf32>, vector<16xf32>, vector<16xf32>, vector<16xf32>
          } {sc.loop_unroll_factor = 4 : i64, sc.parallel_access}
          %gt3A_283 = arith.constant 0.000000e+00 : f32
          %gt3A_284 = vector.broadcast %gt3A_283 : f32 to vector<16xf32>
          %gt3A_285 = arith.cmpf ogt, %parallel_loop3A_282#0, %gt3A_284 : vector<16xf32>
          %div3A_286 = arith.constant 1.000000e+00 : f32
          %div3A_287 = vector.broadcast %div3A_286 : f32 to vector<16xf32>
          %div3A_288 = arith.divf %div3A_287, %parallel_loop3A_282#0 : vector<16xf32>
          %jit3A_289 = arith.constant 0.000000e+00 : f32
          %broadcast_in_dim3A_290 = vector.broadcast %jit3A_289 : f32 to vector<16xf32>
          %select_n3A_291 = arith.select %gt3A_285, %div3A_288, %broadcast_in_dim3A_290 : vector<16xi1>, vector<16xf32>
          %mul3A_292 = arith.mulf %parallel_loop3A_282#1, %select_n3A_291 : vector<16xf32>
          %swap3A = arith.index_cast %while3A_220 : i32 to index
          %swap3A_293 = arith.constant 0 : index
          %swap3A_294 = tpu.vector_load %arg8[%swap3A, %swap3A_293] {strides = array<i32>} : memref<160x128xf32, #tpu.memory_space<vmem>>, vector<1x16xf32>,
          %swap3A_295 = vector.shape_cast %swap3A_294 : vector<1x16xf32> to vector<16xf32>
          %swap3A_296 = vector.shape_cast %mul3A_292 : vector<16xf32> to vector<1x16xf32>
          tpu.vector_store %arg8[%swap3A, %swap3A_293], %swap3A_296 {strides = array<i32>} : memref<160x128xf32, #tpu.memory_space<vmem>>, vector<1x16xf32>,
          %mul3A_297 = arith.mulf %parallel_loop3A_282#2, %select_n3A_291 : vector<16xf32>
          %swap3A_298 = arith.index_cast %while3A_220 : i32 to index
          %swap3A_299 = arith.constant 16 : index
          %swap3A_300 = tpu.vector_load %arg8[%swap3A_298, %swap3A_299] {strides = array<i32>} : memref<160x128xf32, #tpu.memory_space<vmem>>, vector<1x16xf32>,
          %swap3A_301 = vector.shape_cast %swap3A_300 : vector<1x16xf32> to vector<16xf32>
          %swap3A_302 = vector.shape_cast %mul3A_297 : vector<16xf32> to vector<1x16xf32>
          tpu.vector_store %arg8[%swap3A_298, %swap3A_299], %swap3A_302 {strides = array<i32>} : memref<160x128xf32, #tpu.memory_space<vmem>>, vector<1x16xf32>,
          %mul3A_303 = arith.mulf %parallel_loop3A_282#3, %select_n3A_291 : vector<16xf32>
          %swap3A_304 = arith.index_cast %while3A_220 : i32 to index
          %swap3A_305 = arith.constant 32 : index
          %swap3A_306 = tpu.vector_load %arg8[%swap3A_304, %swap3A_305] {strides = array<i32>} : memref<160x128xf32, #tpu.memory_space<vmem>>, vector<1x16xf32>,
          %swap3A_307 = vector.shape_cast %swap3A_306 : vector<1x16xf32> to vector<16xf32>
          %swap3A_308 = vector.shape_cast %mul3A_303 : vector<16xf32> to vector<1x16xf32>
          tpu.vector_store %arg8[%swap3A_304, %swap3A_305], %swap3A_308 {strides = array<i32>} : memref<160x128xf32, #tpu.memory_space<vmem>>, vector<1x16xf32>,
          %mul3A_309 = arith.mulf %parallel_loop3A_282#4, %select_n3A_291 : vector<16xf32>
          %swap3A_310 = arith.index_cast %while3A_220 : i32 to index
          %swap3A_311 = arith.constant 48 : index
          %swap3A_312 = tpu.vector_load %arg8[%swap3A_310, %swap3A_311] {strides = array<i32>} : memref<160x128xf32, #tpu.memory_space<vmem>>, vector<1x16xf32>,
          %swap3A_313 = vector.shape_cast %swap3A_312 : vector<1x16xf32> to vector<16xf32>
          %swap3A_314 = vector.shape_cast %mul3A_309 : vector<16xf32> to vector<1x16xf32>
          tpu.vector_store %arg8[%swap3A_310, %swap3A_311], %swap3A_314 {strides = array<i32>} : memref<160x128xf32, #tpu.memory_space<vmem>>, vector<1x16xf32>,
          %mul3A_315 = arith.mulf %parallel_loop3A_282#5, %select_n3A_291 : vector<16xf32>
          %swap3A_316 = arith.index_cast %while3A_220 : i32 to index
          %swap3A_317 = arith.constant 64 : index
          %swap3A_318 = tpu.vector_load %arg8[%swap3A_316, %swap3A_317] {strides = array<i32>} : memref<160x128xf32, #tpu.memory_space<vmem>>, vector<1x16xf32>,
          %swap3A_319 = vector.shape_cast %swap3A_318 : vector<1x16xf32> to vector<16xf32>
          %swap3A_320 = vector.shape_cast %mul3A_315 : vector<16xf32> to vector<1x16xf32>
          tpu.vector_store %arg8[%swap3A_316, %swap3A_317], %swap3A_320 {strides = array<i32>} : memref<160x128xf32, #tpu.memory_space<vmem>>, vector<1x16xf32>,
          %mul3A_321 = arith.mulf %parallel_loop3A_282#6, %select_n3A_291 : vector<16xf32>
          %swap3A_322 = arith.index_cast %while3A_220 : i32 to index
          %swap3A_323 = arith.constant 80 : index
          %swap3A_324 = tpu.vector_load %arg8[%swap3A_322, %swap3A_323] {strides = array<i32>} : memref<160x128xf32, #tpu.memory_space<vmem>>, vector<1x16xf32>,
          %swap3A_325 = vector.shape_cast %swap3A_324 : vector<1x16xf32> to vector<16xf32>
          %swap3A_326 = vector.shape_cast %mul3A_321 : vector<16xf32> to vector<1x16xf32>
          tpu.vector_store %arg8[%swap3A_322, %swap3A_323], %swap3A_326 {strides = array<i32>} : memref<160x128xf32, #tpu.memory_space<vmem>>, vector<1x16xf32>,
          %mul3A_327 = arith.mulf %parallel_loop3A_282#7, %select_n3A_291 : vector<16xf32>
          %swap3A_328 = arith.index_cast %while3A_220 : i32 to index
          %swap3A_329 = arith.constant 96 : index
          %swap3A_330 = tpu.vector_load %arg8[%swap3A_328, %swap3A_329] {strides = array<i32>} : memref<160x128xf32, #tpu.memory_space<vmem>>, vector<1x16xf32>,
          %swap3A_331 = vector.shape_cast %swap3A_330 : vector<1x16xf32> to vector<16xf32>
          %swap3A_332 = vector.shape_cast %mul3A_327 : vector<16xf32> to vector<1x16xf32>
          tpu.vector_store %arg8[%swap3A_328, %swap3A_329], %swap3A_332 {strides = array<i32>} : memref<160x128xf32, #tpu.memory_space<vmem>>, vector<1x16xf32>,
          %mul3A_333 = arith.mulf %parallel_loop3A_282#8, %select_n3A_291 : vector<16xf32>
          %swap3A_334 = arith.index_cast %while3A_220 : i32 to index
          %swap3A_335 = arith.constant 112 : index
          %swap3A_336 = tpu.vector_load %arg8[%swap3A_334, %swap3A_335] {strides = array<i32>} : memref<160x128xf32, #tpu.memory_space<vmem>>, vector<1x16xf32>,
          %swap3A_337 = vector.shape_cast %swap3A_336 : vector<1x16xf32> to vector<16xf32>
          %swap3A_338 = vector.shape_cast %mul3A_333 : vector<16xf32> to vector<1x16xf32>
          tpu.vector_store %arg8[%swap3A_334, %swap3A_335], %swap3A_338 {strides = array<i32>} : memref<160x128xf32, #tpu.memory_space<vmem>>, vector<1x16xf32>,
          scf.yield %broadcast_in_dim3A_3, %broadcast_in_dim3A_3, %broadcast_in_dim3A_3, %broadcast_in_dim3A_3, %broadcast_in_dim3A_3, %broadcast_in_dim3A_3, %broadcast_in_dim3A_3, %broadcast_in_dim3A_3, %broadcast_in_dim3A_3 : vector<16xf32>, vector<16xf32>, vector<16xf32>, vector<16xf32>, vector<16xf32>, vector<16xf32>, vector<16xf32>, vector<16xf32>, vector<16xf32>
        }
        %add3A_177 = arith.constant 160 : i32
        %add3A_178 = arith.addi %add3A_177, %min3A_166 : i32
        %get3A_179 = arith.index_cast %add3A_178 : i32 to index
        %get3A_180 = tpu.vector_load %arg12[%get3A_179] {strides = array<i32>} : memref<336xi32, #tpu.memory_space<vmem>>, vector<16xi32>,
        %get3A_181 = vector.shape_cast %get3A_180 : vector<16xi32> to vector<16xi32>
        %slice3A_182 = vector.extract_strided_slice %get3A_181 {offsets = [0], sizes = [1], strides = [1]} : vector<16xi32> to vector<1xi32>
        %squeeze3A_183 = vector.extract %slice3A_182[0] : i32 from vector<1xi32>
        %max3A_184 = arith.maxsi %squeeze3A_183, %max3A_148 : i32
        %min3A_185 = arith.constant 159 : i32
        %min3A_186 = arith.minsi %min3A_166, %min3A_185 : i32
        %get3A_187 = arith.index_cast %min3A_186 : i32 to index
        %get3A_188 = arith.constant 0 : index
        %get3A_189 = tpu.vector_load %arg7[%get3A_187, %get3A_188] {strides = array<i32>} : memref<160x128xf32, #tpu.memory_space<vmem>>, vector<1x16xf32>,
        %get3A_190 = vector.shape_cast %get3A_189 : vector<1x16xf32> to vector<16xf32>
        %get3A_191 = arith.index_cast %min3A_186 : i32 to index
        %get3A_192 = arith.constant 16 : index
        %get3A_193 = tpu.vector_load %arg7[%get3A_191, %get3A_192] {strides = array<i32>} : memref<160x128xf32, #tpu.memory_space<vmem>>, vector<1x16xf32>,
        %get3A_194 = vector.shape_cast %get3A_193 : vector<1x16xf32> to vector<16xf32>
        %get3A_195 = arith.index_cast %min3A_186 : i32 to index
        %get3A_196 = arith.constant 32 : index
        %get3A_197 = tpu.vector_load %arg7[%get3A_195, %get3A_196] {strides = array<i32>} : memref<160x128xf32, #tpu.memory_space<vmem>>, vector<1x16xf32>,
        %get3A_198 = vector.shape_cast %get3A_197 : vector<1x16xf32> to vector<16xf32>
        %get3A_199 = arith.index_cast %min3A_186 : i32 to index
        %get3A_200 = arith.constant 48 : index
        %get3A_201 = tpu.vector_load %arg7[%get3A_199, %get3A_200] {strides = array<i32>} : memref<160x128xf32, #tpu.memory_space<vmem>>, vector<1x16xf32>,
        %get3A_202 = vector.shape_cast %get3A_201 : vector<1x16xf32> to vector<16xf32>
        %get3A_203 = arith.index_cast %min3A_186 : i32 to index
        %get3A_204 = arith.constant 64 : index
        %get3A_205 = tpu.vector_load %arg7[%get3A_203, %get3A_204] {strides = array<i32>} : memref<160x128xf32, #tpu.memory_space<vmem>>, vector<1x16xf32>,
        %get3A_206 = vector.shape_cast %get3A_205 : vector<1x16xf32> to vector<16xf32>
        %get3A_207 = arith.index_cast %min3A_186 : i32 to index
        %get3A_208 = arith.constant 80 : index
        %get3A_209 = tpu.vector_load %arg7[%get3A_207, %get3A_208] {strides = array<i32>} : memref<160x128xf32, #tpu.memory_space<vmem>>, vector<1x16xf32>,
        %get3A_210 = vector.shape_cast %get3A_209 : vector<1x16xf32> to vector<16xf32>
        %get3A_211 = arith.index_cast %min3A_186 : i32 to index
        %get3A_212 = arith.constant 96 : index
        %get3A_213 = tpu.vector_load %arg7[%get3A_211, %get3A_212] {strides = array<i32>} : memref<160x128xf32, #tpu.memory_space<vmem>>, vector<1x16xf32>,
        %get3A_214 = vector.shape_cast %get3A_213 : vector<1x16xf32> to vector<16xf32>
        %get3A_215 = arith.index_cast %min3A_186 : i32 to index
        %get3A_216 = arith.constant 112 : index
        %get3A_217 = tpu.vector_load %arg7[%get3A_215, %get3A_216] {strides = array<i32>} : memref<160x128xf32, #tpu.memory_space<vmem>>, vector<1x16xf32>,
        %get3A_218 = vector.shape_cast %get3A_217 : vector<1x16xf32> to vector<16xf32>
        %parallel_loop3A = arith.constant 1 : i32
        %parallel_loop3A_219:9 = scf.for %parallel_loop3A_220 = %max3A_184 to %min3A_151 step %parallel_loop3A iter_args(%parallel_loop3A_221 = %while3A_176#0, %parallel_loop3A_222 = %while3A_176#1, %parallel_loop3A_223 = %while3A_176#2, %parallel_loop3A_224 = %while3A_176#3, %parallel_loop3A_225 = %while3A_176#4, %parallel_loop3A_226 = %while3A_176#5, %parallel_loop3A_227 = %while3A_176#6, %parallel_loop3A_228 = %while3A_176#7, %parallel_loop3A_229 = %while3A_176#8) -> (vector<16xf32>, vector<16xf32>, vector<16xf32>, vector<16xf32>, vector<16xf32>, vector<16xf32>, vector<16xf32>, vector<16xf32>, vector<16xf32>)  : i32 {
          %parallel_loop3A_230 = arith.subi %parallel_loop3A_220, %mul3A_147 : i32
          %parallel_loop3A_231 = arith.index_cast %parallel_loop3A_230 : i32 to index
          %parallel_loop3A_232 = tpu.vector_load %arg10[%parallel_loop3A_231] {strides = array<i32>} : memref<2064xi32, #tpu.memory_space<vmem>>, vector<16xi32>,
          %parallel_loop3A_233 = vector.shape_cast %parallel_loop3A_232 : vector<16xi32> to vector<16xi32>
          %parallel_loop3A_234 = vector.extract_strided_slice %parallel_loop3A_233 {offsets = [0], sizes = [1], strides = [1]} : vector<16xi32> to vector<1xi32>
          %parallel_loop3A_235 = vector.extract %parallel_loop3A_234[0] : i32 from vector<1xi32>
          %parallel_loop3A_236 = arith.subi %parallel_loop3A_235, %multiple_of3A : i32
          %parallel_loop3A_237 = arith.index_cast %parallel_loop3A_236 : i32 to index
          %parallel_loop3A_238 = arith.constant 0 : index
          %parallel_loop3A_239 = tpu.vector_load %arg9[%parallel_loop3A_237, %parallel_loop3A_238] {strides = array<i32>} : memref<224x256xf32, #tpu.memory_space<vmem>>, vector<1x16xf32>,
          %parallel_loop3A_240 = vector.shape_cast %parallel_loop3A_239 : vector<1x16xf32> to vector<16xf32>
          %parallel_loop3A_241 = arith.mulf %get3A_190, %parallel_loop3A_240 : vector<16xf32>
          %parallel_loop3A_242 = arith.index_cast %parallel_loop3A_236 : i32 to index
          %parallel_loop3A_243 = arith.constant 16 : index
          %parallel_loop3A_244 = tpu.vector_load %arg9[%parallel_loop3A_242, %parallel_loop3A_243] {strides = array<i32>} : memref<224x256xf32, #tpu.memory_space<vmem>>, vector<1x16xf32>,
          %parallel_loop3A_245 = vector.shape_cast %parallel_loop3A_244 : vector<1x16xf32> to vector<16xf32>
          %parallel_loop3A_246 = arith.mulf %get3A_194, %parallel_loop3A_245 : vector<16xf32>
          %parallel_loop3A_247 = arith.addf %parallel_loop3A_241, %parallel_loop3A_246 : vector<16xf32>
          %parallel_loop3A_248 = arith.index_cast %parallel_loop3A_236 : i32 to index
          %parallel_loop3A_249 = arith.constant 32 : index
          %parallel_loop3A_250 = tpu.vector_load %arg9[%parallel_loop3A_248, %parallel_loop3A_249] {strides = array<i32>} : memref<224x256xf32, #tpu.memory_space<vmem>>, vector<1x16xf32>,
          %parallel_loop3A_251 = vector.shape_cast %parallel_loop3A_250 : vector<1x16xf32> to vector<16xf32>
          %parallel_loop3A_252 = arith.mulf %get3A_198, %parallel_loop3A_251 : vector<16xf32>
          %parallel_loop3A_253 = arith.addf %parallel_loop3A_247, %parallel_loop3A_252 : vector<16xf32>
          %parallel_loop3A_254 = arith.index_cast %parallel_loop3A_236 : i32 to index
          %parallel_loop3A_255 = arith.constant 48 : index
          %parallel_loop3A_256 = tpu.vector_load %arg9[%parallel_loop3A_254, %parallel_loop3A_255] {strides = array<i32>} : memref<224x256xf32, #tpu.memory_space<vmem>>, vector<1x16xf32>,
          %parallel_loop3A_257 = vector.shape_cast %parallel_loop3A_256 : vector<1x16xf32> to vector<16xf32>
          %parallel_loop3A_258 = arith.mulf %get3A_202, %parallel_loop3A_257 : vector<16xf32>
          %parallel_loop3A_259 = arith.addf %parallel_loop3A_253, %parallel_loop3A_258 : vector<16xf32>
          %parallel_loop3A_260 = arith.index_cast %parallel_loop3A_236 : i32 to index
          %parallel_loop3A_261 = arith.constant 64 : index
          %parallel_loop3A_262 = tpu.vector_load %arg9[%parallel_loop3A_260, %parallel_loop3A_261] {strides = array<i32>} : memref<224x256xf32, #tpu.memory_space<vmem>>, vector<1x16xf32>,
          %parallel_loop3A_263 = vector.shape_cast %parallel_loop3A_262 : vector<1x16xf32> to vector<16xf32>
          %parallel_loop3A_264 = arith.mulf %get3A_206, %parallel_loop3A_263 : vector<16xf32>
          %parallel_loop3A_265 = arith.addf %parallel_loop3A_259, %parallel_loop3A_264 : vector<16xf32>
          %parallel_loop3A_266 = arith.index_cast %parallel_loop3A_236 : i32 to index
          %parallel_loop3A_267 = arith.constant 80 : index
          %parallel_loop3A_268 = tpu.vector_load %arg9[%parallel_loop3A_266, %parallel_loop3A_267] {strides = array<i32>} : memref<224x256xf32, #tpu.memory_space<vmem>>, vector<1x16xf32>,
          %parallel_loop3A_269 = vector.shape_cast %parallel_loop3A_268 : vector<1x16xf32> to vector<16xf32>
          %parallel_loop3A_270 = arith.mulf %get3A_210, %parallel_loop3A_269 : vector<16xf32>
          %parallel_loop3A_271 = arith.addf %parallel_loop3A_265, %parallel_loop3A_270 : vector<16xf32>
          %parallel_loop3A_272 = arith.index_cast %parallel_loop3A_236 : i32 to index
          %parallel_loop3A_273 = arith.constant 96 : index
          %parallel_loop3A_274 = tpu.vector_load %arg9[%parallel_loop3A_272, %parallel_loop3A_273] {strides = array<i32>} : memref<224x256xf32, #tpu.memory_space<vmem>>, vector<1x16xf32>,
          %parallel_loop3A_275 = vector.shape_cast %parallel_loop3A_274 : vector<1x16xf32> to vector<16xf32>
          %parallel_loop3A_276 = arith.mulf %get3A_214, %parallel_loop3A_275 : vector<16xf32>
          %parallel_loop3A_277 = arith.addf %parallel_loop3A_271, %parallel_loop3A_276 : vector<16xf32>
          %parallel_loop3A_278 = arith.index_cast %parallel_loop3A_236 : i32 to index
          %parallel_loop3A_279 = arith.constant 112 : index
          %parallel_loop3A_280 = tpu.vector_load %arg9[%parallel_loop3A_278, %parallel_loop3A_279] {strides = array<i32>} : memref<224x256xf32, #tpu.memory_space<vmem>>, vector<1x16xf32>,
          %parallel_loop3A_281 = vector.shape_cast %parallel_loop3A_280 : vector<1x16xf32> to vector<16xf32>
          %parallel_loop3A_282 = arith.mulf %get3A_218, %parallel_loop3A_281 : vector<16xf32>
          %parallel_loop3A_283 = arith.addf %parallel_loop3A_277, %parallel_loop3A_282 : vector<16xf32>
          %parallel_loop3A_284 = math.exp %parallel_loop3A_283 : vector<16xf32>
          %parallel_loop3A_285 = arith.index_cast %parallel_loop3A_236 : i32 to index
          %parallel_loop3A_286 = arith.constant 128 : index
          %parallel_loop3A_287 = tpu.vector_load %arg9[%parallel_loop3A_285, %parallel_loop3A_286] {strides = array<i32>} : memref<224x256xf32, #tpu.memory_space<vmem>>, vector<1x16xf32>,
          %parallel_loop3A_288 = vector.shape_cast %parallel_loop3A_287 : vector<1x16xf32> to vector<16xf32>
          %parallel_loop3A_289 = arith.mulf %parallel_loop3A_284, %parallel_loop3A_288 : vector<16xf32>
          %parallel_loop3A_290 = arith.addf %parallel_loop3A_222, %parallel_loop3A_289 : vector<16xf32>
          %parallel_loop3A_291 = arith.index_cast %parallel_loop3A_236 : i32 to index
          %parallel_loop3A_292 = arith.constant 144 : index
          %parallel_loop3A_293 = tpu.vector_load %arg9[%parallel_loop3A_291, %parallel_loop3A_292] {strides = array<i32>} : memref<224x256xf32, #tpu.memory_space<vmem>>, vector<1x16xf32>,
          %parallel_loop3A_294 = vector.shape_cast %parallel_loop3A_293 : vector<1x16xf32> to vector<16xf32>
          %parallel_loop3A_295 = arith.mulf %parallel_loop3A_284, %parallel_loop3A_294 : vector<16xf32>
          %parallel_loop3A_296 = arith.addf %parallel_loop3A_223, %parallel_loop3A_295 : vector<16xf32>
          %parallel_loop3A_297 = arith.index_cast %parallel_loop3A_236 : i32 to index
          %parallel_loop3A_298 = arith.constant 160 : index
          %parallel_loop3A_299 = tpu.vector_load %arg9[%parallel_loop3A_297, %parallel_loop3A_298] {strides = array<i32>} : memref<224x256xf32, #tpu.memory_space<vmem>>, vector<1x16xf32>,
          %parallel_loop3A_300 = vector.shape_cast %parallel_loop3A_299 : vector<1x16xf32> to vector<16xf32>
          %parallel_loop3A_301 = arith.mulf %parallel_loop3A_284, %parallel_loop3A_300 : vector<16xf32>
          %parallel_loop3A_302 = arith.addf %parallel_loop3A_224, %parallel_loop3A_301 : vector<16xf32>
          %parallel_loop3A_303 = arith.index_cast %parallel_loop3A_236 : i32 to index
          %parallel_loop3A_304 = arith.constant 176 : index
          %parallel_loop3A_305 = tpu.vector_load %arg9[%parallel_loop3A_303, %parallel_loop3A_304] {strides = array<i32>} : memref<224x256xf32, #tpu.memory_space<vmem>>, vector<1x16xf32>,
          %parallel_loop3A_306 = vector.shape_cast %parallel_loop3A_305 : vector<1x16xf32> to vector<16xf32>
          %parallel_loop3A_307 = arith.mulf %parallel_loop3A_284, %parallel_loop3A_306 : vector<16xf32>
          %parallel_loop3A_308 = arith.addf %parallel_loop3A_225, %parallel_loop3A_307 : vector<16xf32>
          %parallel_loop3A_309 = arith.index_cast %parallel_loop3A_236 : i32 to index
          %parallel_loop3A_310 = arith.constant 192 : index
          %parallel_loop3A_311 = tpu.vector_load %arg9[%parallel_loop3A_309, %parallel_loop3A_310] {strides = array<i32>} : memref<224x256xf32, #tpu.memory_space<vmem>>, vector<1x16xf32>,
          %parallel_loop3A_312 = vector.shape_cast %parallel_loop3A_311 : vector<1x16xf32> to vector<16xf32>
          %parallel_loop3A_313 = arith.mulf %parallel_loop3A_284, %parallel_loop3A_312 : vector<16xf32>
          %parallel_loop3A_314 = arith.addf %parallel_loop3A_226, %parallel_loop3A_313 : vector<16xf32>
          %parallel_loop3A_315 = arith.index_cast %parallel_loop3A_236 : i32 to index
          %parallel_loop3A_316 = arith.constant 208 : index
          %parallel_loop3A_317 = tpu.vector_load %arg9[%parallel_loop3A_315, %parallel_loop3A_316] {strides = array<i32>} : memref<224x256xf32, #tpu.memory_space<vmem>>, vector<1x16xf32>,
          %parallel_loop3A_318 = vector.shape_cast %parallel_loop3A_317 : vector<1x16xf32> to vector<16xf32>
          %parallel_loop3A_319 = arith.mulf %parallel_loop3A_284, %parallel_loop3A_318 : vector<16xf32>
          %parallel_loop3A_320 = arith.addf %parallel_loop3A_227, %parallel_loop3A_319 : vector<16xf32>
          %parallel_loop3A_321 = arith.index_cast %parallel_loop3A_236 : i32 to index
          %parallel_loop3A_322 = arith.constant 224 : index
          %parallel_loop3A_323 = tpu.vector_load %arg9[%parallel_loop3A_321, %parallel_loop3A_322] {strides = array<i32>} : memref<224x256xf32, #tpu.memory_space<vmem>>, vector<1x16xf32>,
          %parallel_loop3A_324 = vector.shape_cast %parallel_loop3A_323 : vector<1x16xf32> to vector<16xf32>
          %parallel_loop3A_325 = arith.mulf %parallel_loop3A_284, %parallel_loop3A_324 : vector<16xf32>
          %parallel_loop3A_326 = arith.addf %parallel_loop3A_228, %parallel_loop3A_325 : vector<16xf32>
          %parallel_loop3A_327 = arith.index_cast %parallel_loop3A_236 : i32 to index
          %parallel_loop3A_328 = arith.constant 240 : index
          %parallel_loop3A_329 = tpu.vector_load %arg9[%parallel_loop3A_327, %parallel_loop3A_328] {strides = array<i32>} : memref<224x256xf32, #tpu.memory_space<vmem>>, vector<1x16xf32>,
          %parallel_loop3A_330 = vector.shape_cast %parallel_loop3A_329 : vector<1x16xf32> to vector<16xf32>
          %parallel_loop3A_331 = arith.mulf %parallel_loop3A_284, %parallel_loop3A_330 : vector<16xf32>
          %parallel_loop3A_332 = arith.addf %parallel_loop3A_229, %parallel_loop3A_331 : vector<16xf32>
          %parallel_loop3A_333 = arith.addf %parallel_loop3A_221, %parallel_loop3A_284 : vector<16xf32>
          scf.yield %parallel_loop3A_333, %parallel_loop3A_290, %parallel_loop3A_296, %parallel_loop3A_302, %parallel_loop3A_308, %parallel_loop3A_314, %parallel_loop3A_320, %parallel_loop3A_326, %parallel_loop3A_332 : vector<16xf32>, vector<16xf32>, vector<16xf32>, vector<16xf32>, vector<16xf32>, vector<16xf32>, vector<16xf32>, vector<16xf32>, vector<16xf32>
        } {sc.loop_unroll_factor = 4 : i64, sc.parallel_access}
        scf.yield %min3A_166, %parallel_loop3A_219#0, %parallel_loop3A_219#1, %parallel_loop3A_219#2, %parallel_loop3A_219#3, %parallel_loop3A_219#4, %parallel_loop3A_219#5, %parallel_loop3A_219#6, %parallel_loop3A_219#7, %parallel_loop3A_219#8 : i32, vector<16xf32>, vector<16xf32>, vector<16xf32>, vector<16xf32>, vector<16xf32>, vector<16xf32>, vector<16xf32>, vector<16xf32>, vector<16xf32>
      }
      scf.yield %while3A_133#0, %while3A_133#1, %while3A_133#2, %while3A_133#3, %while3A_133#4, %while3A_133#5, %while3A_133#6, %while3A_133#7, %while3A_133#8, %while3A_133#9 : i32, vector<16xf32>, vector<16xf32>, vector<16xf32>, vector<16xf32>, vector<16xf32>, vector<16xf32>, vector<16xf32>, vector<16xf32>, vector<16xf32>
    }
    %scan3A_47 = arith.constant 46 : i32
    "tpu.region"() ({
      %run_scoped3A = tpu.sem_alloc : memref<!tpu.dma_semaphore, #tpu.memory_space<semaphore_mem>>
      %dma_start3A = arith.constant 0 : i32
      %dma_start3A_48 = tpu.memref_slice %arg6[%add3A_25, %dma_start3A] : memref<10240x128xf32, #tpu.memory_space<hbm>> -> memref<160x128xf32, #tpu.memory_space<hbm>>
      %dma_start3A_49 = arith.constant 0 : i32
      %dma_start3A_50 = tpu.memref_slice %arg6[%add3A_25, %dma_start3A_49] : memref<10240x128xf32, #tpu.memory_space<hbm>> -> memref<160x128xf32, #tpu.memory_space<hbm>>
      tpu.enqueue_dma source(%arg8 : memref<160x128xf32, #tpu.memory_space<vmem>>) target(%dma_start3A_50 : memref<160x128xf32, #tpu.memory_space<hbm>>) target_semaphore(%run_scoped3A : memref<!tpu.dma_semaphore, #tpu.memory_space<semaphore_mem>>)
      %dma_wait3A = arith.constant 0 : i32
      %dma_wait3A_51 = tpu.memref_slice %arg6[%add3A_25, %dma_wait3A] : memref<10240x128xf32, #tpu.memory_space<hbm>> -> memref<160x128xf32, #tpu.memory_space<hbm>>
      %dma_wait3A_52 = arith.constant 0 : i32
      %dma_wait3A_53 = tpu.memref_slice %arg6[%add3A_25, %dma_wait3A_52] : memref<10240x128xf32, #tpu.memory_space<hbm>> -> memref<160x128xf32, #tpu.memory_space<hbm>>
      tpu.wait_dma2 semaphore(%run_scoped3A : memref<!tpu.dma_semaphore, #tpu.memory_space<semaphore_mem>>) src(%arg8 : memref<160x128xf32, #tpu.memory_space<vmem>>) dst(%dma_wait3A_53 : memref<160x128xf32, #tpu.memory_space<hbm>>)
      tpu.yield
    }) : () -> ()
    return
  }
}

module attributes {stable_mosaic.version = 14 : i64} {
  func.func @_proj_body(%arg0: i32, %arg1: memref<512x128xf32, #tpu.memory_space<vmem>>, %arg2: memref<384x128xf32, #tpu.memory_space<vmem>>, %arg3: memref<512x384xf32, #tpu.memory_space<vmem>>) attributes {dimension_semantics = [#tpu.dimension_semantics<arbitrary>], iteration_bounds = array<i64: 21>, scalar_prefetch = 0 : i64, scratch_operands = 0 : i64, tpu.core_type = #tpu.core_type<tc>, window_params = [{transform_indices = @transform_0, window_bounds = array<i64: 512, 128>}, {pipeline_mode = #tpu.pipeline_mode<synchronous>, transform_indices = @transform_1, window_bounds = array<i64: 384, 128>}, {transform_indices = @transform_2, window_bounds = array<i64: 512, 384>}]} {
    %get3A = arith.constant 0 : index
    %get3A_0 = arith.constant 0 : index
    %get3A_1 = vector.load %arg1[%get3A, %get3A_0] : memref<512x128xf32, #tpu.memory_space<vmem>>, vector<512x128xf32>
    %get3A_2 = arith.constant 0 : index
    %get3A_3 = arith.constant 0 : index
    %get3A_4 = vector.load %arg2[%get3A_2, %get3A_3] : memref<384x128xf32, #tpu.memory_space<vmem>>, vector<384x128xf32>
    %dot_general3A = arith.constant dense<0.000000e+00> : vector<512x384xf32>
    %dot_general3A_5 = tpu.matmul %get3A_1, %get3A_4, %dot_general3A {dimension_numbers = #tpu.dot_dimension_numbers<[1], [1], [0], [0], [0, 0, 1, 0], [], []>, transpose_lhs_hint = false} : vector<512x128xf32>, vector<384x128xf32>, vector<512x384xf32> -> vector<512x384xf32>
    %swap3A = arith.constant 0 : index
    %swap3A_6 = arith.constant 0 : index
    %swap3A_7 = vector.load %arg3[%swap3A, %swap3A_6] : memref<512x384xf32, #tpu.memory_space<vmem>>, vector<512x384xf32>
    tpu.vector_store %arg3[%swap3A, %swap3A_6], %dot_general3A_5 {strides = array<i32>} : memref<512x384xf32, #tpu.memory_space<vmem>>, vector<512x384xf32>,
    return
  }
  func.func @transform_0(%arg0: i32) -> (i32, i32) {
    %c0_i32 = arith.constant 0 : i32
    %c0_i32_0 = arith.constant 0 : i32
    return %arg0, %c0_i32 : i32, i32
  }
  func.func @transform_1(%arg0: i32) -> (i32, i32) {
    %c0_i32 = arith.constant 0 : i32
    %c0_i32_0 = arith.constant 0 : i32
    %c0_i32_1 = arith.constant 0 : i32
    return %c0_i32, %c0_i32_0 : i32, i32
  }
  func.func @transform_2(%arg0: i32) -> (i32, i32) {
    %c0_i32 = arith.constant 0 : i32
    %c0_i32_0 = arith.constant 0 : i32
    return %arg0, %c0_i32 : i32, i32
  }
}

</mosaic_0001>

<sc_bundles>
// kernel: kernel.4.cloned.1.call-start
scs
__scs_entry_jumppad:
0x0: {  	(pc) =	sbr.rel $0x88, $3  }
0x1: {  	(tag) =	ssettag $0x0;
	lr =	simm.s32 $0x1  }
0x2: {  	[smem:$0x3F9E] =	sst lr;
	_ =	strace $0xD0000000  }
0x3: {  	_ = 	snop  }
0x4: {  	_ = 	snop  }
0x5: {  	_ = 	snop  }
0x6: {  	_ = 	snop  }
0x7: {  	_ = 	snop  }
__scs_overlays_trampoline_lowered:
0x8: {  	[smem:$0x3FAD] =	sst s0  }
0x9: {  	[smem:$0x3FAE] =	sst s1  }
0xa: {  	[smem:$0x3FAF] =	sst s2  }
0xb: {  	[smem:$0x3FB0] =	sst s3  }
0xc: {  	[smem:$0x3FB1] =	sst s4  }
0xd: {  	[smem:$0x3FB2] =	sst s5  }
0xe: {  	[smem:$0x3FB3] =	sst s6  }
0xf: {  	[smem:$0x3FB4] =	sst s7  }
0x10: {  	[smem:$0x3FB5] =	sst s8  }
0x11: {  	[smem:$0x3FB6] =	sst s9;
	s0 =	simm.s32 @!p0 $0x0  }
0x12: {  	s1 =	sld [smem:$0x3F9C];
	s0 =	simm.s32 @p0 $0x1  }
0x13: {  	[smem:$0x3FB7] =	sst s0;
	s0 =	simm.s32 @!p1 $0x0  }
0x14: {  	s2 =	sld [smem:$0x3F9B];
	s0 =	simm.s32 @p1 $0x1  }
0x15: {  	[smem:$0x3FB8] =	sst s0;
	s0 =	simm.s32 @!p2 $0x0  }
0x16: {  	s3 =	sld [smem:$0x3FDB];
	s0 =	simm.s32 @p2 $0x1  }
0x17: {  	s4 =	simm.s32 $0x1BF5;
	[smem:$0x3FBA] =	sst s0  }
0x18: {  	s0 =	sld [smem:$0x3F9D];
	_ =	swait.ge [sflag:s4], $0x0  }
0x19: {  	s7 =	sld [smem:$0x3F9E]  }
0x1a: {  	s8 =	sadd.s32 $0xFFFFE003, lr  }
0x1b: {  	s9 =	sadd.s32 $0xFFFFFEF7, lr;
	s5 =	simm.s32 $0xFFFFFFFF;
	p2 =	slt.u32 s8, $0xFFFFF086  }
0x1c: {  	p1 =	slt.u32 s9, $0xF7A;
	s5 =	simm.s32 @!p2 $0x0  }
0x1d: {  	s5 =	simm.s32 @p1 $0x1;
	p0 =	seq.s32 s7, s2  }
0x1e: {  	s7 =	smul.u32 @!p0 $0xF7A, s2;
	p2 =	seq.s32 @!p0 s5, $0x0  }
0x1f: {  	s9 =	smul.u32 $0xF7A, s1;
	s8 =	simm.s32 @!p0 $0x1BF5;
	p2 =	por !p2, p0  }
0x20: {  	[sflag:s8] =	ssyncset.s32 @!p0 $0xFFFFF086;
	s6 =	sadd.s32 @!p0 s3, s7;
	s7 =	simm.s32 @!p0 $0x108  }
0x21: {  	s3 =	sadd.s32 s3, s9;
	s6 =	sadd.s32 @!p0 $0x88, s6;
	s7 =	simm.s32 @p2 $0x1082  }
0x22: {  	[simem:s7], [sflag:s8] =	dma.local @!p0 [hbm:s6], $0xF7A  }
0x23: {  	s9 =	sor.u32 $0xD0000000, s2;
	s6 =	simm.s32 $0x108;
	_ =	swait.ge @!p0 [sflag:s8], $0x0  }
0x24: {  	s3 =	sadd.s32 $0x88, s3;
	s6 =	simm.s32 @!p1 $0x1082;
	[sflag:s4] =	ssyncset.s32 $0xFFFFF086  }
0x25: {  	[simem:s6], [sflag:s4] =	dma.local [hbm:s3], $0xF7A  }
0x26: {  	[smem:$0x3F9E] =	sst s1;
	(tag) =	ssettag s2;
	_ =	strace s9  }
0x27: {  	s1 =	sld [smem:$0x3FAE]  }
0x28: {  	s2 =	sld [smem:$0x3FAF]  }
0x29: {  	s4 =	sld [smem:$0x3FB1]  }
0x2a: {  	p0 =	seq.s32 s5, $0x0;
	s5 =	sld [smem:$0x3FB2]  }
0x2b: {  	s6 =	sld [smem:$0x3FB3]  }
0x2c: {  	s7 =	sld [smem:$0x3FB4]  }
0x2d: {  	s3 =	simm.s32 $0x108;
	s8 =	sld [smem:$0x3FB5]  }
0x2e: {  	s3 =	simm.s32 @!p0 $0x1082;
	s9 =	sld [smem:$0x3FB6]  }
0x2f: {  	lr =	sadd.s32 s0, s3;
	s0 =	sld [smem:$0x3FAD]  }
0x30: {  	s3 =	sld [smem:$0x3FB0]  }
0x31: {  	[smem:$0x3FB9] =	sst s10  }
0x32: {  	s10 =	sld [smem:$0x3FB7];
	_ =	sdelay $0x3  }
0x33: {  	p0 =	seq.s32 s10, $0x1;
	s10 =	sld [smem:$0x3FB9];
	_ =	sdelay $0x3  }
0x34: {  	[smem:$0x3FB9] =	sst s10  }
0x35: {  	s10 =	sld [smem:$0x3FB8];
	_ =	sdelay $0x3  }
0x36: {  	p1 =	seq.s32 s10, $0x1;
	s10 =	sld [smem:$0x3FB9];
	_ =	sdelay $0x3  }
0x37: {  	[smem:$0x3FB9] =	sst s10  }
0x38: {  	s10 =	sld [smem:$0x3FBA]  }
0x39: {  	_ = 	snop;
	(pc) =	sbr.ind lr, $3  }
0x3a: {  	_ = 	snop  }
0x3b: {  	_ = 	snop  }
0x3c: {  	p2 =	seq.s32 s10, $0x1;
	s10 =	sld [smem:$0x3FB9]  }
0x3d: {  	_ =	shalt  }
0x3e: {  	_ =	shalt  }
0x3f: {  	_ =	shalt  }
0x40: {  	_ =	shalt  }
0x41: {  	_ =	shalt  }
0x42: {  	_ =	shalt  }
0x43: {  	_ =	shalt  }
0x44: {  	_ =	shalt  }
0x45: {  	_ =	shalt  }
0x46: {  	_ =	shalt  }
0x47: {  	_ =	shalt  }
0x48: {  	_ =	shalt  }
0x49: {  	_ =	shalt  }
0x4a: {  	_ =	shalt  }
0x4b: {  	_ =	shalt  }
0x4c: {  	_ =	shalt  }
0x4d: {  	_ =	shalt  }
0x4e: {  	_ =	shalt  }
0x4f: {  	_ =	shalt  }
0x50: {  	_ =	shalt  }
0x51: {  	_ =	shalt  }
0x52: {  	_ =	shalt  }
0x53: {  	_ =	shalt  }
0x54: {  	_ =	shalt  }
0x55: {  	_ =	shalt  }
0x56: {  	_ =	shalt  }
0x57: {  	_ =	shalt  }
0x58: {  	_ =	shalt  }
0x59: {  	_ =	shalt  }
0x5a: {  	_ =	shalt  }
0x5b: {  	_ =	shalt  }
0x5c: {  	_ =	shalt  }
0x5d: {  	_ =	shalt  }
0x5e: {  	_ =	shalt  }
0x5f: {  	_ =	shalt  }
0x60: {  	_ =	shalt  }
0x61: {  	_ =	shalt  }
0x62: {  	_ =	shalt  }
0x63: {  	_ =	shalt  }
0x64: {  	_ =	shalt  }
0x65: {  	_ =	shalt  }
0x66: {  	_ =	shalt  }
0x67: {  	_ =	shalt  }
0x68: {  	_ =	shalt  }
0x69: {  	_ =	shalt  }
0x6a: {  	_ =	shalt  }
0x6b: {  	_ =	shalt  }
0x6c: {  	_ =	shalt  }
0x6d: {  	_ =	shalt  }
0x6e: {  	_ =	shalt  }
0x6f: {  	_ =	shalt  }
0x70: {  	_ =	shalt  }
0x71: {  	_ =	shalt  }
0x72: {  	_ =	shalt  }
0x73: {  	_ =	shalt  }
0x74: {  	_ =	shalt  }
0x75: {  	_ =	shalt  }
0x76: {  	_ =	shalt  }
0x77: {  	_ =	shalt  }
0x78: {  	_ =	shalt  }
0x79: {  	_ =	shalt  }
0x7a: {  	_ =	shalt  }
0x7b: {  	_ =	shalt  }
0x7c: {  	_ =	shalt  }
0x7d: {  	_ =	shalt  }
0x7e: {  	_ =	shalt  }
0x7f: {  	_ =	shalt  }
0x80: {  	_ =	shalt  }
0x81: {  	_ =	shalt  }
0x82: {  	_ =	shalt  }
0x83: {  	_ =	shalt  }
0x84: {  	_ =	shalt  }
0x85: {  	_ =	shalt  }
0x86: {  	_ =	shalt  }
0x87: {  	_ =	shalt  }
.Lfunc_end0:
.L_simem_size_0:
called_computation.1_lowered:
.L_overlay_start_0:
0x88: {  	s2 =	sld [smem:$0x3FD9]  }
0x89: {  	s3 =	sld [smem:$0x3FFE];
	_ =	sdelay $0x1  }
0x8a: {  	s1 =	srdreg.scid  }
0x8b: {  	s0 =	sand.u32 $0x1, s1  }
0x8c: {  	s17 =	sshll.u32 s0, $0xA;
	s2 =	sadd.s32 s3, s2  }
0x8d: {  	s2 =	sadd.s32 s2, s17  }
0x8e: {  	[smem:$0x3FC5] =	sst s2  }
0x8f: {  	_ = 	snop  }
0x90: {  	s2 =	sld [smem:$0x3FD0];
	(tm) =	ssettm $0x1  }
0x91: {  	s18 =	sld [smem:$0x3FFB];
	_ =	sdelay $0x3  }
0x92: {  	_ =	strace s18  }
0x93: {  	s3 =	sld [smem:$0x3FFC];
	_ =	sdelay $0x3  }
0x94: {  	_ =	strace s3  }
0x95: {  	s3 =	sld [smem:$0x3FFD];
	_ =	sdelay $0x3  }
0x96: {  	_ =	strace s3  }
0x97: {  	_ =	strace $0x8FFFFFFF  }
0x98: {  	s19 =	sld [smem:$0x3FDB];
	_ =	sdelay $0x1  }
0x99: {  	s4 =	simm.s32 $_scs_section_size  }
0x9a: {  	s5 =	simm.s32 $_size__tile_overlayer_lowered;
	s6 =	simm.s32 $_tile_overlayer_lowered  }
0x9b: {  	s22 =	simm.s32 $0x1BFF;
	s21 =	sshll.u32 s6, $0x1;
	s3 =	sadd.s32 s4, s19  }
0x9c: {  	s7 =	simm.s32 $0x0;
	s20 =	sshll.u32 s5, $0x1;
	s5 =	sadd.s32 s21, s3  }
0x9d: {  	[timem:s7], [sflag:s22] =	dma.local [hbm:s5], s20  }
0x9e: {  	_ =	swait.ge [sflag:s22], s20  }
0x9f: {  	s4 =	ssub.s32 $0x0, s20;
	[sflag:s22] =	ssyncset.done $0x0  }
0xa0: {  	[sflag:s22] =	ssyncadd.s32 s4;
	_ =	sdelay $0x1  }
0xa1: {  	s23 =	simm.s32 $0x1B8B  }
0xa2: {  	_ =	swait.ge [sflag:s23], $0x1  }
0xa3: {  	[sflag:s23] =	ssyncset.done $0x0  }
0xa4: {  	s25 =	simm.s32 $0x1B8E;
	s24 =	sld [smem:$0x3FFE];
	[sflag:s23] =	ssyncadd.s32 $0xFFFFFFFF  }
0xa5: {  	s26 =	simm.s32 $execute0_lowered;
	[smem:$0x3FD2] =	sst s25  }
0xa6: {  	s5 =	sshll.u32 s26, $0x1;
	_ =	strace $0x80000049;
	[dreg:$0x1] =	wrdreg $0xFFFFFFFF  }
0xa7: {  	s28 =	simm.s32 $_size_execute0_lowered;
	s3 =	sadd.s32 s3, s5;
	[dreg:$0x0] =	wrdreg $0x0  }
0xa8: {  	s5 =	sshll.u32 s28, $0x1;
	[dreg:$0x2] =	wrdreg s3  }
0xa9: {  	[dreg:$0x3] =	wrdreg s5  }
0xaa: {  	[dreg:$0x4] =	wrdreg $0xC0  }
0xab: {  	_ =	task [dreg:s7], $0x5FFFF  }
0xac: {  	[dreg:$0x1] =	wrdreg $0xFFFFFFFF  }
0xad: {  	[dreg:$0x0] =	wrdreg $0x60  }
0xae: {  	[dreg:$0x2] =	wrdreg s24  }
0xaf: {  	[dreg:$0x3] =	wrdreg s2  }
0xb0: {  	[dreg:$0x4] =	wrdreg $0x9  }
0xb1: {  	_ =	task.clear_ibuf [dreg:s7], $0x5FFFF;
	_ =	strace $0x90000049  }
0xb2: {  	s29 =	simm.s32 $0x9;
	_ =	strace $0x8000004B  }
0xb3: {  	_ =	swait.ge [sflag:s29], $0x1  }
0xb4: {  	[sflag:s29] =	ssyncadd.s32 $0xFFFFFFFF  }
0xb5: {  	_ =	strace $0x9000004B  }
0xb6: {  	_ =	sfence  }
0xb7: {  	s30 =	sld [smem:$0x0];
	_ =	sdelay $0x2  }
0xb8: {  	s31 =	sshll.u32 s1, $0xD;
	s1 =	sshrl.u32 s1, $0x2  }
0xb9: {  	s3 =	sand.u32 $0x4000, s31;
	s1 =	sadd.s32 s1, s30  }
0xba: {  	s0 =	sor.u32 s3, s0;
	s1 =	sshll.u32 s1, $0x11  }
0xbb: {  	s0 =	sor.u32 s1, s0  }
0xbc: {  	s0 =	sadd.s32 $0x8F2B, s0  }
0xbd: {  	[sflag:s0] =	ssyncadd.remote.s32 $0x1  }
0xbe: {  	_ =	sfence.sel $0xFFFF  }
0xbf: {  	[dreg:$0x0] =	wrdreg $0xFFFFFFFF;
	(pc) =	sbr.abs _section_cstart, $3  }
0xc0: {  	[dreg:$0x1] =	wrdreg $0xFFFFFFFF  }
0xc1: {  	_ =	task.clear_ibuf [dreg:s7], $0x2FFFF;
	_ =	strace $0x9FFFFFFF  }
0xc2: {  	(tm) =	ssettm $0x7FFFFFFF  }
0xc3: {  	_ =	shalt  }
tec
execute0_lowered:
.L_overlay_start_1:
0x0: {  	(tag) =	ssettag $0x1  }
0x1: {  	s13 =	rddreg [dreg:$0x0];
	s0 =	srdreg.scid  }
0x2: {  	s2 =	stileid.u32;
	s1 =	rddreg [dreg:$0x1];
	s3 =	simm.s32 $0x0  }
0x3: {  	s15 =	simm.s32 $0x2;
	s0 =	sand.u32 $0x1, s0;
	s2 =	sshll.u32 s2, $0x1  }
0x4: {  	[smem:$0x7FF] =	sst s3;
	s7 =	sadd.s32 $0x53C00, s13;
	s2 =	sor.u32 s0, s2  }
0x5: {  	s8 =	sadd.s32 $0x14000, s13;
	s0 =	ssub.s32 $0x2, s0;
	s4 =	smul.u32 $0x140, s2  }
0x6: {  	_ =	strace $0x8000004A;
	s11 =	sshrl.u32 s0, $0x1;
	s2 =	smul.u32 $0x1400, s2  }
0x7: {  	s0 =	ssub.s32 s0, s11;
	s9 =	sshrl.u32 s4, $0x3;
	s6 =	sadd.s32 $0xA0, s4  }
0x8: {  	s2 =	sadd.s32 s8, s2;
	s0 =	smax.u32 s0, $0x1;
	s10 =	smul.u32 $0x180, s9  }
0x9: {  	s12 =	sshrl.u32 s6, $0x3;
	s1 =	sadd.s32 s1, s9;
	[dreg:$0x5] =	wrdreg s2  }
.Ltmp0:
0xa: {  	s30 =	sshll.u32 s6, $0x4;
	[dreg:$0x8] =	wrdreg s0;
	(pc) =	sbr.rel .LBB2_1-.Ltmp0, $4  }
0xb: {  	[dreg:$0x3] =	wrdreg s1;
	s28 =	smul.u32 $0x180, s12;
	s31 =	sadd.s32 s8, s30  }
0xc: {  	s19 =	simm.s32 $0x18000;
	s29 =	sadd.s32 s7, s10;
	[dreg:$0x7] =	wrdreg s31  }
0xd: {  	s5 =	sadd.s32 $0xA000, s13;
	[dreg:$0x4] =	wrdreg s29;
	s1 =	sadd.s32 s7, s28  }
0xe: {  	v0 =	vimm.f32 $0.0e+00;
	s9 =	sadd.s32 $0x53C80, s13;
	[dreg:$0x6] =	wrdreg s1;
	s1 =	simm.s32 $0x0  }
.LBB2_69:
0xf: {  	s0 =	rddreg [dreg:$0x7];
	s1 =	simm.s32 $0x5000  }
0x10: {  	[hbm4b:s0+s3] =	stream.linear.scatter [tilespmem:s1], [sflag:$0x2], $0x5000, $0x38;
	[tilespmem:$0x18B80] =	vst v63  }
0x11: {  	_ =	swait.ge [sflag:s15], $0x5000  }
0x12: {  	s30 =	rddreg [dreg:$0x9]  }
0x13: {  	s31 =	rddreg [dreg:$0x8];
	s1 =	sadd.s32 $0x1, s30  }
0x14: {  	p0 =	sne.s32 s1, s31  }
.Ltmp1:
0x15: {  	_ = 	snop;
	(pc) =	sbr.rel @!p0 .LBB2_70-.Ltmp1, $3  }
0x16: {  	_ =	sdelay $0x1  }
0x17: {  	[sflag:s15] =	ssyncset.done $0x0  }
0x18: {  	[sflag:s15] =	ssyncadd.s32 $0xFFFFB000  }
.LBB2_1:
0x19: {  	[dreg:$0x9] =	wrdreg s1  }
0x1a: {  	s0 =	rddreg [dreg:$0x3];
	s26 =	simm.s32 $0x18A00  }
0x1b: {  	[tilespmem:s26], [sflag:$0x2] =	stream.linear.gather [hbm4b:s0+s3], $0x150, $0x38;
	[tilespmem:$0x18B80] =	vst v63  }
0x1c: {  	_ =	swait.ge [sflag:s15], $0x150  }
0x1d: {  	[sflag:s15] =	ssyncset.done $0x0  }
0x1e: {  	[sflag:s15] =	ssyncadd.s32 $0xFFFFFEB0  }
0x1f: {  	s29 =	simm.s32 $0x18880;
	s28 =	rddreg [dreg:$0x0]  }
0x20: {  	[tilespmem:s29], [sflag:$0x2] =	stream.linear.gather [hbm4b:s28+s3], $0x180, $0x38;
	[tilespmem:$0x18B80] =	vst v63  }
0x21: {  	_ =	swait.ge [sflag:s15], $0x180  }
0x22: {  	s31 =	simm.s32 $0x400;
	[sflag:s15] =	ssyncset.done $0x0  }
0x23: {  	s2 =	simm.s32 $0xC00;
	s30 =	rddreg [dreg:$0x4];
	[sflag:s15] =	ssyncadd.s32 $0xFFFFFE80  }
0x24: {  	[tilespmem:s3], [sflag:$0x2] =	stream.strided.gather [hbm4b:s30+s31], $0x5000, s2, s31, $0x38;
	[tilespmem:$0x18B80] =	vst v63  }
0x25: {  	_ =	swait.ge [sflag:s15], $0x5000  }
0x26: {  	[sflag:s15] =	ssyncset.done $0x0  }
0x27: {  	[sflag:s15] =	ssyncadd.s32 $0xFFFFB000  }
0x28: {  	v1 =	vld [tilespmem:$0x18A00]  }
0x29: {  	s1 =	simm.s32 $0x200;
	s0 =	simm.s32 $0x0;
	v2 =	vld [tilespmem:$0x18AA0]  }
.LBB2_2:
0x2a: {  	p0 =	sne.s32 s1, $0x13E00;
	[tilespmem:s0+$0x5070] =	vst v0  }
0x2b: {  	[tilespmem:s0+$0x5000] =	vst v0  }
0x2c: {  	[tilespmem:s0+$0x5010] =	vst v0  }
.Ltmp2:
0x2d: {  	[tilespmem:s0+$0x5020] =	vst v0;
	(pc) =	sbr.rel @p0 .LBB2_2-.Ltmp2, $4  }
0x2e: {  	[tilespmem:s0+$0x5030] =	vst v0  }
0x2f: {  	[tilespmem:s0+$0x5040] =	vst v0  }
0x30: {  	[tilespmem:s0+$0x5050] =	vst v0  }
0x31: {  	[tilespmem:s0+$0x5060] =	vst v0;
	s0 =	sshra.s32 s1, $0x2;
	s1 =	sadd.s32 $0x200, s1  }
0x32: {  	(v2sf) =	vpush v1, $0x0  }
0x33: {  	(v2sf) =	vpush v2, $0x0;
	_ =	sdelay $0x7  }
0x34: {  	[tilespmem:s0+$0x5070] =	vst v0  }
0x35: {  	[tilespmem:s0+$0x5000] =	vst v0  }
0x36: {  	[tilespmem:s0+$0x5010] =	vst v0  }
.Ltmp3:
0x37: {  	[tilespmem:s0+$0x5020] =	vst v0;
	(pc) =	sbr.rel .LBB2_4-.Ltmp3, $4  }
0x38: {  	[tilespmem:s0+$0x5030] =	vst v0  }
0x39: {  	[tilespmem:s0+$0x5040] =	vst v0;
	v5 =	vimm.f32 $0.0e+00;
	v1 =	vimm.f32 $0.0e+00;
	v3 =	vimm.f32 $0.0e+00  }
0x3a: {  	[tilespmem:s0+$0x5050] =	vst v0;
	v4 =	vimm.f32 $0.0e+00;
	v6 =	vimm.f32 $0.0e+00;
	v7 =	vimm.f32 $0.0e+00;
	s22 =	spop (v2sf)  }
0x3b: {  	[tilespmem:s0+$0x5060] =	vst v0;
	s18 =	simm.s32 $0x0;
	v9 =	vimm.f32 $0.0e+00;
	v8 =	vimm.f32 $0.0e+00;
	s25 =	simm.s32 $0x0;
	v2 =	vimm.f32 $0.0e+00;
	s23 =	spop (v2sf)  }
.LBB2_5:
0x3c: {  	v8 =	vpsel p0, v8, v8;
	v9 =	vpsel p0, v9, v9;
	v7 =	vpsel p0, v7, v7  }
0x3d: {  	v6 =	vpsel p0, v6, v6;
	v4 =	vpsel p0, v4, v4;
	v3 =	vpsel p0, v3, v3  }
0x3e: {  	s18 =	smov.u32 @p0 s18;
	v2 =	vpsel p0, v2, v2;
	v1 =	vpsel p0, v1, v1;
	v5 =	vpsel p0, v5, v5  }
.LBB2_34:
0x3f: {  	s25 =	sadd.s32 $0x1, s25  }
0x40: {  	p0 =	sne.s32 s25, $0x2E  }
.Ltmp4:
0x41: {  	_ = 	snop;
	(pc) =	sbr.rel @!p0 .LBB2_35-.Ltmp4, $1  }
0x42: {  	_ =	sdelay $0x3  }
.LBB2_4:
0x43: {  	v10 =	vld [tilespmem:s25+$0x18880];
	_ =	sdelay $0x4  }
0x44: {  	(v2sf) =	vpush v10, $0x0  }
0x45: {  	(v2sf) =	vpush v10, $0x1;
	_ =	sdelay $0xd  }
0x46: {  	s0 =	spop (v2sf)  }
0x47: {  	s26 =	smov.u32 s22;
	p0 =	sgt.s32 s0, s22;
	s1 =	spop (v2sf)  }
0x48: {  	s28 =	smov.u32 s23;
	s26 =	smov.u32 @p0 s0;
	p0 =	slt.s32 s1, s23  }
0x49: {  	s29 =	smul.u32 $0xE0, s25;
	s28 =	smov.u32 @p0 s1  }
0x4a: {  	p0 =	sle.s32 s28, s26  }
0x4b: {  	s0 =	sshrl.u32 @!p0 s29, $0x3  }
0x4c: {  	s0 =	smul.u32 @!p0 $0x180, s0  }
0x4d: {  	s1 =	simm.s32 @!p0 $0x800  }
0x4e: {  	s2 =	simm.s32 @!p0 $0xC00;
	s7 =	simm.s32 @!p0 $0xA000;
	s0 =	sadd.s32 @!p0 s0, s9  }
0x4f: {  	[tilespmem:s7], [sflag:$0x1] =	stream.strided.gather @!p0 [hbm4b:s0+s1], $0xE000, s2, s1, $0x38;
	[tilespmem:$0x18B80] =	vst v63  }
0x50: {  	s0 =	simm.s32 @!p0 $0x1  }
0x51: {  	_ =	swait.ge @!p0 [sflag:s0], $0xE000  }
0x52: {  	[sflag:s0] =	ssyncset.done @!p0 $0x0  }
0x53: {  	[sflag:s0] =	ssyncadd.s32 @!p0 $0xFFFF2000  }
0x54: {  	v10 =	vld [tilespmem:s25+$0x188C0];
	_ =	sdelay $0x3  }
0x55: {  	s14 =	sshra.s32 s26, $0x1F;
	s17 =	sadd.s32 $0xFFFFFFFF, s28  }
0x56: {  	s16 =	sand.u32 $0x7FF, s26;
	p1 =	slt.s32 s26, $0x1;
	s20 =	sand.u32 $0x7FF, s17;
	(v2sf) =	vpush v10, $0x1  }
0x57: {  	p2 =	sne.s32 s16, $0x0;
	p6 =	slt.s32 s17, $0x1;
	p3 =	sne.s32 s20, $0x0  }
0x58: {  	p1 =	por !p1, !p2;
	s21 =	sshra.s32 s17, $0x1F;
	p2 =	por !p6, !p3  }
0x59: {  	p1 =	por !p1, !p1;
	p2 =	por !p2, !p2;
	s7 =	simm.s32 $0x1  }
0x5a: {  	s1 =	sshrl.u32 s21, $0x15;
	s2 =	simm.s32 $0x1;
	s0 =	sshrl.u32 s14, $0x15  }
0x5b: {  	s1 =	sadd.s32 s1, s17;
	s7 =	simm.s32 @!p1 $0x0;
	s0 =	sadd.s32 s0, s26  }
0x5c: {  	s2 =	simm.s32 @!p2 $0x0;
	s1 =	sshra.s32 s1, $0xB;
	s0 =	sshra.s32 s0, $0xB  }
0x5d: {  	s24 =	ssub.s32 s1, s2;
	s30 =	ssub.s32 s0, s7  }
0x5e: {  	s31 =	ssub.s32 s24, s30  }
0x5f: {  	p1 =	slt.s32 @!p0 s31, $0x0  }
0x60: {  	p1 =	por p0, p1  }
.Ltmp5:
0x61: {  	_ = 	snop;
	(pc) =	sbr.rel @p1 .LBB2_5-.Ltmp5, $2  }
0x62: {  	_ =	sdelay $0x2  }
0x63: {  	s1 =	spop (v2sf)  }
.Ltmp6:
0x64: {  	(pc) =	sbr.rel .LBB2_7-.Ltmp6, $3  }
0x65: {  	_ =	sdelay $0x1  }
0x66: {  	s0 =	sshll.u32 s30, $0xB  }
0x67: {  	s14 =	simm.s32 $0x0;
	v10 =	vmov s30;
	s0 =	ssub.s32 $0x0, s0  }
.LBB2_23:
0x68: {  	v32 =	vmovc v6;
	v35 =	vmov v4;
	v38 =	vmov v3;
	v42 =	vmov v2  }
0x69: {  	v44 =	vmovc v1;
	v31 =	vmovc v8;
	v39 =	vmov v5;
	v41 =	vmov v9;
	v43 =	vmov v7  }
.LBB2_32:
0x6a: {  	v51 =	vmul.f32 @p1 $1.442695020e+00, v51  }
0x6b: {  	v52 =	vld @p0 [tilespmem:s7+$0xA030];
	v37 =	vmul.f32 @p0 v37, v17  }
0x6c: {  	v40 =	vmul.f32 @p0 v40, v18;
	(erf) = vpow2.f32 @p1 v51  }
0x6d: {  	v51 =	vld @p0 [tilespmem:s7+$0xA040]  }
0x6e: {  	v37 =	vadd.f32 @p0 v40, v37;
	v40 =	vmul.f32 @p0 v45, v16  }
0x6f: {  	v45 =	vld @p0 [tilespmem:s7+$0xA050];
	s10 =	spop (v2sf)  }
0x70: {  	v53 =	vld @p1 [tilespmem:s8+$0xA470];
	v37 =	vadd.f32 @p0 v40, v37;
	v40 =	vmul.f32 @p0 v52, v15;
	s11 =	ssub.s32 s10, s29  }
0x71: {  	v52 =	vld @p0 [tilespmem:s7+$0xA060];
	s12 =	sshll.u32 s10, $0x7;
	s10 =	smov.u32 @p0 s7;
	s11 =	sshll.u32 s11, $0x8  }
0x72: {  	s24 =	sand.u32 $0x380, s12;
	v37 =	vadd.f32 @p0 v40, v37;
	v40 =	vmul.f32 @p0 v51, v14;
	v51 =	vld @p0 [tilespmem:s10+$0xA070];
	s21 =	sand.u32 $0xFFFFF800, s11  }
0x73: {  	v32 =	vadd.f32 @p2 v46, v32;
	v35 =	vadd.f32 @p2 v47, v35;
	s8 =	sor.u32 s24, s21  }
0x74: {  	v38 =	vadd.f32 @p2 v48, v38;
	v37 =	vadd.f32 @p0 v40, v37;
	v40 =	vmul.f32 @p0 v45, v13;
	v61 =	vld [tilespmem:s8+$0xA000]  }
0x75: {  	v42 =	vadd.f32 @p2 v49, v42;
	v44 =	vadd.f32 @p2 v50, v44;
	v62 =	vld [tilespmem:s8+$0xA010];
	v48 =	vpop @p1 (erf)  }
0x76: {  	v46 =	vld @p0 [tilespmem:s10+$0xA460];
	v47 =	vmul.f32 @p0 v52, v12;
	v37 =	vadd.f32 @p0 v40, v37;
	v40 =	vmul.f32 @p1 v48, v54  }
0x77: {  	v19 =	vpsel p0, v25, v19;
	v63 =	vld [tilespmem:s8+$0xA020];
	v49 =	vmul.f32 @p1 v53, v48;
	v50 =	vmul.f32 @p0 v51, v11  }
0x78: {  	v35 =	vpsel p2, v35, v4;
	v51 =	vmul.f32 @p1 v48, v55;
	v29 =	vmul.f32 @p1 v48, v29  }
0x79: {  	v56 =	vld [tilespmem:s8+$0xA030];
	v30 =	vmul.f32 @p1 v30, v48;
	v31 =	vadd.f32 @p1 v48, v31;
	v34 =	vmul.f32 @p1 v34, v48  }
0x7a: {  	v37 =	vadd.f32 @p0 v47, v37;
	v57 =	vmul.f32 v61, v17;
	v58 =	vmul.f32 v62, v18  }
0x7b: {  	v59 =	vld [tilespmem:s8+$0xA040];
	v33 =	vmul.f32 @p1 v33, v48;
	v36 =	vmul.f32 @p1 v36, v48;
	v27 =	vpsel p0, v46, v27  }
0x7c: {  	v37 =	vadd.f32 @p0 v50, v37;
	v60 =	vmul.f32 v63, v16;
	v17 =	vadd.f32 v58, v57  }
0x7d: {  	v39 =	vadd.f32 @p1 v49, v39;
	v29 =	vpsel p1, v29, v0;
	v34 =	vpsel p1, v34, v0;
	v61 =	vld [tilespmem:s8+$0xA050]  }
0x7e: {  	v62 =	vmul.f32 v56, v15;
	v63 =	vld [tilespmem:s8+$0xA060];
	v28 =	vpsel p0, v37, v28;
	v16 =	vadd.f32 v60, v17  }
0x7f: {  	v53 =	vld @p0 [tilespmem:s10+$0xA450];
	v33 =	vpsel p1, v33, v0;
	v36 =	vpsel p1, v36, v0;
	v28 =	vmul.f32 @p0 $1.442695020e+00, v28  }
0x80: {  	v47 =	vld [tilespmem:s8+$0xA070];
	v31 =	vpsel p1, v31, v8;
	v45 =	vmul.f32 v59, v14;
	v15 =	vadd.f32 v62, v16  }
0x81: {  	v18 =	vadd.f32 @p1 v40, v41;
	v40 =	vadd.f32 @p1 v51, v43;
	(erf) = vpow2.f32 @p0 v28  }
0x82: {  	v37 =	vld @p0 [tilespmem:s7+$0xA430];
	v17 =	vpsel p2, v32, v6;
	v48 =	vmul.f32 v61, v13;
	v14 =	vadd.f32 v45, v15  }
0x83: {  	v43 =	vld @p0 [tilespmem:s7+$0xA420];
	v32 =	vpsel p2, v44, v1;
	v49 =	vmul.f32 v63, v12;
	v17 =	vadd.f32 @p1 v29, v17  }
0x84: {  	v28 =	vadd.f32 @p1 v36, v32;
	v16 =	vpsel p1, v30, v0;
	v13 =	vadd.f32 v48, v14  }
0x85: {  	v26 =	vpsel p0, v53, v26;
	v11 =	vmul.f32 v47, v11;
	v16 =	vadd.f32 @p1 v16, v35  }
0x86: {  	v30 =	vld @p0 [tilespmem:s10+$0xA440];
	v17 =	vpsel p1, v17, v6;
	v28 =	vpsel p1, v28, v1;
	v15 =	vmovc @p0 v23;
	v12 =	vadd.f32 v49, v13  }
0x87: {  	s2 =	smov.u32 @p0 s10;
	v16 =	vpsel p1, v16, v4;
	v23 =	vpsel p2, v38, v3;
	v15 =	vpsel p0, v15, v20;
	v20 =	vmovc @p0 v37  }
0x88: {  	v38 =	vpsel p2, v42, v2;
	v37 =	vld @p0 [tilespmem:s2+$0xA470];
	v14 =	vmovc @p0 v43;
	v20 =	vpsel p0, v20, v22;
	v11 =	vadd.f32 v11, v12  }
0x89: {  	v22 =	vadd.f32 @p1 v34, v23;
	v14 =	vpsel p0, v14, v21;
	v21 =	vpsel p1, v39, v5  }
0x8a: {  	v12 =	vpsel p1, v18, v9;
	v18 =	vpsel p1, v40, v7;
	v23 =	vpop @p0 (erf);
	v11 =	vmul.f32 $1.442695020e+00, v11  }
0x8b: {  	v13 =	vmovc @p0 v30;
	v22 =	vpsel p1, v22, v3;
	v15 =	vmul.f32 @p0 v23, v15;
	v19 =	vmul.f32 @p0 v23, v19  }
0x8c: {  	v13 =	vpsel p0, v13, v24;
	v14 =	vmul.f32 @p0 v23, v14;
	(erf) = vpow2.f32 v11  }
0x8d: {  	v24 =	vadd.f32 @p1 v33, v38;
	v20 =	vmul.f32 @p0 v20, v23;
	v25 =	vmul.f32 @p0 v37, v23  }
0x8e: {  	v52 =	vld [tilespmem:s8+$0xA420];
	v13 =	vmul.f32 @p0 v13, v23;
	v12 =	vadd.f32 @p0 v15, v12;
	v15 =	vadd.f32 @p0 v19, v18  }
0x8f: {  	v54 =	vld [tilespmem:s8+$0xA430];
	v18 =	vmul.f32 @p0 v27, v23;
	v14 =	vpsel p0, v14, v0;
	v20 =	vpsel p0, v20, v0  }
0x90: {  	v50 =	vld [tilespmem:s8+$0xA400];
	v24 =	vpsel p1, v24, v2;
	v21 =	vadd.f32 @p0 v25, v21;
	v13 =	vpsel p0, v13, v0  }
0x91: {  	v53 =	vld [tilespmem:s8+$0xA470];
	v18 =	vpsel p0, v18, v0;
	v9 =	vpsel p0, v12, v9;
	v12 =	vadd.f32 @p0 v14, v17;
	v11 =	vmovc @p0 v26  }
0x92: {  	v51 =	vld [tilespmem:s8+$0xA410];
	v14 =	vadd.f32 @p0 v20, v16;
	v7 =	vpsel p0, v15, v7;
	v11 =	vmul.f32 @p0 v11, v23  }
0x93: {  	v55 =	vld [tilespmem:s8+$0xA440];
	v13 =	vadd.f32 @p0 v13, v22;
	v26 =	vadd.f32 @p0 v23, v31;
	v5 =	vpsel p0, v21, v5  }
0x94: {  	v56 =	vld [tilespmem:s8+$0xA450];
	v17 =	vadd.f32 @p0 v18, v28;
	v6 =	vpsel p0, v12, v6;
	v11 =	vpsel p0, v11, v0  }
0x95: {  	v57 =	vld [tilespmem:s8+$0xA460];
	v4 =	vpsel p0, v14, v4;
	v3 =	vpsel p0, v13, v3;
	v11 =	vadd.f32 @p0 v11, v24;
	v58 =	vpop (erf)  }
0x96: {  	v8 =	vpsel p0, v26, v8;
	v59 =	vmul.f32 v58, v50;
	v60 =	vmul.f32 v53, v58  }
0x97: {  	v2 =	vpsel p0, v11, v2;
	v61 =	vmul.f32 v58, v51;
	v19 =	vmul.f32 v58, v52  }
0x98: {  	v8 =	vadd.f32 v58, v8;
	v62 =	vmul.f32 v54, v58;
	v63 =	vmul.f32 v55, v58  }
0x99: {  	v21 =	vmul.f32 v56, v58;
	v9 =	vadd.f32 v59, v9;
	v7 =	vadd.f32 v61, v7  }
0x9a: {  	v15 =	vmul.f32 v57, v58;
	v6 =	vadd.f32 v19, v6;
	v4 =	vadd.f32 v62, v4  }
0x9b: {  	v1 =	vpsel p0, v17, v1;
	v3 =	vadd.f32 v63, v3;
	v2 =	vadd.f32 v21, v2  }
0x9c: {  	v5 =	vadd.f32 v60, v5;
	v1 =	vadd.f32 v15, v1  }
.LBB2_33:
0x9d: {  	p0 =	sgt.s32 s31, s14  }
.Ltmp7:
0x9e: {  	_ = 	snop;
	(pc) =	sbr.rel @!p0 .LBB2_34-.Ltmp7, $3  }
0x9f: {  	_ =	sdelay $0x1  }
0xa0: {  	s2 =	sadd.s32 $0x1, s14  }
0xa1: {  	s0 =	sadd.s32 $0xFFFFF800, s0;
	s14 =	smov.u32 s2  }
.LBB2_7:
0xa2: {  	s2 =	sadd.s32 s30, s14  }
0xa3: {  	s2 =	sshll.u32 s2, $0xB  }
0xa4: {  	s7 =	sshrl.u32 s2, $0x3  }
0xa5: {  	s7 =	sadd.s32 s5, s7  }
0xa6: {  	[tilespmem:s19], [sflag:$0x2] =	stream.linear.gather [hbm4b:s7+s3], $0x810, $0x38;
	[tilespmem:$0x18B80] =	vst v63  }
0xa7: {  	_ =	swait.ge [sflag:s15], $0x810  }
0xa8: {  	[sflag:s15] =	ssyncset.done $0x0  }
0xa9: {  	[sflag:s15] =	ssyncadd.s32 $0xFFFFF7F0  }
0xaa: {  	v11 =	vld.idx.msk [tilespmem:v10+s14+$0x18901 ss:$0x1], $0xffff;
	_ =	sdelay $0x4  }
0xab: {  	(v2sf) =	vpush v11, $0x0;
	_ =	sdelay $0xd  }
0xac: {  	s16 =	sadd.s32 $0x800, s2  }
0xad: {  	p0 =	sgt.s32 s16, s28;
	s7 =	spop (v2sf)  }
0xae: {  	s7 =	smov.u32 @p0 s1  }
0xaf: {  	s17 =	ssub.s32 s7, s4  }
0xb0: {  	p0 =	sgt.s32 s17, $0x0  }
0xb1: {  	s17 =	simm.s32 @!p0 $0x0  }
0xb2: {  	s24 =	smov.u32 s18;
	s18 =	smin.u32 s17, $0xA0  }
0xb3: {  	p1 =	sge.u32 s24, s18  }
.Ltmp8:
0xb4: {  	_ = 	snop;
	(pc) =	sbr.rel @!p1 .LBB2_8-.Ltmp8, $3  }
0xb5: {  	_ =	sdelay $0x1  }
0xb6: {  	p0 =	sgt.s32 s26, s2  }
0xb7: {  	s2 =	smov.u32 @p0 s26  }
.LBB2_21:
0xb8: {  	v11 =	vld [tilespmem:s18+$0x18A00];
	_ =	sdelay $0x4  }
0xb9: {  	(v2sf) =	vpush v11, $0x0;
	_ =	sdelay $0xe  }
0xba: {  	s7 =	spop (v2sf)  }
0xbb: {  	p0 =	slt.s32 s28, s16;
	p1 =	sgt.s32 s7, s2  }
0xbc: {  	s16 =	smov.u32 @p0 s28;
	s2 =	smov.u32 @p1 s7  }
0xbd: {  	p0 =	sge.s32 s2, s16  }
.Ltmp9:
0xbe: {  	_ = 	snop;
	(pc) =	sbr.rel @p0 .LBB2_33-.Ltmp9, $1  }
0xbf: {  	_ =	sdelay $0x3  }
0xc0: {  	p0 =	slt.s32 s17, $0x9F  }
0xc1: {  	s17 =	simm.s32 @!p0 $0x9F  }
0xc2: {  	s24 =	sadd.s32 s2, s0;
	s7 =	sshll.u32 s17, $0x7  }
0xc3: {  	s10 =	sand.u32 $0x7F, s2;
	s8 =	sand.u32 $0x3FFFFF80, s7;
	s7 =	sand.u32 $0xFFFFFF80, s24  }
0xc4: {  	s7 =	sor.u32 s10, s7  }
0xc5: {  	v19 =	vld [tilespmem:s7+$0x18000];
	_ =	sdelay $0x4  }
0xc6: {  	(v2sf) =	vpush v19, $0x0;
	_ =	sdelay $0x1  }
0xc7: {  	v17 =	vld [tilespmem:s8+$0x0]  }
0xc8: {  	v18 =	vld [tilespmem:s8+$0x10];
	s7 =	sadd.s32 $0x1, s2  }
0xc9: {  	v16 =	vld [tilespmem:s8+$0x20];
	p3 =	slt.s32 s7, s16  }
.Ltmp10:
0xca: {  	v15 =	vld [tilespmem:s8+$0x30];
	(pc) =	sbr.rel @!p3 .LBB2_23-.Ltmp10, $4  }
0xcb: {  	v14 =	vld [tilespmem:s8+$0x40]  }
0xcc: {  	v13 =	vld [tilespmem:s8+$0x50]  }
0xcd: {  	v12 =	vld [tilespmem:s8+$0x60]  }
0xce: {  	p1 =	por $0x0, $0x0;
	p2 =	por $0x0, $0x0;
	p0 =	por $0x0, $0x0;
	v11 =	vld [tilespmem:s8+$0x70]  }
0xcf: {  	s2 =	sadd.s32 s7, s0  }
0xd0: {  	s11 =	sand.u32 $0x7F, s7;
	s2 =	sand.u32 $0xFFFFFF80, s2  }
0xd1: {  	s2 =	sor.u32 s11, s2  }
0xd2: {  	v19 =	vld [tilespmem:s2+$0x18000];
	_ =	sdelay $0x4  }
0xd3: {  	s8 =	spop (v2sf);
	(v2sf) =	vpush v19, $0x0  }
0xd4: {  	s10 =	ssub.s32 s8, s29  }
0xd5: {  	s8 =	sshll.u32 s8, $0x7;
	s10 =	sshll.u32 s10, $0x8  }
0xd6: {  	s7 =	sadd.s32 $0x1, s7;
	s8 =	sand.u32 $0x380, s8;
	s10 =	sand.u32 $0xFFFFF800, s10  }
0xd7: {  	p3 =	slt.s32 s7, s16;
	s2 =	sor.u32 s8, s10  }
.Ltmp11:
0xd8: {  	v37 =	vld [tilespmem:s2+$0xA000];
	(pc) =	sbr.rel @!p3 .LBB2_25-.Ltmp11, $4  }
0xd9: {  	v40 =	vld [tilespmem:s2+$0xA010]  }
0xda: {  	v20 =	vld [tilespmem:s2+$0xA400]  }
0xdb: {  	v45 =	vld [tilespmem:s2+$0xA020]  }
0xdc: {  	p0 =	por $0x1, $0x1;
	v19 =	vld [tilespmem:s2+$0xA410]  }
0xdd: {  	s8 =	sadd.s32 s7, s0  }
0xde: {  	s10 =	sand.u32 $0x7F, s7;
	s8 =	sand.u32 $0xFFFFFF80, s8  }
0xdf: {  	v22 =	vld [tilespmem:s2+$0xA030];
	s8 =	sor.u32 s10, s8  }
0xe0: {  	v23 =	vmul.f32 v37, v17;
	v24 =	vmul.f32 v40, v18;
	v28 =	vld [tilespmem:s8+$0x18000]  }
0xe1: {  	v25 =	vld [tilespmem:s2+$0xA040]  }
0xe2: {  	v21 =	vld [tilespmem:s2+$0xA420];
	v23 =	vadd.f32 v24, v23;
	v24 =	vmul.f32 v45, v16  }
0xe3: {  	v26 =	vld [tilespmem:s2+$0xA050]  }
0xe4: {  	v29 =	vld [tilespmem:s2+$0xA060];
	v23 =	vadd.f32 v24, v23;
	v24 =	vmul.f32 v22, v15;
	s21 =	spop (v2sf)  }
0xe5: {  	v30 =	vld [tilespmem:s2+$0xA070];
	s24 =	ssub.s32 s21, s29;
	(v2sf) =	vpush v28, $0x0  }
0xe6: {  	v27 =	vld [tilespmem:s2+$0xA460];
	v25 =	vmul.f32 v25, v14;
	s8 =	sshll.u32 s21, $0x7;
	v23 =	vadd.f32 v24, v23;
	s10 =	sshll.u32 s24, $0x8  }
0xe7: {  	v22 =	vld [tilespmem:s2+$0xA430];
	s8 =	sand.u32 $0x380, s8;
	s10 =	sand.u32 $0xFFFFF800, s10  }
0xe8: {  	v24 =	vld [tilespmem:s2+$0xA440];
	v23 =	vadd.f32 v25, v23;
	v25 =	vmul.f32 v26, v13;
	s8 =	sor.u32 s8, s10;
	s10 =	sadd.s32 $0x1, s7  }
0xe9: {  	v26 =	vld [tilespmem:s2+$0xA450];
	p3 =	slt.s32 s10, s16  }
.Ltmp12:
0xea: {  	v37 =	vld [tilespmem:s8+$0xA000];
	v23 =	vadd.f32 v25, v23;
	v25 =	vmul.f32 v29, v12;
	(pc) =	sbr.rel @!p3 .LBB2_27-.Ltmp12, $4  }
0xeb: {  	v40 =	vld [tilespmem:s8+$0xA010]  }
0xec: {  	v45 =	vld [tilespmem:s8+$0xA020];
	v29 =	vmul.f32 v30, v11;
	v25 =	vadd.f32 v25, v23  }
0xed: {  	v23 =	vld [tilespmem:s8+$0xA400]  }
0xee: {  	p1 =	por $0x1, $0x1;
	v28 =	vadd.f32 v29, v25;
	v25 =	vld [tilespmem:s8+$0xA410]  }
0xef: {  	_ = 	snop  }
0xf0: {  	s7 =	sadd.s32 s10, s0;
	v30 =	vld [tilespmem:s8+$0xA030];
	v31 =	vmul.f32 $1.442695020e+00, v28  }
0xf1: {  	s11 =	sand.u32 $0x7F, s10;
	v32 =	vmul.f32 v37, v17;
	s7 =	sand.u32 $0xFFFFFF80, s7;
	v33 =	vmul.f32 v40, v18  }
0xf2: {  	v34 =	vld [tilespmem:s8+$0xA040];
	s7 =	sor.u32 s11, s7;
	(erf) = vpow2.f32 v31  }
0xf3: {  	v59 =	vmul.f32 v45, v16;
	v31 =	vld [tilespmem:s7+$0x18000];
	v32 =	vadd.f32 v33, v32  }
0xf4: {  	v35 =	vld [tilespmem:s8+$0xA050]  }
0xf5: {  	v29 =	vld [tilespmem:s8+$0xA420];
	v32 =	vadd.f32 v59, v32;
	v60 =	vmul.f32 v30, v15  }
0xf6: {  	v36 =	vld [tilespmem:s8+$0xA060]  }
0xf7: {  	v39 =	vld [tilespmem:s8+$0xA070];
	v61 =	vmul.f32 v34, v14;
	v32 =	vadd.f32 v60, v32  }
0xf8: {  	v38 =	vld [tilespmem:s2+$0xA470];
	s21 =	spop (v2sf);
	(v2sf) =	vpush v31, $0x0  }
0xf9: {  	v33 =	vld [tilespmem:s8+$0xA450];
	v35 =	vmul.f32 v35, v13;
	s24 =	ssub.s32 s21, s29;
	v32 =	vadd.f32 v61, v32  }
0xfa: {  	v30 =	vld [tilespmem:s8+$0xA430];
	s7 =	sshll.u32 s21, $0x7;
	s11 =	sshll.u32 s24, $0x8  }
0xfb: {  	s10 =	sadd.s32 $0x1, s10;
	v34 =	vld [tilespmem:s8+$0xA440];
	v62 =	vmul.f32 v36, v12;
	s7 =	sand.u32 $0x380, s7;
	s11 =	sand.u32 $0xFFFFF800, s11;
	v32 =	vadd.f32 v35, v32;
	v42 =	vpop (erf)  }
0xfc: {  	p3 =	slt.s32 s10, s16;
	v36 =	vld [tilespmem:s8+$0xA460];
	v63 =	vmul.f32 v39, v11;
	s7 =	sor.u32 s7, s11;
	v41 =	vmul.f32 v42, v20  }
.Ltmp13:
0xfd: {  	v37 =	vld [tilespmem:s7+$0xA000];
	v38 =	vmul.f32 v38, v42;
	v32 =	vadd.f32 v62, v32;
	v43 =	vmul.f32 v42, v19;
	(pc) =	sbr.rel @!p3 .LBB2_29-.Ltmp13, $4  }
0xfe: {  	v40 =	vld [tilespmem:s7+$0xA010];
	v46 =	vmul.f32 v42, v21;
	v47 =	vmul.f32 v22, v42  }
0xff: {  	v44 =	vmovc v1;
	v52 =	vld [tilespmem:s7+$0xA400];
	v31 =	vadd.f32 v42, v8;
	v48 =	vmul.f32 v24, v42;
	v49 =	vmul.f32 v26, v42  }
0x100: {  	v45 =	vld [tilespmem:s7+$0xA020];
	v35 =	vmovc v4;
	v50 =	vmul.f32 v27, v42;
	v39 =	vadd.f32 v38, v5;
	v51 =	vadd.f32 v63, v32  }
0x101: {  	p2 =	por $0x1, $0x1;
	v53 =	vld [tilespmem:s7+$0xA410];
	v42 =	vmovc v2;
	v41 =	vadd.f32 v41, v9;
	v43 =	vadd.f32 v43, v7;
	v32 =	vmovc v6;
	v38 =	vmov v3  }
.LBB2_30:
0x102: {  	s11 =	sadd.s32 s10, s0;
	v54 =	vld [tilespmem:s7+$0xA030];
	v51 =	vmul.f32 $1.442695020e+00, v51;
	v32 =	vadd.f32 v46, v32;
	v35 =	vadd.f32 v47, v35;
	v55 =	vmovc v33;
	v56 =	vmovc v36  }
0x103: {  	s12 =	sand.u32 $0x7F, s10;
	v33 =	vmul.f32 v37, v17;
	v38 =	vadd.f32 v48, v38;
	s11 =	sand.u32 $0xFFFFFF80, s11;
	v36 =	vmul.f32 v40, v18;
	v57 =	vld [tilespmem:s7+$0xA420]  }
0x104: {  	s10 =	sadd.s32 $0x1, s10;
	v42 =	vadd.f32 v49, v42;
	v44 =	vadd.f32 v50, v44;
	s11 =	sor.u32 s12, s11;
	v37 =	vld [tilespmem:s7+$0xA040];
	(erf) = vpow2.f32 v51  }
0x105: {  	p3 =	slt.s32 s10, s16;
	v40 =	vld [tilespmem:s11+$0x18000];
	v33 =	vadd.f32 v36, v33;
	v36 =	vmul.f32 v45, v16  }
0x106: {  	v45 =	vld [tilespmem:s7+$0xA050]  }
0x107: {  	v33 =	vadd.f32 v36, v33;
	v36 =	vmul.f32 v54, v15;
	v50 =	vld [tilespmem:s7+$0xA430]  }
0x108: {  	v46 =	vld [tilespmem:s7+$0xA060]  }
0x109: {  	s11 =	spop (v2sf);
	v33 =	vadd.f32 v36, v33;
	v36 =	vmul.f32 v37, v14;
	v47 =	vld [tilespmem:s8+$0xA470];
	s8 =	smov.u32 s7  }
0x10a: {  	s7 =	ssub.s32 s11, s29;
	v48 =	vld [tilespmem:s8+$0xA070]  }
0x10b: {  	s11 =	sshll.u32 s11, $0x7;
	(v2sf) =	vpush v40, $0x0;
	s7 =	sshll.u32 s7, $0x8;
	v36 =	vadd.f32 v36, v33;
	v37 =	vmul.f32 v45, v13;
	v54 =	vld [tilespmem:s8+$0xA440]  }
0x10c: {  	s11 =	sand.u32 $0x380, s11;
	s7 =	sand.u32 $0xFFFFF800, s7;
	v33 =	vld [tilespmem:s8+$0xA450]  }
0x10d: {  	s7 =	sor.u32 s11, s7;
	v45 =	vadd.f32 v37, v36;
	v46 =	vmul.f32 v46, v12;
	v36 =	vld [tilespmem:s8+$0xA460];
	v58 =	vpop (erf)  }
.Ltmp14:
0x10e: {  	v37 =	vld [tilespmem:s7+$0xA000];
	v59 =	vmul.f32 v58, v23;
	v49 =	vmul.f32 v47, v58;
	v31 =	vadd.f32 v58, v31;
	v23 =	vmovc v52;
	(pc) =	sbr.rel @p3 .LBB2_30-.Ltmp14, $4  }
0x10f: {  	v60 =	vmul.f32 v58, v25;
	v25 =	vmovc v53;
	v40 =	vld [tilespmem:s7+$0xA010];
	v51 =	vadd.f32 v46, v45;
	v48 =	vmul.f32 v48, v11  }
0x110: {  	v47 =	vmul.f32 v30, v58;
	v46 =	vmul.f32 v58, v29;
	v29 =	vmovc v57;
	v52 =	vld [tilespmem:s7+$0xA400];
	v39 =	vadd.f32 v49, v39  }
0x111: {  	v30 =	vmovc v50;
	v49 =	vmul.f32 v55, v58;
	v45 =	vld [tilespmem:s7+$0xA020];
	v51 =	vadd.f32 v48, v51;
	v48 =	vmul.f32 v34, v58  }
0x112: {  	v50 =	vmul.f32 v56, v58;
	v41 =	vadd.f32 v59, v41;
	v43 =	vadd.f32 v60, v43;
	v34 =	vmovc v54;
	v53 =	vld [tilespmem:s7+$0xA410]  }
.Ltmp15:
0x113: {  	_ = 	snop;
	(pc) =	sbr.rel .LBB2_32-.Ltmp15, $2  }
0x114: {  	_ =	sdelay $0x2  }
0x115: {  	v54 =	vmovc v23;
	v55 =	vmov v25;
	v23 =	vmov v52;
	v25 =	vmov v53  }
.LBB2_10:
0x116: {  	v32 =	vmovc v6;
	v35 =	vmov v4;
	v38 =	vmov v3;
	v42 =	vmov v2  }
0x117: {  	v31 =	vmovc v8;
	v41 =	vmovc v9;
	v43 =	vmov v7;
	v44 =	vmov v1;
	v39 =	vmov v5  }
.LBB2_19:
0x118: {  	v51 =	vmul.f32 @p1 $1.442695020e+00, v51  }
0x119: {  	v52 =	vld @p0 [tilespmem:s7+$0xA030];
	v37 =	vmul.f32 @p0 v37, v17  }
0x11a: {  	v40 =	vmul.f32 @p0 v40, v18;
	(erf) = vpow2.f32 @p1 v51  }
0x11b: {  	v51 =	vld @p0 [tilespmem:s7+$0xA040]  }
0x11c: {  	v37 =	vadd.f32 @p0 v40, v37;
	v40 =	vmul.f32 @p0 v45, v16  }
0x11d: {  	v45 =	vld @p0 [tilespmem:s7+$0xA050];
	s11 =	spop (v2sf)  }
0x11e: {  	v53 =	vld @p1 [tilespmem:s8+$0xA470];
	v37 =	vadd.f32 @p0 v40, v37;
	v40 =	vmul.f32 @p0 v52, v15;
	s12 =	ssub.s32 s11, s29  }
0x11f: {  	v52 =	vld @p0 [tilespmem:s7+$0xA060];
	s13 =	sshll.u32 s11, $0x7;
	s11 =	smov.u32 @p0 s7;
	s12 =	sshll.u32 s12, $0x8  }
0x120: {  	s21 =	sand.u32 $0x380, s13;
	v37 =	vadd.f32 @p0 v40, v37;
	v40 =	vmul.f32 @p0 v51, v14;
	v51 =	vld @p0 [tilespmem:s11+$0xA070];
	s12 =	sand.u32 $0xFFFFF800, s12  }
0x121: {  	v32 =	vadd.f32 @p2 v46, v32;
	v35 =	vadd.f32 @p2 v47, v35;
	s8 =	sor.u32 s21, s12  }
0x122: {  	v38 =	vadd.f32 @p2 v48, v38;
	v37 =	vadd.f32 @p0 v40, v37;
	v40 =	vmul.f32 @p0 v45, v13;
	v61 =	vld [tilespmem:s8+$0xA000]  }
0x123: {  	v42 =	vadd.f32 @p2 v49, v42;
	v44 =	vadd.f32 @p2 v50, v44;
	v62 =	vld [tilespmem:s8+$0xA010];
	v48 =	vpop @p1 (erf)  }
0x124: {  	v46 =	vld @p0 [tilespmem:s11+$0xA460];
	v47 =	vmul.f32 @p0 v52, v12;
	v37 =	vadd.f32 @p0 v40, v37;
	v40 =	vmul.f32 @p1 v48, v54  }
0x125: {  	v19 =	vpsel p0, v25, v19;
	v63 =	vld [tilespmem:s8+$0xA020];
	v49 =	vmul.f32 @p1 v53, v48;
	v50 =	vmul.f32 @p0 v51, v11  }
0x126: {  	v35 =	vpsel p2, v35, v4;
	v51 =	vmul.f32 @p1 v48, v55;
	v29 =	vmul.f32 @p1 v48, v29  }
0x127: {  	v56 =	vld [tilespmem:s8+$0xA030];
	v30 =	vmul.f32 @p1 v30, v48;
	v31 =	vadd.f32 @p1 v48, v31;
	v34 =	vmul.f32 @p1 v34, v48  }
0x128: {  	v37 =	vadd.f32 @p0 v47, v37;
	v57 =	vmul.f32 v61, v17;
	v58 =	vmul.f32 v62, v18  }
0x129: {  	v59 =	vld [tilespmem:s8+$0xA040];
	v33 =	vmul.f32 @p1 v33, v48;
	v36 =	vmul.f32 @p1 v36, v48;
	v27 =	vpsel p0, v46, v27  }
0x12a: {  	v37 =	vadd.f32 @p0 v50, v37;
	v60 =	vmul.f32 v63, v16;
	v17 =	vadd.f32 v58, v57  }
0x12b: {  	v39 =	vadd.f32 @p1 v49, v39;
	v29 =	vpsel p1, v29, v0;
	v34 =	vpsel p1, v34, v0;
	v61 =	vld [tilespmem:s8+$0xA050]  }
0x12c: {  	v62 =	vmul.f32 v56, v15;
	v63 =	vld [tilespmem:s8+$0xA060];
	v28 =	vpsel p0, v37, v28;
	v16 =	vadd.f32 v60, v17  }
0x12d: {  	v53 =	vld @p0 [tilespmem:s11+$0xA450];
	v33 =	vpsel p1, v33, v0;
	v36 =	vpsel p1, v36, v0;
	v28 =	vmul.f32 @p0 $1.442695020e+00, v28  }
0x12e: {  	v47 =	vld [tilespmem:s8+$0xA070];
	v31 =	vpsel p1, v31, v8;
	v45 =	vmul.f32 v59, v14;
	v15 =	vadd.f32 v62, v16  }
0x12f: {  	v18 =	vadd.f32 @p1 v40, v41;
	v40 =	vadd.f32 @p1 v51, v43;
	(erf) = vpow2.f32 @p0 v28  }
0x130: {  	v37 =	vld @p0 [tilespmem:s7+$0xA430];
	v17 =	vpsel p2, v32, v6;
	v48 =	vmul.f32 v61, v13;
	v14 =	vadd.f32 v45, v15  }
0x131: {  	v43 =	vld @p0 [tilespmem:s7+$0xA420];
	v32 =	vpsel p2, v44, v1;
	v49 =	vmul.f32 v63, v12;
	v17 =	vadd.f32 @p1 v29, v17  }
0x132: {  	v28 =	vadd.f32 @p1 v36, v32;
	v16 =	vpsel p1, v30, v0;
	v13 =	vadd.f32 v48, v14  }
0x133: {  	v26 =	vpsel p0, v53, v26;
	v11 =	vmul.f32 v47, v11;
	v16 =	vadd.f32 @p1 v16, v35  }
0x134: {  	v30 =	vld @p0 [tilespmem:s11+$0xA440];
	v17 =	vpsel p1, v17, v6;
	v28 =	vpsel p1, v28, v1;
	v15 =	vmovc @p0 v23;
	v12 =	vadd.f32 v49, v13  }
0x135: {  	s10 =	smov.u32 @p0 s11;
	v16 =	vpsel p1, v16, v4;
	v23 =	vpsel p2, v38, v3;
	v15 =	vpsel p0, v15, v20;
	v20 =	vmovc @p0 v37  }
0x136: {  	v38 =	vpsel p2, v42, v2;
	v37 =	vld @p0 [tilespmem:s10+$0xA470];
	v14 =	vmovc @p0 v43;
	v20 =	vpsel p0, v20, v22;
	v11 =	vadd.f32 v11, v12  }
0x137: {  	v22 =	vadd.f32 @p1 v34, v23;
	v14 =	vpsel p0, v14, v21;
	v21 =	vpsel p1, v39, v5  }
0x138: {  	v12 =	vpsel p1, v18, v9;
	v18 =	vpsel p1, v40, v7;
	v23 =	vpop @p0 (erf);
	v11 =	vmul.f32 $1.442695020e+00, v11  }
0x139: {  	v13 =	vmovc @p0 v30;
	v22 =	vpsel p1, v22, v3;
	v15 =	vmul.f32 @p0 v23, v15;
	v19 =	vmul.f32 @p0 v23, v19  }
0x13a: {  	v13 =	vpsel p0, v13, v24;
	v14 =	vmul.f32 @p0 v23, v14;
	(erf) = vpow2.f32 v11  }
0x13b: {  	v24 =	vadd.f32 @p1 v33, v38;
	v20 =	vmul.f32 @p0 v20, v23;
	v25 =	vmul.f32 @p0 v37, v23  }
0x13c: {  	v52 =	vld [tilespmem:s8+$0xA420];
	v13 =	vmul.f32 @p0 v13, v23;
	v12 =	vadd.f32 @p0 v15, v12;
	v15 =	vadd.f32 @p0 v19, v18  }
0x13d: {  	v54 =	vld [tilespmem:s8+$0xA430];
	v18 =	vmul.f32 @p0 v27, v23;
	v14 =	vpsel p0, v14, v0;
	v20 =	vpsel p0, v20, v0  }
0x13e: {  	v50 =	vld [tilespmem:s8+$0xA400];
	v24 =	vpsel p1, v24, v2;
	v21 =	vadd.f32 @p0 v25, v21;
	v13 =	vpsel p0, v13, v0  }
0x13f: {  	v53 =	vld [tilespmem:s8+$0xA470];
	v18 =	vpsel p0, v18, v0;
	v9 =	vpsel p0, v12, v9;
	v12 =	vadd.f32 @p0 v14, v17  }
0x140: {  	v51 =	vld [tilespmem:s8+$0xA410];
	v14 =	vadd.f32 @p0 v20, v16;
	v7 =	vpsel p0, v15, v7;
	v13 =	vadd.f32 @p0 v13, v22  }
0x141: {  	v55 =	vld [tilespmem:s8+$0xA440];
	v11 =	vmovc @p0 v26;
	v26 =	vadd.f32 @p0 v23, v31;
	v5 =	vpsel p0, v21, v5;
	v17 =	vadd.f32 @p0 v18, v28  }
0x142: {  	v56 =	vld [tilespmem:s8+$0xA450];
	v11 =	vmul.f32 @p0 v11, v23;
	v6 =	vpsel p0, v12, v6;
	v4 =	vpsel p0, v14, v4  }
0x143: {  	v57 =	vld [tilespmem:s8+$0xA460];
	v3 =	vpsel p0, v13, v3;
	v8 =	vpsel p0, v26, v8;
	v1 =	vpsel p0, v17, v1;
	v58 =	vpop (erf)  }
0x144: {  	v11 =	vpsel p0, v11, v0;
	v59 =	vmul.f32 v58, v50;
	v60 =	vmul.f32 v53, v58  }
0x145: {  	v11 =	vadd.f32 @p0 v11, v24;
	v61 =	vmul.f32 v58, v51;
	v19 =	vmul.f32 v58, v52  }
0x146: {  	v8 =	vadd.f32 v58, v8;
	v62 =	vmul.f32 v54, v58;
	v63 =	vmul.f32 v55, v58  }
0x147: {  	v21 =	vmul.f32 v56, v58;
	v5 =	vadd.f32 v60, v5;
	v9 =	vadd.f32 v59, v9  }
0x148: {  	v15 =	vmul.f32 v57, v58;
	v7 =	vadd.f32 v61, v7;
	v6 =	vadd.f32 v19, v6  }
0x149: {  	v2 =	vpsel p0, v11, v2;
	v4 =	vadd.f32 v62, v4;
	v3 =	vadd.f32 v63, v3  }
0x14a: {  	v2 =	vadd.f32 v21, v2;
	v1 =	vadd.f32 v15, v1  }
.LBB2_20:
0x14b: {  	(erf) = vrcp.f32 v8;
	_ =	sdelay $0x8  }
0x14c: {  	vm0 =	vgt.f32 v8, $0.0e+00;
	v8 =	vpop (erf)  }
0x14d: {  	v8 =	vnsel vm0, $0x0, v8  }
0x14e: {  	v9 =	vmul.f32 v8, v9  }
0x14f: {  	v7 =	vmul.f32 v8, v7  }
0x150: {  	s7 =	sor.u32 $0x10, s20;
	v6 =	vmul.f32 v6, v8;
	[tilespmem:s20+$0x5000] =	vst v9  }
0x151: {  	s8 =	sor.u32 $0x20, s20;
	s24 =	sadd.s32 $0x1, s24;
	v4 =	vmul.f32 v4, v8;
	[tilespmem:s7+$0x5000] =	vst v7  }
0x152: {  	s10 =	sor.u32 $0x30, s20;
	p0 =	sne.s32 s24, s18;
	v3 =	vmul.f32 v3, v8;
	[tilespmem:s8+$0x5000] =	vst v6  }
.Ltmp16:
0x153: {  	s11 =	sor.u32 $0x40, s20;
	v2 =	vmul.f32 v2, v8;
	[tilespmem:s10+$0x5000] =	vst v4;
	(pc) =	sbr.rel @!p0 .LBB2_21-.Ltmp16, $4  }
0x154: {  	s12 =	sor.u32 $0x50, s20;
	v9 =	vimm.f32 $0.0e+00;
	[tilespmem:s11+$0x5000] =	vst v3;
	v3 =	vmul.f32 v1, v8  }
0x155: {  	s13 =	sor.u32 $0x60, s20;
	v7 =	vmul.f32 v5, v8;
	v5 =	vimm.f32 $0.0e+00;
	v6 =	vimm.f32 $0.0e+00;
	[tilespmem:s12+$0x5000] =	vst v2  }
0x156: {  	s21 =	sor.u32 $0x70, s20;
	v4 =	vimm.f32 $0.0e+00;
	v1 =	vimm.f32 $0.0e+00;
	v8 =	vimm.f32 $0.0e+00;
	[tilespmem:s13+$0x5000] =	vst v3  }
0x157: {  	v2 =	vimm.f32 $0.0e+00;
	v3 =	vimm.f32 $0.0e+00;
	[tilespmem:s21+$0x5000] =	vst v7;
	v7 =	vimm.f32 $0.0e+00  }
.LBB2_8:
0x158: {  	v11 =	vld [tilespmem:s24+$0x18A00];
	_ =	sdelay $0x1  }
0x159: {  	v12 =	vld [tilespmem:s24+$0x18A01];
	_ =	sdelay $0x2  }
0x15a: {  	(v2sf) =	vpush v11, $0x0;
	_ =	sdelay $0x1  }
0x15b: {  	(v2sf) =	vpush v12, $0x0;
	_ =	sdelay $0xc  }
0x15c: {  	s8 =	spop (v2sf)  }
0x15d: {  	s7 =	smov.u32 s2;
	p0 =	sgt.s32 s8, s2  }
0x15e: {  	s11 =	spop (v2sf);
	s7 =	smov.u32 @p0 s8  }
0x15f: {  	p0 =	sge.s32 s7, s11  }
.Ltmp17:
0x160: {  	_ = 	snop;
	(pc) =	sbr.rel @p0 .LBB2_20-.Ltmp17, $2  }
0x161: {  	_ =	sdelay $0x2  }
0x162: {  	s20 =	sshll.u32 s24, $0x7  }
0x163: {  	s8 =	sadd.s32 s7, s0  }
0x164: {  	s10 =	sand.u32 $0x7F, s7;
	s8 =	sand.u32 $0xFFFFFF80, s8  }
0x165: {  	s8 =	sor.u32 s10, s8  }
0x166: {  	v19 =	vld [tilespmem:s8+$0x18000];
	_ =	sdelay $0x4  }
0x167: {  	(v2sf) =	vpush v19, $0x0;
	_ =	sdelay $0x1  }
0x168: {  	v17 =	vld [tilespmem:s20+$0x0]  }
0x169: {  	v18 =	vld [tilespmem:s20+$0x10];
	s7 =	sadd.s32 $0x1, s7  }
0x16a: {  	v16 =	vld [tilespmem:s20+$0x20];
	p3 =	slt.s32 s7, s11  }
.Ltmp18:
0x16b: {  	v15 =	vld [tilespmem:s20+$0x30];
	(pc) =	sbr.rel @!p3 .LBB2_10-.Ltmp18, $4  }
0x16c: {  	v14 =	vld [tilespmem:s20+$0x40]  }
0x16d: {  	v13 =	vld [tilespmem:s20+$0x50]  }
0x16e: {  	v12 =	vld [tilespmem:s20+$0x60]  }
0x16f: {  	v11 =	vld [tilespmem:s20+$0x70];
	p0 =	por $0x0, $0x0;
	p1 =	por $0x0, $0x0;
	p2 =	por $0x0, $0x0  }
0x170: {  	s8 =	sadd.s32 s7, s0  }
0x171: {  	s13 =	sand.u32 $0x7F, s7;
	s8 =	sand.u32 $0xFFFFFF80, s8  }
0x172: {  	s8 =	sor.u32 s13, s8  }
0x173: {  	v19 =	vld [tilespmem:s8+$0x18000];
	_ =	sdelay $0x4  }
0x174: {  	s10 =	spop (v2sf);
	(v2sf) =	vpush v19, $0x0  }
0x175: {  	s12 =	ssub.s32 s10, s29  }
0x176: {  	s10 =	sshll.u32 s10, $0x7;
	s12 =	sshll.u32 s12, $0x8  }
0x177: {  	s7 =	sadd.s32 $0x1, s7;
	s10 =	sand.u32 $0x380, s10;
	s12 =	sand.u32 $0xFFFFF800, s12  }
0x178: {  	p3 =	slt.s32 s7, s11;
	s10 =	sor.u32 s10, s12  }
.Ltmp19:
0x179: {  	v37 =	vld [tilespmem:s10+$0xA000];
	(pc) =	sbr.rel @!p3 .LBB2_12-.Ltmp19, $4  }
0x17a: {  	v40 =	vld [tilespmem:s10+$0xA010]  }
0x17b: {  	v20 =	vld [tilespmem:s10+$0xA400]  }
0x17c: {  	v45 =	vld [tilespmem:s10+$0xA020]  }
0x17d: {  	p0 =	por $0x1, $0x1;
	v19 =	vld [tilespmem:s10+$0xA410]  }
0x17e: {  	s8 =	sadd.s32 s7, s0  }
0x17f: {  	s12 =	sand.u32 $0x7F, s7;
	s8 =	sand.u32 $0xFFFFFF80, s8  }
0x180: {  	v22 =	vld [tilespmem:s10+$0xA030];
	s8 =	sor.u32 s12, s8  }
0x181: {  	v23 =	vmul.f32 v37, v17;
	v24 =	vmul.f32 v40, v18;
	v28 =	vld [tilespmem:s8+$0x18000]  }
0x182: {  	v25 =	vld [tilespmem:s10+$0xA040]  }
0x183: {  	v21 =	vld [tilespmem:s10+$0xA420];
	v23 =	vadd.f32 v24, v23;
	v24 =	vmul.f32 v45, v16  }
0x184: {  	v26 =	vld [tilespmem:s10+$0xA050]  }
0x185: {  	v29 =	vld [tilespmem:s10+$0xA060];
	v23 =	vadd.f32 v24, v23;
	v24 =	vmul.f32 v22, v15;
	s13 =	spop (v2sf)  }
0x186: {  	v30 =	vld [tilespmem:s10+$0xA070];
	s21 =	ssub.s32 s13, s29;
	(v2sf) =	vpush v28, $0x0  }
0x187: {  	v27 =	vld [tilespmem:s10+$0xA460];
	v25 =	vmul.f32 v25, v14;
	s8 =	sshll.u32 s13, $0x7;
	v23 =	vadd.f32 v24, v23;
	s12 =	sshll.u32 s21, $0x8  }
0x188: {  	v22 =	vld [tilespmem:s10+$0xA430];
	s8 =	sand.u32 $0x380, s8;
	s12 =	sand.u32 $0xFFFFF800, s12  }
0x189: {  	v24 =	vld [tilespmem:s10+$0xA440];
	v23 =	vadd.f32 v25, v23;
	v25 =	vmul.f32 v26, v13;
	s8 =	sor.u32 s8, s12;
	s12 =	sadd.s32 $0x1, s7  }
0x18a: {  	v26 =	vld [tilespmem:s10+$0xA450];
	p3 =	slt.s32 s12, s11  }
.Ltmp20:
0x18b: {  	v37 =	vld [tilespmem:s8+$0xA000];
	v23 =	vadd.f32 v25, v23;
	v25 =	vmul.f32 v29, v12;
	(pc) =	sbr.rel @!p3 .LBB2_14-.Ltmp20, $4  }
0x18c: {  	v40 =	vld [tilespmem:s8+$0xA010]  }
0x18d: {  	v45 =	vld [tilespmem:s8+$0xA020];
	v29 =	vmul.f32 v30, v11;
	v25 =	vadd.f32 v25, v23  }
0x18e: {  	v23 =	vld [tilespmem:s8+$0xA400]  }
0x18f: {  	p1 =	por $0x1, $0x1;
	v28 =	vadd.f32 v29, v25;
	v25 =	vld [tilespmem:s8+$0xA410]  }
0x190: {  	_ = 	snop  }
0x191: {  	s7 =	sadd.s32 s12, s0;
	v30 =	vld [tilespmem:s8+$0xA030];
	v31 =	vmul.f32 $1.442695020e+00, v28  }
0x192: {  	s13 =	sand.u32 $0x7F, s12;
	v32 =	vmul.f32 v37, v17;
	s7 =	sand.u32 $0xFFFFFF80, s7;
	v33 =	vmul.f32 v40, v18  }
0x193: {  	v34 =	vld [tilespmem:s8+$0xA040];
	s7 =	sor.u32 s13, s7;
	(erf) = vpow2.f32 v31  }
0x194: {  	v59 =	vmul.f32 v45, v16;
	v31 =	vld [tilespmem:s7+$0x18000];
	v32 =	vadd.f32 v33, v32  }
0x195: {  	v35 =	vld [tilespmem:s8+$0xA050]  }
0x196: {  	v29 =	vld [tilespmem:s8+$0xA420];
	v32 =	vadd.f32 v59, v32;
	v60 =	vmul.f32 v30, v15  }
0x197: {  	v36 =	vld [tilespmem:s8+$0xA060]  }
0x198: {  	v39 =	vld [tilespmem:s8+$0xA070];
	v61 =	vmul.f32 v34, v14;
	v32 =	vadd.f32 v60, v32  }
0x199: {  	v38 =	vld [tilespmem:s10+$0xA470];
	s7 =	spop (v2sf);
	(v2sf) =	vpush v31, $0x0  }
0x19a: {  	v33 =	vld [tilespmem:s8+$0xA450];
	v35 =	vmul.f32 v35, v13;
	s21 =	ssub.s32 s7, s29;
	v32 =	vadd.f32 v61, v32  }
0x19b: {  	v30 =	vld [tilespmem:s8+$0xA430];
	s7 =	sshll.u32 s7, $0x7;
	s13 =	sshll.u32 s21, $0x8  }
0x19c: {  	s12 =	sadd.s32 $0x1, s12;
	v34 =	vld [tilespmem:s8+$0xA440];
	v62 =	vmul.f32 v36, v12;
	s7 =	sand.u32 $0x380, s7;
	s13 =	sand.u32 $0xFFFFF800, s13;
	v32 =	vadd.f32 v35, v32;
	v42 =	vpop (erf)  }
0x19d: {  	p3 =	slt.s32 s12, s11;
	v36 =	vld [tilespmem:s8+$0xA460];
	v63 =	vmul.f32 v39, v11;
	s7 =	sor.u32 s7, s13;
	v41 =	vmul.f32 v42, v20  }
.Ltmp21:
0x19e: {  	v37 =	vld [tilespmem:s7+$0xA000];
	v38 =	vmul.f32 v38, v42;
	v32 =	vadd.f32 v62, v32;
	v43 =	vmul.f32 v42, v19;
	(pc) =	sbr.rel @!p3 .LBB2_16-.Ltmp21, $4  }
0x19f: {  	v40 =	vld [tilespmem:s7+$0xA010];
	v46 =	vmul.f32 v42, v21;
	v47 =	vmul.f32 v22, v42  }
0x1a0: {  	v44 =	vmovc v1;
	v52 =	vld [tilespmem:s7+$0xA400];
	v31 =	vadd.f32 v42, v8;
	v48 =	vmul.f32 v24, v42;
	v49 =	vmul.f32 v26, v42  }
0x1a1: {  	v45 =	vld [tilespmem:s7+$0xA020];
	v35 =	vmovc v4;
	v50 =	vmul.f32 v27, v42;
	v39 =	vadd.f32 v38, v5;
	v51 =	vadd.f32 v63, v32  }
0x1a2: {  	p2 =	por $0x1, $0x1;
	v53 =	vld [tilespmem:s7+$0xA410];
	v42 =	vmovc v2;
	v41 =	vadd.f32 v41, v9;
	v43 =	vadd.f32 v43, v7;
	v32 =	vmovc v6;
	v38 =	vmov v3  }
.LBB2_17:
0x1a3: {  	s13 =	sadd.s32 s12, s0;
	v54 =	vld [tilespmem:s7+$0xA030];
	v51 =	vmul.f32 $1.442695020e+00, v51;
	v32 =	vadd.f32 v46, v32;
	v35 =	vadd.f32 v47, v35;
	v55 =	vmovc v33;
	v56 =	vmovc v36  }
0x1a4: {  	s21 =	sand.u32 $0x7F, s12;
	v33 =	vmul.f32 v37, v17;
	v38 =	vadd.f32 v48, v38;
	s13 =	sand.u32 $0xFFFFFF80, s13;
	v36 =	vmul.f32 v40, v18;
	v57 =	vld [tilespmem:s7+$0xA420]  }
0x1a5: {  	s12 =	sadd.s32 $0x1, s12;
	v42 =	vadd.f32 v49, v42;
	v44 =	vadd.f32 v50, v44;
	s13 =	sor.u32 s21, s13;
	v37 =	vld [tilespmem:s7+$0xA040];
	(erf) = vpow2.f32 v51  }
0x1a6: {  	p3 =	slt.s32 s12, s11;
	v40 =	vld [tilespmem:s13+$0x18000];
	v33 =	vadd.f32 v36, v33;
	v36 =	vmul.f32 v45, v16  }
0x1a7: {  	v45 =	vld [tilespmem:s7+$0xA050]  }
0x1a8: {  	v33 =	vadd.f32 v36, v33;
	v36 =	vmul.f32 v54, v15;
	v50 =	vld [tilespmem:s7+$0xA430]  }
0x1a9: {  	v46 =	vld [tilespmem:s7+$0xA060]  }
0x1aa: {  	s13 =	spop (v2sf);
	v33 =	vadd.f32 v36, v33;
	v36 =	vmul.f32 v37, v14;
	v47 =	vld [tilespmem:s8+$0xA470];
	s8 =	smov.u32 s7  }
0x1ab: {  	s7 =	ssub.s32 s13, s29;
	v48 =	vld [tilespmem:s8+$0xA070]  }
0x1ac: {  	s13 =	sshll.u32 s13, $0x7;
	(v2sf) =	vpush v40, $0x0;
	s7 =	sshll.u32 s7, $0x8;
	v36 =	vadd.f32 v36, v33;
	v37 =	vmul.f32 v45, v13;
	v54 =	vld [tilespmem:s8+$0xA440]  }
0x1ad: {  	s13 =	sand.u32 $0x380, s13;
	s7 =	sand.u32 $0xFFFFF800, s7;
	v33 =	vld [tilespmem:s8+$0xA450]  }
0x1ae: {  	s7 =	sor.u32 s13, s7;
	v45 =	vadd.f32 v37, v36;
	v46 =	vmul.f32 v46, v12;
	v36 =	vld [tilespmem:s8+$0xA460];
	v58 =	vpop (erf)  }
.Ltmp22:
0x1af: {  	v37 =	vld [tilespmem:s7+$0xA000];
	v59 =	vmul.f32 v58, v23;
	v49 =	vmul.f32 v47, v58;
	v31 =	vadd.f32 v58, v31;
	v23 =	vmovc v52;
	(pc) =	sbr.rel @p3 .LBB2_17-.Ltmp22, $4  }
0x1b0: {  	v60 =	vmul.f32 v58, v25;
	v25 =	vmovc v53;
	v40 =	vld [tilespmem:s7+$0xA010];
	v51 =	vadd.f32 v46, v45;
	v48 =	vmul.f32 v48, v11  }
0x1b1: {  	v47 =	vmul.f32 v30, v58;
	v46 =	vmul.f32 v58, v29;
	v29 =	vmovc v57;
	v52 =	vld [tilespmem:s7+$0xA400];
	v39 =	vadd.f32 v49, v39  }
0x1b2: {  	v30 =	vmovc v50;
	v49 =	vmul.f32 v55, v58;
	v45 =	vld [tilespmem:s7+$0xA020];
	v51 =	vadd.f32 v48, v51;
	v48 =	vmul.f32 v34, v58  }
0x1b3: {  	v50 =	vmul.f32 v56, v58;
	v41 =	vadd.f32 v59, v41;
	v43 =	vadd.f32 v60, v43;
	v34 =	vmovc v54;
	v53 =	vld [tilespmem:s7+$0xA410]  }
.Ltmp23:
0x1b4: {  	_ = 	snop;
	(pc) =	sbr.rel .LBB2_19-.Ltmp23, $2  }
0x1b5: {  	_ =	sdelay $0x2  }
0x1b6: {  	v54 =	vmovc v23;
	v55 =	vmov v25;
	v23 =	vmov v52;
	v25 =	vmov v53  }
.LBB2_12:
.Ltmp24:
0x1b7: {  	_ = 	snop;
	(pc) =	sbr.rel .LBB2_19-.Ltmp24, $4  }
0x1b8: {  	_ = 	snop  }
0x1b9: {  	v32 =	vmov v6  }
0x1ba: {  	v35 =	vmovc v4;
	v38 =	vmovc v3;
	v42 =	vmov v2;
	v44 =	vmov v1;
	v31 =	vmov v8  }
0x1bb: {  	s7 =	smov.u32 s10;
	v39 =	vmovc v5;
	v41 =	vmovc v9;
	v43 =	vmov v7;
	v23 =	vmov v20;
	v25 =	vmov v19  }
.LBB2_14:
.Ltmp25:
0x1bc: {  	(pc) =	sbr.rel .LBB2_19-.Ltmp25, $4  }
0x1bd: {  	v32 =	vmov v6;
	v35 =	vmov v4  }
0x1be: {  	v33 =	vmovc v26;
	v36 =	vmovc v27;
	v38 =	vmov v3;
	v42 =	vmov v2;
	v44 =	vmov v1  }
0x1bf: {  	v54 =	vmovc v20;
	v31 =	vmovc v8;
	v55 =	vmov v19;
	v29 =	vmov v21;
	v30 =	vmov v22  }
0x1c0: {  	s7 =	smov.u32 s8;
	s8 =	smov.u32 s10;
	v39 =	vmovc v5;
	v34 =	vmovc v24;
	v41 =	vmov v9;
	v43 =	vmov v7;
	v51 =	vmov v28  }
.LBB2_16:
.Ltmp26:
0x1c1: {  	_ = 	snop;
	(pc) =	sbr.rel .LBB2_19-.Ltmp26, $3  }
0x1c2: {  	_ =	sdelay $0x1  }
0x1c3: {  	v54 =	vmovc v23;
	v55 =	vmov v25;
	v32 =	vmov v6;
	v35 =	vmov v4  }
0x1c4: {  	v38 =	vmovc v3;
	v42 =	vmovc v2;
	v44 =	vmov v1;
	v23 =	vmov v52;
	v25 =	vmov v53  }
.LBB2_25:
.Ltmp27:
0x1c5: {  	_ = 	snop;
	(pc) =	sbr.rel .LBB2_32-.Ltmp27, $4  }
0x1c6: {  	_ = 	snop  }
0x1c7: {  	v32 =	vmov v6  }
0x1c8: {  	v35 =	vmovc v4;
	v38 =	vmovc v3;
	v42 =	vmov v2;
	v44 =	vmov v1;
	v31 =	vmov v8  }
0x1c9: {  	s7 =	smov.u32 s2;
	v39 =	vmovc v5;
	v41 =	vmovc v9;
	v43 =	vmov v7;
	v23 =	vmov v20;
	v25 =	vmov v19  }
.LBB2_27:
.Ltmp28:
0x1ca: {  	(pc) =	sbr.rel .LBB2_32-.Ltmp28, $4  }
0x1cb: {  	v32 =	vmov v6;
	v35 =	vmov v4  }
0x1cc: {  	v33 =	vmovc v26;
	v36 =	vmovc v27;
	v38 =	vmov v3;
	v42 =	vmov v2;
	v44 =	vmov v1  }
0x1cd: {  	v54 =	vmovc v20;
	v31 =	vmovc v8;
	v55 =	vmov v19;
	v29 =	vmov v21;
	v30 =	vmov v22  }
0x1ce: {  	s7 =	smov.u32 s8;
	s8 =	smov.u32 s2;
	v39 =	vmovc v5;
	v34 =	vmovc v24;
	v41 =	vmov v9;
	v43 =	vmov v7;
	v51 =	vmov v28  }
.LBB2_29:
.Ltmp29:
0x1cf: {  	_ = 	snop;
	(pc) =	sbr.rel .LBB2_32-.Ltmp29, $3  }
0x1d0: {  	_ =	sdelay $0x1  }
0x1d1: {  	v54 =	vmovc v23;
	v55 =	vmov v25;
	v32 =	vmov v6;
	v35 =	vmov v4  }
0x1d2: {  	v38 =	vmovc v3;
	v42 =	vmovc v2;
	v44 =	vmov v1;
	v23 =	vmov v52;
	v25 =	vmov v53  }
.LBB2_35:
0x1d3: {  	s0 =	simm.s32 $0x0;
	s1 =	rddreg [dreg:$0x5];
	s2 =	simm.s32 $0x5000  }
0x1d4: {  	[hbm4b:s1+s0] =	stream.linear.scatter [tilespmem:s2], [sflag:$0x2], $0x5000, $0x38;
	[tilespmem:$0x18B80] =	vst v63  }
0x1d5: {  	_ =	swait.ge [sflag:s15], $0x5000  }
0x1d6: {  	s31 =	simm.s32 $0x400;
	[sflag:s15] =	ssyncset.done $0x0  }
0x1d7: {  	s7 =	simm.s32 $0xC00;
	s30 =	rddreg [dreg:$0x6];
	[sflag:s15] =	ssyncadd.s32 $0xFFFFB000  }
0x1d8: {  	[tilespmem:s0], [sflag:$0x2] =	stream.strided.gather [hbm4b:s30+s31], $0x5000, s7, s31, $0x38;
	[tilespmem:$0x18B80] =	vst v63  }
0x1d9: {  	_ =	swait.ge [sflag:s15], $0x5000  }
0x1da: {  	[sflag:s15] =	ssyncset.done $0x0  }
0x1db: {  	[sflag:s15] =	ssyncadd.s32 $0xFFFFB000  }
0x1dc: {  	v1 =	vld [tilespmem:$0x18AA0]  }
0x1dd: {  	s1 =	simm.s32 $0x200;
	s0 =	simm.s32 $0x0;
	v2 =	vld [tilespmem:$0x18B40]  }
.LBB2_36:
0x1de: {  	p0 =	sne.s32 s1, $0x13E00;
	[tilespmem:s0+$0x5070] =	vst v0  }
0x1df: {  	[tilespmem:s0+$0x5000] =	vst v0  }
0x1e0: {  	[tilespmem:s0+$0x5010] =	vst v0  }
.Ltmp30:
0x1e1: {  	[tilespmem:s0+$0x5020] =	vst v0;
	(pc) =	sbr.rel @p0 .LBB2_36-.Ltmp30, $4  }
0x1e2: {  	[tilespmem:s0+$0x5030] =	vst v0  }
0x1e3: {  	[tilespmem:s0+$0x5040] =	vst v0  }
0x1e4: {  	[tilespmem:s0+$0x5050] =	vst v0  }
0x1e5: {  	[tilespmem:s0+$0x5060] =	vst v0;
	s0 =	sshra.s32 s1, $0x2;
	s1 =	sadd.s32 $0x200, s1  }
0x1e6: {  	(v2sf) =	vpush v1, $0x0  }
0x1e7: {  	(v2sf) =	vpush v2, $0x0;
	_ =	sdelay $0x7  }
0x1e8: {  	[tilespmem:s0+$0x5070] =	vst v0  }
0x1e9: {  	[tilespmem:s0+$0x5000] =	vst v0  }
0x1ea: {  	[tilespmem:s0+$0x5010] =	vst v0  }
.Ltmp31:
0x1eb: {  	[tilespmem:s0+$0x5020] =	vst v0;
	(pc) =	sbr.rel .LBB2_38-.Ltmp31, $4  }
0x1ec: {  	[tilespmem:s0+$0x5030] =	vst v0  }
0x1ed: {  	[tilespmem:s0+$0x5040] =	vst v0;
	v5 =	vimm.f32 $0.0e+00;
	v1 =	vimm.f32 $0.0e+00;
	v3 =	vimm.f32 $0.0e+00  }
0x1ee: {  	[tilespmem:s0+$0x5050] =	vst v0;
	v4 =	vimm.f32 $0.0e+00;
	v6 =	vimm.f32 $0.0e+00;
	v7 =	vimm.f32 $0.0e+00;
	s22 =	spop (v2sf)  }
0x1ef: {  	[tilespmem:s0+$0x5060] =	vst v0;
	s24 =	simm.s32 $0x0;
	v9 =	vimm.f32 $0.0e+00;
	v8 =	vimm.f32 $0.0e+00;
	s25 =	simm.s32 $0x0;
	v2 =	vimm.f32 $0.0e+00;
	s23 =	spop (v2sf)  }
.LBB2_39:
0x1f0: {  	v8 =	vpsel p0, v8, v8;
	v9 =	vpsel p0, v9, v9;
	v7 =	vpsel p0, v7, v7  }
0x1f1: {  	v6 =	vpsel p0, v6, v6;
	v4 =	vpsel p0, v4, v4;
	v3 =	vpsel p0, v3, v3  }
0x1f2: {  	s24 =	smov.u32 @p0 s24;
	v2 =	vpsel p0, v2, v2;
	v1 =	vpsel p0, v1, v1;
	v5 =	vpsel p0, v5, v5  }
.LBB2_68:
0x1f3: {  	s25 =	sadd.s32 $0x1, s25  }
0x1f4: {  	p0 =	sne.s32 s25, $0x2E  }
.Ltmp32:
0x1f5: {  	_ = 	snop;
	(pc) =	sbr.rel @!p0 .LBB2_69-.Ltmp32, $1  }
0x1f6: {  	_ =	sdelay $0x3  }
.LBB2_38:
0x1f7: {  	v10 =	vld [tilespmem:s25+$0x18880];
	_ =	sdelay $0x4  }
0x1f8: {  	(v2sf) =	vpush v10, $0x0  }
0x1f9: {  	(v2sf) =	vpush v10, $0x1;
	_ =	sdelay $0xd  }
0x1fa: {  	s0 =	spop (v2sf)  }
0x1fb: {  	s26 =	smov.u32 s22;
	p0 =	sgt.s32 s0, s22;
	s1 =	spop (v2sf)  }
0x1fc: {  	s28 =	smov.u32 s23;
	s26 =	smov.u32 @p0 s0;
	p0 =	slt.s32 s1, s23  }
0x1fd: {  	s29 =	smul.u32 $0xE0, s25;
	s28 =	smov.u32 @p0 s1  }
0x1fe: {  	p0 =	sle.s32 s28, s26  }
0x1ff: {  	s0 =	sshrl.u32 @!p0 s29, $0x3  }
0x200: {  	s0 =	smul.u32 @!p0 $0x180, s0  }
0x201: {  	s1 =	simm.s32 @!p0 $0x800  }
0x202: {  	s2 =	simm.s32 @!p0 $0xC00;
	s7 =	simm.s32 @!p0 $0xA000;
	s0 =	sadd.s32 @!p0 s0, s9  }
0x203: {  	[tilespmem:s7], [sflag:$0x1] =	stream.strided.gather @!p0 [hbm4b:s0+s1], $0xE000, s2, s1, $0x38;
	[tilespmem:$0x18B80] =	vst v63  }
0x204: {  	s0 =	simm.s32 @!p0 $0x1  }
0x205: {  	_ =	swait.ge @!p0 [sflag:s0], $0xE000  }
0x206: {  	[sflag:s0] =	ssyncset.done @!p0 $0x0  }
0x207: {  	[sflag:s0] =	ssyncadd.s32 @!p0 $0xFFFF2000  }
0x208: {  	v10 =	vld [tilespmem:s25+$0x188C0];
	_ =	sdelay $0x3  }
0x209: {  	s14 =	sshra.s32 s26, $0x1F;
	s17 =	sadd.s32 $0xFFFFFFFF, s28  }
0x20a: {  	s16 =	sand.u32 $0x7FF, s26;
	p1 =	slt.s32 s26, $0x1;
	s18 =	sand.u32 $0x7FF, s17;
	(v2sf) =	vpush v10, $0x1  }
0x20b: {  	p2 =	sne.s32 s16, $0x0;
	p6 =	slt.s32 s17, $0x1;
	p3 =	sne.s32 s18, $0x0  }
0x20c: {  	p1 =	por !p1, !p2;
	s20 =	sshra.s32 s17, $0x1F;
	p2 =	por !p6, !p3  }
0x20d: {  	p1 =	por !p1, !p1;
	p2 =	por !p2, !p2;
	s7 =	simm.s32 $0x1  }
0x20e: {  	s1 =	sshrl.u32 s20, $0x15;
	s2 =	simm.s32 $0x1;
	s0 =	sshrl.u32 s14, $0x15  }
0x20f: {  	s1 =	sadd.s32 s1, s17;
	s7 =	simm.s32 @!p1 $0x0;
	s0 =	sadd.s32 s0, s26  }
0x210: {  	s2 =	simm.s32 @!p2 $0x0;
	s1 =	sshra.s32 s1, $0xB;
	s0 =	sshra.s32 s0, $0xB  }
0x211: {  	s21 =	ssub.s32 s1, s2;
	s30 =	ssub.s32 s0, s7  }
0x212: {  	s31 =	ssub.s32 s21, s30  }
0x213: {  	p1 =	slt.s32 @!p0 s31, $0x0  }
0x214: {  	p1 =	por p0, p1  }
.Ltmp33:
0x215: {  	_ = 	snop;
	(pc) =	sbr.rel @p1 .LBB2_39-.Ltmp33, $2  }
0x216: {  	_ =	sdelay $0x2  }
0x217: {  	s1 =	spop (v2sf)  }
.Ltmp34:
0x218: {  	(pc) =	sbr.rel .LBB2_41-.Ltmp34, $3  }
0x219: {  	_ =	sdelay $0x1  }
0x21a: {  	s0 =	sshll.u32 s30, $0xB  }
0x21b: {  	s14 =	simm.s32 $0x0;
	v10 =	vmov s30;
	s0 =	ssub.s32 $0x0, s0  }
.LBB2_57:
0x21c: {  	v32 =	vmovc v6;
	v35 =	vmov v4;
	v38 =	vmov v3;
	v42 =	vmov v2  }
0x21d: {  	v44 =	vmovc v1;
	v31 =	vmovc v8;
	v39 =	vmov v5;
	v41 =	vmov v9;
	v43 =	vmov v7  }
.LBB2_66:
0x21e: {  	v51 =	vmul.f32 @p1 $1.442695020e+00, v51  }
0x21f: {  	v52 =	vld @p0 [tilespmem:s7+$0xA030];
	v37 =	vmul.f32 @p0 v37, v17  }
0x220: {  	v40 =	vmul.f32 @p0 v40, v18;
	(erf) = vpow2.f32 @p1 v51  }
0x221: {  	v51 =	vld @p0 [tilespmem:s7+$0xA040]  }
0x222: {  	v37 =	vadd.f32 @p0 v40, v37;
	v40 =	vmul.f32 @p0 v45, v16  }
0x223: {  	v45 =	vld @p0 [tilespmem:s7+$0xA050];
	s10 =	spop (v2sf)  }
0x224: {  	v53 =	vld @p1 [tilespmem:s8+$0xA470];
	v37 =	vadd.f32 @p0 v40, v37;
	v40 =	vmul.f32 @p0 v52, v15;
	s11 =	ssub.s32 s10, s29  }
0x225: {  	v52 =	vld @p0 [tilespmem:s7+$0xA060];
	s12 =	sshll.u32 s10, $0x7;
	s10 =	smov.u32 @p0 s7;
	s11 =	sshll.u32 s11, $0x8  }
0x226: {  	s21 =	sand.u32 $0x380, s12;
	v37 =	vadd.f32 @p0 v40, v37;
	v40 =	vmul.f32 @p0 v51, v14;
	v51 =	vld @p0 [tilespmem:s10+$0xA070];
	s20 =	sand.u32 $0xFFFFF800, s11  }
0x227: {  	v32 =	vadd.f32 @p2 v46, v32;
	v35 =	vadd.f32 @p2 v47, v35;
	s8 =	sor.u32 s21, s20  }
0x228: {  	v38 =	vadd.f32 @p2 v48, v38;
	v37 =	vadd.f32 @p0 v40, v37;
	v40 =	vmul.f32 @p0 v45, v13;
	v61 =	vld [tilespmem:s8+$0xA000]  }
0x229: {  	v42 =	vadd.f32 @p2 v49, v42;
	v44 =	vadd.f32 @p2 v50, v44;
	v62 =	vld [tilespmem:s8+$0xA010];
	v48 =	vpop @p1 (erf)  }
0x22a: {  	v46 =	vld @p0 [tilespmem:s10+$0xA460];
	v47 =	vmul.f32 @p0 v52, v12;
	v37 =	vadd.f32 @p0 v40, v37;
	v40 =	vmul.f32 @p1 v48, v54  }
0x22b: {  	v19 =	vpsel p0, v25, v19;
	v63 =	vld [tilespmem:s8+$0xA020];
	v49 =	vmul.f32 @p1 v53, v48;
	v50 =	vmul.f32 @p0 v51, v11  }
0x22c: {  	v35 =	vpsel p2, v35, v4;
	v51 =	vmul.f32 @p1 v48, v55;
	v29 =	vmul.f32 @p1 v48, v29  }
0x22d: {  	v56 =	vld [tilespmem:s8+$0xA030];
	v30 =	vmul.f32 @p1 v30, v48;
	v31 =	vadd.f32 @p1 v48, v31;
	v34 =	vmul.f32 @p1 v34, v48  }
0x22e: {  	v37 =	vadd.f32 @p0 v47, v37;
	v57 =	vmul.f32 v61, v17;
	v58 =	vmul.f32 v62, v18  }
0x22f: {  	v59 =	vld [tilespmem:s8+$0xA040];
	v33 =	vmul.f32 @p1 v33, v48;
	v36 =	vmul.f32 @p1 v36, v48;
	v27 =	vpsel p0, v46, v27  }
0x230: {  	v37 =	vadd.f32 @p0 v50, v37;
	v60 =	vmul.f32 v63, v16;
	v17 =	vadd.f32 v58, v57  }
0x231: {  	v39 =	vadd.f32 @p1 v49, v39;
	v29 =	vpsel p1, v29, v0;
	v34 =	vpsel p1, v34, v0;
	v61 =	vld [tilespmem:s8+$0xA050]  }
0x232: {  	v62 =	vmul.f32 v56, v15;
	v63 =	vld [tilespmem:s8+$0xA060];
	v28 =	vpsel p0, v37, v28;
	v16 =	vadd.f32 v60, v17  }
0x233: {  	v53 =	vld @p0 [tilespmem:s10+$0xA450];
	v33 =	vpsel p1, v33, v0;
	v36 =	vpsel p1, v36, v0;
	v28 =	vmul.f32 @p0 $1.442695020e+00, v28  }
0x234: {  	v47 =	vld [tilespmem:s8+$0xA070];
	v31 =	vpsel p1, v31, v8;
	v45 =	vmul.f32 v59, v14;
	v15 =	vadd.f32 v62, v16  }
0x235: {  	v18 =	vadd.f32 @p1 v40, v41;
	v40 =	vadd.f32 @p1 v51, v43;
	(erf) = vpow2.f32 @p0 v28  }
0x236: {  	v37 =	vld @p0 [tilespmem:s7+$0xA430];
	v17 =	vpsel p2, v32, v6;
	v48 =	vmul.f32 v61, v13;
	v14 =	vadd.f32 v45, v15  }
0x237: {  	v43 =	vld @p0 [tilespmem:s7+$0xA420];
	v32 =	vpsel p2, v44, v1;
	v49 =	vmul.f32 v63, v12;
	v17 =	vadd.f32 @p1 v29, v17  }
0x238: {  	v28 =	vadd.f32 @p1 v36, v32;
	v16 =	vpsel p1, v30, v0;
	v13 =	vadd.f32 v48, v14  }
0x239: {  	v26 =	vpsel p0, v53, v26;
	v11 =	vmul.f32 v47, v11;
	v16 =	vadd.f32 @p1 v16, v35  }
0x23a: {  	v30 =	vld @p0 [tilespmem:s10+$0xA440];
	v17 =	vpsel p1, v17, v6;
	v28 =	vpsel p1, v28, v1;
	v15 =	vmovc @p0 v23;
	v12 =	vadd.f32 v49, v13  }
0x23b: {  	s2 =	smov.u32 @p0 s10;
	v16 =	vpsel p1, v16, v4;
	v23 =	vpsel p2, v38, v3;
	v15 =	vpsel p0, v15, v20;
	v20 =	vmovc @p0 v37  }
0x23c: {  	v38 =	vpsel p2, v42, v2;
	v37 =	vld @p0 [tilespmem:s2+$0xA470];
	v14 =	vmovc @p0 v43;
	v20 =	vpsel p0, v20, v22;
	v11 =	vadd.f32 v11, v12  }
0x23d: {  	v22 =	vadd.f32 @p1 v34, v23;
	v14 =	vpsel p0, v14, v21;
	v21 =	vpsel p1, v39, v5  }
0x23e: {  	v12 =	vpsel p1, v18, v9;
	v18 =	vpsel p1, v40, v7;
	v23 =	vpop @p0 (erf);
	v11 =	vmul.f32 $1.442695020e+00, v11  }
0x23f: {  	v13 =	vmovc @p0 v30;
	v22 =	vpsel p1, v22, v3;
	v15 =	vmul.f32 @p0 v23, v15;
	v19 =	vmul.f32 @p0 v23, v19  }
0x240: {  	v13 =	vpsel p0, v13, v24;
	v14 =	vmul.f32 @p0 v23, v14;
	(erf) = vpow2.f32 v11  }
0x241: {  	v24 =	vadd.f32 @p1 v33, v38;
	v20 =	vmul.f32 @p0 v20, v23;
	v25 =	vmul.f32 @p0 v37, v23  }
0x242: {  	v52 =	vld [tilespmem:s8+$0xA420];
	v13 =	vmul.f32 @p0 v13, v23;
	v12 =	vadd.f32 @p0 v15, v12;
	v15 =	vadd.f32 @p0 v19, v18  }
0x243: {  	v54 =	vld [tilespmem:s8+$0xA430];
	v18 =	vmul.f32 @p0 v27, v23;
	v14 =	vpsel p0, v14, v0;
	v20 =	vpsel p0, v20, v0  }
0x244: {  	v50 =	vld [tilespmem:s8+$0xA400];
	v24 =	vpsel p1, v24, v2;
	v21 =	vadd.f32 @p0 v25, v21;
	v13 =	vpsel p0, v13, v0  }
0x245: {  	v53 =	vld [tilespmem:s8+$0xA470];
	v18 =	vpsel p0, v18, v0;
	v9 =	vpsel p0, v12, v9;
	v12 =	vadd.f32 @p0 v14, v17;
	v11 =	vmovc @p0 v26  }
0x246: {  	v51 =	vld [tilespmem:s8+$0xA410];
	v14 =	vadd.f32 @p0 v20, v16;
	v7 =	vpsel p0, v15, v7;
	v11 =	vmul.f32 @p0 v11, v23  }
0x247: {  	v55 =	vld [tilespmem:s8+$0xA440];
	v13 =	vadd.f32 @p0 v13, v22;
	v26 =	vadd.f32 @p0 v23, v31;
	v5 =	vpsel p0, v21, v5  }
0x248: {  	v56 =	vld [tilespmem:s8+$0xA450];
	v17 =	vadd.f32 @p0 v18, v28;
	v6 =	vpsel p0, v12, v6;
	v11 =	vpsel p0, v11, v0  }
0x249: {  	v57 =	vld [tilespmem:s8+$0xA460];
	v4 =	vpsel p0, v14, v4;
	v3 =	vpsel p0, v13, v3;
	v11 =	vadd.f32 @p0 v11, v24;
	v58 =	vpop (erf)  }
0x24a: {  	v8 =	vpsel p0, v26, v8;
	v59 =	vmul.f32 v58, v50;
	v60 =	vmul.f32 v53, v58  }
0x24b: {  	v2 =	vpsel p0, v11, v2;
	v61 =	vmul.f32 v58, v51;
	v19 =	vmul.f32 v58, v52  }
0x24c: {  	v8 =	vadd.f32 v58, v8;
	v62 =	vmul.f32 v54, v58;
	v63 =	vmul.f32 v55, v58  }
0x24d: {  	v21 =	vmul.f32 v56, v58;
	v9 =	vadd.f32 v59, v9;
	v7 =	vadd.f32 v61, v7  }
0x24e: {  	v15 =	vmul.f32 v57, v58;
	v6 =	vadd.f32 v19, v6;
	v4 =	vadd.f32 v62, v4  }
0x24f: {  	v1 =	vpsel p0, v17, v1;
	v3 =	vadd.f32 v63, v3;
	v2 =	vadd.f32 v21, v2  }
0x250: {  	v5 =	vadd.f32 v60, v5;
	v1 =	vadd.f32 v15, v1  }
.LBB2_67:
0x251: {  	p0 =	sgt.s32 s31, s14  }
.Ltmp35:
0x252: {  	_ = 	snop;
	(pc) =	sbr.rel @!p0 .LBB2_68-.Ltmp35, $3  }
0x253: {  	_ =	sdelay $0x1  }
0x254: {  	s2 =	sadd.s32 $0x1, s14  }
0x255: {  	s0 =	sadd.s32 $0xFFFFF800, s0;
	s14 =	smov.u32 s2  }
.LBB2_41:
0x256: {  	s2 =	sadd.s32 s30, s14  }
0x257: {  	s2 =	sshll.u32 s2, $0xB  }
0x258: {  	s7 =	sshrl.u32 s2, $0x3  }
0x259: {  	s7 =	sadd.s32 s5, s7  }
0x25a: {  	[tilespmem:s19], [sflag:$0x2] =	stream.linear.gather [hbm4b:s7+s3], $0x810, $0x38;
	[tilespmem:$0x18B80] =	vst v63  }
0x25b: {  	_ =	swait.ge [sflag:s15], $0x810  }
0x25c: {  	[sflag:s15] =	ssyncset.done $0x0  }
0x25d: {  	[sflag:s15] =	ssyncadd.s32 $0xFFFFF7F0  }
0x25e: {  	v11 =	vld.idx.msk [tilespmem:v10+s14+$0x18901 ss:$0x1], $0xffff;
	_ =	sdelay $0x4  }
0x25f: {  	(v2sf) =	vpush v11, $0x0;
	_ =	sdelay $0xd  }
0x260: {  	s16 =	sadd.s32 $0x800, s2  }
0x261: {  	p0 =	sgt.s32 s16, s28;
	s7 =	spop (v2sf)  }
0x262: {  	s7 =	smov.u32 @p0 s1  }
0x263: {  	s17 =	ssub.s32 s7, s6  }
0x264: {  	p0 =	sgt.s32 s17, $0x0  }
0x265: {  	s17 =	simm.s32 @!p0 $0x0  }
0x266: {  	s18 =	smov.u32 s24;
	s24 =	smin.u32 s17, $0xA0  }
0x267: {  	p1 =	sge.u32 s18, s24  }
.Ltmp36:
0x268: {  	_ = 	snop;
	(pc) =	sbr.rel @!p1 .LBB2_42-.Ltmp36, $3  }
0x269: {  	_ =	sdelay $0x1  }
0x26a: {  	p0 =	sgt.s32 s26, s2  }
0x26b: {  	s2 =	smov.u32 @p0 s26  }
.LBB2_55:
0x26c: {  	v11 =	vld [tilespmem:s24+$0x18AA0];
	_ =	sdelay $0x4  }
0x26d: {  	(v2sf) =	vpush v11, $0x0;
	_ =	sdelay $0xe  }
0x26e: {  	s7 =	spop (v2sf)  }
0x26f: {  	p0 =	slt.s32 s28, s16;
	p1 =	sgt.s32 s7, s2  }
0x270: {  	s16 =	smov.u32 @p0 s28;
	s2 =	smov.u32 @p1 s7  }
0x271: {  	p0 =	sge.s32 s2, s16  }
.Ltmp37:
0x272: {  	_ = 	snop;
	(pc) =	sbr.rel @p0 .LBB2_67-.Ltmp37, $1  }
0x273: {  	_ =	sdelay $0x3  }
0x274: {  	p0 =	slt.s32 s17, $0x9F  }
0x275: {  	s17 =	simm.s32 @!p0 $0x9F  }
0x276: {  	s21 =	sadd.s32 s2, s0;
	s7 =	sshll.u32 s17, $0x7  }
0x277: {  	s10 =	sand.u32 $0x7F, s2;
	s8 =	sand.u32 $0x3FFFFF80, s7;
	s7 =	sand.u32 $0xFFFFFF80, s21  }
0x278: {  	s7 =	sor.u32 s10, s7  }
0x279: {  	v19 =	vld [tilespmem:s7+$0x18000];
	_ =	sdelay $0x4  }
0x27a: {  	(v2sf) =	vpush v19, $0x0;
	_ =	sdelay $0x1  }
0x27b: {  	v17 =	vld [tilespmem:s8+$0x0]  }
0x27c: {  	v18 =	vld [tilespmem:s8+$0x10];
	s7 =	sadd.s32 $0x1, s2  }
0x27d: {  	v16 =	vld [tilespmem:s8+$0x20];
	p3 =	slt.s32 s7, s16  }
.Ltmp38:
0x27e: {  	v15 =	vld [tilespmem:s8+$0x30];
	(pc) =	sbr.rel @!p3 .LBB2_57-.Ltmp38, $4  }
0x27f: {  	v14 =	vld [tilespmem:s8+$0x40]  }
0x280: {  	v13 =	vld [tilespmem:s8+$0x50]  }
0x281: {  	v12 =	vld [tilespmem:s8+$0x60]  }
0x282: {  	p1 =	por $0x0, $0x0;
	p2 =	por $0x0, $0x0;
	p0 =	por $0x0, $0x0;
	v11 =	vld [tilespmem:s8+$0x70]  }
0x283: {  	s2 =	sadd.s32 s7, s0  }
0x284: {  	s11 =	sand.u32 $0x7F, s7;
	s2 =	sand.u32 $0xFFFFFF80, s2  }
0x285: {  	s2 =	sor.u32 s11, s2  }
0x286: {  	v19 =	vld [tilespmem:s2+$0x18000];
	_ =	sdelay $0x4  }
0x287: {  	s8 =	spop (v2sf);
	(v2sf) =	vpush v19, $0x0  }
0x288: {  	s10 =	ssub.s32 s8, s29  }
0x289: {  	s8 =	sshll.u32 s8, $0x7;
	s10 =	sshll.u32 s10, $0x8  }
0x28a: {  	s7 =	sadd.s32 $0x1, s7;
	s8 =	sand.u32 $0x380, s8;
	s10 =	sand.u32 $0xFFFFF800, s10  }
0x28b: {  	p3 =	slt.s32 s7, s16;
	s2 =	sor.u32 s8, s10  }
.Ltmp39:
0x28c: {  	v37 =	vld [tilespmem:s2+$0xA000];
	(pc) =	sbr.rel @!p3 .LBB2_59-.Ltmp39, $4  }
0x28d: {  	v40 =	vld [tilespmem:s2+$0xA010]  }
0x28e: {  	v20 =	vld [tilespmem:s2+$0xA400]  }
0x28f: {  	v45 =	vld [tilespmem:s2+$0xA020]  }
0x290: {  	p0 =	por $0x1, $0x1;
	v19 =	vld [tilespmem:s2+$0xA410]  }
0x291: {  	s8 =	sadd.s32 s7, s0  }
0x292: {  	s10 =	sand.u32 $0x7F, s7;
	s8 =	sand.u32 $0xFFFFFF80, s8  }
0x293: {  	v22 =	vld [tilespmem:s2+$0xA030];
	s8 =	sor.u32 s10, s8  }
0x294: {  	v23 =	vmul.f32 v37, v17;
	v24 =	vmul.f32 v40, v18;
	v28 =	vld [tilespmem:s8+$0x18000]  }
0x295: {  	v25 =	vld [tilespmem:s2+$0xA040]  }
0x296: {  	v21 =	vld [tilespmem:s2+$0xA420];
	v23 =	vadd.f32 v24, v23;
	v24 =	vmul.f32 v45, v16  }
0x297: {  	v26 =	vld [tilespmem:s2+$0xA050]  }
0x298: {  	v29 =	vld [tilespmem:s2+$0xA060];
	v23 =	vadd.f32 v24, v23;
	v24 =	vmul.f32 v22, v15;
	s20 =	spop (v2sf)  }
0x299: {  	v30 =	vld [tilespmem:s2+$0xA070];
	s21 =	ssub.s32 s20, s29;
	(v2sf) =	vpush v28, $0x0  }
0x29a: {  	v27 =	vld [tilespmem:s2+$0xA460];
	v25 =	vmul.f32 v25, v14;
	s8 =	sshll.u32 s20, $0x7;
	v23 =	vadd.f32 v24, v23;
	s10 =	sshll.u32 s21, $0x8  }
0x29b: {  	v22 =	vld [tilespmem:s2+$0xA430];
	s8 =	sand.u32 $0x380, s8;
	s10 =	sand.u32 $0xFFFFF800, s10  }
0x29c: {  	v24 =	vld [tilespmem:s2+$0xA440];
	v23 =	vadd.f32 v25, v23;
	v25 =	vmul.f32 v26, v13;
	s8 =	sor.u32 s8, s10;
	s10 =	sadd.s32 $0x1, s7  }
0x29d: {  	v26 =	vld [tilespmem:s2+$0xA450];
	p3 =	slt.s32 s10, s16  }
.Ltmp40:
0x29e: {  	v37 =	vld [tilespmem:s8+$0xA000];
	v23 =	vadd.f32 v25, v23;
	v25 =	vmul.f32 v29, v12;
	(pc) =	sbr.rel @!p3 .LBB2_61-.Ltmp40, $4  }
0x29f: {  	v40 =	vld [tilespmem:s8+$0xA010]  }
0x2a0: {  	v45 =	vld [tilespmem:s8+$0xA020];
	v29 =	vmul.f32 v30, v11;
	v25 =	vadd.f32 v25, v23  }
0x2a1: {  	v23 =	vld [tilespmem:s8+$0xA400]  }
0x2a2: {  	p1 =	por $0x1, $0x1;
	v28 =	vadd.f32 v29, v25;
	v25 =	vld [tilespmem:s8+$0xA410]  }
0x2a3: {  	_ = 	snop  }
0x2a4: {  	s7 =	sadd.s32 s10, s0;
	v30 =	vld [tilespmem:s8+$0xA030];
	v31 =	vmul.f32 $1.442695020e+00, v28  }
0x2a5: {  	s11 =	sand.u32 $0x7F, s10;
	v32 =	vmul.f32 v37, v17;
	s7 =	sand.u32 $0xFFFFFF80, s7;
	v33 =	vmul.f32 v40, v18  }
0x2a6: {  	v34 =	vld [tilespmem:s8+$0xA040];
	s7 =	sor.u32 s11, s7;
	(erf) = vpow2.f32 v31  }
0x2a7: {  	v59 =	vmul.f32 v45, v16;
	v31 =	vld [tilespmem:s7+$0x18000];
	v32 =	vadd.f32 v33, v32  }
0x2a8: {  	v35 =	vld [tilespmem:s8+$0xA050]  }
0x2a9: {  	v29 =	vld [tilespmem:s8+$0xA420];
	v32 =	vadd.f32 v59, v32;
	v60 =	vmul.f32 v30, v15  }
0x2aa: {  	v36 =	vld [tilespmem:s8+$0xA060]  }
0x2ab: {  	v39 =	vld [tilespmem:s8+$0xA070];
	v61 =	vmul.f32 v34, v14;
	v32 =	vadd.f32 v60, v32  }
0x2ac: {  	v38 =	vld [tilespmem:s2+$0xA470];
	s20 =	spop (v2sf);
	(v2sf) =	vpush v31, $0x0  }
0x2ad: {  	v33 =	vld [tilespmem:s8+$0xA450];
	v35 =	vmul.f32 v35, v13;
	s21 =	ssub.s32 s20, s29;
	v32 =	vadd.f32 v61, v32  }
0x2ae: {  	v30 =	vld [tilespmem:s8+$0xA430];
	s7 =	sshll.u32 s20, $0x7;
	s11 =	sshll.u32 s21, $0x8  }
0x2af: {  	s10 =	sadd.s32 $0x1, s10;
	v34 =	vld [tilespmem:s8+$0xA440];
	v62 =	vmul.f32 v36, v12;
	s7 =	sand.u32 $0x380, s7;
	s11 =	sand.u32 $0xFFFFF800, s11;
	v32 =	vadd.f32 v35, v32;
	v42 =	vpop (erf)  }
0x2b0: {  	p3 =	slt.s32 s10, s16;
	v36 =	vld [tilespmem:s8+$0xA460];
	v63 =	vmul.f32 v39, v11;
	s7 =	sor.u32 s7, s11;
	v41 =	vmul.f32 v42, v20  }
.Ltmp41:
0x2b1: {  	v37 =	vld [tilespmem:s7+$0xA000];
	v38 =	vmul.f32 v38, v42;
	v32 =	vadd.f32 v62, v32;
	v43 =	vmul.f32 v42, v19;
	(pc) =	sbr.rel @!p3 .LBB2_63-.Ltmp41, $4  }
0x2b2: {  	v40 =	vld [tilespmem:s7+$0xA010];
	v46 =	vmul.f32 v42, v21;
	v47 =	vmul.f32 v22, v42  }
0x2b3: {  	v44 =	vmovc v1;
	v52 =	vld [tilespmem:s7+$0xA400];
	v31 =	vadd.f32 v42, v8;
	v48 =	vmul.f32 v24, v42;
	v49 =	vmul.f32 v26, v42  }
0x2b4: {  	v45 =	vld [tilespmem:s7+$0xA020];
	v35 =	vmovc v4;
	v50 =	vmul.f32 v27, v42;
	v39 =	vadd.f32 v38, v5;
	v51 =	vadd.f32 v63, v32  }
0x2b5: {  	p2 =	por $0x1, $0x1;
	v53 =	vld [tilespmem:s7+$0xA410];
	v42 =	vmovc v2;
	v41 =	vadd.f32 v41, v9;
	v43 =	vadd.f32 v43, v7;
	v32 =	vmovc v6;
	v38 =	vmov v3  }
.LBB2_64:
0x2b6: {  	s11 =	sadd.s32 s10, s0;
	v54 =	vld [tilespmem:s7+$0xA030];
	v51 =	vmul.f32 $1.442695020e+00, v51;
	v32 =	vadd.f32 v46, v32;
	v35 =	vadd.f32 v47, v35;
	v55 =	vmovc v33;
	v56 =	vmovc v36  }
0x2b7: {  	s12 =	sand.u32 $0x7F, s10;
	v33 =	vmul.f32 v37, v17;
	v38 =	vadd.f32 v48, v38;
	s11 =	sand.u32 $0xFFFFFF80, s11;
	v36 =	vmul.f32 v40, v18;
	v57 =	vld [tilespmem:s7+$0xA420]  }
0x2b8: {  	s10 =	sadd.s32 $0x1, s10;
	v42 =	vadd.f32 v49, v42;
	v44 =	vadd.f32 v50, v44;
	s11 =	sor.u32 s12, s11;
	v37 =	vld [tilespmem:s7+$0xA040];
	(erf) = vpow2.f32 v51  }
0x2b9: {  	p3 =	slt.s32 s10, s16;
	v40 =	vld [tilespmem:s11+$0x18000];
	v33 =	vadd.f32 v36, v33;
	v36 =	vmul.f32 v45, v16  }
0x2ba: {  	v45 =	vld [tilespmem:s7+$0xA050]  }
0x2bb: {  	v33 =	vadd.f32 v36, v33;
	v36 =	vmul.f32 v54, v15;
	v50 =	vld [tilespmem:s7+$0xA430]  }
0x2bc: {  	v46 =	vld [tilespmem:s7+$0xA060]  }
0x2bd: {  	s11 =	spop (v2sf);
	v33 =	vadd.f32 v36, v33;
	v36 =	vmul.f32 v37, v14;
	v47 =	vld [tilespmem:s8+$0xA470];
	s8 =	smov.u32 s7  }
0x2be: {  	s7 =	ssub.s32 s11, s29;
	v48 =	vld [tilespmem:s8+$0xA070]  }
0x2bf: {  	s11 =	sshll.u32 s11, $0x7;
	(v2sf) =	vpush v40, $0x0;
	s7 =	sshll.u32 s7, $0x8;
	v36 =	vadd.f32 v36, v33;
	v37 =	vmul.f32 v45, v13;
	v54 =	vld [tilespmem:s8+$0xA440]  }
0x2c0: {  	s11 =	sand.u32 $0x380, s11;
	s7 =	sand.u32 $0xFFFFF800, s7;
	v33 =	vld [tilespmem:s8+$0xA450]  }
0x2c1: {  	s7 =	sor.u32 s11, s7;
	v45 =	vadd.f32 v37, v36;
	v46 =	vmul.f32 v46, v12;
	v36 =	vld [tilespmem:s8+$0xA460];
	v58 =	vpop (erf)  }
.Ltmp42:
0x2c2: {  	v37 =	vld [tilespmem:s7+$0xA000];
	v59 =	vmul.f32 v58, v23;
	v49 =	vmul.f32 v47, v58;
	v31 =	vadd.f32 v58, v31;
	v23 =	vmovc v52;
	(pc) =	sbr.rel @p3 .LBB2_64-.Ltmp42, $4  }
0x2c3: {  	v60 =	vmul.f32 v58, v25;
	v25 =	vmovc v53;
	v40 =	vld [tilespmem:s7+$0xA010];
	v51 =	vadd.f32 v46, v45;
	v48 =	vmul.f32 v48, v11  }
0x2c4: {  	v47 =	vmul.f32 v30, v58;
	v46 =	vmul.f32 v58, v29;
	v29 =	vmovc v57;
	v52 =	vld [tilespmem:s7+$0xA400];
	v39 =	vadd.f32 v49, v39  }
0x2c5: {  	v30 =	vmovc v50;
	v49 =	vmul.f32 v55, v58;
	v45 =	vld [tilespmem:s7+$0xA020];
	v51 =	vadd.f32 v48, v51;
	v48 =	vmul.f32 v34, v58  }
0x2c6: {  	v50 =	vmul.f32 v56, v58;
	v41 =	vadd.f32 v59, v41;
	v43 =	vadd.f32 v60, v43;
	v34 =	vmovc v54;
	v53 =	vld [tilespmem:s7+$0xA410]  }
.Ltmp43:
0x2c7: {  	_ = 	snop;
	(pc) =	sbr.rel .LBB2_66-.Ltmp43, $2  }
0x2c8: {  	_ =	sdelay $0x2  }
0x2c9: {  	v54 =	vmovc v23;
	v55 =	vmov v25;
	v23 =	vmov v52;
	v25 =	vmov v53  }
.LBB2_44:
0x2ca: {  	v32 =	vmovc v6;
	v35 =	vmov v4;
	v38 =	vmov v3;
	v42 =	vmov v2  }
0x2cb: {  	v31 =	vmovc v8;
	v41 =	vmovc v9;
	v43 =	vmov v7;
	v44 =	vmov v1;
	v39 =	vmov v5  }
.LBB2_53:
0x2cc: {  	v51 =	vmul.f32 @p1 $1.442695020e+00, v51  }
0x2cd: {  	v52 =	vld @p0 [tilespmem:s8+$0xA030];
	v37 =	vmul.f32 @p0 v37, v17  }
0x2ce: {  	v40 =	vmul.f32 @p0 v40, v18;
	(erf) = vpow2.f32 @p1 v51  }
0x2cf: {  	v51 =	vld @p0 [tilespmem:s8+$0xA040]  }
0x2d0: {  	v37 =	vadd.f32 @p0 v40, v37;
	v40 =	vmul.f32 @p0 v45, v16  }
0x2d1: {  	v45 =	vld @p0 [tilespmem:s8+$0xA050];
	s11 =	spop (v2sf)  }
0x2d2: {  	v53 =	vld @p1 [tilespmem:s10+$0xA470];
	v37 =	vadd.f32 @p0 v40, v37;
	v40 =	vmul.f32 @p0 v52, v15;
	s12 =	ssub.s32 s11, s29  }
0x2d3: {  	v52 =	vld @p0 [tilespmem:s8+$0xA060];
	s13 =	sshll.u32 s11, $0x7;
	s11 =	smov.u32 @p0 s8;
	s12 =	sshll.u32 s12, $0x8  }
0x2d4: {  	s21 =	sand.u32 $0x380, s13;
	v37 =	vadd.f32 @p0 v40, v37;
	v40 =	vmul.f32 @p0 v51, v14;
	v51 =	vld @p0 [tilespmem:s11+$0xA070];
	s12 =	sand.u32 $0xFFFFF800, s12  }
0x2d5: {  	v32 =	vadd.f32 @p2 v46, v32;
	v35 =	vadd.f32 @p2 v47, v35;
	s10 =	sor.u32 s21, s12  }
0x2d6: {  	v38 =	vadd.f32 @p2 v48, v38;
	v37 =	vadd.f32 @p0 v40, v37;
	v40 =	vmul.f32 @p0 v45, v13;
	v61 =	vld [tilespmem:s10+$0xA000]  }
0x2d7: {  	v42 =	vadd.f32 @p2 v49, v42;
	v44 =	vadd.f32 @p2 v50, v44;
	v62 =	vld [tilespmem:s10+$0xA010];
	v48 =	vpop @p1 (erf)  }
0x2d8: {  	v46 =	vld @p0 [tilespmem:s11+$0xA460];
	v47 =	vmul.f32 @p0 v52, v12;
	v37 =	vadd.f32 @p0 v40, v37;
	v40 =	vmul.f32 @p1 v48, v54  }
0x2d9: {  	v19 =	vpsel p0, v25, v19;
	v63 =	vld [tilespmem:s10+$0xA020];
	v49 =	vmul.f32 @p1 v53, v48;
	v50 =	vmul.f32 @p0 v51, v11  }
0x2da: {  	v35 =	vpsel p2, v35, v4;
	v51 =	vmul.f32 @p1 v48, v55;
	v29 =	vmul.f32 @p1 v48, v29  }
0x2db: {  	v56 =	vld [tilespmem:s10+$0xA030];
	v30 =	vmul.f32 @p1 v30, v48;
	v31 =	vadd.f32 @p1 v48, v31;
	v34 =	vmul.f32 @p1 v34, v48  }
0x2dc: {  	v37 =	vadd.f32 @p0 v47, v37;
	v57 =	vmul.f32 v61, v17;
	v58 =	vmul.f32 v62, v18  }
0x2dd: {  	v59 =	vld [tilespmem:s10+$0xA040];
	v33 =	vmul.f32 @p1 v33, v48;
	v36 =	vmul.f32 @p1 v36, v48;
	v27 =	vpsel p0, v46, v27  }
0x2de: {  	v37 =	vadd.f32 @p0 v50, v37;
	v60 =	vmul.f32 v63, v16;
	v17 =	vadd.f32 v58, v57  }
0x2df: {  	v39 =	vadd.f32 @p1 v49, v39;
	v29 =	vpsel p1, v29, v0;
	v34 =	vpsel p1, v34, v0;
	v61 =	vld [tilespmem:s10+$0xA050]  }
0x2e0: {  	v62 =	vmul.f32 v56, v15;
	v63 =	vld [tilespmem:s10+$0xA060];
	v28 =	vpsel p0, v37, v28;
	v16 =	vadd.f32 v60, v17  }
0x2e1: {  	v53 =	vld @p0 [tilespmem:s11+$0xA450];
	v33 =	vpsel p1, v33, v0;
	v36 =	vpsel p1, v36, v0;
	v28 =	vmul.f32 @p0 $1.442695020e+00, v28  }
0x2e2: {  	v47 =	vld [tilespmem:s10+$0xA070];
	v31 =	vpsel p1, v31, v8;
	v45 =	vmul.f32 v59, v14;
	v15 =	vadd.f32 v62, v16  }
0x2e3: {  	v18 =	vadd.f32 @p1 v40, v41;
	v40 =	vadd.f32 @p1 v51, v43;
	(erf) = vpow2.f32 @p0 v28  }
0x2e4: {  	v37 =	vld @p0 [tilespmem:s8+$0xA430];
	v17 =	vpsel p2, v32, v6;
	v48 =	vmul.f32 v61, v13;
	v14 =	vadd.f32 v45, v15  }
0x2e5: {  	v43 =	vld @p0 [tilespmem:s8+$0xA420];
	v32 =	vpsel p2, v44, v1;
	v49 =	vmul.f32 v63, v12;
	v17 =	vadd.f32 @p1 v29, v17  }
0x2e6: {  	v28 =	vadd.f32 @p1 v36, v32;
	v16 =	vpsel p1, v30, v0;
	v13 =	vadd.f32 v48, v14  }
0x2e7: {  	v26 =	vpsel p0, v53, v26;
	v11 =	vmul.f32 v47, v11;
	v16 =	vadd.f32 @p1 v16, v35  }
0x2e8: {  	v30 =	vld @p0 [tilespmem:s11+$0xA440];
	v17 =	vpsel p1, v17, v6;
	v28 =	vpsel p1, v28, v1;
	v15 =	vmovc @p0 v23;
	v12 =	vadd.f32 v49, v13  }
0x2e9: {  	s7 =	smov.u32 @p0 s11;
	v16 =	vpsel p1, v16, v4;
	v23 =	vpsel p2, v38, v3;
	v15 =	vpsel p0, v15, v20;
	v20 =	vmovc @p0 v37  }
0x2ea: {  	v38 =	vpsel p2, v42, v2;
	v37 =	vld @p0 [tilespmem:s7+$0xA470];
	v14 =	vmovc @p0 v43;
	v20 =	vpsel p0, v20, v22;
	v11 =	vadd.f32 v11, v12  }
0x2eb: {  	v22 =	vadd.f32 @p1 v34, v23;
	v14 =	vpsel p0, v14, v21;
	v21 =	vpsel p1, v39, v5  }
0x2ec: {  	v12 =	vpsel p1, v18, v9;
	v18 =	vpsel p1, v40, v7;
	v23 =	vpop @p0 (erf);
	v11 =	vmul.f32 $1.442695020e+00, v11  }
0x2ed: {  	v13 =	vmovc @p0 v30;
	v22 =	vpsel p1, v22, v3;
	v15 =	vmul.f32 @p0 v23, v15;
	v19 =	vmul.f32 @p0 v23, v19  }
0x2ee: {  	v13 =	vpsel p0, v13, v24;
	v14 =	vmul.f32 @p0 v23, v14;
	(erf) = vpow2.f32 v11  }
0x2ef: {  	v24 =	vadd.f32 @p1 v33, v38;
	v20 =	vmul.f32 @p0 v20, v23;
	v25 =	vmul.f32 @p0 v37, v23  }
0x2f0: {  	v52 =	vld [tilespmem:s10+$0xA420];
	v13 =	vmul.f32 @p0 v13, v23;
	v12 =	vadd.f32 @p0 v15, v12;
	v15 =	vadd.f32 @p0 v19, v18  }
0x2f1: {  	v54 =	vld [tilespmem:s10+$0xA430];
	v18 =	vmul.f32 @p0 v27, v23;
	v14 =	vpsel p0, v14, v0;
	v20 =	vpsel p0, v20, v0  }
0x2f2: {  	v50 =	vld [tilespmem:s10+$0xA400];
	v24 =	vpsel p1, v24, v2;
	v21 =	vadd.f32 @p0 v25, v21;
	v13 =	vpsel p0, v13, v0  }
0x2f3: {  	v53 =	vld [tilespmem:s10+$0xA470];
	v18 =	vpsel p0, v18, v0;
	v9 =	vpsel p0, v12, v9;
	v12 =	vadd.f32 @p0 v14, v17  }
0x2f4: {  	v51 =	vld [tilespmem:s10+$0xA410];
	v14 =	vadd.f32 @p0 v20, v16;
	v7 =	vpsel p0, v15, v7;
	v13 =	vadd.f32 @p0 v13, v22  }
0x2f5: {  	v55 =	vld [tilespmem:s10+$0xA440];
	v11 =	vmovc @p0 v26;
	v26 =	vadd.f32 @p0 v23, v31;
	v5 =	vpsel p0, v21, v5;
	v17 =	vadd.f32 @p0 v18, v28  }
0x2f6: {  	v56 =	vld [tilespmem:s10+$0xA450];
	v11 =	vmul.f32 @p0 v11, v23;
	v6 =	vpsel p0, v12, v6;
	v4 =	vpsel p0, v14, v4  }
0x2f7: {  	v57 =	vld [tilespmem:s10+$0xA460];
	v3 =	vpsel p0, v13, v3;
	v8 =	vpsel p0, v26, v8;
	v1 =	vpsel p0, v17, v1;
	v58 =	vpop (erf)  }
0x2f8: {  	v11 =	vpsel p0, v11, v0;
	v59 =	vmul.f32 v58, v50;
	v60 =	vmul.f32 v53, v58  }
0x2f9: {  	v11 =	vadd.f32 @p0 v11, v24;
	v61 =	vmul.f32 v58, v51;
	v19 =	vmul.f32 v58, v52  }
0x2fa: {  	v8 =	vadd.f32 v58, v8;
	v62 =	vmul.f32 v54, v58;
	v63 =	vmul.f32 v55, v58  }
0x2fb: {  	v21 =	vmul.f32 v56, v58;
	v5 =	vadd.f32 v60, v5;
	v9 =	vadd.f32 v59, v9  }
0x2fc: {  	v15 =	vmul.f32 v57, v58;
	v7 =	vadd.f32 v61, v7;
	v6 =	vadd.f32 v19, v6  }
0x2fd: {  	v2 =	vpsel p0, v11, v2;
	v4 =	vadd.f32 v62, v4;
	v3 =	vadd.f32 v63, v3  }
0x2fe: {  	v2 =	vadd.f32 v21, v2;
	v1 =	vadd.f32 v15, v1  }
.LBB2_54:
0x2ff: {  	(erf) = vrcp.f32 v8;
	_ =	sdelay $0x8  }
0x300: {  	vm0 =	vgt.f32 v8, $0.0e+00;
	v8 =	vpop (erf)  }
0x301: {  	v8 =	vnsel vm0, $0x0, v8  }
0x302: {  	v9 =	vmul.f32 v8, v9  }
0x303: {  	v7 =	vmul.f32 v8, v7  }
0x304: {  	s7 =	sor.u32 $0x10, s20;
	v6 =	vmul.f32 v6, v8;
	[tilespmem:s20+$0x5000] =	vst v9  }
0x305: {  	s8 =	sor.u32 $0x20, s20;
	s18 =	sadd.s32 $0x1, s18;
	v4 =	vmul.f32 v4, v8;
	[tilespmem:s7+$0x5000] =	vst v7  }
0x306: {  	s10 =	sor.u32 $0x30, s20;
	p0 =	sne.s32 s18, s24;
	v3 =	vmul.f32 v3, v8;
	[tilespmem:s8+$0x5000] =	vst v6  }
.Ltmp44:
0x307: {  	s11 =	sor.u32 $0x40, s20;
	v2 =	vmul.f32 v2, v8;
	[tilespmem:s10+$0x5000] =	vst v4;
	(pc) =	sbr.rel @!p0 .LBB2_55-.Ltmp44, $4  }
0x308: {  	s12 =	sor.u32 $0x50, s20;
	v9 =	vimm.f32 $0.0e+00;
	[tilespmem:s11+$0x5000] =	vst v3;
	v3 =	vmul.f32 v1, v8  }
0x309: {  	s13 =	sor.u32 $0x60, s20;
	v7 =	vmul.f32 v5, v8;
	v5 =	vimm.f32 $0.0e+00;
	v6 =	vimm.f32 $0.0e+00;
	[tilespmem:s12+$0x5000] =	vst v2  }
0x30a: {  	s21 =	sor.u32 $0x70, s20;
	v4 =	vimm.f32 $0.0e+00;
	v1 =	vimm.f32 $0.0e+00;
	v8 =	vimm.f32 $0.0e+00;
	[tilespmem:s13+$0x5000] =	vst v3  }
0x30b: {  	v2 =	vimm.f32 $0.0e+00;
	v3 =	vimm.f32 $0.0e+00;
	[tilespmem:s21+$0x5000] =	vst v7;
	v7 =	vimm.f32 $0.0e+00  }
.LBB2_42:
0x30c: {  	v11 =	vld [tilespmem:s18+$0x18AA0];
	_ =	sdelay $0x1  }
0x30d: {  	v12 =	vld [tilespmem:s18+$0x18AA1];
	_ =	sdelay $0x2  }
0x30e: {  	(v2sf) =	vpush v11, $0x0;
	_ =	sdelay $0x1  }
0x30f: {  	(v2sf) =	vpush v12, $0x0;
	_ =	sdelay $0xc  }
0x310: {  	s8 =	spop (v2sf)  }
0x311: {  	s7 =	smov.u32 s2;
	p0 =	sgt.s32 s8, s2  }
0x312: {  	s11 =	spop (v2sf);
	s7 =	smov.u32 @p0 s8  }
0x313: {  	p0 =	sge.s32 s7, s11  }
.Ltmp45:
0x314: {  	_ = 	snop;
	(pc) =	sbr.rel @p0 .LBB2_54-.Ltmp45, $2  }
0x315: {  	_ =	sdelay $0x2  }
0x316: {  	s20 =	sshll.u32 s18, $0x7  }
0x317: {  	s8 =	sadd.s32 s7, s0  }
0x318: {  	s10 =	sand.u32 $0x7F, s7;
	s8 =	sand.u32 $0xFFFFFF80, s8  }
0x319: {  	s8 =	sor.u32 s10, s8  }
0x31a: {  	v19 =	vld [tilespmem:s8+$0x18000];
	_ =	sdelay $0x4  }
0x31b: {  	(v2sf) =	vpush v19, $0x0;
	_ =	sdelay $0x1  }
0x31c: {  	v17 =	vld [tilespmem:s20+$0x0]  }
0x31d: {  	v18 =	vld [tilespmem:s20+$0x10];
	s8 =	sadd.s32 $0x1, s7  }
0x31e: {  	v16 =	vld [tilespmem:s20+$0x20];
	p3 =	slt.s32 s8, s11  }
.Ltmp46:
0x31f: {  	v15 =	vld [tilespmem:s20+$0x30];
	(pc) =	sbr.rel @!p3 .LBB2_44-.Ltmp46, $4  }
0x320: {  	v14 =	vld [tilespmem:s20+$0x40]  }
0x321: {  	v13 =	vld [tilespmem:s20+$0x50]  }
0x322: {  	v12 =	vld [tilespmem:s20+$0x60]  }
0x323: {  	v11 =	vld [tilespmem:s20+$0x70];
	p0 =	por $0x0, $0x0;
	p1 =	por $0x0, $0x0;
	p2 =	por $0x0, $0x0  }
0x324: {  	s7 =	sadd.s32 s8, s0  }
0x325: {  	s13 =	sand.u32 $0x7F, s8;
	s7 =	sand.u32 $0xFFFFFF80, s7  }
0x326: {  	s7 =	sor.u32 s13, s7  }
0x327: {  	v19 =	vld [tilespmem:s7+$0x18000];
	_ =	sdelay $0x4  }
0x328: {  	s10 =	spop (v2sf);
	(v2sf) =	vpush v19, $0x0  }
0x329: {  	s12 =	ssub.s32 s10, s29  }
0x32a: {  	s10 =	sshll.u32 s10, $0x7;
	s12 =	sshll.u32 s12, $0x8  }
0x32b: {  	s8 =	sadd.s32 $0x1, s8;
	s10 =	sand.u32 $0x380, s10;
	s12 =	sand.u32 $0xFFFFF800, s12  }
0x32c: {  	p3 =	slt.s32 s8, s11;
	s7 =	sor.u32 s10, s12  }
.Ltmp47:
0x32d: {  	v37 =	vld [tilespmem:s7+$0xA000];
	(pc) =	sbr.rel @!p3 .LBB2_46-.Ltmp47, $4  }
0x32e: {  	v40 =	vld [tilespmem:s7+$0xA010]  }
0x32f: {  	v20 =	vld [tilespmem:s7+$0xA400]  }
0x330: {  	v45 =	vld [tilespmem:s7+$0xA020]  }
0x331: {  	p0 =	por $0x1, $0x1;
	v19 =	vld [tilespmem:s7+$0xA410]  }
0x332: {  	s10 =	sadd.s32 s8, s0  }
0x333: {  	s12 =	sand.u32 $0x7F, s8;
	s10 =	sand.u32 $0xFFFFFF80, s10  }
0x334: {  	v22 =	vld [tilespmem:s7+$0xA030];
	s10 =	sor.u32 s12, s10  }
0x335: {  	v23 =	vmul.f32 v37, v17;
	v24 =	vmul.f32 v40, v18;
	v28 =	vld [tilespmem:s10+$0x18000]  }
0x336: {  	v25 =	vld [tilespmem:s7+$0xA040]  }
0x337: {  	v21 =	vld [tilespmem:s7+$0xA420];
	v23 =	vadd.f32 v24, v23;
	v24 =	vmul.f32 v45, v16  }
0x338: {  	v26 =	vld [tilespmem:s7+$0xA050]  }
0x339: {  	v29 =	vld [tilespmem:s7+$0xA060];
	v23 =	vadd.f32 v24, v23;
	v24 =	vmul.f32 v22, v15;
	s13 =	spop (v2sf)  }
0x33a: {  	v30 =	vld [tilespmem:s7+$0xA070];
	s21 =	ssub.s32 s13, s29;
	(v2sf) =	vpush v28, $0x0  }
0x33b: {  	v27 =	vld [tilespmem:s7+$0xA460];
	v25 =	vmul.f32 v25, v14;
	s10 =	sshll.u32 s13, $0x7;
	v23 =	vadd.f32 v24, v23;
	s12 =	sshll.u32 s21, $0x8  }
0x33c: {  	v22 =	vld [tilespmem:s7+$0xA430];
	s10 =	sand.u32 $0x380, s10;
	s12 =	sand.u32 $0xFFFFF800, s12  }
0x33d: {  	v24 =	vld [tilespmem:s7+$0xA440];
	v23 =	vadd.f32 v25, v23;
	v25 =	vmul.f32 v26, v13;
	s10 =	sor.u32 s10, s12;
	s12 =	sadd.s32 $0x1, s8  }
0x33e: {  	v26 =	vld [tilespmem:s7+$0xA450];
	p3 =	slt.s32 s12, s11  }
.Ltmp48:
0x33f: {  	v37 =	vld [tilespmem:s10+$0xA000];
	v23 =	vadd.f32 v25, v23;
	v25 =	vmul.f32 v29, v12;
	(pc) =	sbr.rel @!p3 .LBB2_48-.Ltmp48, $4  }
0x340: {  	v40 =	vld [tilespmem:s10+$0xA010]  }
0x341: {  	v45 =	vld [tilespmem:s10+$0xA020];
	v29 =	vmul.f32 v30, v11;
	v25 =	vadd.f32 v25, v23  }
0x342: {  	v23 =	vld [tilespmem:s10+$0xA400]  }
0x343: {  	p1 =	por $0x1, $0x1;
	v28 =	vadd.f32 v29, v25;
	v25 =	vld [tilespmem:s10+$0xA410]  }
0x344: {  	_ = 	snop  }
0x345: {  	s8 =	sadd.s32 s12, s0;
	v30 =	vld [tilespmem:s10+$0xA030];
	v31 =	vmul.f32 $1.442695020e+00, v28  }
0x346: {  	s13 =	sand.u32 $0x7F, s12;
	v32 =	vmul.f32 v37, v17;
	s8 =	sand.u32 $0xFFFFFF80, s8;
	v33 =	vmul.f32 v40, v18  }
0x347: {  	v34 =	vld [tilespmem:s10+$0xA040];
	s8 =	sor.u32 s13, s8;
	(erf) = vpow2.f32 v31  }
0x348: {  	v59 =	vmul.f32 v45, v16;
	v31 =	vld [tilespmem:s8+$0x18000];
	v32 =	vadd.f32 v33, v32  }
0x349: {  	v35 =	vld [tilespmem:s10+$0xA050]  }
0x34a: {  	v29 =	vld [tilespmem:s10+$0xA420];
	v32 =	vadd.f32 v59, v32;
	v60 =	vmul.f32 v30, v15  }
0x34b: {  	v36 =	vld [tilespmem:s10+$0xA060]  }
0x34c: {  	v39 =	vld [tilespmem:s10+$0xA070];
	v61 =	vmul.f32 v34, v14;
	v32 =	vadd.f32 v60, v32  }
0x34d: {  	v38 =	vld [tilespmem:s7+$0xA470];
	s8 =	spop (v2sf);
	(v2sf) =	vpush v31, $0x0  }
0x34e: {  	v33 =	vld [tilespmem:s10+$0xA450];
	v35 =	vmul.f32 v35, v13;
	s21 =	ssub.s32 s8, s29;
	v32 =	vadd.f32 v61, v32  }
0x34f: {  	v30 =	vld [tilespmem:s10+$0xA430];
	s8 =	sshll.u32 s8, $0x7;
	s13 =	sshll.u32 s21, $0x8  }
0x350: {  	s12 =	sadd.s32 $0x1, s12;
	v34 =	vld [tilespmem:s10+$0xA440];
	v62 =	vmul.f32 v36, v12;
	s8 =	sand.u32 $0x380, s8;
	s13 =	sand.u32 $0xFFFFF800, s13;
	v32 =	vadd.f32 v35, v32;
	v42 =	vpop (erf)  }
0x351: {  	p3 =	slt.s32 s12, s11;
	v36 =	vld [tilespmem:s10+$0xA460];
	v63 =	vmul.f32 v39, v11;
	s8 =	sor.u32 s8, s13;
	v41 =	vmul.f32 v42, v20  }
.Ltmp49:
0x352: {  	v37 =	vld [tilespmem:s8+$0xA000];
	v38 =	vmul.f32 v38, v42;
	v32 =	vadd.f32 v62, v32;
	v43 =	vmul.f32 v42, v19;
	(pc) =	sbr.rel @!p3 .LBB2_50-.Ltmp49, $4  }
0x353: {  	v40 =	vld [tilespmem:s8+$0xA010];
	v46 =	vmul.f32 v42, v21;
	v47 =	vmul.f32 v22, v42  }
0x354: {  	v44 =	vmovc v1;
	v52 =	vld [tilespmem:s8+$0xA400];
	v31 =	vadd.f32 v42, v8;
	v48 =	vmul.f32 v24, v42;
	v49 =	vmul.f32 v26, v42  }
0x355: {  	v45 =	vld [tilespmem:s8+$0xA020];
	v35 =	vmovc v4;
	v50 =	vmul.f32 v27, v42;
	v39 =	vadd.f32 v38, v5;
	v51 =	vadd.f32 v63, v32  }
0x356: {  	p2 =	por $0x1, $0x1;
	v53 =	vld [tilespmem:s8+$0xA410];
	v42 =	vmovc v2;
	v41 =	vadd.f32 v41, v9;
	v43 =	vadd.f32 v43, v7;
	v32 =	vmovc v6;
	v38 =	vmov v3  }
.LBB2_51:
0x357: {  	s13 =	sadd.s32 s12, s0;
	v54 =	vld [tilespmem:s8+$0xA030];
	v51 =	vmul.f32 $1.442695020e+00, v51;
	v32 =	vadd.f32 v46, v32;
	v35 =	vadd.f32 v47, v35;
	v55 =	vmovc v33;
	v56 =	vmovc v36  }
0x358: {  	s21 =	sand.u32 $0x7F, s12;
	v33 =	vmul.f32 v37, v17;
	v38 =	vadd.f32 v48, v38;
	s13 =	sand.u32 $0xFFFFFF80, s13;
	v36 =	vmul.f32 v40, v18;
	v57 =	vld [tilespmem:s8+$0xA420]  }
0x359: {  	s12 =	sadd.s32 $0x1, s12;
	v42 =	vadd.f32 v49, v42;
	v44 =	vadd.f32 v50, v44;
	s13 =	sor.u32 s21, s13;
	v37 =	vld [tilespmem:s8+$0xA040];
	(erf) = vpow2.f32 v51  }
0x35a: {  	p3 =	slt.s32 s12, s11;
	v40 =	vld [tilespmem:s13+$0x18000];
	v33 =	vadd.f32 v36, v33;
	v36 =	vmul.f32 v45, v16  }
0x35b: {  	v45 =	vld [tilespmem:s8+$0xA050]  }
0x35c: {  	v33 =	vadd.f32 v36, v33;
	v36 =	vmul.f32 v54, v15;
	v50 =	vld [tilespmem:s8+$0xA430]  }
0x35d: {  	v46 =	vld [tilespmem:s8+$0xA060]  }
0x35e: {  	s13 =	spop (v2sf);
	v33 =	vadd.f32 v36, v33;
	v36 =	vmul.f32 v37, v14;
	v47 =	vld [tilespmem:s10+$0xA470];
	s10 =	smov.u32 s8  }
0x35f: {  	s8 =	ssub.s32 s13, s29;
	v48 =	vld [tilespmem:s10+$0xA070]  }
0x360: {  	s13 =	sshll.u32 s13, $0x7;
	(v2sf) =	vpush v40, $0x0;
	s8 =	sshll.u32 s8, $0x8;
	v36 =	vadd.f32 v36, v33;
	v37 =	vmul.f32 v45, v13;
	v54 =	vld [tilespmem:s10+$0xA440]  }
0x361: {  	s13 =	sand.u32 $0x380, s13;
	s8 =	sand.u32 $0xFFFFF800, s8;
	v33 =	vld [tilespmem:s10+$0xA450]  }
0x362: {  	s8 =	sor.u32 s13, s8;
	v45 =	vadd.f32 v37, v36;
	v46 =	vmul.f32 v46, v12;
	v36 =	vld [tilespmem:s10+$0xA460];
	v58 =	vpop (erf)  }
.Ltmp50:
0x363: {  	v37 =	vld [tilespmem:s8+$0xA000];
	v59 =	vmul.f32 v58, v23;
	v49 =	vmul.f32 v47, v58;
	v31 =	vadd.f32 v58, v31;
	v23 =	vmovc v52;
	(pc) =	sbr.rel @p3 .LBB2_51-.Ltmp50, $4  }
0x364: {  	v60 =	vmul.f32 v58, v25;
	v25 =	vmovc v53;
	v40 =	vld [tilespmem:s8+$0xA010];
	v51 =	vadd.f32 v46, v45;
	v48 =	vmul.f32 v48, v11  }
0x365: {  	v47 =	vmul.f32 v30, v58;
	v46 =	vmul.f32 v58, v29;
	v29 =	vmovc v57;
	v52 =	vld [tilespmem:s8+$0xA400];
	v39 =	vadd.f32 v49, v39  }
0x366: {  	v30 =	vmovc v50;
	v49 =	vmul.f32 v55, v58;
	v45 =	vld [tilespmem:s8+$0xA020];
	v51 =	vadd.f32 v48, v51;
	v48 =	vmul.f32 v34, v58  }
0x367: {  	v50 =	vmul.f32 v56, v58;
	v41 =	vadd.f32 v59, v41;
	v43 =	vadd.f32 v60, v43;
	v34 =	vmovc v54;
	v53 =	vld [tilespmem:s8+$0xA410]  }
.Ltmp51:
0x368: {  	_ = 	snop;
	(pc) =	sbr.rel .LBB2_53-.Ltmp51, $2  }
0x369: {  	_ =	sdelay $0x2  }
0x36a: {  	v54 =	vmovc v23;
	v55 =	vmov v25;
	v23 =	vmov v52;
	v25 =	vmov v53  }
.LBB2_46:
.Ltmp52:
0x36b: {  	_ = 	snop;
	(pc) =	sbr.rel .LBB2_53-.Ltmp52, $4  }
0x36c: {  	_ = 	snop  }
0x36d: {  	v32 =	vmov v6  }
0x36e: {  	v35 =	vmovc v4;
	v38 =	vmovc v3;
	v42 =	vmov v2;
	v44 =	vmov v1;
	v31 =	vmov v8  }
0x36f: {  	s8 =	smov.u32 s7;
	v39 =	vmovc v5;
	v41 =	vmovc v9;
	v43 =	vmov v7;
	v23 =	vmov v20;
	v25 =	vmov v19  }
.LBB2_48:
.Ltmp53:
0x370: {  	(pc) =	sbr.rel .LBB2_53-.Ltmp53, $4  }
0x371: {  	v32 =	vmov v6;
	v35 =	vmov v4  }
0x372: {  	v33 =	vmovc v26;
	v36 =	vmovc v27;
	v38 =	vmov v3;
	v42 =	vmov v2;
	v44 =	vmov v1  }
0x373: {  	v54 =	vmovc v20;
	v31 =	vmovc v8;
	v55 =	vmov v19;
	v29 =	vmov v21;
	v30 =	vmov v22  }
0x374: {  	s8 =	smov.u32 s10;
	s10 =	smov.u32 s7;
	v39 =	vmovc v5;
	v34 =	vmovc v24;
	v41 =	vmov v9;
	v43 =	vmov v7;
	v51 =	vmov v28  }
.LBB2_50:
.Ltmp54:
0x375: {  	_ = 	snop;
	(pc) =	sbr.rel .LBB2_53-.Ltmp54, $3  }
0x376: {  	_ =	sdelay $0x1  }
0x377: {  	v54 =	vmovc v23;
	v55 =	vmov v25;
	v32 =	vmov v6;
	v35 =	vmov v4  }
0x378: {  	v38 =	vmovc v3;
	v42 =	vmovc v2;
	v44 =	vmov v1;
	v23 =	vmov v52;
	v25 =	vmov v53  }
.LBB2_59:
.Ltmp55:
0x379: {  	_ = 	snop;
	(pc) =	sbr.rel .LBB2_66-.Ltmp55, $4  }
0x37a: {  	_ = 	snop  }
0x37b: {  	v32 =	vmov v6  }
0x37c: {  	v35 =	vmovc v4;
	v38 =	vmovc v3;
	v42 =	vmov v2;
	v44 =	vmov v1;
	v31 =	vmov v8  }
0x37d: {  	s7 =	smov.u32 s2;
	v39 =	vmovc v5;
	v41 =	vmovc v9;
	v43 =	vmov v7;
	v23 =	vmov v20;
	v25 =	vmov v19  }
.LBB2_61:
.Ltmp56:
0x37e: {  	(pc) =	sbr.rel .LBB2_66-.Ltmp56, $4  }
0x37f: {  	v32 =	vmov v6;
	v35 =	vmov v4  }
0x380: {  	v33 =	vmovc v26;
	v36 =	vmovc v27;
	v38 =	vmov v3;
	v42 =	vmov v2;
	v44 =	vmov v1  }
0x381: {  	v54 =	vmovc v20;
	v31 =	vmovc v8;
	v55 =	vmov v19;
	v29 =	vmov v21;
	v30 =	vmov v22  }
0x382: {  	s7 =	smov.u32 s8;
	s8 =	smov.u32 s2;
	v39 =	vmovc v5;
	v34 =	vmovc v24;
	v41 =	vmov v9;
	v43 =	vmov v7;
	v51 =	vmov v28  }
.LBB2_63:
.Ltmp57:
0x383: {  	_ = 	snop;
	(pc) =	sbr.rel .LBB2_66-.Ltmp57, $3  }
0x384: {  	_ =	sdelay $0x1  }
0x385: {  	v54 =	vmovc v23;
	v55 =	vmov v25;
	v32 =	vmov v6;
	v35 =	vmov v4  }
0x386: {  	v38 =	vmovc v3;
	v42 =	vmovc v2;
	v44 =	vmov v1;
	v23 =	vmov v52;
	v25 =	vmov v53  }
.LBB2_70:
0x387: {  	_ =	sfence.sel $0x180000  }
0x388: {  	[bflag:$0x0] =	sbarrier.arrive $0xFFFF  }
0x389: {  	_ =	strace $0x9000004A  }
0x38a: {  	s0 =	stileid.u32;
	[bflag:$0x2] =	sbarrier.arrive $0xFFFF  }
0x38b: {  	p0 =	sne.s32 s0, $0x0;
	s0 =	rddreg [dreg:$0x2]  }
0x38c: {  	s0 =	sadd.s32 @!p0 $0x100000, s0  }
0x38d: {  	[sflag:s0] =	ssyncadd.tile.s32 @!p0 $0x1;
	_ =	shalt  }
.Lfunc_end2:
_tile_overlayer_lowered:
.L_overlay_start_2:
0x38e: {  	(tag) =	ssettag $0x2  }
0x38f: {  	s0 =	rddreg [dreg:$0x0];
	s2 =	stileid.u32  }
0x390: {  	s1 =	rddreg [dreg:$0x1];
	p0 =	sne.s32 s2, $0x0  }
0x391: {  	s3 =	rddreg [dreg:$0x2];
	[bflag:$0x3] =	sbarrier.arrive $0xFFFF;
	s2 =	simm.s32 @!p0 $0x1C02  }
0x392: {  	[timem:s3], [sflag:s2] =	dma.local @!p0 [hbm:s0], s1  }
0x393: {  	s0 =	simm.s32 @!p0 $0x2  }
0x394: {  	_ =	swait.ge @!p0 [sflag:s0], s1  }
0x395: {  	s1 =	ssub.s32 @!p0 $0x0, s1;
	[sflag:s0] =	ssyncset.done @!p0 $0x0  }
0x396: {  	[sflag:s0] =	ssyncadd.s32 @!p0 s1  }
0x397: {  	[bflag:$0x3] =	sbarrier.arrive $0xFFFF  }
0x398: {  	_ =	shalt  }

// kernel: scatter_offload_async_start
scs
__scs_entry_jumppad:
0x0: {  	(pc) =	sbr.rel $0x88, $3  }
0x1: {  	(tag) =	ssettag $0x0;
	lr =	simm.s32 $0x1  }
0x2: {  	[smem:$0x3F9E] =	sst lr;
	_ =	strace $0xD0000000  }
0x3: {  	_ = 	snop  }
0x4: {  	_ = 	snop  }
0x5: {  	_ = 	snop  }
0x6: {  	_ = 	snop  }
0x7: {  	_ = 	snop  }
__scs_overlays_trampoline_lowered:
0x8: {  	[smem:$0x3FAD] =	sst s0  }
0x9: {  	[smem:$0x3FAE] =	sst s1  }
0xa: {  	[smem:$0x3FAF] =	sst s2  }
0xb: {  	[smem:$0x3FB0] =	sst s3  }
0xc: {  	[smem:$0x3FB1] =	sst s4  }
0xd: {  	[smem:$0x3FB2] =	sst s5  }
0xe: {  	[smem:$0x3FB3] =	sst s6  }
0xf: {  	[smem:$0x3FB4] =	sst s7  }
0x10: {  	[smem:$0x3FB5] =	sst s8  }
0x11: {  	[smem:$0x3FB6] =	sst s9;
	s0 =	simm.s32 @!p0 $0x0  }
0x12: {  	s1 =	sld [smem:$0x3F9C];
	s0 =	simm.s32 @p0 $0x1  }
0x13: {  	[smem:$0x3FB7] =	sst s0;
	s0 =	simm.s32 @!p1 $0x0  }
0x14: {  	s2 =	sld [smem:$0x3F9B];
	s0 =	simm.s32 @p1 $0x1  }
0x15: {  	[smem:$0x3FB8] =	sst s0;
	s0 =	simm.s32 @!p2 $0x0  }
0x16: {  	s3 =	sld [smem:$0x3FDB];
	s0 =	simm.s32 @p2 $0x1  }
0x17: {  	s4 =	simm.s32 $0x1BF5;
	[smem:$0x3FBA] =	sst s0  }
0x18: {  	s0 =	sld [smem:$0x3F9D];
	_ =	swait.ge [sflag:s4], $0x0  }
0x19: {  	s7 =	sld [smem:$0x3F9E]  }
0x1a: {  	s8 =	sadd.s32 $0xFFFFE003, lr  }
0x1b: {  	s9 =	sadd.s32 $0xFFFFFEF7, lr;
	s5 =	simm.s32 $0xFFFFFFFF;
	p2 =	slt.u32 s8, $0xFFFFF086  }
0x1c: {  	p1 =	slt.u32 s9, $0xF7A;
	s5 =	simm.s32 @!p2 $0x0  }
0x1d: {  	s5 =	simm.s32 @p1 $0x1;
	p0 =	seq.s32 s7, s2  }
0x1e: {  	s7 =	smul.u32 @!p0 $0xF7A, s2;
	p2 =	seq.s32 @!p0 s5, $0x0  }
0x1f: {  	s9 =	smul.u32 $0xF7A, s1;
	s8 =	simm.s32 @!p0 $0x1BF5;
	p2 =	por !p2, p0  }
0x20: {  	[sflag:s8] =	ssyncset.s32 @!p0 $0xFFFFF086;
	s6 =	sadd.s32 @!p0 s3, s7;
	s7 =	simm.s32 @!p0 $0x108  }
0x21: {  	s3 =	sadd.s32 s3, s9;
	s6 =	sadd.s32 @!p0 $0x88, s6;
	s7 =	simm.s32 @p2 $0x1082  }
0x22: {  	[simem:s7], [sflag:s8] =	dma.local @!p0 [hbm:s6], $0xF7A  }
0x23: {  	s9 =	sor.u32 $0xD0000000, s2;
	s6 =	simm.s32 $0x108;
	_ =	swait.ge @!p0 [sflag:s8], $0x0  }
0x24: {  	s3 =	sadd.s32 $0x88, s3;
	s6 =	simm.s32 @!p1 $0x1082;
	[sflag:s4] =	ssyncset.s32 $0xFFFFF086  }
0x25: {  	[simem:s6], [sflag:s4] =	dma.local [hbm:s3], $0xF7A  }
0x26: {  	[smem:$0x3F9E] =	sst s1;
	(tag) =	ssettag s2;
	_ =	strace s9  }
0x27: {  	s1 =	sld [smem:$0x3FAE]  }
0x28: {  	s2 =	sld [smem:$0x3FAF]  }
0x29: {  	s4 =	sld [smem:$0x3FB1]  }
0x2a: {  	p0 =	seq.s32 s5, $0x0;
	s5 =	sld [smem:$0x3FB2]  }
0x2b: {  	s6 =	sld [smem:$0x3FB3]  }
0x2c: {  	s7 =	sld [smem:$0x3FB4]  }
0x2d: {  	s3 =	simm.s32 $0x108;
	s8 =	sld [smem:$0x3FB5]  }
0x2e: {  	s3 =	simm.s32 @!p0 $0x1082;
	s9 =	sld [smem:$0x3FB6]  }
0x2f: {  	lr =	sadd.s32 s0, s3;
	s0 =	sld [smem:$0x3FAD]  }
0x30: {  	s3 =	sld [smem:$0x3FB0]  }
0x31: {  	[smem:$0x3FB9] =	sst s10  }
0x32: {  	s10 =	sld [smem:$0x3FB7];
	_ =	sdelay $0x3  }
0x33: {  	p0 =	seq.s32 s10, $0x1;
	s10 =	sld [smem:$0x3FB9];
	_ =	sdelay $0x3  }
0x34: {  	[smem:$0x3FB9] =	sst s10  }
0x35: {  	s10 =	sld [smem:$0x3FB8];
	_ =	sdelay $0x3  }
0x36: {  	p1 =	seq.s32 s10, $0x1;
	s10 =	sld [smem:$0x3FB9];
	_ =	sdelay $0x3  }
0x37: {  	[smem:$0x3FB9] =	sst s10  }
0x38: {  	s10 =	sld [smem:$0x3FBA]  }
0x39: {  	_ = 	snop;
	(pc) =	sbr.ind lr, $3  }
0x3a: {  	_ = 	snop  }
0x3b: {  	_ = 	snop  }
0x3c: {  	p2 =	seq.s32 s10, $0x1;
	s10 =	sld [smem:$0x3FB9]  }
0x3d: {  	_ =	shalt  }
0x3e: {  	_ =	shalt  }
0x3f: {  	_ =	shalt  }
0x40: {  	_ =	shalt  }
0x41: {  	_ =	shalt  }
0x42: {  	_ =	shalt  }
0x43: {  	_ =	shalt  }
0x44: {  	_ =	shalt  }
0x45: {  	_ =	shalt  }
0x46: {  	_ =	shalt  }
0x47: {  	_ =	shalt  }
0x48: {  	_ =	shalt  }
0x49: {  	_ =	shalt  }
0x4a: {  	_ =	shalt  }
0x4b: {  	_ =	shalt  }
0x4c: {  	_ =	shalt  }
0x4d: {  	_ =	shalt  }
0x4e: {  	_ =	shalt  }
0x4f: {  	_ =	shalt  }
0x50: {  	_ =	shalt  }
0x51: {  	_ =	shalt  }
0x52: {  	_ =	shalt  }
0x53: {  	_ =	shalt  }
0x54: {  	_ =	shalt  }
0x55: {  	_ =	shalt  }
0x56: {  	_ =	shalt  }
0x57: {  	_ =	shalt  }
0x58: {  	_ =	shalt  }
0x59: {  	_ =	shalt  }
0x5a: {  	_ =	shalt  }
0x5b: {  	_ =	shalt  }
0x5c: {  	_ =	shalt  }
0x5d: {  	_ =	shalt  }
0x5e: {  	_ =	shalt  }
0x5f: {  	_ =	shalt  }
0x60: {  	_ =	shalt  }
0x61: {  	_ =	shalt  }
0x62: {  	_ =	shalt  }
0x63: {  	_ =	shalt  }
0x64: {  	_ =	shalt  }
0x65: {  	_ =	shalt  }
0x66: {  	_ =	shalt  }
0x67: {  	_ =	shalt  }
0x68: {  	_ =	shalt  }
0x69: {  	_ =	shalt  }
0x6a: {  	_ =	shalt  }
0x6b: {  	_ =	shalt  }
0x6c: {  	_ =	shalt  }
0x6d: {  	_ =	shalt  }
0x6e: {  	_ =	shalt  }
0x6f: {  	_ =	shalt  }
0x70: {  	_ =	shalt  }
0x71: {  	_ =	shalt  }
0x72: {  	_ =	shalt  }
0x73: {  	_ =	shalt  }
0x74: {  	_ =	shalt  }
0x75: {  	_ =	shalt  }
0x76: {  	_ =	shalt  }
0x77: {  	_ =	shalt  }
0x78: {  	_ =	shalt  }
0x79: {  	_ =	shalt  }
0x7a: {  	_ =	shalt  }
0x7b: {  	_ =	shalt  }
0x7c: {  	_ =	shalt  }
0x7d: {  	_ =	shalt  }
0x7e: {  	_ =	shalt  }
0x7f: {  	_ =	shalt  }
0x80: {  	_ =	shalt  }
0x81: {  	_ =	shalt  }
0x82: {  	_ =	shalt  }
0x83: {  	_ =	shalt  }
0x84: {  	_ =	shalt  }
0x85: {  	_ =	shalt  }
0x86: {  	_ =	shalt  }
0x87: {  	_ =	shalt  }
.Lfunc_end0:
.L_simem_size_0:
called_computation_lowered:
.L_overlay_start_0:
0x88: {  	s0 =	sld [smem:$0x3FD9]  }
0x89: {  	s1 =	sld [smem:$0x3FFE];
	_ =	sdelay $0x3  }
0x8a: {  	s0 =	sadd.s32 s1, s0  }
0x8b: {  	[smem:$0x3FC5] =	sst s0  }
0x8c: {  	_ = 	snop  }
0x8d: {  	s0 =	sld [smem:$0x3FD0];
	(tm) =	ssettm $0x1  }
0x8e: {  	s16 =	sld [smem:$0x3FFB];
	_ =	sdelay $0x3  }
0x8f: {  	_ =	strace s16  }
0x90: {  	s1 =	sld [smem:$0x3FFC];
	_ =	sdelay $0x3  }
0x91: {  	_ =	strace s1  }
0x92: {  	s1 =	sld [smem:$0x3FFD];
	_ =	sdelay $0x3  }
0x93: {  	_ =	strace s1  }
0x94: {  	_ =	strace $0x8FFFFFFF  }
0x95: {  	s17 =	sld [smem:$0x3FDB];
	_ =	sdelay $0x1  }
0x96: {  	s2 =	simm.s32 $_scs_section_size  }
0x97: {  	s3 =	simm.s32 $_size__tile_overlayer_lowered;
	s4 =	simm.s32 $_tile_overlayer_lowered  }
0x98: {  	s20 =	simm.s32 $0x1BFF;
	s19 =	sshll.u32 s4, $0x1;
	s1 =	sadd.s32 s2, s17  }
0x99: {  	s5 =	simm.s32 $0x0;
	s18 =	sshll.u32 s3, $0x1;
	s3 =	sadd.s32 s19, s1  }
0x9a: {  	[timem:s5], [sflag:s20] =	dma.local [hbm:s3], s18  }
0x9b: {  	_ =	swait.ge [sflag:s20], s18  }
0x9c: {  	s2 =	ssub.s32 $0x0, s18;
	[sflag:s20] =	ssyncset.done $0x0  }
0x9d: {  	[sflag:s20] =	ssyncadd.s32 s2;
	_ =	sdelay $0x1  }
0x9e: {  	s21 =	simm.s32 $0x1B8B  }
0x9f: {  	_ =	swait.ge [sflag:s21], $0x1  }
0xa0: {  	[sflag:s21] =	ssyncset.done $0x0  }
0xa1: {  	s23 =	simm.s32 $0x1B8E;
	s22 =	sld [smem:$0x3FFE];
	[sflag:s21] =	ssyncadd.s32 $0xFFFFFFFF  }
0xa2: {  	s24 =	simm.s32 $execute0_lowered;
	[smem:$0x3FD2] =	sst s23  }
0xa3: {  	s3 =	sshll.u32 s24, $0x1;
	_ =	strace $0x80000046;
	[dreg:$0x1] =	wrdreg $0xFFFFFFFF  }
0xa4: {  	s25 =	simm.s32 $_size_execute0_lowered;
	s1 =	sadd.s32 s1, s3;
	[dreg:$0x0] =	wrdreg $0x0  }
0xa5: {  	s3 =	sshll.u32 s25, $0x1;
	[dreg:$0x2] =	wrdreg s1  }
0xa6: {  	[dreg:$0x3] =	wrdreg s3  }
0xa7: {  	[dreg:$0x4] =	wrdreg $0xC0  }
0xa8: {  	_ =	task [dreg:s5], $0x5FFFF  }
0xa9: {  	[dreg:$0x1] =	wrdreg $0xFFFFFFFF  }
0xaa: {  	[dreg:$0x0] =	wrdreg $0x60  }
0xab: {  	[dreg:$0x2] =	wrdreg s22  }
0xac: {  	[dreg:$0x3] =	wrdreg s0  }
0xad: {  	[dreg:$0x4] =	wrdreg $0x9  }
0xae: {  	_ =	task.clear_ibuf [dreg:s5], $0x5FFFF;
	_ =	strace $0x90000046  }
0xaf: {  	s26 =	simm.s32 $0x9;
	_ =	strace $0x80000048  }
0xb0: {  	_ =	swait.ge [sflag:s26], $0x1  }
0xb1: {  	[sflag:s26] =	ssyncadd.s32 $0xFFFFFFFF  }
0xb2: {  	_ =	strace $0x90000048  }
0xb3: {  	_ =	sfence  }
0xb4: {  	s28 =	sld [smem:$0x0];
	_ =	sdelay $0x1  }
0xb5: {  	s29 =	srdreg.scid  }
0xb6: {  	s30 =	sshll.u32 s29, $0xD;
	s31 =	sshrl.u32 s29, $0x2  }
0xb7: {  	s2 =	sand.u32 $0x4000, s30;
	s1 =	sand.u32 $0x1, s29;
	s0 =	sadd.s32 s31, s28  }
0xb8: {  	s1 =	sor.u32 s2, s1;
	s0 =	sshll.u32 s0, $0x11  }
0xb9: {  	s0 =	sor.u32 s0, s1  }
0xba: {  	s0 =	sadd.s32 $0x8F2B, s0  }
0xbb: {  	[sflag:s0] =	ssyncadd.remote.s32 $0x1  }
0xbc: {  	_ =	sfence.sel $0xFFFF  }
0xbd: {  	[dreg:$0x0] =	wrdreg $0xFFFFFFFF;
	(pc) =	sbr.abs _section_cstart, $3  }
0xbe: {  	[dreg:$0x1] =	wrdreg $0xFFFFFFFF  }
0xbf: {  	_ =	task.clear_ibuf [dreg:s5], $0x2FFFF;
	_ =	strace $0x9FFFFFFF  }
0xc0: {  	(tm) =	ssettm $0x7FFFFFFF  }
0xc1: {  	_ =	shalt  }
tec
execute0_lowered:
.L_overlay_start_1:
0x0: {  	(tag) =	ssettag $0x1  }
0x1: {  	s5 =	rddreg [dreg:$0x0]  }
0x2: {  	s2 =	rddreg [dreg:$0x1]  }
0x3: {  	s0 =	rddreg [dreg:$0x2];
	_ =	strace $0x80000047;
	s4 =	stileid.u32  }
0x4: {  	s3 =	simm.s32 $0x3E;
	s1 =	sadd.s32 $0x53200, s5;
	p0 =	sne.s32 s4, $0x0  }
0x5: {  	[sflag:s3] =	ssyncpa.u1 $0x0;
	s6 =	simm.s32 @!p0 $0x1C3E;
	s7 =	simm.s32 @!p0 $0x0  }
0x6: {  	[spmem:s7], [sflag:s6] =	dma.local @!p0 [hbm:s1], $0xA00  }
0x7: {  	s6 =	simm.s32 @!p0 $0x3E  }
0x8: {  	_ =	swait.ge @!p0 [sflag:s6], $0xA00  }
0x9: {  	[sflag:s6] =	ssyncset.done @!p0 $0x0  }
.Ltmp0:
0xa: {  	s8 =	simm.s32 $0x0;
	[sflag:s6] =	ssyncadd.s32 @!p0 $0xFFFFF600;
	(pc) =	sbr.rel .LBB2_1-.Ltmp0, $4  }
0xb: {  	s9 =	simm.s32 $0x0;
	s4 =	smul.u32 $0x9C40, s4;
	[bflag:$0x0] =	sbarrier.arrive $0xFFFF  }
0xc: {  	s5 =	sadd.s32 $0x3F800, s5;
	[sflag:s3] =	ssyncpa.u1 $0x1;
	s3 =	simm.s32 $0x1  }
0xd: {  	s7 =	simm.s32 $0x2;
	s10 =	smov.u32 s4;
	[sflag:s3] =	ssyncpa.u1 $0x0  }
0xe: {  	vm0 =	vmmov $0xffff;
	s6 =	sadd.s32 $0x9C40, s4;
	(ifvalue) =	ssetifvalue $0x5000;
	[sflag:s7] =	ssyncpa.u1 $0x0  }
.LBB2_5:
0xf: {  	s9 =	sadd.s32 $0x1, s9  }
0x10: {  	p2 =	sne.s32 s9, $0x6  }
.Ltmp1:
0x11: {  	_ = 	snop;
	(pc) =	sbr.rel @!p2 .LBB2_6-.Ltmp1, $4  }
0x12: {  	_ = 	snop  }
0x13: {  	s11 =	sadd.s32 $0x1F40, s10  }
0x14: {  	s10 =	smov.u32 s4;
	p1 =	slt.s32 s11, s6  }
0x15: {  	s10 =	smov.u32 @p1 s11  }
.LBB2_1:
0x16: {  	p1 =	seq.s32 s9, $0x5  }
0x17: {  	s11 =	sxor.u32 @!p1 $0xFFFFFFFF, s9  }
0x18: {  	s11 =	sand.u32 @!p1 $0x1, s11  }
0x19: {  	s11 =	smul.u32 @!p1 $0x1F40, s11  }
0x1a: {  	s12 =	sshrl.u32 @!p1 s10, $0x3  }
0x1b: {  	s15 =	sand.u32 @!p1 $0x7, s10;
	s13 =	sadd.s32 @!p1 s2, s12;
	s14 =	sadd.s32 @!p1 $0x500, s11  }
0x1c: {  	[tilespmem:s14], [sflag:$0x2] =	stream.linear.gather @!p1 [hbm4b:s13+s15], $0x1F40, $0x38;
	[tilespmem:$0x8200] =	vst v63  }
0x1d: {  	p2 =	seq.s32 @!p1 s9, $0x0;
	s12 =	sadd.s32 @!p1 s5, s12;
	s11 =	sadd.s32 @!p1 $0x4380, s11  }
0x1e: {  	[tilespmem:s11], [sflag:$0x2] =	stream.linear.gather @!p1 [hbm4b:s12+s15], $0x1F40, $0x38;
	[tilespmem:$0x8200] =	vst v63  }
0x1f: {  	p1 =	por p1, !p2  }
.Ltmp2:
0x20: {  	_ = 	snop;
	(pc) =	sbr.rel @!p1 .LBB2_5-.Ltmp2, $1  }
0x21: {  	_ =	sdelay $0x3  }
0x22: {  	s11 =	sand.u32 $0x1, s9  }
0x23: {  	_ =	swait.ge [sflag:s7], $0x3E80;
	p1 =	seq.s32 s11, $0x1;
	s11 =	simm.s32 $0x1F40  }
0x24: {  	[sflag:s7] =	ssyncset.done $0x0;
	s11 =	simm.s32 @!p1 $0x0  }
0x25: {  	[sflag:s7] =	ssyncadd.s32 $0xFFFFC180;
	s13 =	sadd.s32 $0x500, s11  }
0x26: {  	v0 =	vld.msk [tilespmem:s13+$0x0 ss:$0x1], $0xffff;
	_ =	sdelay $0x4  }
0x27: {  	v0 =	vmin.u32 v0, $0x5000;
	_ =	sdelay $0x3  }
0x28: {  	s12 =	simm.s32 $0x0;
	s11 =	sadd.s32 $0x4380, s11;
	s13 =	sadd.s32 $0x10, s13  }
0x29: {  	[spmem:s8] =	stream.indirect_vreg.scatter.add.s32 [tilespmem:s11], [sflag:$0x1], $0x1, v0, vm0, $0x4038;
	[tilespmem:$0x8200] =	vst v63  }
.LBB2_3:
0x2a: {  	v0 =	vld.msk [tilespmem:s13+$0x0 ss:$0x1], $0xffff;
	s12 =	sadd.s32 $0x10, s12  }
0x2b: {  	p1 =	slt.u32 s12, $0x1F30;
	_ =	sdelay $0x4  }
0x2c: {  	v0 =	vmin.u32 v0, $0x5000  }
.Ltmp3:
0x2d: {  	(pc) =	sbr.rel @p1 .LBB2_3-.Ltmp3, $3  }
0x2e: {  	_ =	sdelay $0x1  }
0x2f: {  	s13 =	sadd.s32 $0x10, s13;
	s11 =	sadd.s32 $0x10, s11  }
0x30: {  	[spmem:s8] =	stream.indirect_vreg.scatter.add.s32 [tilespmem:s11], [sflag:$0x1], $0x1, v0, vm0, $0x4038;
	[tilespmem:$0x8200] =	vst v63  }
.Ltmp4:
0x31: {  	(pc) =	sbr.rel .LBB2_5-.Ltmp4, $4  }
0x32: {  	_ = 	snop  }
0x33: {  	_ =	swait.ge [sflag:s3], $0x1F40  }
0x34: {  	[sflag:s3] =	ssyncset.done $0x0  }
0x35: {  	[sflag:s3] =	ssyncadd.s32 $0xFFFFE0C0  }
.LBB2_6:
0x36: {  	_ =	sfence.sel $0x180000  }
0x37: {  	s2 =	simm.s32 $0x2;
	[bflag:$0x0] =	sbarrier.arrive $0xFFFF  }
0x38: {  	s30 =	simm.s32 $0x1;
	[sflag:s2] =	ssyncpa.u1 $0x1  }
0x39: {  	[sflag:s30] =	ssyncpa.u1 $0x1  }
0x3a: {  	_ =	sfence.stream.spmem  }
0x3b: {  	s31 =	simm.s32 $0x3D;
	[bflag:$0x0] =	sbarrier.arrive $0xFFFF  }
0x3c: {  	s2 =	simm.s32 @p0 $0x3D;
	[sflag:s31] =	ssyncpa.u1 $0x0  }
0x3d: {  	[sflag:s2] =	ssyncpa.u1 @p0 $0x1  }
0x3e: {  	[bflag:$0x0] =	sbarrier.arrive @p0 $0xFFFF  }
0x3f: {  	_ =	strace @p0 $0x90000047  }
0x40: {  	s3 =	simm.s32 @!p0 $0x1C3D;
	s2 =	simm.s32 @!p0 $0x0;
	[bflag:$0x2] =	sbarrier.arrive @p0 $0xFFFF  }
0x41: {  	[hbm:s1], [sflag:s3] =	dma.local @!p0 [spmem:s2], $0xA00  }
0x42: {  	s1 =	simm.s32 @!p0 $0x3D  }
0x43: {  	_ =	swait.ge @!p0 [sflag:s1], $0xA00  }
0x44: {  	[sflag:s1] =	ssyncset.done @!p0 $0x0  }
0x45: {  	[sflag:s1] =	ssyncadd.s32 @!p0 $0xFFFFF600  }
0x46: {  	[sflag:s1] =	ssyncpa.u1 @!p0 $0x1  }
0x47: {  	[bflag:$0x0] =	sbarrier.arrive @!p0 $0xFFFF  }
0x48: {  	_ =	strace @!p0 $0x90000047  }
0x49: {  	s0 =	sadd.s32 @!p0 $0x100000, s0;
	[bflag:$0x2] =	sbarrier.arrive @!p0 $0xFFFF  }
0x4a: {  	[sflag:s0] =	ssyncadd.tile.s32 @!p0 $0x1;
	_ =	shalt  }
.Lfunc_end2:
_tile_overlayer_lowered:
.L_overlay_start_2:
0x4b: {  	(tag) =	ssettag $0x2  }
0x4c: {  	s0 =	rddreg [dreg:$0x0];
	s2 =	stileid.u32  }
0x4d: {  	s1 =	rddreg [dreg:$0x1];
	p0 =	sne.s32 s2, $0x0  }
0x4e: {  	s3 =	rddreg [dreg:$0x2];
	[bflag:$0x3] =	sbarrier.arrive $0xFFFF;
	s2 =	simm.s32 @!p0 $0x1C01  }
0x4f: {  	[timem:s3], [sflag:s2] =	dma.local @!p0 [hbm:s0], s1  }
0x50: {  	s0 =	simm.s32 @!p0 $0x1  }
0x51: {  	_ =	swait.ge @!p0 [sflag:s0], s1  }
0x52: {  	s1 =	ssub.s32 @!p0 $0x0, s1;
	[sflag:s0] =	ssyncset.done @!p0 $0x0  }
0x53: {  	[sflag:s0] =	ssyncadd.s32 @!p0 s1  }
0x54: {  	[bflag:$0x3] =	sbarrier.arrive $0xFFFF  }
0x55: {  	_ =	shalt  }

</sc_bundles>
